<compile_context>
chip_gen: v7x
topology: tpu7x:2x2x1
jax: 0.10.2.dev20260603
libtpu: 0.0.44.dev20260713+nightly
codegen_flags: <defaults>
</compile_context>

<pallas_src>
import functools

import jax
import jax.numpy as jnp
from jax import lax
from jax.experimental import pallas as pl
from jax.experimental.pallas import tpu as pltpu
from jax.experimental.pallas import tpu_sc as plsc

N = 10000
E = 320000
D = 128

NC = 2
NS = 16
NW = NC * NS
K = 80
CHB = 25
NCK = 5
NB = NCK * CHB
EPT = NB * K
CH = 1000
NCH = N // CH

_mesh = plsc.VectorSubcoreMesh(core_axis_name="c", subcore_axis_name="s")


NP = 10240
HR = NP // D


@functools.partial(
    pl.kernel,
    out_type=jax.ShapeDtypeStruct((NC, HR, D), jnp.float32),
    mesh=_mesh,
    compiler_params=pltpu.CompilerParams(needs_layout_passes=False),
    scratch_types=[
        pltpu.VMEM((CHB, K), jnp.int32),
        pltpu.VMEM((HR, D), jnp.float32),
        pltpu.VMEM((1, HR), jnp.int32),
        pltpu.VMEM_SHARED((HR, D), jnp.float32),
    ],
)
def _deg_kernel(ei_hbm, ridx_hbm, zrows_hbm, out_hbm, colb, hist, ridx, dacc):
    c = lax.axis_index("c")
    s = lax.axis_index("s")
    wid = s * NC + c

    @pl.when(s == 0)
    def _init():
        pltpu.sync_copy(zrows_hbm, dacc)

    pltpu.sync_copy(zrows_hbm, hist)
    pltpu.sync_copy(ridx_hbm, ridx)
    ones16 = jnp.ones((16,), jnp.float32)

    for ck in range(NCK):
        pltpu.sync_copy(ei_hbm.at[1, wid, ck], colb)

        def body(t, carry):
            r = t // 5
            kk = t % 5
            idx = colb[r, pl.ds(kk * 16, 16)]
            rr = lax.shift_right_logical(idx, 7)
            qq = lax.bitwise_and(idx, 127)
            plsc.addupdate_scatter(hist, [rr, qq], ones16)
            return carry

        lax.fori_loop(0, CHB * K // 16, body, 0)
    plsc.subcore_barrier()
    pltpu.sync_copy(hist, dacc.at[ridx.at[0]], add=True)
    plsc.subcore_barrier()

    @pl.when(s == 0)
    def _drain():
        pltpu.sync_copy(dacc, out_hbm.at[c])


@functools.partial(
    pl.kernel,
    out_type=jax.ShapeDtypeStruct((NC, N, D), jnp.float32),
    mesh=_mesh,
    scratch_types=[
        pltpu.VMEM((CHB, K), jnp.int32),
        pltpu.VMEM((CHB, K), jnp.int32),
        pltpu.VMEM((K, D), jnp.float32),
        pltpu.VMEM((K, D), jnp.float32),
        pltpu.VMEM((K, D), jnp.float32),
        pltpu.VMEM_SHARED((N, D), jnp.float32),
        pltpu.SemaphoreType.DMA,
        pltpu.SemaphoreType.DMA,
        pltpu.SemaphoreType.DMA,
        pltpu.SemaphoreType.DMA,
        pltpu.SemaphoreType.DMA,
        pltpu.SemaphoreType.DMA,
    ],
)
def _scatter_kernel(ei_hbm, hs_hbm, out_hbm,
                    rowv, colv, bufa, bufb, bufc, acc,
                    sema, semb, semc, ssa, ssb, ssc):
    c = lax.axis_index("c")
    s = lax.axis_index("s")
    wid = s * NC + c

    @pl.when(jnp.logical_and(c == 0, s < NCH))
    def _init_hs():
        pltpu.sync_copy(hs_hbm.at[pl.ds(s * CH, CH)],
                        acc.at[pl.ds(s * CH, CH)])

    @pl.when(c == 1)
    def _init_zero():
        zeros16 = jnp.zeros((16,), jnp.float32)

        def zstore(t, carry):
            bufa[t // 8, pl.ds((t % 8) * 16, 16)] = zeros16
            return carry

        lax.fori_loop(0, K * D // 16, zstore, 0)

        @pl.when(s < NCH)
        def _fill():
            for t in range(CH // K):
                pltpu.sync_copy(bufa, acc.at[pl.ds(s * CH + t * K, K)])
            pltpu.sync_copy(bufa.at[pl.ds(0, CH - (CH // K) * K)],
                            acc.at[pl.ds(s * CH + (CH // K) * K,
                                         CH - (CH // K) * K)])

    plsc.subcore_barrier()

    for ck in range(NCK):
        pltpu.sync_copy(ei_hbm.at[0, wid, ck], rowv)
        pltpu.sync_copy(ei_hbm.at[1, wid, ck], colv)
        pltpu.async_copy(hs_hbm.at[rowv.at[0]], bufa, sema)
        pltpu.async_copy(hs_hbm.at[rowv.at[1]], bufb, semb)
        pltpu.async_copy(hs_hbm.at[rowv.at[2]], bufc, semc)

        def body(i, carry):
            j = i * 3
            pltpu.make_async_copy(hs_hbm.at[rowv.at[j]], bufa, sema).wait()
            pltpu.async_copy(bufa, acc.at[colv.at[j]], ssa, add=True)
            pltpu.make_async_copy(hs_hbm.at[rowv.at[j + 1]], bufb, semb).wait()
            pltpu.async_copy(bufb, acc.at[colv.at[j + 1]], ssb, add=True)
            pltpu.make_async_copy(hs_hbm.at[rowv.at[j + 2]], bufc, semc).wait()
            pltpu.async_copy(bufc, acc.at[colv.at[j + 2]], ssc, add=True)
            pltpu.make_async_copy(bufa, acc.at[colv.at[j]], ssa).wait()
            pltpu.async_copy(hs_hbm.at[rowv.at[j + 3]], bufa, sema)
            pltpu.make_async_copy(bufb, acc.at[colv.at[j + 1]], ssb).wait()
            pltpu.async_copy(hs_hbm.at[rowv.at[j + 4]], bufb, semb)
            pltpu.make_async_copy(bufc, acc.at[colv.at[j + 2]], ssc).wait()
            pltpu.async_copy(hs_hbm.at[rowv.at[j + 5]], bufc, semc)
            return carry

        lax.fori_loop(0, (CHB - 4) // 3, body, 0)
        pltpu.make_async_copy(hs_hbm.at[rowv.at[CHB - 4]], bufa, sema).wait()
        pltpu.sync_copy(bufa, acc.at[colv.at[CHB - 4]], add=True)
        pltpu.make_async_copy(hs_hbm.at[rowv.at[CHB - 3]], bufb, semb).wait()
        pltpu.sync_copy(bufb, acc.at[colv.at[CHB - 3]], add=True)
        pltpu.make_async_copy(hs_hbm.at[rowv.at[CHB - 2]], bufc, semc).wait()
        pltpu.sync_copy(bufc, acc.at[colv.at[CHB - 2]], add=True)
        pltpu.async_copy(hs_hbm.at[rowv.at[CHB - 1]], bufa, sema).wait()
        pltpu.sync_copy(bufa, acc.at[colv.at[CHB - 1]], add=True)

    plsc.subcore_barrier()

    @pl.when(s < NCH)
    def _drain():
        pltpu.sync_copy(acc.at[pl.ds(s * CH, CH)],
                        out_hbm.at[c, pl.ds(s * CH, CH)])


def _mm_body(x_ref, w_ref, o_ref):
    o_ref[...] = jnp.dot(x_ref[...], w_ref[...],
                         preferred_element_type=jnp.float32)


def _scale_body(h_ref, dg_ref, o_ref):
    o_ref[...] = h_ref[...] * lax.rsqrt(dg_ref[...])


def _finish_body(p_ref, dg_ref, b_ref, o_ref):
    acc = p_ref[0] + p_ref[1]
    t = acc * lax.rsqrt(dg_ref[...]) + b_ref[...]
    t = jnp.maximum(t, 0.0)
    m = jnp.max(t, axis=1, keepdims=True)
    e = jnp.exp(t - m)
    o_ref[...] = e / jnp.sum(e, axis=1, keepdims=True)


_RB = 1000
_G = N // _RB


def kernel(x, edge_index, length, dim, W, b):
    ei5 = edge_index.reshape(2, NW, NCK, CHB, K)
    ridx = jnp.arange(HR, dtype=jnp.int32).reshape(1, HR)
    zrows = jnp.zeros((HR, D), jnp.float32)

    deg2 = _deg_kernel(ei5, ridx, zrows)
    deg_n1 = (deg2[0] + deg2[1]).reshape(-1)[:N].reshape(N, 1) + 1.0

    h = pl.pallas_call(
        _mm_body,
        grid=(_G,),
        in_specs=[pl.BlockSpec((_RB, D), lambda i: (i, 0)),
                  pl.BlockSpec((D, D), lambda i: (0, 0))],
        out_specs=pl.BlockSpec((_RB, D), lambda i: (i, 0)),
        out_shape=jax.ShapeDtypeStruct((N, D), jnp.float32),
    )(x, W)

    hs = pl.pallas_call(
        _scale_body,
        grid=(_G,),
        in_specs=[pl.BlockSpec((_RB, D), lambda i: (i, 0)),
                  pl.BlockSpec((_RB, 1), lambda i: (i, 0))],
        out_specs=pl.BlockSpec((_RB, D), lambda i: (i, 0)),
        out_shape=jax.ShapeDtypeStruct((N, D), jnp.float32),
    )(h, deg_n1)

    p = _scatter_kernel(ei5, hs)

    out = pl.pallas_call(
        _finish_body,
        grid=(_G,),
        in_specs=[pl.BlockSpec((NC, _RB, D), lambda i: (0, i, 0)),
                  pl.BlockSpec((_RB, 1), lambda i: (i, 0)),
                  pl.BlockSpec((1, D), lambda i: (0, 0))],
        out_specs=pl.BlockSpec((_RB, D), lambda i: (i, 0)),
        out_shape=jax.ShapeDtypeStruct((N, D), jnp.float32),
    )(p, deg_n1, b.reshape(1, D))
    return out

# --- scband reference (transcript-rebuilt; emitter-appended) ---
"""Pipeline reference for scband-gcn-pool-46394236731692 (READ-ONLY COPY).

The authoritative reference and input builder live on the scoring server;
editing this copy changes nothing except your own understanding.
"""

import jax, jax.numpy as jnp
import numpy as np

N = 10000
E = 320000
D_IN = 128
D_OUT = 128

def setup_inputs(seed: int = 0) -> dict:
    key = jax.random.key(seed)
    k1, k2, k3 = jax.random.split(key, 3)
    x = jax.random.normal(k1, (N, D_IN), dtype=jnp.float32)
    edge_index = jax.random.randint(k2, (2, E), 0, N, dtype=jnp.int32)
    # Learned parameters of the dynamically-created GCNConv g4 = GCNConv(length, dim)
    W = jax.random.normal(k3, (D_IN, D_OUT), dtype=jnp.float32) * 0.05
    b = jnp.zeros((D_OUT,), dtype=jnp.float32)
    return {"x": x, "edge_index": edge_index, "length": 128, "dim": 128, "W": W, "b": b}

def gcn_conv(x, edge_index, W, b):
    # Faithful PyG GCNConv: add self-loops, symmetric normalization, linear transform, scatter-add aggregation
    n = x.shape[0]
    row = edge_index[0]
    col = edge_index[1]
    loop = jnp.arange(n, dtype=row.dtype)
    row = jnp.concatenate([row, loop])
    col = jnp.concatenate([col, loop])
    ones = jnp.ones(row.shape[0], dtype=x.dtype)
    deg = jax.ops.segment_sum(ones, col, num_segments=n)
    deg_inv_sqrt = jnp.where(deg > 0, 1.0 / jnp.sqrt(deg), 0.0)
    norm = deg_inv_sqrt[row] * deg_inv_sqrt[col]
    h = x @ W
    msgs = h[row] * norm[:, None]
    out = jax.ops.segment_sum(msgs, col, num_segments=n)
    return out + b

def reference(x, edge_index, length, dim, W, b):
    h = jax.nn.relu(gcn_conv(x, edge_index, W, b))
    return jax.nn.softmax(h, axis=1)

if __name__ == "__main__":
    import jax
    _d = setup_inputs()
    print(jax.jit(kernel)(*tuple(_d.values())))

</pallas_src>

<mosaic_0001>
#map = affine_map<(d0, d1) -> (0, 0, 0, 0, 0)>
#map1 = affine_map<(d0, d1) -> (0, 0)>
#map2 = affine_map<(d0, d1) -> (0, 0, 0)>
module attributes {stable_mosaic.version = 14 : i64} {
  func.func @_scatter_kernel(%arg0: i32, %arg1: i32, %arg2: memref<2x32x5x25x80xi32, #tpu.memory_space<hbm>>, %arg3: memref<10000x128xf32, #tpu.memory_space<hbm>>, %arg4: memref<2x10000x128xf32, #tpu.memory_space<hbm>>, %arg5: memref<25x80xi32, #tpu.memory_space<vmem>>, %arg6: memref<25x80xi32, #tpu.memory_space<vmem>>, %arg7: memref<80x128xf32, #tpu.memory_space<vmem>>, %arg8: memref<80x128xf32, #tpu.memory_space<vmem>>, %arg9: memref<80x128xf32, #tpu.memory_space<vmem>>, %arg10: memref<10000x128xf32, #tpu.memory_space<vmem_shared>>, %arg11: memref<!tpu.dma_semaphore, #tpu.memory_space<semaphore_mem>>, %arg12: memref<!tpu.dma_semaphore, #tpu.memory_space<semaphore_mem>>, %arg13: memref<!tpu.dma_semaphore, #tpu.memory_space<semaphore_mem>>, %arg14: memref<!tpu.dma_semaphore, #tpu.memory_space<semaphore_mem>>, %arg15: memref<!tpu.dma_semaphore, #tpu.memory_space<semaphore_mem>>, %arg16: memref<!tpu.dma_semaphore, #tpu.memory_space<semaphore_mem>>) attributes {dimension_semantics = [#tpu.dimension_semantics<core_parallel>, #tpu.dimension_semantics<subcore_parallel>], iteration_bounds = array<i64: 2, 16>, scalar_prefetch = 0 : i64, scratch_operands = 12 : i64, tpu.core_type = #tpu.core_type<sc_vector_subcore>, window_params = [{transform_indices = #map}, {transform_indices = #map1}, {transform_indices = #map2}]} {
    %mul3A = arith.constant 2 : i32
    %mul3A_0 = arith.muli %arg1, %mul3A : i32
    %add3A = arith.addi %mul3A_0, %arg0 : i32
    %eq3A = arith.constant 0 : i32
    %eq3A_1 = arith.cmpi eq, %arg0, %eq3A : i32
    %lt3A = arith.constant 10 : i32
    %lt3A_2 = arith.cmpi slt, %arg1, %lt3A : i32
    %and3A = arith.andi %eq3A_1, %lt3A_2 : i1
    %convert_element_type3A = arith.extui %and3A : i1 to i32
    %cond3A = arith.constant 0 : i32
    %cond3A_3 = arith.cmpi ne, %convert_element_type3A, %cond3A : i32
    scf.if %cond3A_3 {
      %mul3A_361 = arith.constant 1000 : i32
      %mul3A_362 = arith.muli %arg1, %mul3A_361 : i32
      %mul3A_363 = arith.constant 1000 : i32
      %mul3A_364 = arith.muli %arg1, %mul3A_363 : i32
      "tpu.region"() ({
        %run_scoped3A_365 = tpu.sem_alloc : memref<!tpu.dma_semaphore, #tpu.memory_space<semaphore_mem>>
        %dma_start3A_366 = arith.constant 0 : i32
        %dma_start3A_367 = tpu.memref_slice %arg10[%mul3A_364, %dma_start3A_366] : memref<10000x128xf32, #tpu.memory_space<vmem_shared>> -> memref<1000x128xf32, #tpu.memory_space<vmem_shared>>
        %dma_start3A_368 = arith.constant 0 : i32
        %dma_start3A_369 = tpu.memref_slice %arg3[%mul3A_362, %dma_start3A_368] : memref<10000x128xf32, #tpu.memory_space<hbm>> -> memref<1000x128xf32, #tpu.memory_space<hbm>>
        tpu.enqueue_dma source(%dma_start3A_369 : memref<1000x128xf32, #tpu.memory_space<hbm>>) target(%dma_start3A_367 : memref<1000x128xf32, #tpu.memory_space<vmem_shared>>) target_semaphore(%run_scoped3A_365 : memref<!tpu.dma_semaphore, #tpu.memory_space<semaphore_mem>>)
        %dma_wait3A_370 = arith.constant 0 : i32
        %dma_wait3A_371 = tpu.memref_slice %arg10[%mul3A_364, %dma_wait3A_370] : memref<10000x128xf32, #tpu.memory_space<vmem_shared>> -> memref<1000x128xf32, #tpu.memory_space<vmem_shared>>
        %dma_wait3A_372 = arith.constant 0 : i32
        %dma_wait3A_373 = tpu.memref_slice %arg3[%mul3A_362, %dma_wait3A_372] : memref<10000x128xf32, #tpu.memory_space<hbm>> -> memref<1000x128xf32, #tpu.memory_space<hbm>>
        tpu.wait_dma2 semaphore(%run_scoped3A_365 : memref<!tpu.dma_semaphore, #tpu.memory_space<semaphore_mem>>) src(%dma_wait3A_373 : memref<1000x128xf32, #tpu.memory_space<hbm>>) dst(%dma_wait3A_371 : memref<1000x128xf32, #tpu.memory_space<vmem_shared>>)
        tpu.yield
      }) : () -> ()
    } else {
    }
    %eq3A_4 = arith.constant 1 : i32
    %eq3A_5 = arith.cmpi eq, %arg0, %eq3A_4 : i32
    %convert_element_type3A_6 = arith.extui %eq3A_5 : i1 to i32
    %cond3A_7 = arith.constant 0 : i32
    %cond3A_8 = arith.cmpi ne, %convert_element_type3A_6, %cond3A_7 : i32
    scf.if %cond3A_8 {
      %broadcast_in_dim3A = arith.constant 0.000000e+00 : f32
      %broadcast_in_dim3A_361 = vector.broadcast %broadcast_in_dim3A : f32 to vector<16xf32>
      %scan3A_362 = arith.constant 0 : i32
      %scan3A_363 = arith.constant 0 : i32
      %scan3A_364 = arith.constant 640 : i32
      %scan3A_365 = arith.addi %scan3A_363, %scan3A_364 : i32
      %scan3A_366 = arith.constant 1 : i32
      scf.for %scan3A_373 = %scan3A_363 to %scan3A_365 step %scan3A_366  : i32 {
        %jit3A = arith.constant 8 : i32
        %div3A = arith.divsi %scan3A_373, %jit3A : i32
        %sign3A = arith.constant 0 : i32
        %sign3A_374 = arith.cmpi sgt, %scan3A_373, %sign3A : i32
        %sign3A_375 = arith.extui %sign3A_374 : i1 to i32
        %sign3A_376 = arith.constant 0 : i32
        %sign3A_377 = arith.cmpi slt, %scan3A_373, %sign3A_376 : i32
        %sign3A_378 = arith.extui %sign3A_377 : i1 to i32
        %sign3A_379 = arith.subi %sign3A_375, %sign3A_378 : i32
        %sign3A_380 = arith.constant 0 : i32
        %sign3A_381 = arith.cmpi sgt, %jit3A, %sign3A_380 : i32
        %sign3A_382 = arith.extui %sign3A_381 : i1 to i32
        %sign3A_383 = arith.constant 0 : i32
        %sign3A_384 = arith.cmpi slt, %jit3A, %sign3A_383 : i32
        %sign3A_385 = arith.extui %sign3A_384 : i1 to i32
        %sign3A_386 = arith.subi %sign3A_382, %sign3A_385 : i32
        %ne3A = arith.cmpi ne, %sign3A_379, %sign3A_386 : i32
        %rem3A = arith.remsi %scan3A_373, %jit3A : i32
        %ne3A_387 = arith.constant 0 : i32
        %ne3A_388 = arith.cmpi ne, %rem3A, %ne3A_387 : i32
        %and3A_389 = arith.andi %ne3A, %ne3A_388 : i1
        %sub3A = arith.constant 1 : i32
        %sub3A_390 = arith.subi %div3A, %sub3A : i32
        %select_n3A = arith.select %and3A_389, %sub3A_390, %div3A : i32
        %jit3A_391 = arith.constant 8 : i32
        %eq3A_392 = arith.constant 0 : i32
        %eq3A_393 = arith.cmpi eq, %jit3A_391, %eq3A_392 : i32
        %jit3A_394 = arith.constant 1 : i32
        %select_n3A_395 = arith.select %eq3A_393, %jit3A_394, %jit3A_391 : i32
        %rem3A_396 = arith.remsi %scan3A_373, %select_n3A_395 : i32
        %ne3A_397 = arith.constant 0 : i32
        %ne3A_398 = arith.cmpi ne, %rem3A_396, %ne3A_397 : i32
        %lt3A_399 = arith.constant 0 : i32
        %lt3A_400 = arith.cmpi slt, %rem3A_396, %lt3A_399 : i32
        %lt3A_401 = arith.constant 0 : i32
        %lt3A_402 = arith.cmpi slt, %select_n3A_395, %lt3A_401 : i32
        %ne3A_403 = arith.xori %lt3A_400, %lt3A_402 : i1
        %and3A_404 = arith.andi %ne3A_403, %ne3A_398 : i1
        %add3A_405 = arith.addi %rem3A_396, %select_n3A_395 : i32
        %select_n3A_406 = arith.select %and3A_404, %add3A_405, %rem3A_396 : i32
        %mul3A_407 = arith.constant 16 : i32
        %mul3A_408 = arith.muli %select_n3A_406, %mul3A_407 : i32
        %swap3A = arith.index_cast %select_n3A : i32 to index
        %swap3A_409 = arith.index_cast %mul3A_408 : i32 to index
        %swap3A_410 = tpu.vector_load %arg7[%swap3A, %swap3A_409] {strides = array<i32>} : memref<80x128xf32, #tpu.memory_space<vmem>>, vector<1x16xf32>,
        %swap3A_411 = vector.shape_cast %swap3A_410 : vector<1x16xf32> to vector<16xf32>
        %swap3A_412 = vector.shape_cast %broadcast_in_dim3A_361 : vector<16xf32> to vector<1x16xf32>
        tpu.vector_store %arg7[%swap3A, %swap3A_409], %swap3A_412 {strides = array<i32>} : memref<80x128xf32, #tpu.memory_space<vmem>>, vector<1x16xf32>,
      }
      %scan3A_367 = arith.constant 640 : i32
      %lt3A_368 = arith.constant 10 : i32
      %lt3A_369 = arith.cmpi slt, %arg1, %lt3A_368 : i32
      %convert_element_type3A_370 = arith.extui %lt3A_369 : i1 to i32
      %cond3A_371 = arith.constant 0 : i32
      %cond3A_372 = arith.cmpi ne, %convert_element_type3A_370, %cond3A_371 : i32
      scf.if %cond3A_372 {
        %mul3A_373 = arith.constant 1000 : i32
        %mul3A_374 = arith.muli %arg1, %mul3A_373 : i32
        %add3A_375 = arith.constant 0 : i32
        %add3A_376 = arith.addi %mul3A_374, %add3A_375 : i32
        "tpu.region"() ({
          %run_scoped3A_425 = tpu.sem_alloc : memref<!tpu.dma_semaphore, #tpu.memory_space<semaphore_mem>>
          %dma_start3A_426 = arith.constant 0 : i32
          %dma_start3A_427 = tpu.memref_slice %arg10[%add3A_376, %dma_start3A_426] : memref<10000x128xf32, #tpu.memory_space<vmem_shared>> -> memref<80x128xf32, #tpu.memory_space<vmem_shared>>
          %dma_start3A_428 = arith.constant 0 : i32
          %dma_start3A_429 = tpu.memref_slice %arg10[%add3A_376, %dma_start3A_428] : memref<10000x128xf32, #tpu.memory_space<vmem_shared>> -> memref<80x128xf32, #tpu.memory_space<vmem_shared>>
          tpu.enqueue_dma source(%arg7 : memref<80x128xf32, #tpu.memory_space<vmem>>) target(%dma_start3A_429 : memref<80x128xf32, #tpu.memory_space<vmem_shared>>) target_semaphore(%run_scoped3A_425 : memref<!tpu.dma_semaphore, #tpu.memory_space<semaphore_mem>>)
          %dma_wait3A_430 = arith.constant 0 : i32
          %dma_wait3A_431 = tpu.memref_slice %arg10[%add3A_376, %dma_wait3A_430] : memref<10000x128xf32, #tpu.memory_space<vmem_shared>> -> memref<80x128xf32, #tpu.memory_space<vmem_shared>>
          %dma_wait3A_432 = arith.constant 0 : i32
          %dma_wait3A_433 = tpu.memref_slice %arg10[%add3A_376, %dma_wait3A_432] : memref<10000x128xf32, #tpu.memory_space<vmem_shared>> -> memref<80x128xf32, #tpu.memory_space<vmem_shared>>
          tpu.wait_dma2 semaphore(%run_scoped3A_425 : memref<!tpu.dma_semaphore, #tpu.memory_space<semaphore_mem>>) src(%arg7 : memref<80x128xf32, #tpu.memory_space<vmem>>) dst(%dma_wait3A_433 : memref<80x128xf32, #tpu.memory_space<vmem_shared>>)
          tpu.yield
        }) : () -> ()
        %mul3A_377 = arith.constant 1000 : i32
        %mul3A_378 = arith.muli %arg1, %mul3A_377 : i32
        %add3A_379 = arith.constant 80 : i32
        %add3A_380 = arith.addi %mul3A_378, %add3A_379 : i32
        "tpu.region"() ({
          %run_scoped3A_425 = tpu.sem_alloc : memref<!tpu.dma_semaphore, #tpu.memory_space<semaphore_mem>>
          %dma_start3A_426 = arith.constant 0 : i32
          %dma_start3A_427 = tpu.memref_slice %arg10[%add3A_380, %dma_start3A_426] : memref<10000x128xf32, #tpu.memory_space<vmem_shared>> -> memref<80x128xf32, #tpu.memory_space<vmem_shared>>
          %dma_start3A_428 = arith.constant 0 : i32
          %dma_start3A_429 = tpu.memref_slice %arg10[%add3A_380, %dma_start3A_428] : memref<10000x128xf32, #tpu.memory_space<vmem_shared>> -> memref<80x128xf32, #tpu.memory_space<vmem_shared>>
          tpu.enqueue_dma source(%arg7 : memref<80x128xf32, #tpu.memory_space<vmem>>) target(%dma_start3A_429 : memref<80x128xf32, #tpu.memory_space<vmem_shared>>) target_semaphore(%run_scoped3A_425 : memref<!tpu.dma_semaphore, #tpu.memory_space<semaphore_mem>>)
          %dma_wait3A_430 = arith.constant 0 : i32
          %dma_wait3A_431 = tpu.memref_slice %arg10[%add3A_380, %dma_wait3A_430] : memref<10000x128xf32, #tpu.memory_space<vmem_shared>> -> memref<80x128xf32, #tpu.memory_space<vmem_shared>>
          %dma_wait3A_432 = arith.constant 0 : i32
          %dma_wait3A_433 = tpu.memref_slice %arg10[%add3A_380, %dma_wait3A_432] : memref<10000x128xf32, #tpu.memory_space<vmem_shared>> -> memref<80x128xf32, #tpu.memory_space<vmem_shared>>
          tpu.wait_dma2 semaphore(%run_scoped3A_425 : memref<!tpu.dma_semaphore, #tpu.memory_space<semaphore_mem>>) src(%arg7 : memref<80x128xf32, #tpu.memory_space<vmem>>) dst(%dma_wait3A_433 : memref<80x128xf32, #tpu.memory_space<vmem_shared>>)
          tpu.yield
        }) : () -> ()
        %mul3A_381 = arith.constant 1000 : i32
        %mul3A_382 = arith.muli %arg1, %mul3A_381 : i32
        %add3A_383 = arith.constant 160 : i32
        %add3A_384 = arith.addi %mul3A_382, %add3A_383 : i32
        "tpu.region"() ({
          %run_scoped3A_425 = tpu.sem_alloc : memref<!tpu.dma_semaphore, #tpu.memory_space<semaphore_mem>>
          %dma_start3A_426 = arith.constant 0 : i32
          %dma_start3A_427 = tpu.memref_slice %arg10[%add3A_384, %dma_start3A_426] : memref<10000x128xf32, #tpu.memory_space<vmem_shared>> -> memref<80x128xf32, #tpu.memory_space<vmem_shared>>
          %dma_start3A_428 = arith.constant 0 : i32
          %dma_start3A_429 = tpu.memref_slice %arg10[%add3A_384, %dma_start3A_428] : memref<10000x128xf32, #tpu.memory_space<vmem_shared>> -> memref<80x128xf32, #tpu.memory_space<vmem_shared>>
          tpu.enqueue_dma source(%arg7 : memref<80x128xf32, #tpu.memory_space<vmem>>) target(%dma_start3A_429 : memref<80x128xf32, #tpu.memory_space<vmem_shared>>) target_semaphore(%run_scoped3A_425 : memref<!tpu.dma_semaphore, #tpu.memory_space<semaphore_mem>>)
          %dma_wait3A_430 = arith.constant 0 : i32
          %dma_wait3A_431 = tpu.memref_slice %arg10[%add3A_384, %dma_wait3A_430] : memref<10000x128xf32, #tpu.memory_space<vmem_shared>> -> memref<80x128xf32, #tpu.memory_space<vmem_shared>>
          %dma_wait3A_432 = arith.constant 0 : i32
          %dma_wait3A_433 = tpu.memref_slice %arg10[%add3A_384, %dma_wait3A_432] : memref<10000x128xf32, #tpu.memory_space<vmem_shared>> -> memref<80x128xf32, #tpu.memory_space<vmem_shared>>
          tpu.wait_dma2 semaphore(%run_scoped3A_425 : memref<!tpu.dma_semaphore, #tpu.memory_space<semaphore_mem>>) src(%arg7 : memref<80x128xf32, #tpu.memory_space<vmem>>) dst(%dma_wait3A_433 : memref<80x128xf32, #tpu.memory_space<vmem_shared>>)
          tpu.yield
        }) : () -> ()
        %mul3A_385 = arith.constant 1000 : i32
        %mul3A_386 = arith.muli %arg1, %mul3A_385 : i32
        %add3A_387 = arith.constant 240 : i32
        %add3A_388 = arith.addi %mul3A_386, %add3A_387 : i32
        "tpu.region"() ({
          %run_scoped3A_425 = tpu.sem_alloc : memref<!tpu.dma_semaphore, #tpu.memory_space<semaphore_mem>>
          %dma_start3A_426 = arith.constant 0 : i32
          %dma_start3A_427 = tpu.memref_slice %arg10[%add3A_388, %dma_start3A_426] : memref<10000x128xf32, #tpu.memory_space<vmem_shared>> -> memref<80x128xf32, #tpu.memory_space<vmem_shared>>
          %dma_start3A_428 = arith.constant 0 : i32
          %dma_start3A_429 = tpu.memref_slice %arg10[%add3A_388, %dma_start3A_428] : memref<10000x128xf32, #tpu.memory_space<vmem_shared>> -> memref<80x128xf32, #tpu.memory_space<vmem_shared>>
          tpu.enqueue_dma source(%arg7 : memref<80x128xf32, #tpu.memory_space<vmem>>) target(%dma_start3A_429 : memref<80x128xf32, #tpu.memory_space<vmem_shared>>) target_semaphore(%run_scoped3A_425 : memref<!tpu.dma_semaphore, #tpu.memory_space<semaphore_mem>>)
          %dma_wait3A_430 = arith.constant 0 : i32
          %dma_wait3A_431 = tpu.memref_slice %arg10[%add3A_388, %dma_wait3A_430] : memref<10000x128xf32, #tpu.memory_space<vmem_shared>> -> memref<80x128xf32, #tpu.memory_space<vmem_shared>>
          %dma_wait3A_432 = arith.constant 0 : i32
          %dma_wait3A_433 = tpu.memref_slice %arg10[%add3A_388, %dma_wait3A_432] : memref<10000x128xf32, #tpu.memory_space<vmem_shared>> -> memref<80x128xf32, #tpu.memory_space<vmem_shared>>
          tpu.wait_dma2 semaphore(%run_scoped3A_425 : memref<!tpu.dma_semaphore, #tpu.memory_space<semaphore_mem>>) src(%arg7 : memref<80x128xf32, #tpu.memory_space<vmem>>) dst(%dma_wait3A_433 : memref<80x128xf32, #tpu.memory_space<vmem_shared>>)
          tpu.yield
        }) : () -> ()
        %mul3A_389 = arith.constant 1000 : i32
        %mul3A_390 = arith.muli %arg1, %mul3A_389 : i32
        %add3A_391 = arith.constant 320 : i32
        %add3A_392 = arith.addi %mul3A_390, %add3A_391 : i32
        "tpu.region"() ({
          %run_scoped3A_425 = tpu.sem_alloc : memref<!tpu.dma_semaphore, #tpu.memory_space<semaphore_mem>>
          %dma_start3A_426 = arith.constant 0 : i32
          %dma_start3A_427 = tpu.memref_slice %arg10[%add3A_392, %dma_start3A_426] : memref<10000x128xf32, #tpu.memory_space<vmem_shared>> -> memref<80x128xf32, #tpu.memory_space<vmem_shared>>
          %dma_start3A_428 = arith.constant 0 : i32
          %dma_start3A_429 = tpu.memref_slice %arg10[%add3A_392, %dma_start3A_428] : memref<10000x128xf32, #tpu.memory_space<vmem_shared>> -> memref<80x128xf32, #tpu.memory_space<vmem_shared>>
          tpu.enqueue_dma source(%arg7 : memref<80x128xf32, #tpu.memory_space<vmem>>) target(%dma_start3A_429 : memref<80x128xf32, #tpu.memory_space<vmem_shared>>) target_semaphore(%run_scoped3A_425 : memref<!tpu.dma_semaphore, #tpu.memory_space<semaphore_mem>>)
          %dma_wait3A_430 = arith.constant 0 : i32
          %dma_wait3A_431 = tpu.memref_slice %arg10[%add3A_392, %dma_wait3A_430] : memref<10000x128xf32, #tpu.memory_space<vmem_shared>> -> memref<80x128xf32, #tpu.memory_space<vmem_shared>>
          %dma_wait3A_432 = arith.constant 0 : i32
          %dma_wait3A_433 = tpu.memref_slice %arg10[%add3A_392, %dma_wait3A_432] : memref<10000x128xf32, #tpu.memory_space<vmem_shared>> -> memref<80x128xf32, #tpu.memory_space<vmem_shared>>
          tpu.wait_dma2 semaphore(%run_scoped3A_425 : memref<!tpu.dma_semaphore, #tpu.memory_space<semaphore_mem>>) src(%arg7 : memref<80x128xf32, #tpu.memory_space<vmem>>) dst(%dma_wait3A_433 : memref<80x128xf32, #tpu.memory_space<vmem_shared>>)
          tpu.yield
        }) : () -> ()
        %mul3A_393 = arith.constant 1000 : i32
        %mul3A_394 = arith.muli %arg1, %mul3A_393 : i32
        %add3A_395 = arith.constant 400 : i32
        %add3A_396 = arith.addi %mul3A_394, %add3A_395 : i32
        "tpu.region"() ({
          %run_scoped3A_425 = tpu.sem_alloc : memref<!tpu.dma_semaphore, #tpu.memory_space<semaphore_mem>>
          %dma_start3A_426 = arith.constant 0 : i32
          %dma_start3A_427 = tpu.memref_slice %arg10[%add3A_396, %dma_start3A_426] : memref<10000x128xf32, #tpu.memory_space<vmem_shared>> -> memref<80x128xf32, #tpu.memory_space<vmem_shared>>
          %dma_start3A_428 = arith.constant 0 : i32
          %dma_start3A_429 = tpu.memref_slice %arg10[%add3A_396, %dma_start3A_428] : memref<10000x128xf32, #tpu.memory_space<vmem_shared>> -> memref<80x128xf32, #tpu.memory_space<vmem_shared>>
          tpu.enqueue_dma source(%arg7 : memref<80x128xf32, #tpu.memory_space<vmem>>) target(%dma_start3A_429 : memref<80x128xf32, #tpu.memory_space<vmem_shared>>) target_semaphore(%run_scoped3A_425 : memref<!tpu.dma_semaphore, #tpu.memory_space<semaphore_mem>>)
          %dma_wait3A_430 = arith.constant 0 : i32
          %dma_wait3A_431 = tpu.memref_slice %arg10[%add3A_396, %dma_wait3A_430] : memref<10000x128xf32, #tpu.memory_space<vmem_shared>> -> memref<80x128xf32, #tpu.memory_space<vmem_shared>>
          %dma_wait3A_432 = arith.constant 0 : i32
          %dma_wait3A_433 = tpu.memref_slice %arg10[%add3A_396, %dma_wait3A_432] : memref<10000x128xf32, #tpu.memory_space<vmem_shared>> -> memref<80x128xf32, #tpu.memory_space<vmem_shared>>
          tpu.wait_dma2 semaphore(%run_scoped3A_425 : memref<!tpu.dma_semaphore, #tpu.memory_space<semaphore_mem>>) src(%arg7 : memref<80x128xf32, #tpu.memory_space<vmem>>) dst(%dma_wait3A_433 : memref<80x128xf32, #tpu.memory_space<vmem_shared>>)
          tpu.yield
        }) : () -> ()
        %mul3A_397 = arith.constant 1000 : i32
        %mul3A_398 = arith.muli %arg1, %mul3A_397 : i32
        %add3A_399 = arith.constant 480 : i32
        %add3A_400 = arith.addi %mul3A_398, %add3A_399 : i32
        "tpu.region"() ({
          %run_scoped3A_425 = tpu.sem_alloc : memref<!tpu.dma_semaphore, #tpu.memory_space<semaphore_mem>>
          %dma_start3A_426 = arith.constant 0 : i32
          %dma_start3A_427 = tpu.memref_slice %arg10[%add3A_400, %dma_start3A_426] : memref<10000x128xf32, #tpu.memory_space<vmem_shared>> -> memref<80x128xf32, #tpu.memory_space<vmem_shared>>
          %dma_start3A_428 = arith.constant 0 : i32
          %dma_start3A_429 = tpu.memref_slice %arg10[%add3A_400, %dma_start3A_428] : memref<10000x128xf32, #tpu.memory_space<vmem_shared>> -> memref<80x128xf32, #tpu.memory_space<vmem_shared>>
          tpu.enqueue_dma source(%arg7 : memref<80x128xf32, #tpu.memory_space<vmem>>) target(%dma_start3A_429 : memref<80x128xf32, #tpu.memory_space<vmem_shared>>) target_semaphore(%run_scoped3A_425 : memref<!tpu.dma_semaphore, #tpu.memory_space<semaphore_mem>>)
          %dma_wait3A_430 = arith.constant 0 : i32
          %dma_wait3A_431 = tpu.memref_slice %arg10[%add3A_400, %dma_wait3A_430] : memref<10000x128xf32, #tpu.memory_space<vmem_shared>> -> memref<80x128xf32, #tpu.memory_space<vmem_shared>>
          %dma_wait3A_432 = arith.constant 0 : i32
          %dma_wait3A_433 = tpu.memref_slice %arg10[%add3A_400, %dma_wait3A_432] : memref<10000x128xf32, #tpu.memory_space<vmem_shared>> -> memref<80x128xf32, #tpu.memory_space<vmem_shared>>
          tpu.wait_dma2 semaphore(%run_scoped3A_425 : memref<!tpu.dma_semaphore, #tpu.memory_space<semaphore_mem>>) src(%arg7 : memref<80x128xf32, #tpu.memory_space<vmem>>) dst(%dma_wait3A_433 : memref<80x128xf32, #tpu.memory_space<vmem_shared>>)
          tpu.yield
        }) : () -> ()
        %mul3A_401 = arith.constant 1000 : i32
        %mul3A_402 = arith.muli %arg1, %mul3A_401 : i32
        %add3A_403 = arith.constant 560 : i32
        %add3A_404 = arith.addi %mul3A_402, %add3A_403 : i32
        "tpu.region"() ({
          %run_scoped3A_425 = tpu.sem_alloc : memref<!tpu.dma_semaphore, #tpu.memory_space<semaphore_mem>>
          %dma_start3A_426 = arith.constant 0 : i32
          %dma_start3A_427 = tpu.memref_slice %arg10[%add3A_404, %dma_start3A_426] : memref<10000x128xf32, #tpu.memory_space<vmem_shared>> -> memref<80x128xf32, #tpu.memory_space<vmem_shared>>
          %dma_start3A_428 = arith.constant 0 : i32
          %dma_start3A_429 = tpu.memref_slice %arg10[%add3A_404, %dma_start3A_428] : memref<10000x128xf32, #tpu.memory_space<vmem_shared>> -> memref<80x128xf32, #tpu.memory_space<vmem_shared>>
          tpu.enqueue_dma source(%arg7 : memref<80x128xf32, #tpu.memory_space<vmem>>) target(%dma_start3A_429 : memref<80x128xf32, #tpu.memory_space<vmem_shared>>) target_semaphore(%run_scoped3A_425 : memref<!tpu.dma_semaphore, #tpu.memory_space<semaphore_mem>>)
          %dma_wait3A_430 = arith.constant 0 : i32
          %dma_wait3A_431 = tpu.memref_slice %arg10[%add3A_404, %dma_wait3A_430] : memref<10000x128xf32, #tpu.memory_space<vmem_shared>> -> memref<80x128xf32, #tpu.memory_space<vmem_shared>>
          %dma_wait3A_432 = arith.constant 0 : i32
          %dma_wait3A_433 = tpu.memref_slice %arg10[%add3A_404, %dma_wait3A_432] : memref<10000x128xf32, #tpu.memory_space<vmem_shared>> -> memref<80x128xf32, #tpu.memory_space<vmem_shared>>
          tpu.wait_dma2 semaphore(%run_scoped3A_425 : memref<!tpu.dma_semaphore, #tpu.memory_space<semaphore_mem>>) src(%arg7 : memref<80x128xf32, #tpu.memory_space<vmem>>) dst(%dma_wait3A_433 : memref<80x128xf32, #tpu.memory_space<vmem_shared>>)
          tpu.yield
        }) : () -> ()
        %mul3A_405 = arith.constant 1000 : i32
        %mul3A_406 = arith.muli %arg1, %mul3A_405 : i32
        %add3A_407 = arith.constant 640 : i32
        %add3A_408 = arith.addi %mul3A_406, %add3A_407 : i32
        "tpu.region"() ({
          %run_scoped3A_425 = tpu.sem_alloc : memref<!tpu.dma_semaphore, #tpu.memory_space<semaphore_mem>>
          %dma_start3A_426 = arith.constant 0 : i32
          %dma_start3A_427 = tpu.memref_slice %arg10[%add3A_408, %dma_start3A_426] : memref<10000x128xf32, #tpu.memory_space<vmem_shared>> -> memref<80x128xf32, #tpu.memory_space<vmem_shared>>
          %dma_start3A_428 = arith.constant 0 : i32
          %dma_start3A_429 = tpu.memref_slice %arg10[%add3A_408, %dma_start3A_428] : memref<10000x128xf32, #tpu.memory_space<vmem_shared>> -> memref<80x128xf32, #tpu.memory_space<vmem_shared>>
          tpu.enqueue_dma source(%arg7 : memref<80x128xf32, #tpu.memory_space<vmem>>) target(%dma_start3A_429 : memref<80x128xf32, #tpu.memory_space<vmem_shared>>) target_semaphore(%run_scoped3A_425 : memref<!tpu.dma_semaphore, #tpu.memory_space<semaphore_mem>>)
          %dma_wait3A_430 = arith.constant 0 : i32
          %dma_wait3A_431 = tpu.memref_slice %arg10[%add3A_408, %dma_wait3A_430] : memref<10000x128xf32, #tpu.memory_space<vmem_shared>> -> memref<80x128xf32, #tpu.memory_space<vmem_shared>>
          %dma_wait3A_432 = arith.constant 0 : i32
          %dma_wait3A_433 = tpu.memref_slice %arg10[%add3A_408, %dma_wait3A_432] : memref<10000x128xf32, #tpu.memory_space<vmem_shared>> -> memref<80x128xf32, #tpu.memory_space<vmem_shared>>
          tpu.wait_dma2 semaphore(%run_scoped3A_425 : memref<!tpu.dma_semaphore, #tpu.memory_space<semaphore_mem>>) src(%arg7 : memref<80x128xf32, #tpu.memory_space<vmem>>) dst(%dma_wait3A_433 : memref<80x128xf32, #tpu.memory_space<vmem_shared>>)
          tpu.yield
        }) : () -> ()
        %mul3A_409 = arith.constant 1000 : i32
        %mul3A_410 = arith.muli %arg1, %mul3A_409 : i32
        %add3A_411 = arith.constant 720 : i32
        %add3A_412 = arith.addi %mul3A_410, %add3A_411 : i32
        "tpu.region"() ({
          %run_scoped3A_425 = tpu.sem_alloc : memref<!tpu.dma_semaphore, #tpu.memory_space<semaphore_mem>>
          %dma_start3A_426 = arith.constant 0 : i32
          %dma_start3A_427 = tpu.memref_slice %arg10[%add3A_412, %dma_start3A_426] : memref<10000x128xf32, #tpu.memory_space<vmem_shared>> -> memref<80x128xf32, #tpu.memory_space<vmem_shared>>
          %dma_start3A_428 = arith.constant 0 : i32
          %dma_start3A_429 = tpu.memref_slice %arg10[%add3A_412, %dma_start3A_428] : memref<10000x128xf32, #tpu.memory_space<vmem_shared>> -> memref<80x128xf32, #tpu.memory_space<vmem_shared>>
          tpu.enqueue_dma source(%arg7 : memref<80x128xf32, #tpu.memory_space<vmem>>) target(%dma_start3A_429 : memref<80x128xf32, #tpu.memory_space<vmem_shared>>) target_semaphore(%run_scoped3A_425 : memref<!tpu.dma_semaphore, #tpu.memory_space<semaphore_mem>>)
          %dma_wait3A_430 = arith.constant 0 : i32
          %dma_wait3A_431 = tpu.memref_slice %arg10[%add3A_412, %dma_wait3A_430] : memref<10000x128xf32, #tpu.memory_space<vmem_shared>> -> memref<80x128xf32, #tpu.memory_space<vmem_shared>>
          %dma_wait3A_432 = arith.constant 0 : i32
          %dma_wait3A_433 = tpu.memref_slice %arg10[%add3A_412, %dma_wait3A_432] : memref<10000x128xf32, #tpu.memory_space<vmem_shared>> -> memref<80x128xf32, #tpu.memory_space<vmem_shared>>
          tpu.wait_dma2 semaphore(%run_scoped3A_425 : memref<!tpu.dma_semaphore, #tpu.memory_space<semaphore_mem>>) src(%arg7 : memref<80x128xf32, #tpu.memory_space<vmem>>) dst(%dma_wait3A_433 : memref<80x128xf32, #tpu.memory_space<vmem_shared>>)
          tpu.yield
        }) : () -> ()
        %mul3A_413 = arith.constant 1000 : i32
        %mul3A_414 = arith.muli %arg1, %mul3A_413 : i32
        %add3A_415 = arith.constant 800 : i32
        %add3A_416 = arith.addi %mul3A_414, %add3A_415 : i32
        "tpu.region"() ({
          %run_scoped3A_425 = tpu.sem_alloc : memref<!tpu.dma_semaphore, #tpu.memory_space<semaphore_mem>>
          %dma_start3A_426 = arith.constant 0 : i32
          %dma_start3A_427 = tpu.memref_slice %arg10[%add3A_416, %dma_start3A_426] : memref<10000x128xf32, #tpu.memory_space<vmem_shared>> -> memref<80x128xf32, #tpu.memory_space<vmem_shared>>
          %dma_start3A_428 = arith.constant 0 : i32
          %dma_start3A_429 = tpu.memref_slice %arg10[%add3A_416, %dma_start3A_428] : memref<10000x128xf32, #tpu.memory_space<vmem_shared>> -> memref<80x128xf32, #tpu.memory_space<vmem_shared>>
          tpu.enqueue_dma source(%arg7 : memref<80x128xf32, #tpu.memory_space<vmem>>) target(%dma_start3A_429 : memref<80x128xf32, #tpu.memory_space<vmem_shared>>) target_semaphore(%run_scoped3A_425 : memref<!tpu.dma_semaphore, #tpu.memory_space<semaphore_mem>>)
          %dma_wait3A_430 = arith.constant 0 : i32
          %dma_wait3A_431 = tpu.memref_slice %arg10[%add3A_416, %dma_wait3A_430] : memref<10000x128xf32, #tpu.memory_space<vmem_shared>> -> memref<80x128xf32, #tpu.memory_space<vmem_shared>>
          %dma_wait3A_432 = arith.constant 0 : i32
          %dma_wait3A_433 = tpu.memref_slice %arg10[%add3A_416, %dma_wait3A_432] : memref<10000x128xf32, #tpu.memory_space<vmem_shared>> -> memref<80x128xf32, #tpu.memory_space<vmem_shared>>
          tpu.wait_dma2 semaphore(%run_scoped3A_425 : memref<!tpu.dma_semaphore, #tpu.memory_space<semaphore_mem>>) src(%arg7 : memref<80x128xf32, #tpu.memory_space<vmem>>) dst(%dma_wait3A_433 : memref<80x128xf32, #tpu.memory_space<vmem_shared>>)
          tpu.yield
        }) : () -> ()
        %mul3A_417 = arith.constant 1000 : i32
        %mul3A_418 = arith.muli %arg1, %mul3A_417 : i32
        %add3A_419 = arith.constant 880 : i32
        %add3A_420 = arith.addi %mul3A_418, %add3A_419 : i32
        "tpu.region"() ({
          %run_scoped3A_425 = tpu.sem_alloc : memref<!tpu.dma_semaphore, #tpu.memory_space<semaphore_mem>>
          %dma_start3A_426 = arith.constant 0 : i32
          %dma_start3A_427 = tpu.memref_slice %arg10[%add3A_420, %dma_start3A_426] : memref<10000x128xf32, #tpu.memory_space<vmem_shared>> -> memref<80x128xf32, #tpu.memory_space<vmem_shared>>
          %dma_start3A_428 = arith.constant 0 : i32
          %dma_start3A_429 = tpu.memref_slice %arg10[%add3A_420, %dma_start3A_428] : memref<10000x128xf32, #tpu.memory_space<vmem_shared>> -> memref<80x128xf32, #tpu.memory_space<vmem_shared>>
          tpu.enqueue_dma source(%arg7 : memref<80x128xf32, #tpu.memory_space<vmem>>) target(%dma_start3A_429 : memref<80x128xf32, #tpu.memory_space<vmem_shared>>) target_semaphore(%run_scoped3A_425 : memref<!tpu.dma_semaphore, #tpu.memory_space<semaphore_mem>>)
          %dma_wait3A_430 = arith.constant 0 : i32
          %dma_wait3A_431 = tpu.memref_slice %arg10[%add3A_420, %dma_wait3A_430] : memref<10000x128xf32, #tpu.memory_space<vmem_shared>> -> memref<80x128xf32, #tpu.memory_space<vmem_shared>>
          %dma_wait3A_432 = arith.constant 0 : i32
          %dma_wait3A_433 = tpu.memref_slice %arg10[%add3A_420, %dma_wait3A_432] : memref<10000x128xf32, #tpu.memory_space<vmem_shared>> -> memref<80x128xf32, #tpu.memory_space<vmem_shared>>
          tpu.wait_dma2 semaphore(%run_scoped3A_425 : memref<!tpu.dma_semaphore, #tpu.memory_space<semaphore_mem>>) src(%arg7 : memref<80x128xf32, #tpu.memory_space<vmem>>) dst(%dma_wait3A_433 : memref<80x128xf32, #tpu.memory_space<vmem_shared>>)
          tpu.yield
        }) : () -> ()
        %mul3A_421 = arith.constant 1000 : i32
        %mul3A_422 = arith.muli %arg1, %mul3A_421 : i32
        %add3A_423 = arith.constant 960 : i32
        %add3A_424 = arith.addi %mul3A_422, %add3A_423 : i32
        "tpu.region"() ({
          %run_scoped3A_425 = tpu.sem_alloc : memref<!tpu.dma_semaphore, #tpu.memory_space<semaphore_mem>>
          %dma_start3A_426 = arith.constant 0 : i32
          %dma_start3A_427 = arith.constant 0 : i32
          %dma_start3A_428 = tpu.memref_slice %arg7[%dma_start3A_426, %dma_start3A_427] : memref<80x128xf32, #tpu.memory_space<vmem>> -> memref<40x128xf32, #tpu.memory_space<vmem>>
          %dma_start3A_429 = arith.constant 0 : i32
          %dma_start3A_430 = tpu.memref_slice %arg10[%add3A_424, %dma_start3A_429] : memref<10000x128xf32, #tpu.memory_space<vmem_shared>> -> memref<40x128xf32, #tpu.memory_space<vmem_shared>>
          %dma_start3A_431 = arith.constant 0 : i32
          %dma_start3A_432 = tpu.memref_slice %arg10[%add3A_424, %dma_start3A_431] : memref<10000x128xf32, #tpu.memory_space<vmem_shared>> -> memref<40x128xf32, #tpu.memory_space<vmem_shared>>
          %dma_start3A_433 = arith.constant 0 : i32
          %dma_start3A_434 = arith.constant 0 : i32
          %dma_start3A_435 = tpu.memref_slice %arg7[%dma_start3A_433, %dma_start3A_434] : memref<80x128xf32, #tpu.memory_space<vmem>> -> memref<40x128xf32, #tpu.memory_space<vmem>>
          tpu.enqueue_dma source(%dma_start3A_435 : memref<40x128xf32, #tpu.memory_space<vmem>>) target(%dma_start3A_432 : memref<40x128xf32, #tpu.memory_space<vmem_shared>>) target_semaphore(%run_scoped3A_425 : memref<!tpu.dma_semaphore, #tpu.memory_space<semaphore_mem>>)
          %dma_wait3A_436 = arith.constant 0 : i32
          %dma_wait3A_437 = arith.constant 0 : i32
          %dma_wait3A_438 = tpu.memref_slice %arg7[%dma_wait3A_436, %dma_wait3A_437] : memref<80x128xf32, #tpu.memory_space<vmem>> -> memref<40x128xf32, #tpu.memory_space<vmem>>
          %dma_wait3A_439 = arith.constant 0 : i32
          %dma_wait3A_440 = tpu.memref_slice %arg10[%add3A_424, %dma_wait3A_439] : memref<10000x128xf32, #tpu.memory_space<vmem_shared>> -> memref<40x128xf32, #tpu.memory_space<vmem_shared>>
          %dma_wait3A_441 = arith.constant 0 : i32
          %dma_wait3A_442 = tpu.memref_slice %arg10[%add3A_424, %dma_wait3A_441] : memref<10000x128xf32, #tpu.memory_space<vmem_shared>> -> memref<40x128xf32, #tpu.memory_space<vmem_shared>>
          %dma_wait3A_443 = arith.constant 0 : i32
          %dma_wait3A_444 = arith.constant 0 : i32
          %dma_wait3A_445 = tpu.memref_slice %arg7[%dma_wait3A_443, %dma_wait3A_444] : memref<80x128xf32, #tpu.memory_space<vmem>> -> memref<40x128xf32, #tpu.memory_space<vmem>>
          tpu.wait_dma2 semaphore(%run_scoped3A_425 : memref<!tpu.dma_semaphore, #tpu.memory_space<semaphore_mem>>) src(%dma_wait3A_445 : memref<40x128xf32, #tpu.memory_space<vmem>>) dst(%dma_wait3A_442 : memref<40x128xf32, #tpu.memory_space<vmem_shared>>)
          tpu.yield
        }) : () -> ()
      } else {
      }
    } else {
    }
    %barrier3A = arith.constant 0 : index
    tpu.barrier barrier_id(%barrier3A)
    %run_scoped3A = arith.constant 0 : i32
    %run_scoped3A_9 = arith.constant 0 : i32
    "tpu.region"() ({
      %run_scoped3A_361 = tpu.sem_alloc : memref<!tpu.dma_semaphore, #tpu.memory_space<semaphore_mem>>
      %dma_start3A_362 = arith.constant 0 : i32
      %dma_start3A_363 = arith.constant 0 : i32
      %dma_start3A_364 = tpu.memref_slice %arg2[%run_scoped3A, %add3A, %run_scoped3A_9, %dma_start3A_362, %dma_start3A_363] : memref<2x32x5x25x80xi32, #tpu.memory_space<hbm>> -> memref<1x1x1x25x80xi32, #tpu.memory_space<hbm>>
      %dma_start3A_365 = tpu.memref_squeeze %dma_start3A_364 : memref<1x1x1x25x80xi32, #tpu.memory_space<hbm>> -> memref<25x80xi32, #tpu.memory_space<hbm>>
      %dma_start3A_366 = arith.constant 0 : i32
      %dma_start3A_367 = arith.constant 0 : i32
      %dma_start3A_368 = tpu.memref_slice %arg2[%run_scoped3A, %add3A, %run_scoped3A_9, %dma_start3A_366, %dma_start3A_367] : memref<2x32x5x25x80xi32, #tpu.memory_space<hbm>> -> memref<1x1x1x25x80xi32, #tpu.memory_space<hbm>>
      %dma_start3A_369 = tpu.memref_squeeze %dma_start3A_368 : memref<1x1x1x25x80xi32, #tpu.memory_space<hbm>> -> memref<25x80xi32, #tpu.memory_space<hbm>>
      tpu.enqueue_dma source(%dma_start3A_369 : memref<25x80xi32, #tpu.memory_space<hbm>>) target(%arg5 : memref<25x80xi32, #tpu.memory_space<vmem>>) target_semaphore(%run_scoped3A_361 : memref<!tpu.dma_semaphore, #tpu.memory_space<semaphore_mem>>)
      %dma_wait3A_370 = arith.constant 0 : i32
      %dma_wait3A_371 = arith.constant 0 : i32
      %dma_wait3A_372 = tpu.memref_slice %arg2[%run_scoped3A, %add3A, %run_scoped3A_9, %dma_wait3A_370, %dma_wait3A_371] : memref<2x32x5x25x80xi32, #tpu.memory_space<hbm>> -> memref<1x1x1x25x80xi32, #tpu.memory_space<hbm>>
      %dma_wait3A_373 = tpu.memref_squeeze %dma_wait3A_372 : memref<1x1x1x25x80xi32, #tpu.memory_space<hbm>> -> memref<25x80xi32, #tpu.memory_space<hbm>>
      %dma_wait3A_374 = arith.constant 0 : i32
      %dma_wait3A_375 = arith.constant 0 : i32
      %dma_wait3A_376 = tpu.memref_slice %arg2[%run_scoped3A, %add3A, %run_scoped3A_9, %dma_wait3A_374, %dma_wait3A_375] : memref<2x32x5x25x80xi32, #tpu.memory_space<hbm>> -> memref<1x1x1x25x80xi32, #tpu.memory_space<hbm>>
      %dma_wait3A_377 = tpu.memref_squeeze %dma_wait3A_376 : memref<1x1x1x25x80xi32, #tpu.memory_space<hbm>> -> memref<25x80xi32, #tpu.memory_space<hbm>>
      tpu.wait_dma2 semaphore(%run_scoped3A_361 : memref<!tpu.dma_semaphore, #tpu.memory_space<semaphore_mem>>) src(%dma_wait3A_377 : memref<25x80xi32, #tpu.memory_space<hbm>>) dst(%arg5 : memref<25x80xi32, #tpu.memory_space<vmem>>)
      tpu.yield
    }) : () -> ()
    %run_scoped3A_10 = arith.constant 1 : i32
    %run_scoped3A_11 = arith.constant 0 : i32
    "tpu.region"() ({
      %run_scoped3A_361 = tpu.sem_alloc : memref<!tpu.dma_semaphore, #tpu.memory_space<semaphore_mem>>
      %dma_start3A_362 = arith.constant 0 : i32
      %dma_start3A_363 = arith.constant 0 : i32
      %dma_start3A_364 = tpu.memref_slice %arg2[%run_scoped3A_10, %add3A, %run_scoped3A_11, %dma_start3A_362, %dma_start3A_363] : memref<2x32x5x25x80xi32, #tpu.memory_space<hbm>> -> memref<1x1x1x25x80xi32, #tpu.memory_space<hbm>>
      %dma_start3A_365 = tpu.memref_squeeze %dma_start3A_364 : memref<1x1x1x25x80xi32, #tpu.memory_space<hbm>> -> memref<25x80xi32, #tpu.memory_space<hbm>>
      %dma_start3A_366 = arith.constant 0 : i32
      %dma_start3A_367 = arith.constant 0 : i32
      %dma_start3A_368 = tpu.memref_slice %arg2[%run_scoped3A_10, %add3A, %run_scoped3A_11, %dma_start3A_366, %dma_start3A_367] : memref<2x32x5x25x80xi32, #tpu.memory_space<hbm>> -> memref<1x1x1x25x80xi32, #tpu.memory_space<hbm>>
      %dma_start3A_369 = tpu.memref_squeeze %dma_start3A_368 : memref<1x1x1x25x80xi32, #tpu.memory_space<hbm>> -> memref<25x80xi32, #tpu.memory_space<hbm>>
      tpu.enqueue_dma source(%dma_start3A_369 : memref<25x80xi32, #tpu.memory_space<hbm>>) target(%arg6 : memref<25x80xi32, #tpu.memory_space<vmem>>) target_semaphore(%run_scoped3A_361 : memref<!tpu.dma_semaphore, #tpu.memory_space<semaphore_mem>>)
      %dma_wait3A_370 = arith.constant 0 : i32
      %dma_wait3A_371 = arith.constant 0 : i32
      %dma_wait3A_372 = tpu.memref_slice %arg2[%run_scoped3A_10, %add3A, %run_scoped3A_11, %dma_wait3A_370, %dma_wait3A_371] : memref<2x32x5x25x80xi32, #tpu.memory_space<hbm>> -> memref<1x1x1x25x80xi32, #tpu.memory_space<hbm>>
      %dma_wait3A_373 = tpu.memref_squeeze %dma_wait3A_372 : memref<1x1x1x25x80xi32, #tpu.memory_space<hbm>> -> memref<25x80xi32, #tpu.memory_space<hbm>>
      %dma_wait3A_374 = arith.constant 0 : i32
      %dma_wait3A_375 = arith.constant 0 : i32
      %dma_wait3A_376 = tpu.memref_slice %arg2[%run_scoped3A_10, %add3A, %run_scoped3A_11, %dma_wait3A_374, %dma_wait3A_375] : memref<2x32x5x25x80xi32, #tpu.memory_space<hbm>> -> memref<1x1x1x25x80xi32, #tpu.memory_space<hbm>>
      %dma_wait3A_377 = tpu.memref_squeeze %dma_wait3A_376 : memref<1x1x1x25x80xi32, #tpu.memory_space<hbm>> -> memref<25x80xi32, #tpu.memory_space<hbm>>
      tpu.wait_dma2 semaphore(%run_scoped3A_361 : memref<!tpu.dma_semaphore, #tpu.memory_space<semaphore_mem>>) src(%dma_wait3A_377 : memref<25x80xi32, #tpu.memory_space<hbm>>) dst(%arg6 : memref<25x80xi32, #tpu.memory_space<vmem>>)
      tpu.yield
    }) : () -> ()
    %dma_start3A = arith.constant 0 : i32
    %dma_start3A_12 = arith.constant 0 : i32
    %dma_start3A_13 = tpu.memref_slice %arg5[%dma_start3A, %dma_start3A_12] : memref<25x80xi32, #tpu.memory_space<vmem>> -> memref<1x80xi32, #tpu.memory_space<vmem>>
    %dma_start3A_14 = tpu.memref_squeeze %dma_start3A_13 : memref<1x80xi32, #tpu.memory_space<vmem>> -> memref<80xi32, #tpu.memory_space<vmem>>
    %dma_start3A_15 = arith.constant 0 : i32
    %dma_start3A_16 = arith.constant 0 : i32
    %dma_start3A_17 = tpu.memref_slice %arg3[%dma_start3A_15, %dma_start3A_16] : memref<10000x128xf32, #tpu.memory_space<hbm>> -> memref<10000x128xf32, #tpu.memory_space<hbm>>
    tpu.enqueue_indirect_dma source(%dma_start3A_17 : memref<10000x128xf32, #tpu.memory_space<hbm>>) target(%arg7 : memref<80x128xf32, #tpu.memory_space<vmem>>) offsets(%dma_start3A_14 : memref<80xi32, #tpu.memory_space<vmem>>) semaphore(%arg11 : memref<!tpu.dma_semaphore, #tpu.memory_space<semaphore_mem>>)
    %dma_start3A_18 = arith.constant 1 : i32
    %dma_start3A_19 = arith.constant 0 : i32
    %dma_start3A_20 = tpu.memref_slice %arg5[%dma_start3A_18, %dma_start3A_19] : memref<25x80xi32, #tpu.memory_space<vmem>> -> memref<1x80xi32, #tpu.memory_space<vmem>>
    %dma_start3A_21 = tpu.memref_squeeze %dma_start3A_20 : memref<1x80xi32, #tpu.memory_space<vmem>> -> memref<80xi32, #tpu.memory_space<vmem>>
    %dma_start3A_22 = arith.constant 0 : i32
    %dma_start3A_23 = arith.constant 0 : i32
    %dma_start3A_24 = tpu.memref_slice %arg3[%dma_start3A_22, %dma_start3A_23] : memref<10000x128xf32, #tpu.memory_space<hbm>> -> memref<10000x128xf32, #tpu.memory_space<hbm>>
    tpu.enqueue_indirect_dma source(%dma_start3A_24 : memref<10000x128xf32, #tpu.memory_space<hbm>>) target(%arg8 : memref<80x128xf32, #tpu.memory_space<vmem>>) offsets(%dma_start3A_21 : memref<80xi32, #tpu.memory_space<vmem>>) semaphore(%arg12 : memref<!tpu.dma_semaphore, #tpu.memory_space<semaphore_mem>>)
    %dma_start3A_25 = arith.constant 2 : i32
    %dma_start3A_26 = arith.constant 0 : i32
    %dma_start3A_27 = tpu.memref_slice %arg5[%dma_start3A_25, %dma_start3A_26] : memref<25x80xi32, #tpu.memory_space<vmem>> -> memref<1x80xi32, #tpu.memory_space<vmem>>
    %dma_start3A_28 = tpu.memref_squeeze %dma_start3A_27 : memref<1x80xi32, #tpu.memory_space<vmem>> -> memref<80xi32, #tpu.memory_space<vmem>>
    %dma_start3A_29 = arith.constant 0 : i32
    %dma_start3A_30 = arith.constant 0 : i32
    %dma_start3A_31 = tpu.memref_slice %arg3[%dma_start3A_29, %dma_start3A_30] : memref<10000x128xf32, #tpu.memory_space<hbm>> -> memref<10000x128xf32, #tpu.memory_space<hbm>>
    tpu.enqueue_indirect_dma source(%dma_start3A_31 : memref<10000x128xf32, #tpu.memory_space<hbm>>) target(%arg9 : memref<80x128xf32, #tpu.memory_space<vmem>>) offsets(%dma_start3A_28 : memref<80xi32, #tpu.memory_space<vmem>>) semaphore(%arg13 : memref<!tpu.dma_semaphore, #tpu.memory_space<semaphore_mem>>)
    %scan3A = arith.constant 0 : i32
    %scan3A_32 = arith.constant 0 : i32
    %scan3A_33 = arith.constant 7 : i32
    %scan3A_34 = arith.addi %scan3A_32, %scan3A_33 : i32
    %scan3A_35 = arith.constant 1 : i32
    scf.for %scan3A_361 = %scan3A_32 to %scan3A_34 step %scan3A_35  : i32 {
      %mul3A_362 = arith.constant 3 : i32
      %mul3A_363 = arith.muli %scan3A_361, %mul3A_362 : i32
      %dma_wait3A_364 = arith.constant 0 : i32
      %dma_wait3A_365 = tpu.memref_slice %arg5[%mul3A_363, %dma_wait3A_364] : memref<25x80xi32, #tpu.memory_space<vmem>> -> memref<1x80xi32, #tpu.memory_space<vmem>>
      %dma_wait3A_366 = tpu.memref_squeeze %dma_wait3A_365 : memref<1x80xi32, #tpu.memory_space<vmem>> -> memref<80xi32, #tpu.memory_space<vmem>>
      %dma_wait3A_367 = arith.constant 0 : i32
      %dma_wait3A_368 = arith.constant 0 : i32
      %dma_wait3A_369 = tpu.memref_slice %arg3[%dma_wait3A_367, %dma_wait3A_368] : memref<10000x128xf32, #tpu.memory_space<hbm>> -> memref<10000x128xf32, #tpu.memory_space<hbm>>
      tpu.wait_indirect_dma semaphore(%arg11 : memref<!tpu.dma_semaphore, #tpu.memory_space<semaphore_mem>>) src(%dma_wait3A_369 : memref<10000x128xf32, #tpu.memory_space<hbm>>) dst(%arg7 : memref<80x128xf32, #tpu.memory_space<vmem>>)
      %dma_start3A_370 = arith.constant 0 : i32
      %dma_start3A_371 = tpu.memref_slice %arg6[%mul3A_363, %dma_start3A_370] : memref<25x80xi32, #tpu.memory_space<vmem>> -> memref<1x80xi32, #tpu.memory_space<vmem>>
      %dma_start3A_372 = tpu.memref_squeeze %dma_start3A_371 : memref<1x80xi32, #tpu.memory_space<vmem>> -> memref<80xi32, #tpu.memory_space<vmem>>
      %dma_start3A_373 = arith.constant 0 : i32
      %dma_start3A_374 = arith.constant 0 : i32
      %dma_start3A_375 = tpu.memref_slice %arg10[%dma_start3A_373, %dma_start3A_374] : memref<10000x128xf32, #tpu.memory_space<vmem_shared>> -> memref<10000x128xf32, #tpu.memory_space<vmem_shared>>
      tpu.enqueue_indirect_dma source(%arg7 : memref<80x128xf32, #tpu.memory_space<vmem>>) target(%dma_start3A_375 : memref<10000x128xf32, #tpu.memory_space<vmem_shared>>) offsets(%dma_start3A_372 : memref<80xi32, #tpu.memory_space<vmem>>) semaphore(%arg14 : memref<!tpu.dma_semaphore, #tpu.memory_space<semaphore_mem>>) {add = true}
      %add3A_376 = arith.constant 1 : i32
      %add3A_377 = arith.addi %mul3A_363, %add3A_376 : i32
      %dma_wait3A_378 = arith.constant 0 : i32
      %dma_wait3A_379 = tpu.memref_slice %arg5[%add3A_377, %dma_wait3A_378] : memref<25x80xi32, #tpu.memory_space<vmem>> -> memref<1x80xi32, #tpu.memory_space<vmem>>
      %dma_wait3A_380 = tpu.memref_squeeze %dma_wait3A_379 : memref<1x80xi32, #tpu.memory_space<vmem>> -> memref<80xi32, #tpu.memory_space<vmem>>
      %dma_wait3A_381 = arith.constant 0 : i32
      %dma_wait3A_382 = arith.constant 0 : i32
      %dma_wait3A_383 = tpu.memref_slice %arg3[%dma_wait3A_381, %dma_wait3A_382] : memref<10000x128xf32, #tpu.memory_space<hbm>> -> memref<10000x128xf32, #tpu.memory_space<hbm>>
      tpu.wait_indirect_dma semaphore(%arg12 : memref<!tpu.dma_semaphore, #tpu.memory_space<semaphore_mem>>) src(%dma_wait3A_383 : memref<10000x128xf32, #tpu.memory_space<hbm>>) dst(%arg8 : memref<80x128xf32, #tpu.memory_space<vmem>>)
      %add3A_384 = arith.constant 1 : i32
      %add3A_385 = arith.addi %mul3A_363, %add3A_384 : i32
      %dma_start3A_386 = arith.constant 0 : i32
      %dma_start3A_387 = tpu.memref_slice %arg6[%add3A_385, %dma_start3A_386] : memref<25x80xi32, #tpu.memory_space<vmem>> -> memref<1x80xi32, #tpu.memory_space<vmem>>
      %dma_start3A_388 = tpu.memref_squeeze %dma_start3A_387 : memref<1x80xi32, #tpu.memory_space<vmem>> -> memref<80xi32, #tpu.memory_space<vmem>>
      %dma_start3A_389 = arith.constant 0 : i32
      %dma_start3A_390 = arith.constant 0 : i32
      %dma_start3A_391 = tpu.memref_slice %arg10[%dma_start3A_389, %dma_start3A_390] : memref<10000x128xf32, #tpu.memory_space<vmem_shared>> -> memref<10000x128xf32, #tpu.memory_space<vmem_shared>>
      tpu.enqueue_indirect_dma source(%arg8 : memref<80x128xf32, #tpu.memory_space<vmem>>) target(%dma_start3A_391 : memref<10000x128xf32, #tpu.memory_space<vmem_shared>>) offsets(%dma_start3A_388 : memref<80xi32, #tpu.memory_space<vmem>>) semaphore(%arg15 : memref<!tpu.dma_semaphore, #tpu.memory_space<semaphore_mem>>) {add = true}
      %add3A_392 = arith.constant 2 : i32
      %add3A_393 = arith.addi %mul3A_363, %add3A_392 : i32
      %dma_wait3A_394 = arith.constant 0 : i32
      %dma_wait3A_395 = tpu.memref_slice %arg5[%add3A_393, %dma_wait3A_394] : memref<25x80xi32, #tpu.memory_space<vmem>> -> memref<1x80xi32, #tpu.memory_space<vmem>>
      %dma_wait3A_396 = tpu.memref_squeeze %dma_wait3A_395 : memref<1x80xi32, #tpu.memory_space<vmem>> -> memref<80xi32, #tpu.memory_space<vmem>>
      %dma_wait3A_397 = arith.constant 0 : i32
      %dma_wait3A_398 = arith.constant 0 : i32
      %dma_wait3A_399 = tpu.memref_slice %arg3[%dma_wait3A_397, %dma_wait3A_398] : memref<10000x128xf32, #tpu.memory_space<hbm>> -> memref<10000x128xf32, #tpu.memory_space<hbm>>
      tpu.wait_indirect_dma semaphore(%arg13 : memref<!tpu.dma_semaphore, #tpu.memory_space<semaphore_mem>>) src(%dma_wait3A_399 : memref<10000x128xf32, #tpu.memory_space<hbm>>) dst(%arg9 : memref<80x128xf32, #tpu.memory_space<vmem>>)
      %add3A_400 = arith.constant 2 : i32
      %add3A_401 = arith.addi %mul3A_363, %add3A_400 : i32
      %dma_start3A_402 = arith.constant 0 : i32
      %dma_start3A_403 = tpu.memref_slice %arg6[%add3A_401, %dma_start3A_402] : memref<25x80xi32, #tpu.memory_space<vmem>> -> memref<1x80xi32, #tpu.memory_space<vmem>>
      %dma_start3A_404 = tpu.memref_squeeze %dma_start3A_403 : memref<1x80xi32, #tpu.memory_space<vmem>> -> memref<80xi32, #tpu.memory_space<vmem>>
      %dma_start3A_405 = arith.constant 0 : i32
      %dma_start3A_406 = arith.constant 0 : i32
      %dma_start3A_407 = tpu.memref_slice %arg10[%dma_start3A_405, %dma_start3A_406] : memref<10000x128xf32, #tpu.memory_space<vmem_shared>> -> memref<10000x128xf32, #tpu.memory_space<vmem_shared>>
      tpu.enqueue_indirect_dma source(%arg9 : memref<80x128xf32, #tpu.memory_space<vmem>>) target(%dma_start3A_407 : memref<10000x128xf32, #tpu.memory_space<vmem_shared>>) offsets(%dma_start3A_404 : memref<80xi32, #tpu.memory_space<vmem>>) semaphore(%arg16 : memref<!tpu.dma_semaphore, #tpu.memory_space<semaphore_mem>>) {add = true}
      %dma_wait3A_408 = arith.constant 0 : i32
      %dma_wait3A_409 = tpu.memref_slice %arg6[%mul3A_363, %dma_wait3A_408] : memref<25x80xi32, #tpu.memory_space<vmem>> -> memref<1x80xi32, #tpu.memory_space<vmem>>
      %dma_wait3A_410 = tpu.memref_squeeze %dma_wait3A_409 : memref<1x80xi32, #tpu.memory_space<vmem>> -> memref<80xi32, #tpu.memory_space<vmem>>
      %dma_wait3A_411 = arith.constant 0 : i32
      %dma_wait3A_412 = arith.constant 0 : i32
      %dma_wait3A_413 = tpu.memref_slice %arg10[%dma_wait3A_411, %dma_wait3A_412] : memref<10000x128xf32, #tpu.memory_space<vmem_shared>> -> memref<10000x128xf32, #tpu.memory_space<vmem_shared>>
      tpu.wait_indirect_dma semaphore(%arg14 : memref<!tpu.dma_semaphore, #tpu.memory_space<semaphore_mem>>) src(%arg7 : memref<80x128xf32, #tpu.memory_space<vmem>>) dst(%dma_wait3A_413 : memref<10000x128xf32, #tpu.memory_space<vmem_shared>>)
      %add3A_414 = arith.constant 3 : i32
      %add3A_415 = arith.addi %mul3A_363, %add3A_414 : i32
      %dma_start3A_416 = arith.constant 0 : i32
      %dma_start3A_417 = tpu.memref_slice %arg5[%add3A_415, %dma_start3A_416] : memref<25x80xi32, #tpu.memory_space<vmem>> -> memref<1x80xi32, #tpu.memory_space<vmem>>
      %dma_start3A_418 = tpu.memref_squeeze %dma_start3A_417 : memref<1x80xi32, #tpu.memory_space<vmem>> -> memref<80xi32, #tpu.memory_space<vmem>>
      %dma_start3A_419 = arith.constant 0 : i32
      %dma_start3A_420 = arith.constant 0 : i32
      %dma_start3A_421 = tpu.memref_slice %arg3[%dma_start3A_419, %dma_start3A_420] : memref<10000x128xf32, #tpu.memory_space<hbm>> -> memref<10000x128xf32, #tpu.memory_space<hbm>>
      tpu.enqueue_indirect_dma source(%dma_start3A_421 : memref<10000x128xf32, #tpu.memory_space<hbm>>) target(%arg7 : memref<80x128xf32, #tpu.memory_space<vmem>>) offsets(%dma_start3A_418 : memref<80xi32, #tpu.memory_space<vmem>>) semaphore(%arg11 : memref<!tpu.dma_semaphore, #tpu.memory_space<semaphore_mem>>)
      %add3A_422 = arith.constant 1 : i32
      %add3A_423 = arith.addi %mul3A_363, %add3A_422 : i32
      %dma_wait3A_424 = arith.constant 0 : i32
      %dma_wait3A_425 = tpu.memref_slice %arg6[%add3A_423, %dma_wait3A_424] : memref<25x80xi32, #tpu.memory_space<vmem>> -> memref<1x80xi32, #tpu.memory_space<vmem>>
      %dma_wait3A_426 = tpu.memref_squeeze %dma_wait3A_425 : memref<1x80xi32, #tpu.memory_space<vmem>> -> memref<80xi32, #tpu.memory_space<vmem>>
      %dma_wait3A_427 = arith.constant 0 : i32
      %dma_wait3A_428 = arith.constant 0 : i32
      %dma_wait3A_429 = tpu.memref_slice %arg10[%dma_wait3A_427, %dma_wait3A_428] : memref<10000x128xf32, #tpu.memory_space<vmem_shared>> -> memref<10000x128xf32, #tpu.memory_space<vmem_shared>>
      tpu.wait_indirect_dma semaphore(%arg15 : memref<!tpu.dma_semaphore, #tpu.memory_space<semaphore_mem>>) src(%arg8 : memref<80x128xf32, #tpu.memory_space<vmem>>) dst(%dma_wait3A_429 : memref<10000x128xf32, #tpu.memory_space<vmem_shared>>)
      %add3A_430 = arith.constant 4 : i32
      %add3A_431 = arith.addi %mul3A_363, %add3A_430 : i32
      %dma_start3A_432 = arith.constant 0 : i32
      %dma_start3A_433 = tpu.memref_slice %arg5[%add3A_431, %dma_start3A_432] : memref<25x80xi32, #tpu.memory_space<vmem>> -> memref<1x80xi32, #tpu.memory_space<vmem>>
      %dma_start3A_434 = tpu.memref_squeeze %dma_start3A_433 : memref<1x80xi32, #tpu.memory_space<vmem>> -> memref<80xi32, #tpu.memory_space<vmem>>
      %dma_start3A_435 = arith.constant 0 : i32
      %dma_start3A_436 = arith.constant 0 : i32
      %dma_start3A_437 = tpu.memref_slice %arg3[%dma_start3A_435, %dma_start3A_436] : memref<10000x128xf32, #tpu.memory_space<hbm>> -> memref<10000x128xf32, #tpu.memory_space<hbm>>
      tpu.enqueue_indirect_dma source(%dma_start3A_437 : memref<10000x128xf32, #tpu.memory_space<hbm>>) target(%arg8 : memref<80x128xf32, #tpu.memory_space<vmem>>) offsets(%dma_start3A_434 : memref<80xi32, #tpu.memory_space<vmem>>) semaphore(%arg12 : memref<!tpu.dma_semaphore, #tpu.memory_space<semaphore_mem>>)
      %add3A_438 = arith.constant 2 : i32
      %add3A_439 = arith.addi %mul3A_363, %add3A_438 : i32
      %dma_wait3A_440 = arith.constant 0 : i32
      %dma_wait3A_441 = tpu.memref_slice %arg6[%add3A_439, %dma_wait3A_440] : memref<25x80xi32, #tpu.memory_space<vmem>> -> memref<1x80xi32, #tpu.memory_space<vmem>>
      %dma_wait3A_442 = tpu.memref_squeeze %dma_wait3A_441 : memref<1x80xi32, #tpu.memory_space<vmem>> -> memref<80xi32, #tpu.memory_space<vmem>>
      %dma_wait3A_443 = arith.constant 0 : i32
      %dma_wait3A_444 = arith.constant 0 : i32
      %dma_wait3A_445 = tpu.memref_slice %arg10[%dma_wait3A_443, %dma_wait3A_444] : memref<10000x128xf32, #tpu.memory_space<vmem_shared>> -> memref<10000x128xf32, #tpu.memory_space<vmem_shared>>
      tpu.wait_indirect_dma semaphore(%arg16 : memref<!tpu.dma_semaphore, #tpu.memory_space<semaphore_mem>>) src(%arg9 : memref<80x128xf32, #tpu.memory_space<vmem>>) dst(%dma_wait3A_445 : memref<10000x128xf32, #tpu.memory_space<vmem_shared>>)
      %add3A_446 = arith.constant 5 : i32
      %add3A_447 = arith.addi %mul3A_363, %add3A_446 : i32
      %dma_start3A_448 = arith.constant 0 : i32
      %dma_start3A_449 = tpu.memref_slice %arg5[%add3A_447, %dma_start3A_448] : memref<25x80xi32, #tpu.memory_space<vmem>> -> memref<1x80xi32, #tpu.memory_space<vmem>>
      %dma_start3A_450 = tpu.memref_squeeze %dma_start3A_449 : memref<1x80xi32, #tpu.memory_space<vmem>> -> memref<80xi32, #tpu.memory_space<vmem>>
      %dma_start3A_451 = arith.constant 0 : i32
      %dma_start3A_452 = arith.constant 0 : i32
      %dma_start3A_453 = tpu.memref_slice %arg3[%dma_start3A_451, %dma_start3A_452] : memref<10000x128xf32, #tpu.memory_space<hbm>> -> memref<10000x128xf32, #tpu.memory_space<hbm>>
      tpu.enqueue_indirect_dma source(%dma_start3A_453 : memref<10000x128xf32, #tpu.memory_space<hbm>>) target(%arg9 : memref<80x128xf32, #tpu.memory_space<vmem>>) offsets(%dma_start3A_450 : memref<80xi32, #tpu.memory_space<vmem>>) semaphore(%arg13 : memref<!tpu.dma_semaphore, #tpu.memory_space<semaphore_mem>>)
    }
    %scan3A_36 = arith.constant 7 : i32
    %dma_wait3A = arith.constant 21 : i32
    %dma_wait3A_37 = arith.constant 0 : i32
    %dma_wait3A_38 = tpu.memref_slice %arg5[%dma_wait3A, %dma_wait3A_37] : memref<25x80xi32, #tpu.memory_space<vmem>> -> memref<1x80xi32, #tpu.memory_space<vmem>>
    %dma_wait3A_39 = tpu.memref_squeeze %dma_wait3A_38 : memref<1x80xi32, #tpu.memory_space<vmem>> -> memref<80xi32, #tpu.memory_space<vmem>>
    %dma_wait3A_40 = arith.constant 0 : i32
    %dma_wait3A_41 = arith.constant 0 : i32
    %dma_wait3A_42 = tpu.memref_slice %arg3[%dma_wait3A_40, %dma_wait3A_41] : memref<10000x128xf32, #tpu.memory_space<hbm>> -> memref<10000x128xf32, #tpu.memory_space<hbm>>
    tpu.wait_indirect_dma semaphore(%arg11 : memref<!tpu.dma_semaphore, #tpu.memory_space<semaphore_mem>>) src(%dma_wait3A_42 : memref<10000x128xf32, #tpu.memory_space<hbm>>) dst(%arg7 : memref<80x128xf32, #tpu.memory_space<vmem>>)
    %run_scoped3A_43 = arith.constant 21 : i32
    "tpu.region"() ({
      %run_scoped3A_361 = tpu.sem_alloc : memref<!tpu.dma_semaphore, #tpu.memory_space<semaphore_mem>>
      %dma_start3A_362 = arith.constant 0 : i32
      %dma_start3A_363 = tpu.memref_slice %arg6[%run_scoped3A_43, %dma_start3A_362] : memref<25x80xi32, #tpu.memory_space<vmem>> -> memref<1x80xi32, #tpu.memory_space<vmem>>
      %dma_start3A_364 = tpu.memref_squeeze %dma_start3A_363 : memref<1x80xi32, #tpu.memory_space<vmem>> -> memref<80xi32, #tpu.memory_space<vmem>>
      %dma_start3A_365 = arith.constant 0 : i32
      %dma_start3A_366 = arith.constant 0 : i32
      %dma_start3A_367 = tpu.memref_slice %arg10[%dma_start3A_365, %dma_start3A_366] : memref<10000x128xf32, #tpu.memory_space<vmem_shared>> -> memref<10000x128xf32, #tpu.memory_space<vmem_shared>>
      tpu.enqueue_indirect_dma source(%arg7 : memref<80x128xf32, #tpu.memory_space<vmem>>) target(%dma_start3A_367 : memref<10000x128xf32, #tpu.memory_space<vmem_shared>>) offsets(%dma_start3A_364 : memref<80xi32, #tpu.memory_space<vmem>>) semaphore(%run_scoped3A_361 : memref<!tpu.dma_semaphore, #tpu.memory_space<semaphore_mem>>) {add = true}
      %dma_wait3A_368 = arith.constant 0 : i32
      %dma_wait3A_369 = tpu.memref_slice %arg6[%run_scoped3A_43, %dma_wait3A_368] : memref<25x80xi32, #tpu.memory_space<vmem>> -> memref<1x80xi32, #tpu.memory_space<vmem>>
      %dma_wait3A_370 = tpu.memref_squeeze %dma_wait3A_369 : memref<1x80xi32, #tpu.memory_space<vmem>> -> memref<80xi32, #tpu.memory_space<vmem>>
      %dma_wait3A_371 = arith.constant 0 : i32
      %dma_wait3A_372 = arith.constant 0 : i32
      %dma_wait3A_373 = tpu.memref_slice %arg10[%dma_wait3A_371, %dma_wait3A_372] : memref<10000x128xf32, #tpu.memory_space<vmem_shared>> -> memref<10000x128xf32, #tpu.memory_space<vmem_shared>>
      tpu.wait_indirect_dma semaphore(%run_scoped3A_361 : memref<!tpu.dma_semaphore, #tpu.memory_space<semaphore_mem>>) src(%arg7 : memref<80x128xf32, #tpu.memory_space<vmem>>) dst(%dma_wait3A_373 : memref<10000x128xf32, #tpu.memory_space<vmem_shared>>)
      tpu.yield
    }) : () -> ()
    %dma_wait3A_44 = arith.constant 22 : i32
    %dma_wait3A_45 = arith.constant 0 : i32
    %dma_wait3A_46 = tpu.memref_slice %arg5[%dma_wait3A_44, %dma_wait3A_45] : memref<25x80xi32, #tpu.memory_space<vmem>> -> memref<1x80xi32, #tpu.memory_space<vmem>>
    %dma_wait3A_47 = tpu.memref_squeeze %dma_wait3A_46 : memref<1x80xi32, #tpu.memory_space<vmem>> -> memref<80xi32, #tpu.memory_space<vmem>>
    %dma_wait3A_48 = arith.constant 0 : i32
    %dma_wait3A_49 = arith.constant 0 : i32
    %dma_wait3A_50 = tpu.memref_slice %arg3[%dma_wait3A_48, %dma_wait3A_49] : memref<10000x128xf32, #tpu.memory_space<hbm>> -> memref<10000x128xf32, #tpu.memory_space<hbm>>
    tpu.wait_indirect_dma semaphore(%arg12 : memref<!tpu.dma_semaphore, #tpu.memory_space<semaphore_mem>>) src(%dma_wait3A_50 : memref<10000x128xf32, #tpu.memory_space<hbm>>) dst(%arg8 : memref<80x128xf32, #tpu.memory_space<vmem>>)
    %run_scoped3A_51 = arith.constant 22 : i32
    "tpu.region"() ({
      %run_scoped3A_361 = tpu.sem_alloc : memref<!tpu.dma_semaphore, #tpu.memory_space<semaphore_mem>>
      %dma_start3A_362 = arith.constant 0 : i32
      %dma_start3A_363 = tpu.memref_slice %arg6[%run_scoped3A_51, %dma_start3A_362] : memref<25x80xi32, #tpu.memory_space<vmem>> -> memref<1x80xi32, #tpu.memory_space<vmem>>
      %dma_start3A_364 = tpu.memref_squeeze %dma_start3A_363 : memref<1x80xi32, #tpu.memory_space<vmem>> -> memref<80xi32, #tpu.memory_space<vmem>>
      %dma_start3A_365 = arith.constant 0 : i32
      %dma_start3A_366 = arith.constant 0 : i32
      %dma_start3A_367 = tpu.memref_slice %arg10[%dma_start3A_365, %dma_start3A_366] : memref<10000x128xf32, #tpu.memory_space<vmem_shared>> -> memref<10000x128xf32, #tpu.memory_space<vmem_shared>>
      tpu.enqueue_indirect_dma source(%arg8 : memref<80x128xf32, #tpu.memory_space<vmem>>) target(%dma_start3A_367 : memref<10000x128xf32, #tpu.memory_space<vmem_shared>>) offsets(%dma_start3A_364 : memref<80xi32, #tpu.memory_space<vmem>>) semaphore(%run_scoped3A_361 : memref<!tpu.dma_semaphore, #tpu.memory_space<semaphore_mem>>) {add = true}
      %dma_wait3A_368 = arith.constant 0 : i32
      %dma_wait3A_369 = tpu.memref_slice %arg6[%run_scoped3A_51, %dma_wait3A_368] : memref<25x80xi32, #tpu.memory_space<vmem>> -> memref<1x80xi32, #tpu.memory_space<vmem>>
      %dma_wait3A_370 = tpu.memref_squeeze %dma_wait3A_369 : memref<1x80xi32, #tpu.memory_space<vmem>> -> memref<80xi32, #tpu.memory_space<vmem>>
      %dma_wait3A_371 = arith.constant 0 : i32
      %dma_wait3A_372 = arith.constant 0 : i32
      %dma_wait3A_373 = tpu.memref_slice %arg10[%dma_wait3A_371, %dma_wait3A_372] : memref<10000x128xf32, #tpu.memory_space<vmem_shared>> -> memref<10000x128xf32, #tpu.memory_space<vmem_shared>>
      tpu.wait_indirect_dma semaphore(%run_scoped3A_361 : memref<!tpu.dma_semaphore, #tpu.memory_space<semaphore_mem>>) src(%arg8 : memref<80x128xf32, #tpu.memory_space<vmem>>) dst(%dma_wait3A_373 : memref<10000x128xf32, #tpu.memory_space<vmem_shared>>)
      tpu.yield
    }) : () -> ()
    %dma_wait3A_52 = arith.constant 23 : i32
    %dma_wait3A_53 = arith.constant 0 : i32
    %dma_wait3A_54 = tpu.memref_slice %arg5[%dma_wait3A_52, %dma_wait3A_53] : memref<25x80xi32, #tpu.memory_space<vmem>> -> memref<1x80xi32, #tpu.memory_space<vmem>>
    %dma_wait3A_55 = tpu.memref_squeeze %dma_wait3A_54 : memref<1x80xi32, #tpu.memory_space<vmem>> -> memref<80xi32, #tpu.memory_space<vmem>>
    %dma_wait3A_56 = arith.constant 0 : i32
    %dma_wait3A_57 = arith.constant 0 : i32
    %dma_wait3A_58 = tpu.memref_slice %arg3[%dma_wait3A_56, %dma_wait3A_57] : memref<10000x128xf32, #tpu.memory_space<hbm>> -> memref<10000x128xf32, #tpu.memory_space<hbm>>
    tpu.wait_indirect_dma semaphore(%arg13 : memref<!tpu.dma_semaphore, #tpu.memory_space<semaphore_mem>>) src(%dma_wait3A_58 : memref<10000x128xf32, #tpu.memory_space<hbm>>) dst(%arg9 : memref<80x128xf32, #tpu.memory_space<vmem>>)
    %run_scoped3A_59 = arith.constant 23 : i32
    "tpu.region"() ({
      %run_scoped3A_361 = tpu.sem_alloc : memref<!tpu.dma_semaphore, #tpu.memory_space<semaphore_mem>>
      %dma_start3A_362 = arith.constant 0 : i32
      %dma_start3A_363 = tpu.memref_slice %arg6[%run_scoped3A_59, %dma_start3A_362] : memref<25x80xi32, #tpu.memory_space<vmem>> -> memref<1x80xi32, #tpu.memory_space<vmem>>
      %dma_start3A_364 = tpu.memref_squeeze %dma_start3A_363 : memref<1x80xi32, #tpu.memory_space<vmem>> -> memref<80xi32, #tpu.memory_space<vmem>>
      %dma_start3A_365 = arith.constant 0 : i32
      %dma_start3A_366 = arith.constant 0 : i32
      %dma_start3A_367 = tpu.memref_slice %arg10[%dma_start3A_365, %dma_start3A_366] : memref<10000x128xf32, #tpu.memory_space<vmem_shared>> -> memref<10000x128xf32, #tpu.memory_space<vmem_shared>>
      tpu.enqueue_indirect_dma source(%arg9 : memref<80x128xf32, #tpu.memory_space<vmem>>) target(%dma_start3A_367 : memref<10000x128xf32, #tpu.memory_space<vmem_shared>>) offsets(%dma_start3A_364 : memref<80xi32, #tpu.memory_space<vmem>>) semaphore(%run_scoped3A_361 : memref<!tpu.dma_semaphore, #tpu.memory_space<semaphore_mem>>) {add = true}
      %dma_wait3A_368 = arith.constant 0 : i32
      %dma_wait3A_369 = tpu.memref_slice %arg6[%run_scoped3A_59, %dma_wait3A_368] : memref<25x80xi32, #tpu.memory_space<vmem>> -> memref<1x80xi32, #tpu.memory_space<vmem>>
      %dma_wait3A_370 = tpu.memref_squeeze %dma_wait3A_369 : memref<1x80xi32, #tpu.memory_space<vmem>> -> memref<80xi32, #tpu.memory_space<vmem>>
      %dma_wait3A_371 = arith.constant 0 : i32
      %dma_wait3A_372 = arith.constant 0 : i32
      %dma_wait3A_373 = tpu.memref_slice %arg10[%dma_wait3A_371, %dma_wait3A_372] : memref<10000x128xf32, #tpu.memory_space<vmem_shared>> -> memref<10000x128xf32, #tpu.memory_space<vmem_shared>>
      tpu.wait_indirect_dma semaphore(%run_scoped3A_361 : memref<!tpu.dma_semaphore, #tpu.memory_space<semaphore_mem>>) src(%arg9 : memref<80x128xf32, #tpu.memory_space<vmem>>) dst(%dma_wait3A_373 : memref<10000x128xf32, #tpu.memory_space<vmem_shared>>)
      tpu.yield
    }) : () -> ()
    %dma_start3A_60 = arith.constant 24 : i32
    %dma_start3A_61 = arith.constant 0 : i32
    %dma_start3A_62 = tpu.memref_slice %arg5[%dma_start3A_60, %dma_start3A_61] : memref<25x80xi32, #tpu.memory_space<vmem>> -> memref<1x80xi32, #tpu.memory_space<vmem>>
    %dma_start3A_63 = tpu.memref_squeeze %dma_start3A_62 : memref<1x80xi32, #tpu.memory_space<vmem>> -> memref<80xi32, #tpu.memory_space<vmem>>
    %dma_start3A_64 = arith.constant 0 : i32
    %dma_start3A_65 = arith.constant 0 : i32
    %dma_start3A_66 = tpu.memref_slice %arg3[%dma_start3A_64, %dma_start3A_65] : memref<10000x128xf32, #tpu.memory_space<hbm>> -> memref<10000x128xf32, #tpu.memory_space<hbm>>
    tpu.enqueue_indirect_dma source(%dma_start3A_66 : memref<10000x128xf32, #tpu.memory_space<hbm>>) target(%arg7 : memref<80x128xf32, #tpu.memory_space<vmem>>) offsets(%dma_start3A_63 : memref<80xi32, #tpu.memory_space<vmem>>) semaphore(%arg11 : memref<!tpu.dma_semaphore, #tpu.memory_space<semaphore_mem>>)
    %dma_wait3A_67 = arith.constant 24 : i32
    %dma_wait3A_68 = arith.constant 0 : i32
    %dma_wait3A_69 = tpu.memref_slice %arg5[%dma_wait3A_67, %dma_wait3A_68] : memref<25x80xi32, #tpu.memory_space<vmem>> -> memref<1x80xi32, #tpu.memory_space<vmem>>
    %dma_wait3A_70 = tpu.memref_squeeze %dma_wait3A_69 : memref<1x80xi32, #tpu.memory_space<vmem>> -> memref<80xi32, #tpu.memory_space<vmem>>
    %dma_wait3A_71 = arith.constant 0 : i32
    %dma_wait3A_72 = arith.constant 0 : i32
    %dma_wait3A_73 = tpu.memref_slice %arg3[%dma_wait3A_71, %dma_wait3A_72] : memref<10000x128xf32, #tpu.memory_space<hbm>> -> memref<10000x128xf32, #tpu.memory_space<hbm>>
    tpu.wait_indirect_dma semaphore(%arg11 : memref<!tpu.dma_semaphore, #tpu.memory_space<semaphore_mem>>) src(%dma_wait3A_73 : memref<10000x128xf32, #tpu.memory_space<hbm>>) dst(%arg7 : memref<80x128xf32, #tpu.memory_space<vmem>>)
    %run_scoped3A_74 = arith.constant 24 : i32
    "tpu.region"() ({
      %run_scoped3A_361 = tpu.sem_alloc : memref<!tpu.dma_semaphore, #tpu.memory_space<semaphore_mem>>
      %dma_start3A_362 = arith.constant 0 : i32
      %dma_start3A_363 = tpu.memref_slice %arg6[%run_scoped3A_74, %dma_start3A_362] : memref<25x80xi32, #tpu.memory_space<vmem>> -> memref<1x80xi32, #tpu.memory_space<vmem>>
      %dma_start3A_364 = tpu.memref_squeeze %dma_start3A_363 : memref<1x80xi32, #tpu.memory_space<vmem>> -> memref<80xi32, #tpu.memory_space<vmem>>
      %dma_start3A_365 = arith.constant 0 : i32
      %dma_start3A_366 = arith.constant 0 : i32
      %dma_start3A_367 = tpu.memref_slice %arg10[%dma_start3A_365, %dma_start3A_366] : memref<10000x128xf32, #tpu.memory_space<vmem_shared>> -> memref<10000x128xf32, #tpu.memory_space<vmem_shared>>
      tpu.enqueue_indirect_dma source(%arg7 : memref<80x128xf32, #tpu.memory_space<vmem>>) target(%dma_start3A_367 : memref<10000x128xf32, #tpu.memory_space<vmem_shared>>) offsets(%dma_start3A_364 : memref<80xi32, #tpu.memory_space<vmem>>) semaphore(%run_scoped3A_361 : memref<!tpu.dma_semaphore, #tpu.memory_space<semaphore_mem>>) {add = true}
      %dma_wait3A_368 = arith.constant 0 : i32
      %dma_wait3A_369 = tpu.memref_slice %arg6[%run_scoped3A_74, %dma_wait3A_368] : memref<25x80xi32, #tpu.memory_space<vmem>> -> memref<1x80xi32, #tpu.memory_space<vmem>>
      %dma_wait3A_370 = tpu.memref_squeeze %dma_wait3A_369 : memref<1x80xi32, #tpu.memory_space<vmem>> -> memref<80xi32, #tpu.memory_space<vmem>>
      %dma_wait3A_371 = arith.constant 0 : i32
      %dma_wait3A_372 = arith.constant 0 : i32
      %dma_wait3A_373 = tpu.memref_slice %arg10[%dma_wait3A_371, %dma_wait3A_372] : memref<10000x128xf32, #tpu.memory_space<vmem_shared>> -> memref<10000x128xf32, #tpu.memory_space<vmem_shared>>
      tpu.wait_indirect_dma semaphore(%run_scoped3A_361 : memref<!tpu.dma_semaphore, #tpu.memory_space<semaphore_mem>>) src(%arg7 : memref<80x128xf32, #tpu.memory_space<vmem>>) dst(%dma_wait3A_373 : memref<10000x128xf32, #tpu.memory_space<vmem_shared>>)
      tpu.yield
    }) : () -> ()
    %run_scoped3A_75 = arith.constant 0 : i32
    %run_scoped3A_76 = arith.constant 1 : i32
    "tpu.region"() ({
      %run_scoped3A_361 = tpu.sem_alloc : memref<!tpu.dma_semaphore, #tpu.memory_space<semaphore_mem>>
      %dma_start3A_362 = arith.constant 0 : i32
      %dma_start3A_363 = arith.constant 0 : i32
      %dma_start3A_364 = tpu.memref_slice %arg2[%run_scoped3A_75, %add3A, %run_scoped3A_76, %dma_start3A_362, %dma_start3A_363] : memref<2x32x5x25x80xi32, #tpu.memory_space<hbm>> -> memref<1x1x1x25x80xi32, #tpu.memory_space<hbm>>
      %dma_start3A_365 = tpu.memref_squeeze %dma_start3A_364 : memref<1x1x1x25x80xi32, #tpu.memory_space<hbm>> -> memref<25x80xi32, #tpu.memory_space<hbm>>
      %dma_start3A_366 = arith.constant 0 : i32
      %dma_start3A_367 = arith.constant 0 : i32
      %dma_start3A_368 = tpu.memref_slice %arg2[%run_scoped3A_75, %add3A, %run_scoped3A_76, %dma_start3A_366, %dma_start3A_367] : memref<2x32x5x25x80xi32, #tpu.memory_space<hbm>> -> memref<1x1x1x25x80xi32, #tpu.memory_space<hbm>>
      %dma_start3A_369 = tpu.memref_squeeze %dma_start3A_368 : memref<1x1x1x25x80xi32, #tpu.memory_space<hbm>> -> memref<25x80xi32, #tpu.memory_space<hbm>>
      tpu.enqueue_dma source(%dma_start3A_369 : memref<25x80xi32, #tpu.memory_space<hbm>>) target(%arg5 : memref<25x80xi32, #tpu.memory_space<vmem>>) target_semaphore(%run_scoped3A_361 : memref<!tpu.dma_semaphore, #tpu.memory_space<semaphore_mem>>)
      %dma_wait3A_370 = arith.constant 0 : i32
      %dma_wait3A_371 = arith.constant 0 : i32
      %dma_wait3A_372 = tpu.memref_slice %arg2[%run_scoped3A_75, %add3A, %run_scoped3A_76, %dma_wait3A_370, %dma_wait3A_371] : memref<2x32x5x25x80xi32, #tpu.memory_space<hbm>> -> memref<1x1x1x25x80xi32, #tpu.memory_space<hbm>>
      %dma_wait3A_373 = tpu.memref_squeeze %dma_wait3A_372 : memref<1x1x1x25x80xi32, #tpu.memory_space<hbm>> -> memref<25x80xi32, #tpu.memory_space<hbm>>
      %dma_wait3A_374 = arith.constant 0 : i32
      %dma_wait3A_375 = arith.constant 0 : i32
      %dma_wait3A_376 = tpu.memref_slice %arg2[%run_scoped3A_75, %add3A, %run_scoped3A_76, %dma_wait3A_374, %dma_wait3A_375] : memref<2x32x5x25x80xi32, #tpu.memory_space<hbm>> -> memref<1x1x1x25x80xi32, #tpu.memory_space<hbm>>
      %dma_wait3A_377 = tpu.memref_squeeze %dma_wait3A_376 : memref<1x1x1x25x80xi32, #tpu.memory_space<hbm>> -> memref<25x80xi32, #tpu.memory_space<hbm>>
      tpu.wait_dma2 semaphore(%run_scoped3A_361 : memref<!tpu.dma_semaphore, #tpu.memory_space<semaphore_mem>>) src(%dma_wait3A_377 : memref<25x80xi32, #tpu.memory_space<hbm>>) dst(%arg5 : memref<25x80xi32, #tpu.memory_space<vmem>>)
      tpu.yield
    }) : () -> ()
    %run_scoped3A_77 = arith.constant 1 : i32
    %run_scoped3A_78 = arith.constant 1 : i32
    "tpu.region"() ({
      %run_scoped3A_361 = tpu.sem_alloc : memref<!tpu.dma_semaphore, #tpu.memory_space<semaphore_mem>>
      %dma_start3A_362 = arith.constant 0 : i32
      %dma_start3A_363 = arith.constant 0 : i32
      %dma_start3A_364 = tpu.memref_slice %arg2[%run_scoped3A_77, %add3A, %run_scoped3A_78, %dma_start3A_362, %dma_start3A_363] : memref<2x32x5x25x80xi32, #tpu.memory_space<hbm>> -> memref<1x1x1x25x80xi32, #tpu.memory_space<hbm>>
      %dma_start3A_365 = tpu.memref_squeeze %dma_start3A_364 : memref<1x1x1x25x80xi32, #tpu.memory_space<hbm>> -> memref<25x80xi32, #tpu.memory_space<hbm>>
      %dma_start3A_366 = arith.constant 0 : i32
      %dma_start3A_367 = arith.constant 0 : i32
      %dma_start3A_368 = tpu.memref_slice %arg2[%run_scoped3A_77, %add3A, %run_scoped3A_78, %dma_start3A_366, %dma_start3A_367] : memref<2x32x5x25x80xi32, #tpu.memory_space<hbm>> -> memref<1x1x1x25x80xi32, #tpu.memory_space<hbm>>
      %dma_start3A_369 = tpu.memref_squeeze %dma_start3A_368 : memref<1x1x1x25x80xi32, #tpu.memory_space<hbm>> -> memref<25x80xi32, #tpu.memory_space<hbm>>
      tpu.enqueue_dma source(%dma_start3A_369 : memref<25x80xi32, #tpu.memory_space<hbm>>) target(%arg6 : memref<25x80xi32, #tpu.memory_space<vmem>>) target_semaphore(%run_scoped3A_361 : memref<!tpu.dma_semaphore, #tpu.memory_space<semaphore_mem>>)
      %dma_wait3A_370 = arith.constant 0 : i32
      %dma_wait3A_371 = arith.constant 0 : i32
      %dma_wait3A_372 = tpu.memref_slice %arg2[%run_scoped3A_77, %add3A, %run_scoped3A_78, %dma_wait3A_370, %dma_wait3A_371] : memref<2x32x5x25x80xi32, #tpu.memory_space<hbm>> -> memref<1x1x1x25x80xi32, #tpu.memory_space<hbm>>
      %dma_wait3A_373 = tpu.memref_squeeze %dma_wait3A_372 : memref<1x1x1x25x80xi32, #tpu.memory_space<hbm>> -> memref<25x80xi32, #tpu.memory_space<hbm>>
      %dma_wait3A_374 = arith.constant 0 : i32
      %dma_wait3A_375 = arith.constant 0 : i32
      %dma_wait3A_376 = tpu.memref_slice %arg2[%run_scoped3A_77, %add3A, %run_scoped3A_78, %dma_wait3A_374, %dma_wait3A_375] : memref<2x32x5x25x80xi32, #tpu.memory_space<hbm>> -> memref<1x1x1x25x80xi32, #tpu.memory_space<hbm>>
      %dma_wait3A_377 = tpu.memref_squeeze %dma_wait3A_376 : memref<1x1x1x25x80xi32, #tpu.memory_space<hbm>> -> memref<25x80xi32, #tpu.memory_space<hbm>>
      tpu.wait_dma2 semaphore(%run_scoped3A_361 : memref<!tpu.dma_semaphore, #tpu.memory_space<semaphore_mem>>) src(%dma_wait3A_377 : memref<25x80xi32, #tpu.memory_space<hbm>>) dst(%arg6 : memref<25x80xi32, #tpu.memory_space<vmem>>)
      tpu.yield
    }) : () -> ()
    %dma_start3A_79 = arith.constant 0 : i32
    %dma_start3A_80 = arith.constant 0 : i32
    %dma_start3A_81 = tpu.memref_slice %arg5[%dma_start3A_79, %dma_start3A_80] : memref<25x80xi32, #tpu.memory_space<vmem>> -> memref<1x80xi32, #tpu.memory_space<vmem>>
    %dma_start3A_82 = tpu.memref_squeeze %dma_start3A_81 : memref<1x80xi32, #tpu.memory_space<vmem>> -> memref<80xi32, #tpu.memory_space<vmem>>
    %dma_start3A_83 = arith.constant 0 : i32
    %dma_start3A_84 = arith.constant 0 : i32
    %dma_start3A_85 = tpu.memref_slice %arg3[%dma_start3A_83, %dma_start3A_84] : memref<10000x128xf32, #tpu.memory_space<hbm>> -> memref<10000x128xf32, #tpu.memory_space<hbm>>
    tpu.enqueue_indirect_dma source(%dma_start3A_85 : memref<10000x128xf32, #tpu.memory_space<hbm>>) target(%arg7 : memref<80x128xf32, #tpu.memory_space<vmem>>) offsets(%dma_start3A_82 : memref<80xi32, #tpu.memory_space<vmem>>) semaphore(%arg11 : memref<!tpu.dma_semaphore, #tpu.memory_space<semaphore_mem>>)
    %dma_start3A_86 = arith.constant 1 : i32
    %dma_start3A_87 = arith.constant 0 : i32
    %dma_start3A_88 = tpu.memref_slice %arg5[%dma_start3A_86, %dma_start3A_87] : memref<25x80xi32, #tpu.memory_space<vmem>> -> memref<1x80xi32, #tpu.memory_space<vmem>>
    %dma_start3A_89 = tpu.memref_squeeze %dma_start3A_88 : memref<1x80xi32, #tpu.memory_space<vmem>> -> memref<80xi32, #tpu.memory_space<vmem>>
    %dma_start3A_90 = arith.constant 0 : i32
    %dma_start3A_91 = arith.constant 0 : i32
    %dma_start3A_92 = tpu.memref_slice %arg3[%dma_start3A_90, %dma_start3A_91] : memref<10000x128xf32, #tpu.memory_space<hbm>> -> memref<10000x128xf32, #tpu.memory_space<hbm>>
    tpu.enqueue_indirect_dma source(%dma_start3A_92 : memref<10000x128xf32, #tpu.memory_space<hbm>>) target(%arg8 : memref<80x128xf32, #tpu.memory_space<vmem>>) offsets(%dma_start3A_89 : memref<80xi32, #tpu.memory_space<vmem>>) semaphore(%arg12 : memref<!tpu.dma_semaphore, #tpu.memory_space<semaphore_mem>>)
    %dma_start3A_93 = arith.constant 2 : i32
    %dma_start3A_94 = arith.constant 0 : i32
    %dma_start3A_95 = tpu.memref_slice %arg5[%dma_start3A_93, %dma_start3A_94] : memref<25x80xi32, #tpu.memory_space<vmem>> -> memref<1x80xi32, #tpu.memory_space<vmem>>
    %dma_start3A_96 = tpu.memref_squeeze %dma_start3A_95 : memref<1x80xi32, #tpu.memory_space<vmem>> -> memref<80xi32, #tpu.memory_space<vmem>>
    %dma_start3A_97 = arith.constant 0 : i32
    %dma_start3A_98 = arith.constant 0 : i32
    %dma_start3A_99 = tpu.memref_slice %arg3[%dma_start3A_97, %dma_start3A_98] : memref<10000x128xf32, #tpu.memory_space<hbm>> -> memref<10000x128xf32, #tpu.memory_space<hbm>>
    tpu.enqueue_indirect_dma source(%dma_start3A_99 : memref<10000x128xf32, #tpu.memory_space<hbm>>) target(%arg9 : memref<80x128xf32, #tpu.memory_space<vmem>>) offsets(%dma_start3A_96 : memref<80xi32, #tpu.memory_space<vmem>>) semaphore(%arg13 : memref<!tpu.dma_semaphore, #tpu.memory_space<semaphore_mem>>)
    %scan3A_100 = arith.constant 0 : i32
    %scan3A_101 = arith.constant 0 : i32
    %scan3A_102 = arith.constant 7 : i32
    %scan3A_103 = arith.addi %scan3A_101, %scan3A_102 : i32
    %scan3A_104 = arith.constant 1 : i32
    scf.for %scan3A_361 = %scan3A_101 to %scan3A_103 step %scan3A_104  : i32 {
      %mul3A_362 = arith.constant 3 : i32
      %mul3A_363 = arith.muli %scan3A_361, %mul3A_362 : i32
      %dma_wait3A_364 = arith.constant 0 : i32
      %dma_wait3A_365 = tpu.memref_slice %arg5[%mul3A_363, %dma_wait3A_364] : memref<25x80xi32, #tpu.memory_space<vmem>> -> memref<1x80xi32, #tpu.memory_space<vmem>>
      %dma_wait3A_366 = tpu.memref_squeeze %dma_wait3A_365 : memref<1x80xi32, #tpu.memory_space<vmem>> -> memref<80xi32, #tpu.memory_space<vmem>>
      %dma_wait3A_367 = arith.constant 0 : i32
      %dma_wait3A_368 = arith.constant 0 : i32
      %dma_wait3A_369 = tpu.memref_slice %arg3[%dma_wait3A_367, %dma_wait3A_368] : memref<10000x128xf32, #tpu.memory_space<hbm>> -> memref<10000x128xf32, #tpu.memory_space<hbm>>
      tpu.wait_indirect_dma semaphore(%arg11 : memref<!tpu.dma_semaphore, #tpu.memory_space<semaphore_mem>>) src(%dma_wait3A_369 : memref<10000x128xf32, #tpu.memory_space<hbm>>) dst(%arg7 : memref<80x128xf32, #tpu.memory_space<vmem>>)
      %dma_start3A_370 = arith.constant 0 : i32
      %dma_start3A_371 = tpu.memref_slice %arg6[%mul3A_363, %dma_start3A_370] : memref<25x80xi32, #tpu.memory_space<vmem>> -> memref<1x80xi32, #tpu.memory_space<vmem>>
      %dma_start3A_372 = tpu.memref_squeeze %dma_start3A_371 : memref<1x80xi32, #tpu.memory_space<vmem>> -> memref<80xi32, #tpu.memory_space<vmem>>
      %dma_start3A_373 = arith.constant 0 : i32
      %dma_start3A_374 = arith.constant 0 : i32
      %dma_start3A_375 = tpu.memref_slice %arg10[%dma_start3A_373, %dma_start3A_374] : memref<10000x128xf32, #tpu.memory_space<vmem_shared>> -> memref<10000x128xf32, #tpu.memory_space<vmem_shared>>
      tpu.enqueue_indirect_dma source(%arg7 : memref<80x128xf32, #tpu.memory_space<vmem>>) target(%dma_start3A_375 : memref<10000x128xf32, #tpu.memory_space<vmem_shared>>) offsets(%dma_start3A_372 : memref<80xi32, #tpu.memory_space<vmem>>) semaphore(%arg14 : memref<!tpu.dma_semaphore, #tpu.memory_space<semaphore_mem>>) {add = true}
      %add3A_376 = arith.constant 1 : i32
      %add3A_377 = arith.addi %mul3A_363, %add3A_376 : i32
      %dma_wait3A_378 = arith.constant 0 : i32
      %dma_wait3A_379 = tpu.memref_slice %arg5[%add3A_377, %dma_wait3A_378] : memref<25x80xi32, #tpu.memory_space<vmem>> -> memref<1x80xi32, #tpu.memory_space<vmem>>
      %dma_wait3A_380 = tpu.memref_squeeze %dma_wait3A_379 : memref<1x80xi32, #tpu.memory_space<vmem>> -> memref<80xi32, #tpu.memory_space<vmem>>
      %dma_wait3A_381 = arith.constant 0 : i32
      %dma_wait3A_382 = arith.constant 0 : i32
      %dma_wait3A_383 = tpu.memref_slice %arg3[%dma_wait3A_381, %dma_wait3A_382] : memref<10000x128xf32, #tpu.memory_space<hbm>> -> memref<10000x128xf32, #tpu.memory_space<hbm>>
      tpu.wait_indirect_dma semaphore(%arg12 : memref<!tpu.dma_semaphore, #tpu.memory_space<semaphore_mem>>) src(%dma_wait3A_383 : memref<10000x128xf32, #tpu.memory_space<hbm>>) dst(%arg8 : memref<80x128xf32, #tpu.memory_space<vmem>>)
      %add3A_384 = arith.constant 1 : i32
      %add3A_385 = arith.addi %mul3A_363, %add3A_384 : i32
      %dma_start3A_386 = arith.constant 0 : i32
      %dma_start3A_387 = tpu.memref_slice %arg6[%add3A_385, %dma_start3A_386] : memref<25x80xi32, #tpu.memory_space<vmem>> -> memref<1x80xi32, #tpu.memory_space<vmem>>
      %dma_start3A_388 = tpu.memref_squeeze %dma_start3A_387 : memref<1x80xi32, #tpu.memory_space<vmem>> -> memref<80xi32, #tpu.memory_space<vmem>>
      %dma_start3A_389 = arith.constant 0 : i32
      %dma_start3A_390 = arith.constant 0 : i32
      %dma_start3A_391 = tpu.memref_slice %arg10[%dma_start3A_389, %dma_start3A_390] : memref<10000x128xf32, #tpu.memory_space<vmem_shared>> -> memref<10000x128xf32, #tpu.memory_space<vmem_shared>>
      tpu.enqueue_indirect_dma source(%arg8 : memref<80x128xf32, #tpu.memory_space<vmem>>) target(%dma_start3A_391 : memref<10000x128xf32, #tpu.memory_space<vmem_shared>>) offsets(%dma_start3A_388 : memref<80xi32, #tpu.memory_space<vmem>>) semaphore(%arg15 : memref<!tpu.dma_semaphore, #tpu.memory_space<semaphore_mem>>) {add = true}
      %add3A_392 = arith.constant 2 : i32
      %add3A_393 = arith.addi %mul3A_363, %add3A_392 : i32
      %dma_wait3A_394 = arith.constant 0 : i32
      %dma_wait3A_395 = tpu.memref_slice %arg5[%add3A_393, %dma_wait3A_394] : memref<25x80xi32, #tpu.memory_space<vmem>> -> memref<1x80xi32, #tpu.memory_space<vmem>>
      %dma_wait3A_396 = tpu.memref_squeeze %dma_wait3A_395 : memref<1x80xi32, #tpu.memory_space<vmem>> -> memref<80xi32, #tpu.memory_space<vmem>>
      %dma_wait3A_397 = arith.constant 0 : i32
      %dma_wait3A_398 = arith.constant 0 : i32
      %dma_wait3A_399 = tpu.memref_slice %arg3[%dma_wait3A_397, %dma_wait3A_398] : memref<10000x128xf32, #tpu.memory_space<hbm>> -> memref<10000x128xf32, #tpu.memory_space<hbm>>
      tpu.wait_indirect_dma semaphore(%arg13 : memref<!tpu.dma_semaphore, #tpu.memory_space<semaphore_mem>>) src(%dma_wait3A_399 : memref<10000x128xf32, #tpu.memory_space<hbm>>) dst(%arg9 : memref<80x128xf32, #tpu.memory_space<vmem>>)
      %add3A_400 = arith.constant 2 : i32
      %add3A_401 = arith.addi %mul3A_363, %add3A_400 : i32
      %dma_start3A_402 = arith.constant 0 : i32
      %dma_start3A_403 = tpu.memref_slice %arg6[%add3A_401, %dma_start3A_402] : memref<25x80xi32, #tpu.memory_space<vmem>> -> memref<1x80xi32, #tpu.memory_space<vmem>>
      %dma_start3A_404 = tpu.memref_squeeze %dma_start3A_403 : memref<1x80xi32, #tpu.memory_space<vmem>> -> memref<80xi32, #tpu.memory_space<vmem>>
      %dma_start3A_405 = arith.constant 0 : i32
      %dma_start3A_406 = arith.constant 0 : i32
      %dma_start3A_407 = tpu.memref_slice %arg10[%dma_start3A_405, %dma_start3A_406] : memref<10000x128xf32, #tpu.memory_space<vmem_shared>> -> memref<10000x128xf32, #tpu.memory_space<vmem_shared>>
      tpu.enqueue_indirect_dma source(%arg9 : memref<80x128xf32, #tpu.memory_space<vmem>>) target(%dma_start3A_407 : memref<10000x128xf32, #tpu.memory_space<vmem_shared>>) offsets(%dma_start3A_404 : memref<80xi32, #tpu.memory_space<vmem>>) semaphore(%arg16 : memref<!tpu.dma_semaphore, #tpu.memory_space<semaphore_mem>>) {add = true}
      %dma_wait3A_408 = arith.constant 0 : i32
      %dma_wait3A_409 = tpu.memref_slice %arg6[%mul3A_363, %dma_wait3A_408] : memref<25x80xi32, #tpu.memory_space<vmem>> -> memref<1x80xi32, #tpu.memory_space<vmem>>
      %dma_wait3A_410 = tpu.memref_squeeze %dma_wait3A_409 : memref<1x80xi32, #tpu.memory_space<vmem>> -> memref<80xi32, #tpu.memory_space<vmem>>
      %dma_wait3A_411 = arith.constant 0 : i32
      %dma_wait3A_412 = arith.constant 0 : i32
      %dma_wait3A_413 = tpu.memref_slice %arg10[%dma_wait3A_411, %dma_wait3A_412] : memref<10000x128xf32, #tpu.memory_space<vmem_shared>> -> memref<10000x128xf32, #tpu.memory_space<vmem_shared>>
      tpu.wait_indirect_dma semaphore(%arg14 : memref<!tpu.dma_semaphore, #tpu.memory_space<semaphore_mem>>) src(%arg7 : memref<80x128xf32, #tpu.memory_space<vmem>>) dst(%dma_wait3A_413 : memref<10000x128xf32, #tpu.memory_space<vmem_shared>>)
      %add3A_414 = arith.constant 3 : i32
      %add3A_415 = arith.addi %mul3A_363, %add3A_414 : i32
      %dma_start3A_416 = arith.constant 0 : i32
      %dma_start3A_417 = tpu.memref_slice %arg5[%add3A_415, %dma_start3A_416] : memref<25x80xi32, #tpu.memory_space<vmem>> -> memref<1x80xi32, #tpu.memory_space<vmem>>
      %dma_start3A_418 = tpu.memref_squeeze %dma_start3A_417 : memref<1x80xi32, #tpu.memory_space<vmem>> -> memref<80xi32, #tpu.memory_space<vmem>>
      %dma_start3A_419 = arith.constant 0 : i32
      %dma_start3A_420 = arith.constant 0 : i32
      %dma_start3A_421 = tpu.memref_slice %arg3[%dma_start3A_419, %dma_start3A_420] : memref<10000x128xf32, #tpu.memory_space<hbm>> -> memref<10000x128xf32, #tpu.memory_space<hbm>>
      tpu.enqueue_indirect_dma source(%dma_start3A_421 : memref<10000x128xf32, #tpu.memory_space<hbm>>) target(%arg7 : memref<80x128xf32, #tpu.memory_space<vmem>>) offsets(%dma_start3A_418 : memref<80xi32, #tpu.memory_space<vmem>>) semaphore(%arg11 : memref<!tpu.dma_semaphore, #tpu.memory_space<semaphore_mem>>)
      %add3A_422 = arith.constant 1 : i32
      %add3A_423 = arith.addi %mul3A_363, %add3A_422 : i32
      %dma_wait3A_424 = arith.constant 0 : i32
      %dma_wait3A_425 = tpu.memref_slice %arg6[%add3A_423, %dma_wait3A_424] : memref<25x80xi32, #tpu.memory_space<vmem>> -> memref<1x80xi32, #tpu.memory_space<vmem>>
      %dma_wait3A_426 = tpu.memref_squeeze %dma_wait3A_425 : memref<1x80xi32, #tpu.memory_space<vmem>> -> memref<80xi32, #tpu.memory_space<vmem>>
      %dma_wait3A_427 = arith.constant 0 : i32
      %dma_wait3A_428 = arith.constant 0 : i32
      %dma_wait3A_429 = tpu.memref_slice %arg10[%dma_wait3A_427, %dma_wait3A_428] : memref<10000x128xf32, #tpu.memory_space<vmem_shared>> -> memref<10000x128xf32, #tpu.memory_space<vmem_shared>>
      tpu.wait_indirect_dma semaphore(%arg15 : memref<!tpu.dma_semaphore, #tpu.memory_space<semaphore_mem>>) src(%arg8 : memref<80x128xf32, #tpu.memory_space<vmem>>) dst(%dma_wait3A_429 : memref<10000x128xf32, #tpu.memory_space<vmem_shared>>)
      %add3A_430 = arith.constant 4 : i32
      %add3A_431 = arith.addi %mul3A_363, %add3A_430 : i32
      %dma_start3A_432 = arith.constant 0 : i32
      %dma_start3A_433 = tpu.memref_slice %arg5[%add3A_431, %dma_start3A_432] : memref<25x80xi32, #tpu.memory_space<vmem>> -> memref<1x80xi32, #tpu.memory_space<vmem>>
      %dma_start3A_434 = tpu.memref_squeeze %dma_start3A_433 : memref<1x80xi32, #tpu.memory_space<vmem>> -> memref<80xi32, #tpu.memory_space<vmem>>
      %dma_start3A_435 = arith.constant 0 : i32
      %dma_start3A_436 = arith.constant 0 : i32
      %dma_start3A_437 = tpu.memref_slice %arg3[%dma_start3A_435, %dma_start3A_436] : memref<10000x128xf32, #tpu.memory_space<hbm>> -> memref<10000x128xf32, #tpu.memory_space<hbm>>
      tpu.enqueue_indirect_dma source(%dma_start3A_437 : memref<10000x128xf32, #tpu.memory_space<hbm>>) target(%arg8 : memref<80x128xf32, #tpu.memory_space<vmem>>) offsets(%dma_start3A_434 : memref<80xi32, #tpu.memory_space<vmem>>) semaphore(%arg12 : memref<!tpu.dma_semaphore, #tpu.memory_space<semaphore_mem>>)
      %add3A_438 = arith.constant 2 : i32
      %add3A_439 = arith.addi %mul3A_363, %add3A_438 : i32
      %dma_wait3A_440 = arith.constant 0 : i32
      %dma_wait3A_441 = tpu.memref_slice %arg6[%add3A_439, %dma_wait3A_440] : memref<25x80xi32, #tpu.memory_space<vmem>> -> memref<1x80xi32, #tpu.memory_space<vmem>>
      %dma_wait3A_442 = tpu.memref_squeeze %dma_wait3A_441 : memref<1x80xi32, #tpu.memory_space<vmem>> -> memref<80xi32, #tpu.memory_space<vmem>>
      %dma_wait3A_443 = arith.constant 0 : i32
      %dma_wait3A_444 = arith.constant 0 : i32
      %dma_wait3A_445 = tpu.memref_slice %arg10[%dma_wait3A_443, %dma_wait3A_444] : memref<10000x128xf32, #tpu.memory_space<vmem_shared>> -> memref<10000x128xf32, #tpu.memory_space<vmem_shared>>
      tpu.wait_indirect_dma semaphore(%arg16 : memref<!tpu.dma_semaphore, #tpu.memory_space<semaphore_mem>>) src(%arg9 : memref<80x128xf32, #tpu.memory_space<vmem>>) dst(%dma_wait3A_445 : memref<10000x128xf32, #tpu.memory_space<vmem_shared>>)
      %add3A_446 = arith.constant 5 : i32
      %add3A_447 = arith.addi %mul3A_363, %add3A_446 : i32
      %dma_start3A_448 = arith.constant 0 : i32
      %dma_start3A_449 = tpu.memref_slice %arg5[%add3A_447, %dma_start3A_448] : memref<25x80xi32, #tpu.memory_space<vmem>> -> memref<1x80xi32, #tpu.memory_space<vmem>>
      %dma_start3A_450 = tpu.memref_squeeze %dma_start3A_449 : memref<1x80xi32, #tpu.memory_space<vmem>> -> memref<80xi32, #tpu.memory_space<vmem>>
      %dma_start3A_451 = arith.constant 0 : i32
      %dma_start3A_452 = arith.constant 0 : i32
      %dma_start3A_453 = tpu.memref_slice %arg3[%dma_start3A_451, %dma_start3A_452] : memref<10000x128xf32, #tpu.memory_space<hbm>> -> memref<10000x128xf32, #tpu.memory_space<hbm>>
      tpu.enqueue_indirect_dma source(%dma_start3A_453 : memref<10000x128xf32, #tpu.memory_space<hbm>>) target(%arg9 : memref<80x128xf32, #tpu.memory_space<vmem>>) offsets(%dma_start3A_450 : memref<80xi32, #tpu.memory_space<vmem>>) semaphore(%arg13 : memref<!tpu.dma_semaphore, #tpu.memory_space<semaphore_mem>>)
    }
    %scan3A_105 = arith.constant 7 : i32
    %dma_wait3A_106 = arith.constant 21 : i32
    %dma_wait3A_107 = arith.constant 0 : i32
    %dma_wait3A_108 = tpu.memref_slice %arg5[%dma_wait3A_106, %dma_wait3A_107] : memref<25x80xi32, #tpu.memory_space<vmem>> -> memref<1x80xi32, #tpu.memory_space<vmem>>
    %dma_wait3A_109 = tpu.memref_squeeze %dma_wait3A_108 : memref<1x80xi32, #tpu.memory_space<vmem>> -> memref<80xi32, #tpu.memory_space<vmem>>
    %dma_wait3A_110 = arith.constant 0 : i32
    %dma_wait3A_111 = arith.constant 0 : i32
    %dma_wait3A_112 = tpu.memref_slice %arg3[%dma_wait3A_110, %dma_wait3A_111] : memref<10000x128xf32, #tpu.memory_space<hbm>> -> memref<10000x128xf32, #tpu.memory_space<hbm>>
    tpu.wait_indirect_dma semaphore(%arg11 : memref<!tpu.dma_semaphore, #tpu.memory_space<semaphore_mem>>) src(%dma_wait3A_112 : memref<10000x128xf32, #tpu.memory_space<hbm>>) dst(%arg7 : memref<80x128xf32, #tpu.memory_space<vmem>>)
    %run_scoped3A_113 = arith.constant 21 : i32
    "tpu.region"() ({
      %run_scoped3A_361 = tpu.sem_alloc : memref<!tpu.dma_semaphore, #tpu.memory_space<semaphore_mem>>
      %dma_start3A_362 = arith.constant 0 : i32
      %dma_start3A_363 = tpu.memref_slice %arg6[%run_scoped3A_113, %dma_start3A_362] : memref<25x80xi32, #tpu.memory_space<vmem>> -> memref<1x80xi32, #tpu.memory_space<vmem>>
      %dma_start3A_364 = tpu.memref_squeeze %dma_start3A_363 : memref<1x80xi32, #tpu.memory_space<vmem>> -> memref<80xi32, #tpu.memory_space<vmem>>
      %dma_start3A_365 = arith.constant 0 : i32
      %dma_start3A_366 = arith.constant 0 : i32
      %dma_start3A_367 = tpu.memref_slice %arg10[%dma_start3A_365, %dma_start3A_366] : memref<10000x128xf32, #tpu.memory_space<vmem_shared>> -> memref<10000x128xf32, #tpu.memory_space<vmem_shared>>
      tpu.enqueue_indirect_dma source(%arg7 : memref<80x128xf32, #tpu.memory_space<vmem>>) target(%dma_start3A_367 : memref<10000x128xf32, #tpu.memory_space<vmem_shared>>) offsets(%dma_start3A_364 : memref<80xi32, #tpu.memory_space<vmem>>) semaphore(%run_scoped3A_361 : memref<!tpu.dma_semaphore, #tpu.memory_space<semaphore_mem>>) {add = true}
      %dma_wait3A_368 = arith.constant 0 : i32
      %dma_wait3A_369 = tpu.memref_slice %arg6[%run_scoped3A_113, %dma_wait3A_368] : memref<25x80xi32, #tpu.memory_space<vmem>> -> memref<1x80xi32, #tpu.memory_space<vmem>>
      %dma_wait3A_370 = tpu.memref_squeeze %dma_wait3A_369 : memref<1x80xi32, #tpu.memory_space<vmem>> -> memref<80xi32, #tpu.memory_space<vmem>>
      %dma_wait3A_371 = arith.constant 0 : i32
      %dma_wait3A_372 = arith.constant 0 : i32
      %dma_wait3A_373 = tpu.memref_slice %arg10[%dma_wait3A_371, %dma_wait3A_372] : memref<10000x128xf32, #tpu.memory_space<vmem_shared>> -> memref<10000x128xf32, #tpu.memory_space<vmem_shared>>
      tpu.wait_indirect_dma semaphore(%run_scoped3A_361 : memref<!tpu.dma_semaphore, #tpu.memory_space<semaphore_mem>>) src(%arg7 : memref<80x128xf32, #tpu.memory_space<vmem>>) dst(%dma_wait3A_373 : memref<10000x128xf32, #tpu.memory_space<vmem_shared>>)
      tpu.yield
    }) : () -> ()
    %dma_wait3A_114 = arith.constant 22 : i32
    %dma_wait3A_115 = arith.constant 0 : i32
    %dma_wait3A_116 = tpu.memref_slice %arg5[%dma_wait3A_114, %dma_wait3A_115] : memref<25x80xi32, #tpu.memory_space<vmem>> -> memref<1x80xi32, #tpu.memory_space<vmem>>
    %dma_wait3A_117 = tpu.memref_squeeze %dma_wait3A_116 : memref<1x80xi32, #tpu.memory_space<vmem>> -> memref<80xi32, #tpu.memory_space<vmem>>
    %dma_wait3A_118 = arith.constant 0 : i32
    %dma_wait3A_119 = arith.constant 0 : i32
    %dma_wait3A_120 = tpu.memref_slice %arg3[%dma_wait3A_118, %dma_wait3A_119] : memref<10000x128xf32, #tpu.memory_space<hbm>> -> memref<10000x128xf32, #tpu.memory_space<hbm>>
    tpu.wait_indirect_dma semaphore(%arg12 : memref<!tpu.dma_semaphore, #tpu.memory_space<semaphore_mem>>) src(%dma_wait3A_120 : memref<10000x128xf32, #tpu.memory_space<hbm>>) dst(%arg8 : memref<80x128xf32, #tpu.memory_space<vmem>>)
    %run_scoped3A_121 = arith.constant 22 : i32
    "tpu.region"() ({
      %run_scoped3A_361 = tpu.sem_alloc : memref<!tpu.dma_semaphore, #tpu.memory_space<semaphore_mem>>
      %dma_start3A_362 = arith.constant 0 : i32
      %dma_start3A_363 = tpu.memref_slice %arg6[%run_scoped3A_121, %dma_start3A_362] : memref<25x80xi32, #tpu.memory_space<vmem>> -> memref<1x80xi32, #tpu.memory_space<vmem>>
      %dma_start3A_364 = tpu.memref_squeeze %dma_start3A_363 : memref<1x80xi32, #tpu.memory_space<vmem>> -> memref<80xi32, #tpu.memory_space<vmem>>
      %dma_start3A_365 = arith.constant 0 : i32
      %dma_start3A_366 = arith.constant 0 : i32
      %dma_start3A_367 = tpu.memref_slice %arg10[%dma_start3A_365, %dma_start3A_366] : memref<10000x128xf32, #tpu.memory_space<vmem_shared>> -> memref<10000x128xf32, #tpu.memory_space<vmem_shared>>
      tpu.enqueue_indirect_dma source(%arg8 : memref<80x128xf32, #tpu.memory_space<vmem>>) target(%dma_start3A_367 : memref<10000x128xf32, #tpu.memory_space<vmem_shared>>) offsets(%dma_start3A_364 : memref<80xi32, #tpu.memory_space<vmem>>) semaphore(%run_scoped3A_361 : memref<!tpu.dma_semaphore, #tpu.memory_space<semaphore_mem>>) {add = true}
      %dma_wait3A_368 = arith.constant 0 : i32
      %dma_wait3A_369 = tpu.memref_slice %arg6[%run_scoped3A_121, %dma_wait3A_368] : memref<25x80xi32, #tpu.memory_space<vmem>> -> memref<1x80xi32, #tpu.memory_space<vmem>>
      %dma_wait3A_370 = tpu.memref_squeeze %dma_wait3A_369 : memref<1x80xi32, #tpu.memory_space<vmem>> -> memref<80xi32, #tpu.memory_space<vmem>>
      %dma_wait3A_371 = arith.constant 0 : i32
      %dma_wait3A_372 = arith.constant 0 : i32
      %dma_wait3A_373 = tpu.memref_slice %arg10[%dma_wait3A_371, %dma_wait3A_372] : memref<10000x128xf32, #tpu.memory_space<vmem_shared>> -> memref<10000x128xf32, #tpu.memory_space<vmem_shared>>
      tpu.wait_indirect_dma semaphore(%run_scoped3A_361 : memref<!tpu.dma_semaphore, #tpu.memory_space<semaphore_mem>>) src(%arg8 : memref<80x128xf32, #tpu.memory_space<vmem>>) dst(%dma_wait3A_373 : memref<10000x128xf32, #tpu.memory_space<vmem_shared>>)
      tpu.yield
    }) : () -> ()
    %dma_wait3A_122 = arith.constant 23 : i32
    %dma_wait3A_123 = arith.constant 0 : i32
    %dma_wait3A_124 = tpu.memref_slice %arg5[%dma_wait3A_122, %dma_wait3A_123] : memref<25x80xi32, #tpu.memory_space<vmem>> -> memref<1x80xi32, #tpu.memory_space<vmem>>
    %dma_wait3A_125 = tpu.memref_squeeze %dma_wait3A_124 : memref<1x80xi32, #tpu.memory_space<vmem>> -> memref<80xi32, #tpu.memory_space<vmem>>
    %dma_wait3A_126 = arith.constant 0 : i32
    %dma_wait3A_127 = arith.constant 0 : i32
    %dma_wait3A_128 = tpu.memref_slice %arg3[%dma_wait3A_126, %dma_wait3A_127] : memref<10000x128xf32, #tpu.memory_space<hbm>> -> memref<10000x128xf32, #tpu.memory_space<hbm>>
    tpu.wait_indirect_dma semaphore(%arg13 : memref<!tpu.dma_semaphore, #tpu.memory_space<semaphore_mem>>) src(%dma_wait3A_128 : memref<10000x128xf32, #tpu.memory_space<hbm>>) dst(%arg9 : memref<80x128xf32, #tpu.memory_space<vmem>>)
    %run_scoped3A_129 = arith.constant 23 : i32
    "tpu.region"() ({
      %run_scoped3A_361 = tpu.sem_alloc : memref<!tpu.dma_semaphore, #tpu.memory_space<semaphore_mem>>
      %dma_start3A_362 = arith.constant 0 : i32
      %dma_start3A_363 = tpu.memref_slice %arg6[%run_scoped3A_129, %dma_start3A_362] : memref<25x80xi32, #tpu.memory_space<vmem>> -> memref<1x80xi32, #tpu.memory_space<vmem>>
      %dma_start3A_364 = tpu.memref_squeeze %dma_start3A_363 : memref<1x80xi32, #tpu.memory_space<vmem>> -> memref<80xi32, #tpu.memory_space<vmem>>
      %dma_start3A_365 = arith.constant 0 : i32
      %dma_start3A_366 = arith.constant 0 : i32
      %dma_start3A_367 = tpu.memref_slice %arg10[%dma_start3A_365, %dma_start3A_366] : memref<10000x128xf32, #tpu.memory_space<vmem_shared>> -> memref<10000x128xf32, #tpu.memory_space<vmem_shared>>
      tpu.enqueue_indirect_dma source(%arg9 : memref<80x128xf32, #tpu.memory_space<vmem>>) target(%dma_start3A_367 : memref<10000x128xf32, #tpu.memory_space<vmem_shared>>) offsets(%dma_start3A_364 : memref<80xi32, #tpu.memory_space<vmem>>) semaphore(%run_scoped3A_361 : memref<!tpu.dma_semaphore, #tpu.memory_space<semaphore_mem>>) {add = true}
      %dma_wait3A_368 = arith.constant 0 : i32
      %dma_wait3A_369 = tpu.memref_slice %arg6[%run_scoped3A_129, %dma_wait3A_368] : memref<25x80xi32, #tpu.memory_space<vmem>> -> memref<1x80xi32, #tpu.memory_space<vmem>>
      %dma_wait3A_370 = tpu.memref_squeeze %dma_wait3A_369 : memref<1x80xi32, #tpu.memory_space<vmem>> -> memref<80xi32, #tpu.memory_space<vmem>>
      %dma_wait3A_371 = arith.constant 0 : i32
      %dma_wait3A_372 = arith.constant 0 : i32
      %dma_wait3A_373 = tpu.memref_slice %arg10[%dma_wait3A_371, %dma_wait3A_372] : memref<10000x128xf32, #tpu.memory_space<vmem_shared>> -> memref<10000x128xf32, #tpu.memory_space<vmem_shared>>
      tpu.wait_indirect_dma semaphore(%run_scoped3A_361 : memref<!tpu.dma_semaphore, #tpu.memory_space<semaphore_mem>>) src(%arg9 : memref<80x128xf32, #tpu.memory_space<vmem>>) dst(%dma_wait3A_373 : memref<10000x128xf32, #tpu.memory_space<vmem_shared>>)
      tpu.yield
    }) : () -> ()
    %dma_start3A_130 = arith.constant 24 : i32
    %dma_start3A_131 = arith.constant 0 : i32
    %dma_start3A_132 = tpu.memref_slice %arg5[%dma_start3A_130, %dma_start3A_131] : memref<25x80xi32, #tpu.memory_space<vmem>> -> memref<1x80xi32, #tpu.memory_space<vmem>>
    %dma_start3A_133 = tpu.memref_squeeze %dma_start3A_132 : memref<1x80xi32, #tpu.memory_space<vmem>> -> memref<80xi32, #tpu.memory_space<vmem>>
    %dma_start3A_134 = arith.constant 0 : i32
    %dma_start3A_135 = arith.constant 0 : i32
    %dma_start3A_136 = tpu.memref_slice %arg3[%dma_start3A_134, %dma_start3A_135] : memref<10000x128xf32, #tpu.memory_space<hbm>> -> memref<10000x128xf32, #tpu.memory_space<hbm>>
    tpu.enqueue_indirect_dma source(%dma_start3A_136 : memref<10000x128xf32, #tpu.memory_space<hbm>>) target(%arg7 : memref<80x128xf32, #tpu.memory_space<vmem>>) offsets(%dma_start3A_133 : memref<80xi32, #tpu.memory_space<vmem>>) semaphore(%arg11 : memref<!tpu.dma_semaphore, #tpu.memory_space<semaphore_mem>>)
    %dma_wait3A_137 = arith.constant 24 : i32
    %dma_wait3A_138 = arith.constant 0 : i32
    %dma_wait3A_139 = tpu.memref_slice %arg5[%dma_wait3A_137, %dma_wait3A_138] : memref<25x80xi32, #tpu.memory_space<vmem>> -> memref<1x80xi32, #tpu.memory_space<vmem>>
    %dma_wait3A_140 = tpu.memref_squeeze %dma_wait3A_139 : memref<1x80xi32, #tpu.memory_space<vmem>> -> memref<80xi32, #tpu.memory_space<vmem>>
    %dma_wait3A_141 = arith.constant 0 : i32
    %dma_wait3A_142 = arith.constant 0 : i32
    %dma_wait3A_143 = tpu.memref_slice %arg3[%dma_wait3A_141, %dma_wait3A_142] : memref<10000x128xf32, #tpu.memory_space<hbm>> -> memref<10000x128xf32, #tpu.memory_space<hbm>>
    tpu.wait_indirect_dma semaphore(%arg11 : memref<!tpu.dma_semaphore, #tpu.memory_space<semaphore_mem>>) src(%dma_wait3A_143 : memref<10000x128xf32, #tpu.memory_space<hbm>>) dst(%arg7 : memref<80x128xf32, #tpu.memory_space<vmem>>)
    %run_scoped3A_144 = arith.constant 24 : i32
    "tpu.region"() ({
      %run_scoped3A_361 = tpu.sem_alloc : memref<!tpu.dma_semaphore, #tpu.memory_space<semaphore_mem>>
      %dma_start3A_362 = arith.constant 0 : i32
      %dma_start3A_363 = tpu.memref_slice %arg6[%run_scoped3A_144, %dma_start3A_362] : memref<25x80xi32, #tpu.memory_space<vmem>> -> memref<1x80xi32, #tpu.memory_space<vmem>>
      %dma_start3A_364 = tpu.memref_squeeze %dma_start3A_363 : memref<1x80xi32, #tpu.memory_space<vmem>> -> memref<80xi32, #tpu.memory_space<vmem>>
      %dma_start3A_365 = arith.constant 0 : i32
      %dma_start3A_366 = arith.constant 0 : i32
      %dma_start3A_367 = tpu.memref_slice %arg10[%dma_start3A_365, %dma_start3A_366] : memref<10000x128xf32, #tpu.memory_space<vmem_shared>> -> memref<10000x128xf32, #tpu.memory_space<vmem_shared>>
      tpu.enqueue_indirect_dma source(%arg7 : memref<80x128xf32, #tpu.memory_space<vmem>>) target(%dma_start3A_367 : memref<10000x128xf32, #tpu.memory_space<vmem_shared>>) offsets(%dma_start3A_364 : memref<80xi32, #tpu.memory_space<vmem>>) semaphore(%run_scoped3A_361 : memref<!tpu.dma_semaphore, #tpu.memory_space<semaphore_mem>>) {add = true}
      %dma_wait3A_368 = arith.constant 0 : i32
      %dma_wait3A_369 = tpu.memref_slice %arg6[%run_scoped3A_144, %dma_wait3A_368] : memref<25x80xi32, #tpu.memory_space<vmem>> -> memref<1x80xi32, #tpu.memory_space<vmem>>
      %dma_wait3A_370 = tpu.memref_squeeze %dma_wait3A_369 : memref<1x80xi32, #tpu.memory_space<vmem>> -> memref<80xi32, #tpu.memory_space<vmem>>
      %dma_wait3A_371 = arith.constant 0 : i32
      %dma_wait3A_372 = arith.constant 0 : i32
      %dma_wait3A_373 = tpu.memref_slice %arg10[%dma_wait3A_371, %dma_wait3A_372] : memref<10000x128xf32, #tpu.memory_space<vmem_shared>> -> memref<10000x128xf32, #tpu.memory_space<vmem_shared>>
      tpu.wait_indirect_dma semaphore(%run_scoped3A_361 : memref<!tpu.dma_semaphore, #tpu.memory_space<semaphore_mem>>) src(%arg7 : memref<80x128xf32, #tpu.memory_space<vmem>>) dst(%dma_wait3A_373 : memref<10000x128xf32, #tpu.memory_space<vmem_shared>>)
      tpu.yield
    }) : () -> ()
    %run_scoped3A_145 = arith.constant 0 : i32
    %run_scoped3A_146 = arith.constant 2 : i32
    "tpu.region"() ({
      %run_scoped3A_361 = tpu.sem_alloc : memref<!tpu.dma_semaphore, #tpu.memory_space<semaphore_mem>>
      %dma_start3A_362 = arith.constant 0 : i32
      %dma_start3A_363 = arith.constant 0 : i32
      %dma_start3A_364 = tpu.memref_slice %arg2[%run_scoped3A_145, %add3A, %run_scoped3A_146, %dma_start3A_362, %dma_start3A_363] : memref<2x32x5x25x80xi32, #tpu.memory_space<hbm>> -> memref<1x1x1x25x80xi32, #tpu.memory_space<hbm>>
      %dma_start3A_365 = tpu.memref_squeeze %dma_start3A_364 : memref<1x1x1x25x80xi32, #tpu.memory_space<hbm>> -> memref<25x80xi32, #tpu.memory_space<hbm>>
      %dma_start3A_366 = arith.constant 0 : i32
      %dma_start3A_367 = arith.constant 0 : i32
      %dma_start3A_368 = tpu.memref_slice %arg2[%run_scoped3A_145, %add3A, %run_scoped3A_146, %dma_start3A_366, %dma_start3A_367] : memref<2x32x5x25x80xi32, #tpu.memory_space<hbm>> -> memref<1x1x1x25x80xi32, #tpu.memory_space<hbm>>
      %dma_start3A_369 = tpu.memref_squeeze %dma_start3A_368 : memref<1x1x1x25x80xi32, #tpu.memory_space<hbm>> -> memref<25x80xi32, #tpu.memory_space<hbm>>
      tpu.enqueue_dma source(%dma_start3A_369 : memref<25x80xi32, #tpu.memory_space<hbm>>) target(%arg5 : memref<25x80xi32, #tpu.memory_space<vmem>>) target_semaphore(%run_scoped3A_361 : memref<!tpu.dma_semaphore, #tpu.memory_space<semaphore_mem>>)
      %dma_wait3A_370 = arith.constant 0 : i32
      %dma_wait3A_371 = arith.constant 0 : i32
      %dma_wait3A_372 = tpu.memref_slice %arg2[%run_scoped3A_145, %add3A, %run_scoped3A_146, %dma_wait3A_370, %dma_wait3A_371] : memref<2x32x5x25x80xi32, #tpu.memory_space<hbm>> -> memref<1x1x1x25x80xi32, #tpu.memory_space<hbm>>
      %dma_wait3A_373 = tpu.memref_squeeze %dma_wait3A_372 : memref<1x1x1x25x80xi32, #tpu.memory_space<hbm>> -> memref<25x80xi32, #tpu.memory_space<hbm>>
      %dma_wait3A_374 = arith.constant 0 : i32
      %dma_wait3A_375 = arith.constant 0 : i32
      %dma_wait3A_376 = tpu.memref_slice %arg2[%run_scoped3A_145, %add3A, %run_scoped3A_146, %dma_wait3A_374, %dma_wait3A_375] : memref<2x32x5x25x80xi32, #tpu.memory_space<hbm>> -> memref<1x1x1x25x80xi32, #tpu.memory_space<hbm>>
      %dma_wait3A_377 = tpu.memref_squeeze %dma_wait3A_376 : memref<1x1x1x25x80xi32, #tpu.memory_space<hbm>> -> memref<25x80xi32, #tpu.memory_space<hbm>>
      tpu.wait_dma2 semaphore(%run_scoped3A_361 : memref<!tpu.dma_semaphore, #tpu.memory_space<semaphore_mem>>) src(%dma_wait3A_377 : memref<25x80xi32, #tpu.memory_space<hbm>>) dst(%arg5 : memref<25x80xi32, #tpu.memory_space<vmem>>)
      tpu.yield
    }) : () -> ()
    %run_scoped3A_147 = arith.constant 1 : i32
    %run_scoped3A_148 = arith.constant 2 : i32
    "tpu.region"() ({
      %run_scoped3A_361 = tpu.sem_alloc : memref<!tpu.dma_semaphore, #tpu.memory_space<semaphore_mem>>
      %dma_start3A_362 = arith.constant 0 : i32
      %dma_start3A_363 = arith.constant 0 : i32
      %dma_start3A_364 = tpu.memref_slice %arg2[%run_scoped3A_147, %add3A, %run_scoped3A_148, %dma_start3A_362, %dma_start3A_363] : memref<2x32x5x25x80xi32, #tpu.memory_space<hbm>> -> memref<1x1x1x25x80xi32, #tpu.memory_space<hbm>>
      %dma_start3A_365 = tpu.memref_squeeze %dma_start3A_364 : memref<1x1x1x25x80xi32, #tpu.memory_space<hbm>> -> memref<25x80xi32, #tpu.memory_space<hbm>>
      %dma_start3A_366 = arith.constant 0 : i32
      %dma_start3A_367 = arith.constant 0 : i32
      %dma_start3A_368 = tpu.memref_slice %arg2[%run_scoped3A_147, %add3A, %run_scoped3A_148, %dma_start3A_366, %dma_start3A_367] : memref<2x32x5x25x80xi32, #tpu.memory_space<hbm>> -> memref<1x1x1x25x80xi32, #tpu.memory_space<hbm>>
      %dma_start3A_369 = tpu.memref_squeeze %dma_start3A_368 : memref<1x1x1x25x80xi32, #tpu.memory_space<hbm>> -> memref<25x80xi32, #tpu.memory_space<hbm>>
      tpu.enqueue_dma source(%dma_start3A_369 : memref<25x80xi32, #tpu.memory_space<hbm>>) target(%arg6 : memref<25x80xi32, #tpu.memory_space<vmem>>) target_semaphore(%run_scoped3A_361 : memref<!tpu.dma_semaphore, #tpu.memory_space<semaphore_mem>>)
      %dma_wait3A_370 = arith.constant 0 : i32
      %dma_wait3A_371 = arith.constant 0 : i32
      %dma_wait3A_372 = tpu.memref_slice %arg2[%run_scoped3A_147, %add3A, %run_scoped3A_148, %dma_wait3A_370, %dma_wait3A_371] : memref<2x32x5x25x80xi32, #tpu.memory_space<hbm>> -> memref<1x1x1x25x80xi32, #tpu.memory_space<hbm>>
      %dma_wait3A_373 = tpu.memref_squeeze %dma_wait3A_372 : memref<1x1x1x25x80xi32, #tpu.memory_space<hbm>> -> memref<25x80xi32, #tpu.memory_space<hbm>>
      %dma_wait3A_374 = arith.constant 0 : i32
      %dma_wait3A_375 = arith.constant 0 : i32
      %dma_wait3A_376 = tpu.memref_slice %arg2[%run_scoped3A_147, %add3A, %run_scoped3A_148, %dma_wait3A_374, %dma_wait3A_375] : memref<2x32x5x25x80xi32, #tpu.memory_space<hbm>> -> memref<1x1x1x25x80xi32, #tpu.memory_space<hbm>>
      %dma_wait3A_377 = tpu.memref_squeeze %dma_wait3A_376 : memref<1x1x1x25x80xi32, #tpu.memory_space<hbm>> -> memref<25x80xi32, #tpu.memory_space<hbm>>
      tpu.wait_dma2 semaphore(%run_scoped3A_361 : memref<!tpu.dma_semaphore, #tpu.memory_space<semaphore_mem>>) src(%dma_wait3A_377 : memref<25x80xi32, #tpu.memory_space<hbm>>) dst(%arg6 : memref<25x80xi32, #tpu.memory_space<vmem>>)
      tpu.yield
    }) : () -> ()
    %dma_start3A_149 = arith.constant 0 : i32
    %dma_start3A_150 = arith.constant 0 : i32
    %dma_start3A_151 = tpu.memref_slice %arg5[%dma_start3A_149, %dma_start3A_150] : memref<25x80xi32, #tpu.memory_space<vmem>> -> memref<1x80xi32, #tpu.memory_space<vmem>>
    %dma_start3A_152 = tpu.memref_squeeze %dma_start3A_151 : memref<1x80xi32, #tpu.memory_space<vmem>> -> memref<80xi32, #tpu.memory_space<vmem>>
    %dma_start3A_153 = arith.constant 0 : i32
    %dma_start3A_154 = arith.constant 0 : i32
    %dma_start3A_155 = tpu.memref_slice %arg3[%dma_start3A_153, %dma_start3A_154] : memref<10000x128xf32, #tpu.memory_space<hbm>> -> memref<10000x128xf32, #tpu.memory_space<hbm>>
    tpu.enqueue_indirect_dma source(%dma_start3A_155 : memref<10000x128xf32, #tpu.memory_space<hbm>>) target(%arg7 : memref<80x128xf32, #tpu.memory_space<vmem>>) offsets(%dma_start3A_152 : memref<80xi32, #tpu.memory_space<vmem>>) semaphore(%arg11 : memref<!tpu.dma_semaphore, #tpu.memory_space<semaphore_mem>>)
    %dma_start3A_156 = arith.constant 1 : i32
    %dma_start3A_157 = arith.constant 0 : i32
    %dma_start3A_158 = tpu.memref_slice %arg5[%dma_start3A_156, %dma_start3A_157] : memref<25x80xi32, #tpu.memory_space<vmem>> -> memref<1x80xi32, #tpu.memory_space<vmem>>
    %dma_start3A_159 = tpu.memref_squeeze %dma_start3A_158 : memref<1x80xi32, #tpu.memory_space<vmem>> -> memref<80xi32, #tpu.memory_space<vmem>>
    %dma_start3A_160 = arith.constant 0 : i32
    %dma_start3A_161 = arith.constant 0 : i32
    %dma_start3A_162 = tpu.memref_slice %arg3[%dma_start3A_160, %dma_start3A_161] : memref<10000x128xf32, #tpu.memory_space<hbm>> -> memref<10000x128xf32, #tpu.memory_space<hbm>>
    tpu.enqueue_indirect_dma source(%dma_start3A_162 : memref<10000x128xf32, #tpu.memory_space<hbm>>) target(%arg8 : memref<80x128xf32, #tpu.memory_space<vmem>>) offsets(%dma_start3A_159 : memref<80xi32, #tpu.memory_space<vmem>>) semaphore(%arg12 : memref<!tpu.dma_semaphore, #tpu.memory_space<semaphore_mem>>)
    %dma_start3A_163 = arith.constant 2 : i32
    %dma_start3A_164 = arith.constant 0 : i32
    %dma_start3A_165 = tpu.memref_slice %arg5[%dma_start3A_163, %dma_start3A_164] : memref<25x80xi32, #tpu.memory_space<vmem>> -> memref<1x80xi32, #tpu.memory_space<vmem>>
    %dma_start3A_166 = tpu.memref_squeeze %dma_start3A_165 : memref<1x80xi32, #tpu.memory_space<vmem>> -> memref<80xi32, #tpu.memory_space<vmem>>
    %dma_start3A_167 = arith.constant 0 : i32
    %dma_start3A_168 = arith.constant 0 : i32
    %dma_start3A_169 = tpu.memref_slice %arg3[%dma_start3A_167, %dma_start3A_168] : memref<10000x128xf32, #tpu.memory_space<hbm>> -> memref<10000x128xf32, #tpu.memory_space<hbm>>
    tpu.enqueue_indirect_dma source(%dma_start3A_169 : memref<10000x128xf32, #tpu.memory_space<hbm>>) target(%arg9 : memref<80x128xf32, #tpu.memory_space<vmem>>) offsets(%dma_start3A_166 : memref<80xi32, #tpu.memory_space<vmem>>) semaphore(%arg13 : memref<!tpu.dma_semaphore, #tpu.memory_space<semaphore_mem>>)
    %scan3A_170 = arith.constant 0 : i32
    %scan3A_171 = arith.constant 0 : i32
    %scan3A_172 = arith.constant 7 : i32
    %scan3A_173 = arith.addi %scan3A_171, %scan3A_172 : i32
    %scan3A_174 = arith.constant 1 : i32
    scf.for %scan3A_361 = %scan3A_171 to %scan3A_173 step %scan3A_174  : i32 {
      %mul3A_362 = arith.constant 3 : i32
      %mul3A_363 = arith.muli %scan3A_361, %mul3A_362 : i32
      %dma_wait3A_364 = arith.constant 0 : i32
      %dma_wait3A_365 = tpu.memref_slice %arg5[%mul3A_363, %dma_wait3A_364] : memref<25x80xi32, #tpu.memory_space<vmem>> -> memref<1x80xi32, #tpu.memory_space<vmem>>
      %dma_wait3A_366 = tpu.memref_squeeze %dma_wait3A_365 : memref<1x80xi32, #tpu.memory_space<vmem>> -> memref<80xi32, #tpu.memory_space<vmem>>
      %dma_wait3A_367 = arith.constant 0 : i32
      %dma_wait3A_368 = arith.constant 0 : i32
      %dma_wait3A_369 = tpu.memref_slice %arg3[%dma_wait3A_367, %dma_wait3A_368] : memref<10000x128xf32, #tpu.memory_space<hbm>> -> memref<10000x128xf32, #tpu.memory_space<hbm>>
      tpu.wait_indirect_dma semaphore(%arg11 : memref<!tpu.dma_semaphore, #tpu.memory_space<semaphore_mem>>) src(%dma_wait3A_369 : memref<10000x128xf32, #tpu.memory_space<hbm>>) dst(%arg7 : memref<80x128xf32, #tpu.memory_space<vmem>>)
      %dma_start3A_370 = arith.constant 0 : i32
      %dma_start3A_371 = tpu.memref_slice %arg6[%mul3A_363, %dma_start3A_370] : memref<25x80xi32, #tpu.memory_space<vmem>> -> memref<1x80xi32, #tpu.memory_space<vmem>>
      %dma_start3A_372 = tpu.memref_squeeze %dma_start3A_371 : memref<1x80xi32, #tpu.memory_space<vmem>> -> memref<80xi32, #tpu.memory_space<vmem>>
      %dma_start3A_373 = arith.constant 0 : i32
      %dma_start3A_374 = arith.constant 0 : i32
      %dma_start3A_375 = tpu.memref_slice %arg10[%dma_start3A_373, %dma_start3A_374] : memref<10000x128xf32, #tpu.memory_space<vmem_shared>> -> memref<10000x128xf32, #tpu.memory_space<vmem_shared>>
      tpu.enqueue_indirect_dma source(%arg7 : memref<80x128xf32, #tpu.memory_space<vmem>>) target(%dma_start3A_375 : memref<10000x128xf32, #tpu.memory_space<vmem_shared>>) offsets(%dma_start3A_372 : memref<80xi32, #tpu.memory_space<vmem>>) semaphore(%arg14 : memref<!tpu.dma_semaphore, #tpu.memory_space<semaphore_mem>>) {add = true}
      %add3A_376 = arith.constant 1 : i32
      %add3A_377 = arith.addi %mul3A_363, %add3A_376 : i32
      %dma_wait3A_378 = arith.constant 0 : i32
      %dma_wait3A_379 = tpu.memref_slice %arg5[%add3A_377, %dma_wait3A_378] : memref<25x80xi32, #tpu.memory_space<vmem>> -> memref<1x80xi32, #tpu.memory_space<vmem>>
      %dma_wait3A_380 = tpu.memref_squeeze %dma_wait3A_379 : memref<1x80xi32, #tpu.memory_space<vmem>> -> memref<80xi32, #tpu.memory_space<vmem>>
      %dma_wait3A_381 = arith.constant 0 : i32
      %dma_wait3A_382 = arith.constant 0 : i32
      %dma_wait3A_383 = tpu.memref_slice %arg3[%dma_wait3A_381, %dma_wait3A_382] : memref<10000x128xf32, #tpu.memory_space<hbm>> -> memref<10000x128xf32, #tpu.memory_space<hbm>>
      tpu.wait_indirect_dma semaphore(%arg12 : memref<!tpu.dma_semaphore, #tpu.memory_space<semaphore_mem>>) src(%dma_wait3A_383 : memref<10000x128xf32, #tpu.memory_space<hbm>>) dst(%arg8 : memref<80x128xf32, #tpu.memory_space<vmem>>)
      %add3A_384 = arith.constant 1 : i32
      %add3A_385 = arith.addi %mul3A_363, %add3A_384 : i32
      %dma_start3A_386 = arith.constant 0 : i32
      %dma_start3A_387 = tpu.memref_slice %arg6[%add3A_385, %dma_start3A_386] : memref<25x80xi32, #tpu.memory_space<vmem>> -> memref<1x80xi32, #tpu.memory_space<vmem>>
      %dma_start3A_388 = tpu.memref_squeeze %dma_start3A_387 : memref<1x80xi32, #tpu.memory_space<vmem>> -> memref<80xi32, #tpu.memory_space<vmem>>
      %dma_start3A_389 = arith.constant 0 : i32
      %dma_start3A_390 = arith.constant 0 : i32
      %dma_start3A_391 = tpu.memref_slice %arg10[%dma_start3A_389, %dma_start3A_390] : memref<10000x128xf32, #tpu.memory_space<vmem_shared>> -> memref<10000x128xf32, #tpu.memory_space<vmem_shared>>
      tpu.enqueue_indirect_dma source(%arg8 : memref<80x128xf32, #tpu.memory_space<vmem>>) target(%dma_start3A_391 : memref<10000x128xf32, #tpu.memory_space<vmem_shared>>) offsets(%dma_start3A_388 : memref<80xi32, #tpu.memory_space<vmem>>) semaphore(%arg15 : memref<!tpu.dma_semaphore, #tpu.memory_space<semaphore_mem>>) {add = true}
      %add3A_392 = arith.constant 2 : i32
      %add3A_393 = arith.addi %mul3A_363, %add3A_392 : i32
      %dma_wait3A_394 = arith.constant 0 : i32
      %dma_wait3A_395 = tpu.memref_slice %arg5[%add3A_393, %dma_wait3A_394] : memref<25x80xi32, #tpu.memory_space<vmem>> -> memref<1x80xi32, #tpu.memory_space<vmem>>
      %dma_wait3A_396 = tpu.memref_squeeze %dma_wait3A_395 : memref<1x80xi32, #tpu.memory_space<vmem>> -> memref<80xi32, #tpu.memory_space<vmem>>
      %dma_wait3A_397 = arith.constant 0 : i32
      %dma_wait3A_398 = arith.constant 0 : i32
      %dma_wait3A_399 = tpu.memref_slice %arg3[%dma_wait3A_397, %dma_wait3A_398] : memref<10000x128xf32, #tpu.memory_space<hbm>> -> memref<10000x128xf32, #tpu.memory_space<hbm>>
      tpu.wait_indirect_dma semaphore(%arg13 : memref<!tpu.dma_semaphore, #tpu.memory_space<semaphore_mem>>) src(%dma_wait3A_399 : memref<10000x128xf32, #tpu.memory_space<hbm>>) dst(%arg9 : memref<80x128xf32, #tpu.memory_space<vmem>>)
      %add3A_400 = arith.constant 2 : i32
      %add3A_401 = arith.addi %mul3A_363, %add3A_400 : i32
      %dma_start3A_402 = arith.constant 0 : i32
      %dma_start3A_403 = tpu.memref_slice %arg6[%add3A_401, %dma_start3A_402] : memref<25x80xi32, #tpu.memory_space<vmem>> -> memref<1x80xi32, #tpu.memory_space<vmem>>
      %dma_start3A_404 = tpu.memref_squeeze %dma_start3A_403 : memref<1x80xi32, #tpu.memory_space<vmem>> -> memref<80xi32, #tpu.memory_space<vmem>>
      %dma_start3A_405 = arith.constant 0 : i32
      %dma_start3A_406 = arith.constant 0 : i32
      %dma_start3A_407 = tpu.memref_slice %arg10[%dma_start3A_405, %dma_start3A_406] : memref<10000x128xf32, #tpu.memory_space<vmem_shared>> -> memref<10000x128xf32, #tpu.memory_space<vmem_shared>>
      tpu.enqueue_indirect_dma source(%arg9 : memref<80x128xf32, #tpu.memory_space<vmem>>) target(%dma_start3A_407 : memref<10000x128xf32, #tpu.memory_space<vmem_shared>>) offsets(%dma_start3A_404 : memref<80xi32, #tpu.memory_space<vmem>>) semaphore(%arg16 : memref<!tpu.dma_semaphore, #tpu.memory_space<semaphore_mem>>) {add = true}
      %dma_wait3A_408 = arith.constant 0 : i32
      %dma_wait3A_409 = tpu.memref_slice %arg6[%mul3A_363, %dma_wait3A_408] : memref<25x80xi32, #tpu.memory_space<vmem>> -> memref<1x80xi32, #tpu.memory_space<vmem>>
      %dma_wait3A_410 = tpu.memref_squeeze %dma_wait3A_409 : memref<1x80xi32, #tpu.memory_space<vmem>> -> memref<80xi32, #tpu.memory_space<vmem>>
      %dma_wait3A_411 = arith.constant 0 : i32
      %dma_wait3A_412 = arith.constant 0 : i32
      %dma_wait3A_413 = tpu.memref_slice %arg10[%dma_wait3A_411, %dma_wait3A_412] : memref<10000x128xf32, #tpu.memory_space<vmem_shared>> -> memref<10000x128xf32, #tpu.memory_space<vmem_shared>>
      tpu.wait_indirect_dma semaphore(%arg14 : memref<!tpu.dma_semaphore, #tpu.memory_space<semaphore_mem>>) src(%arg7 : memref<80x128xf32, #tpu.memory_space<vmem>>) dst(%dma_wait3A_413 : memref<10000x128xf32, #tpu.memory_space<vmem_shared>>)
      %add3A_414 = arith.constant 3 : i32
      %add3A_415 = arith.addi %mul3A_363, %add3A_414 : i32
      %dma_start3A_416 = arith.constant 0 : i32
      %dma_start3A_417 = tpu.memref_slice %arg5[%add3A_415, %dma_start3A_416] : memref<25x80xi32, #tpu.memory_space<vmem>> -> memref<1x80xi32, #tpu.memory_space<vmem>>
      %dma_start3A_418 = tpu.memref_squeeze %dma_start3A_417 : memref<1x80xi32, #tpu.memory_space<vmem>> -> memref<80xi32, #tpu.memory_space<vmem>>
      %dma_start3A_419 = arith.constant 0 : i32
      %dma_start3A_420 = arith.constant 0 : i32
      %dma_start3A_421 = tpu.memref_slice %arg3[%dma_start3A_419, %dma_start3A_420] : memref<10000x128xf32, #tpu.memory_space<hbm>> -> memref<10000x128xf32, #tpu.memory_space<hbm>>
      tpu.enqueue_indirect_dma source(%dma_start3A_421 : memref<10000x128xf32, #tpu.memory_space<hbm>>) target(%arg7 : memref<80x128xf32, #tpu.memory_space<vmem>>) offsets(%dma_start3A_418 : memref<80xi32, #tpu.memory_space<vmem>>) semaphore(%arg11 : memref<!tpu.dma_semaphore, #tpu.memory_space<semaphore_mem>>)
      %add3A_422 = arith.constant 1 : i32
      %add3A_423 = arith.addi %mul3A_363, %add3A_422 : i32
      %dma_wait3A_424 = arith.constant 0 : i32
      %dma_wait3A_425 = tpu.memref_slice %arg6[%add3A_423, %dma_wait3A_424] : memref<25x80xi32, #tpu.memory_space<vmem>> -> memref<1x80xi32, #tpu.memory_space<vmem>>
      %dma_wait3A_426 = tpu.memref_squeeze %dma_wait3A_425 : memref<1x80xi32, #tpu.memory_space<vmem>> -> memref<80xi32, #tpu.memory_space<vmem>>
      %dma_wait3A_427 = arith.constant 0 : i32
      %dma_wait3A_428 = arith.constant 0 : i32
      %dma_wait3A_429 = tpu.memref_slice %arg10[%dma_wait3A_427, %dma_wait3A_428] : memref<10000x128xf32, #tpu.memory_space<vmem_shared>> -> memref<10000x128xf32, #tpu.memory_space<vmem_shared>>
      tpu.wait_indirect_dma semaphore(%arg15 : memref<!tpu.dma_semaphore, #tpu.memory_space<semaphore_mem>>) src(%arg8 : memref<80x128xf32, #tpu.memory_space<vmem>>) dst(%dma_wait3A_429 : memref<10000x128xf32, #tpu.memory_space<vmem_shared>>)
      %add3A_430 = arith.constant 4 : i32
      %add3A_431 = arith.addi %mul3A_363, %add3A_430 : i32
      %dma_start3A_432 = arith.constant 0 : i32
      %dma_start3A_433 = tpu.memref_slice %arg5[%add3A_431, %dma_start3A_432] : memref<25x80xi32, #tpu.memory_space<vmem>> -> memref<1x80xi32, #tpu.memory_space<vmem>>
      %dma_start3A_434 = tpu.memref_squeeze %dma_start3A_433 : memref<1x80xi32, #tpu.memory_space<vmem>> -> memref<80xi32, #tpu.memory_space<vmem>>
      %dma_start3A_435 = arith.constant 0 : i32
      %dma_start3A_436 = arith.constant 0 : i32
      %dma_start3A_437 = tpu.memref_slice %arg3[%dma_start3A_435, %dma_start3A_436] : memref<10000x128xf32, #tpu.memory_space<hbm>> -> memref<10000x128xf32, #tpu.memory_space<hbm>>
      tpu.enqueue_indirect_dma source(%dma_start3A_437 : memref<10000x128xf32, #tpu.memory_space<hbm>>) target(%arg8 : memref<80x128xf32, #tpu.memory_space<vmem>>) offsets(%dma_start3A_434 : memref<80xi32, #tpu.memory_space<vmem>>) semaphore(%arg12 : memref<!tpu.dma_semaphore, #tpu.memory_space<semaphore_mem>>)
      %add3A_438 = arith.constant 2 : i32
      %add3A_439 = arith.addi %mul3A_363, %add3A_438 : i32
      %dma_wait3A_440 = arith.constant 0 : i32
      %dma_wait3A_441 = tpu.memref_slice %arg6[%add3A_439, %dma_wait3A_440] : memref<25x80xi32, #tpu.memory_space<vmem>> -> memref<1x80xi32, #tpu.memory_space<vmem>>
      %dma_wait3A_442 = tpu.memref_squeeze %dma_wait3A_441 : memref<1x80xi32, #tpu.memory_space<vmem>> -> memref<80xi32, #tpu.memory_space<vmem>>
      %dma_wait3A_443 = arith.constant 0 : i32
      %dma_wait3A_444 = arith.constant 0 : i32
      %dma_wait3A_445 = tpu.memref_slice %arg10[%dma_wait3A_443, %dma_wait3A_444] : memref<10000x128xf32, #tpu.memory_space<vmem_shared>> -> memref<10000x128xf32, #tpu.memory_space<vmem_shared>>
      tpu.wait_indirect_dma semaphore(%arg16 : memref<!tpu.dma_semaphore, #tpu.memory_space<semaphore_mem>>) src(%arg9 : memref<80x128xf32, #tpu.memory_space<vmem>>) dst(%dma_wait3A_445 : memref<10000x128xf32, #tpu.memory_space<vmem_shared>>)
      %add3A_446 = arith.constant 5 : i32
      %add3A_447 = arith.addi %mul3A_363, %add3A_446 : i32
      %dma_start3A_448 = arith.constant 0 : i32
      %dma_start3A_449 = tpu.memref_slice %arg5[%add3A_447, %dma_start3A_448] : memref<25x80xi32, #tpu.memory_space<vmem>> -> memref<1x80xi32, #tpu.memory_space<vmem>>
      %dma_start3A_450 = tpu.memref_squeeze %dma_start3A_449 : memref<1x80xi32, #tpu.memory_space<vmem>> -> memref<80xi32, #tpu.memory_space<vmem>>
      %dma_start3A_451 = arith.constant 0 : i32
      %dma_start3A_452 = arith.constant 0 : i32
      %dma_start3A_453 = tpu.memref_slice %arg3[%dma_start3A_451, %dma_start3A_452] : memref<10000x128xf32, #tpu.memory_space<hbm>> -> memref<10000x128xf32, #tpu.memory_space<hbm>>
      tpu.enqueue_indirect_dma source(%dma_start3A_453 : memref<10000x128xf32, #tpu.memory_space<hbm>>) target(%arg9 : memref<80x128xf32, #tpu.memory_space<vmem>>) offsets(%dma_start3A_450 : memref<80xi32, #tpu.memory_space<vmem>>) semaphore(%arg13 : memref<!tpu.dma_semaphore, #tpu.memory_space<semaphore_mem>>)
    }
    %scan3A_175 = arith.constant 7 : i32
    %dma_wait3A_176 = arith.constant 21 : i32
    %dma_wait3A_177 = arith.constant 0 : i32
    %dma_wait3A_178 = tpu.memref_slice %arg5[%dma_wait3A_176, %dma_wait3A_177] : memref<25x80xi32, #tpu.memory_space<vmem>> -> memref<1x80xi32, #tpu.memory_space<vmem>>
    %dma_wait3A_179 = tpu.memref_squeeze %dma_wait3A_178 : memref<1x80xi32, #tpu.memory_space<vmem>> -> memref<80xi32, #tpu.memory_space<vmem>>
    %dma_wait3A_180 = arith.constant 0 : i32
    %dma_wait3A_181 = arith.constant 0 : i32
    %dma_wait3A_182 = tpu.memref_slice %arg3[%dma_wait3A_180, %dma_wait3A_181] : memref<10000x128xf32, #tpu.memory_space<hbm>> -> memref<10000x128xf32, #tpu.memory_space<hbm>>
    tpu.wait_indirect_dma semaphore(%arg11 : memref<!tpu.dma_semaphore, #tpu.memory_space<semaphore_mem>>) src(%dma_wait3A_182 : memref<10000x128xf32, #tpu.memory_space<hbm>>) dst(%arg7 : memref<80x128xf32, #tpu.memory_space<vmem>>)
    %run_scoped3A_183 = arith.constant 21 : i32
    "tpu.region"() ({
      %run_scoped3A_361 = tpu.sem_alloc : memref<!tpu.dma_semaphore, #tpu.memory_space<semaphore_mem>>
      %dma_start3A_362 = arith.constant 0 : i32
      %dma_start3A_363 = tpu.memref_slice %arg6[%run_scoped3A_183, %dma_start3A_362] : memref<25x80xi32, #tpu.memory_space<vmem>> -> memref<1x80xi32, #tpu.memory_space<vmem>>
      %dma_start3A_364 = tpu.memref_squeeze %dma_start3A_363 : memref<1x80xi32, #tpu.memory_space<vmem>> -> memref<80xi32, #tpu.memory_space<vmem>>
      %dma_start3A_365 = arith.constant 0 : i32
      %dma_start3A_366 = arith.constant 0 : i32
      %dma_start3A_367 = tpu.memref_slice %arg10[%dma_start3A_365, %dma_start3A_366] : memref<10000x128xf32, #tpu.memory_space<vmem_shared>> -> memref<10000x128xf32, #tpu.memory_space<vmem_shared>>
      tpu.enqueue_indirect_dma source(%arg7 : memref<80x128xf32, #tpu.memory_space<vmem>>) target(%dma_start3A_367 : memref<10000x128xf32, #tpu.memory_space<vmem_shared>>) offsets(%dma_start3A_364 : memref<80xi32, #tpu.memory_space<vmem>>) semaphore(%run_scoped3A_361 : memref<!tpu.dma_semaphore, #tpu.memory_space<semaphore_mem>>) {add = true}
      %dma_wait3A_368 = arith.constant 0 : i32
      %dma_wait3A_369 = tpu.memref_slice %arg6[%run_scoped3A_183, %dma_wait3A_368] : memref<25x80xi32, #tpu.memory_space<vmem>> -> memref<1x80xi32, #tpu.memory_space<vmem>>
      %dma_wait3A_370 = tpu.memref_squeeze %dma_wait3A_369 : memref<1x80xi32, #tpu.memory_space<vmem>> -> memref<80xi32, #tpu.memory_space<vmem>>
      %dma_wait3A_371 = arith.constant 0 : i32
      %dma_wait3A_372 = arith.constant 0 : i32
      %dma_wait3A_373 = tpu.memref_slice %arg10[%dma_wait3A_371, %dma_wait3A_372] : memref<10000x128xf32, #tpu.memory_space<vmem_shared>> -> memref<10000x128xf32, #tpu.memory_space<vmem_shared>>
      tpu.wait_indirect_dma semaphore(%run_scoped3A_361 : memref<!tpu.dma_semaphore, #tpu.memory_space<semaphore_mem>>) src(%arg7 : memref<80x128xf32, #tpu.memory_space<vmem>>) dst(%dma_wait3A_373 : memref<10000x128xf32, #tpu.memory_space<vmem_shared>>)
      tpu.yield
    }) : () -> ()
    %dma_wait3A_184 = arith.constant 22 : i32
    %dma_wait3A_185 = arith.constant 0 : i32
    %dma_wait3A_186 = tpu.memref_slice %arg5[%dma_wait3A_184, %dma_wait3A_185] : memref<25x80xi32, #tpu.memory_space<vmem>> -> memref<1x80xi32, #tpu.memory_space<vmem>>
    %dma_wait3A_187 = tpu.memref_squeeze %dma_wait3A_186 : memref<1x80xi32, #tpu.memory_space<vmem>> -> memref<80xi32, #tpu.memory_space<vmem>>
    %dma_wait3A_188 = arith.constant 0 : i32
    %dma_wait3A_189 = arith.constant 0 : i32
    %dma_wait3A_190 = tpu.memref_slice %arg3[%dma_wait3A_188, %dma_wait3A_189] : memref<10000x128xf32, #tpu.memory_space<hbm>> -> memref<10000x128xf32, #tpu.memory_space<hbm>>
    tpu.wait_indirect_dma semaphore(%arg12 : memref<!tpu.dma_semaphore, #tpu.memory_space<semaphore_mem>>) src(%dma_wait3A_190 : memref<10000x128xf32, #tpu.memory_space<hbm>>) dst(%arg8 : memref<80x128xf32, #tpu.memory_space<vmem>>)
    %run_scoped3A_191 = arith.constant 22 : i32
    "tpu.region"() ({
      %run_scoped3A_361 = tpu.sem_alloc : memref<!tpu.dma_semaphore, #tpu.memory_space<semaphore_mem>>
      %dma_start3A_362 = arith.constant 0 : i32
      %dma_start3A_363 = tpu.memref_slice %arg6[%run_scoped3A_191, %dma_start3A_362] : memref<25x80xi32, #tpu.memory_space<vmem>> -> memref<1x80xi32, #tpu.memory_space<vmem>>
      %dma_start3A_364 = tpu.memref_squeeze %dma_start3A_363 : memref<1x80xi32, #tpu.memory_space<vmem>> -> memref<80xi32, #tpu.memory_space<vmem>>
      %dma_start3A_365 = arith.constant 0 : i32
      %dma_start3A_366 = arith.constant 0 : i32
      %dma_start3A_367 = tpu.memref_slice %arg10[%dma_start3A_365, %dma_start3A_366] : memref<10000x128xf32, #tpu.memory_space<vmem_shared>> -> memref<10000x128xf32, #tpu.memory_space<vmem_shared>>
      tpu.enqueue_indirect_dma source(%arg8 : memref<80x128xf32, #tpu.memory_space<vmem>>) target(%dma_start3A_367 : memref<10000x128xf32, #tpu.memory_space<vmem_shared>>) offsets(%dma_start3A_364 : memref<80xi32, #tpu.memory_space<vmem>>) semaphore(%run_scoped3A_361 : memref<!tpu.dma_semaphore, #tpu.memory_space<semaphore_mem>>) {add = true}
      %dma_wait3A_368 = arith.constant 0 : i32
      %dma_wait3A_369 = tpu.memref_slice %arg6[%run_scoped3A_191, %dma_wait3A_368] : memref<25x80xi32, #tpu.memory_space<vmem>> -> memref<1x80xi32, #tpu.memory_space<vmem>>
      %dma_wait3A_370 = tpu.memref_squeeze %dma_wait3A_369 : memref<1x80xi32, #tpu.memory_space<vmem>> -> memref<80xi32, #tpu.memory_space<vmem>>
      %dma_wait3A_371 = arith.constant 0 : i32
      %dma_wait3A_372 = arith.constant 0 : i32
      %dma_wait3A_373 = tpu.memref_slice %arg10[%dma_wait3A_371, %dma_wait3A_372] : memref<10000x128xf32, #tpu.memory_space<vmem_shared>> -> memref<10000x128xf32, #tpu.memory_space<vmem_shared>>
      tpu.wait_indirect_dma semaphore(%run_scoped3A_361 : memref<!tpu.dma_semaphore, #tpu.memory_space<semaphore_mem>>) src(%arg8 : memref<80x128xf32, #tpu.memory_space<vmem>>) dst(%dma_wait3A_373 : memref<10000x128xf32, #tpu.memory_space<vmem_shared>>)
      tpu.yield
    }) : () -> ()
    %dma_wait3A_192 = arith.constant 23 : i32
    %dma_wait3A_193 = arith.constant 0 : i32
    %dma_wait3A_194 = tpu.memref_slice %arg5[%dma_wait3A_192, %dma_wait3A_193] : memref<25x80xi32, #tpu.memory_space<vmem>> -> memref<1x80xi32, #tpu.memory_space<vmem>>
    %dma_wait3A_195 = tpu.memref_squeeze %dma_wait3A_194 : memref<1x80xi32, #tpu.memory_space<vmem>> -> memref<80xi32, #tpu.memory_space<vmem>>
    %dma_wait3A_196 = arith.constant 0 : i32
    %dma_wait3A_197 = arith.constant 0 : i32
    %dma_wait3A_198 = tpu.memref_slice %arg3[%dma_wait3A_196, %dma_wait3A_197] : memref<10000x128xf32, #tpu.memory_space<hbm>> -> memref<10000x128xf32, #tpu.memory_space<hbm>>
    tpu.wait_indirect_dma semaphore(%arg13 : memref<!tpu.dma_semaphore, #tpu.memory_space<semaphore_mem>>) src(%dma_wait3A_198 : memref<10000x128xf32, #tpu.memory_space<hbm>>) dst(%arg9 : memref<80x128xf32, #tpu.memory_space<vmem>>)
    %run_scoped3A_199 = arith.constant 23 : i32
    "tpu.region"() ({
      %run_scoped3A_361 = tpu.sem_alloc : memref<!tpu.dma_semaphore, #tpu.memory_space<semaphore_mem>>
      %dma_start3A_362 = arith.constant 0 : i32
      %dma_start3A_363 = tpu.memref_slice %arg6[%run_scoped3A_199, %dma_start3A_362] : memref<25x80xi32, #tpu.memory_space<vmem>> -> memref<1x80xi32, #tpu.memory_space<vmem>>
      %dma_start3A_364 = tpu.memref_squeeze %dma_start3A_363 : memref<1x80xi32, #tpu.memory_space<vmem>> -> memref<80xi32, #tpu.memory_space<vmem>>
      %dma_start3A_365 = arith.constant 0 : i32
      %dma_start3A_366 = arith.constant 0 : i32
      %dma_start3A_367 = tpu.memref_slice %arg10[%dma_start3A_365, %dma_start3A_366] : memref<10000x128xf32, #tpu.memory_space<vmem_shared>> -> memref<10000x128xf32, #tpu.memory_space<vmem_shared>>
      tpu.enqueue_indirect_dma source(%arg9 : memref<80x128xf32, #tpu.memory_space<vmem>>) target(%dma_start3A_367 : memref<10000x128xf32, #tpu.memory_space<vmem_shared>>) offsets(%dma_start3A_364 : memref<80xi32, #tpu.memory_space<vmem>>) semaphore(%run_scoped3A_361 : memref<!tpu.dma_semaphore, #tpu.memory_space<semaphore_mem>>) {add = true}
      %dma_wait3A_368 = arith.constant 0 : i32
      %dma_wait3A_369 = tpu.memref_slice %arg6[%run_scoped3A_199, %dma_wait3A_368] : memref<25x80xi32, #tpu.memory_space<vmem>> -> memref<1x80xi32, #tpu.memory_space<vmem>>
      %dma_wait3A_370 = tpu.memref_squeeze %dma_wait3A_369 : memref<1x80xi32, #tpu.memory_space<vmem>> -> memref<80xi32, #tpu.memory_space<vmem>>
      %dma_wait3A_371 = arith.constant 0 : i32
      %dma_wait3A_372 = arith.constant 0 : i32
      %dma_wait3A_373 = tpu.memref_slice %arg10[%dma_wait3A_371, %dma_wait3A_372] : memref<10000x128xf32, #tpu.memory_space<vmem_shared>> -> memref<10000x128xf32, #tpu.memory_space<vmem_shared>>
      tpu.wait_indirect_dma semaphore(%run_scoped3A_361 : memref<!tpu.dma_semaphore, #tpu.memory_space<semaphore_mem>>) src(%arg9 : memref<80x128xf32, #tpu.memory_space<vmem>>) dst(%dma_wait3A_373 : memref<10000x128xf32, #tpu.memory_space<vmem_shared>>)
      tpu.yield
    }) : () -> ()
    %dma_start3A_200 = arith.constant 24 : i32
    %dma_start3A_201 = arith.constant 0 : i32
    %dma_start3A_202 = tpu.memref_slice %arg5[%dma_start3A_200, %dma_start3A_201] : memref<25x80xi32, #tpu.memory_space<vmem>> -> memref<1x80xi32, #tpu.memory_space<vmem>>
    %dma_start3A_203 = tpu.memref_squeeze %dma_start3A_202 : memref<1x80xi32, #tpu.memory_space<vmem>> -> memref<80xi32, #tpu.memory_space<vmem>>
    %dma_start3A_204 = arith.constant 0 : i32
    %dma_start3A_205 = arith.constant 0 : i32
    %dma_start3A_206 = tpu.memref_slice %arg3[%dma_start3A_204, %dma_start3A_205] : memref<10000x128xf32, #tpu.memory_space<hbm>> -> memref<10000x128xf32, #tpu.memory_space<hbm>>
    tpu.enqueue_indirect_dma source(%dma_start3A_206 : memref<10000x128xf32, #tpu.memory_space<hbm>>) target(%arg7 : memref<80x128xf32, #tpu.memory_space<vmem>>) offsets(%dma_start3A_203 : memref<80xi32, #tpu.memory_space<vmem>>) semaphore(%arg11 : memref<!tpu.dma_semaphore, #tpu.memory_space<semaphore_mem>>)
    %dma_wait3A_207 = arith.constant 24 : i32
    %dma_wait3A_208 = arith.constant 0 : i32
    %dma_wait3A_209 = tpu.memref_slice %arg5[%dma_wait3A_207, %dma_wait3A_208] : memref<25x80xi32, #tpu.memory_space<vmem>> -> memref<1x80xi32, #tpu.memory_space<vmem>>
    %dma_wait3A_210 = tpu.memref_squeeze %dma_wait3A_209 : memref<1x80xi32, #tpu.memory_space<vmem>> -> memref<80xi32, #tpu.memory_space<vmem>>
    %dma_wait3A_211 = arith.constant 0 : i32
    %dma_wait3A_212 = arith.constant 0 : i32
    %dma_wait3A_213 = tpu.memref_slice %arg3[%dma_wait3A_211, %dma_wait3A_212] : memref<10000x128xf32, #tpu.memory_space<hbm>> -> memref<10000x128xf32, #tpu.memory_space<hbm>>
    tpu.wait_indirect_dma semaphore(%arg11 : memref<!tpu.dma_semaphore, #tpu.memory_space<semaphore_mem>>) src(%dma_wait3A_213 : memref<10000x128xf32, #tpu.memory_space<hbm>>) dst(%arg7 : memref<80x128xf32, #tpu.memory_space<vmem>>)
    %run_scoped3A_214 = arith.constant 24 : i32
    "tpu.region"() ({
      %run_scoped3A_361 = tpu.sem_alloc : memref<!tpu.dma_semaphore, #tpu.memory_space<semaphore_mem>>
      %dma_start3A_362 = arith.constant 0 : i32
      %dma_start3A_363 = tpu.memref_slice %arg6[%run_scoped3A_214, %dma_start3A_362] : memref<25x80xi32, #tpu.memory_space<vmem>> -> memref<1x80xi32, #tpu.memory_space<vmem>>
      %dma_start3A_364 = tpu.memref_squeeze %dma_start3A_363 : memref<1x80xi32, #tpu.memory_space<vmem>> -> memref<80xi32, #tpu.memory_space<vmem>>
      %dma_start3A_365 = arith.constant 0 : i32
      %dma_start3A_366 = arith.constant 0 : i32
      %dma_start3A_367 = tpu.memref_slice %arg10[%dma_start3A_365, %dma_start3A_366] : memref<10000x128xf32, #tpu.memory_space<vmem_shared>> -> memref<10000x128xf32, #tpu.memory_space<vmem_shared>>
      tpu.enqueue_indirect_dma source(%arg7 : memref<80x128xf32, #tpu.memory_space<vmem>>) target(%dma_start3A_367 : memref<10000x128xf32, #tpu.memory_space<vmem_shared>>) offsets(%dma_start3A_364 : memref<80xi32, #tpu.memory_space<vmem>>) semaphore(%run_scoped3A_361 : memref<!tpu.dma_semaphore, #tpu.memory_space<semaphore_mem>>) {add = true}
      %dma_wait3A_368 = arith.constant 0 : i32
      %dma_wait3A_369 = tpu.memref_slice %arg6[%run_scoped3A_214, %dma_wait3A_368] : memref<25x80xi32, #tpu.memory_space<vmem>> -> memref<1x80xi32, #tpu.memory_space<vmem>>
      %dma_wait3A_370 = tpu.memref_squeeze %dma_wait3A_369 : memref<1x80xi32, #tpu.memory_space<vmem>> -> memref<80xi32, #tpu.memory_space<vmem>>
      %dma_wait3A_371 = arith.constant 0 : i32
      %dma_wait3A_372 = arith.constant 0 : i32
      %dma_wait3A_373 = tpu.memref_slice %arg10[%dma_wait3A_371, %dma_wait3A_372] : memref<10000x128xf32, #tpu.memory_space<vmem_shared>> -> memref<10000x128xf32, #tpu.memory_space<vmem_shared>>
      tpu.wait_indirect_dma semaphore(%run_scoped3A_361 : memref<!tpu.dma_semaphore, #tpu.memory_space<semaphore_mem>>) src(%arg7 : memref<80x128xf32, #tpu.memory_space<vmem>>) dst(%dma_wait3A_373 : memref<10000x128xf32, #tpu.memory_space<vmem_shared>>)
      tpu.yield
    }) : () -> ()
    %run_scoped3A_215 = arith.constant 0 : i32
    %run_scoped3A_216 = arith.constant 3 : i32
    "tpu.region"() ({
      %run_scoped3A_361 = tpu.sem_alloc : memref<!tpu.dma_semaphore, #tpu.memory_space<semaphore_mem>>
      %dma_start3A_362 = arith.constant 0 : i32
      %dma_start3A_363 = arith.constant 0 : i32
      %dma_start3A_364 = tpu.memref_slice %arg2[%run_scoped3A_215, %add3A, %run_scoped3A_216, %dma_start3A_362, %dma_start3A_363] : memref<2x32x5x25x80xi32, #tpu.memory_space<hbm>> -> memref<1x1x1x25x80xi32, #tpu.memory_space<hbm>>
      %dma_start3A_365 = tpu.memref_squeeze %dma_start3A_364 : memref<1x1x1x25x80xi32, #tpu.memory_space<hbm>> -> memref<25x80xi32, #tpu.memory_space<hbm>>
      %dma_start3A_366 = arith.constant 0 : i32
      %dma_start3A_367 = arith.constant 0 : i32
      %dma_start3A_368 = tpu.memref_slice %arg2[%run_scoped3A_215, %add3A, %run_scoped3A_216, %dma_start3A_366, %dma_start3A_367] : memref<2x32x5x25x80xi32, #tpu.memory_space<hbm>> -> memref<1x1x1x25x80xi32, #tpu.memory_space<hbm>>
      %dma_start3A_369 = tpu.memref_squeeze %dma_start3A_368 : memref<1x1x1x25x80xi32, #tpu.memory_space<hbm>> -> memref<25x80xi32, #tpu.memory_space<hbm>>
      tpu.enqueue_dma source(%dma_start3A_369 : memref<25x80xi32, #tpu.memory_space<hbm>>) target(%arg5 : memref<25x80xi32, #tpu.memory_space<vmem>>) target_semaphore(%run_scoped3A_361 : memref<!tpu.dma_semaphore, #tpu.memory_space<semaphore_mem>>)
      %dma_wait3A_370 = arith.constant 0 : i32
      %dma_wait3A_371 = arith.constant 0 : i32
      %dma_wait3A_372 = tpu.memref_slice %arg2[%run_scoped3A_215, %add3A, %run_scoped3A_216, %dma_wait3A_370, %dma_wait3A_371] : memref<2x32x5x25x80xi32, #tpu.memory_space<hbm>> -> memref<1x1x1x25x80xi32, #tpu.memory_space<hbm>>
      %dma_wait3A_373 = tpu.memref_squeeze %dma_wait3A_372 : memref<1x1x1x25x80xi32, #tpu.memory_space<hbm>> -> memref<25x80xi32, #tpu.memory_space<hbm>>
      %dma_wait3A_374 = arith.constant 0 : i32
      %dma_wait3A_375 = arith.constant 0 : i32
      %dma_wait3A_376 = tpu.memref_slice %arg2[%run_scoped3A_215, %add3A, %run_scoped3A_216, %dma_wait3A_374, %dma_wait3A_375] : memref<2x32x5x25x80xi32, #tpu.memory_space<hbm>> -> memref<1x1x1x25x80xi32, #tpu.memory_space<hbm>>
      %dma_wait3A_377 = tpu.memref_squeeze %dma_wait3A_376 : memref<1x1x1x25x80xi32, #tpu.memory_space<hbm>> -> memref<25x80xi32, #tpu.memory_space<hbm>>
      tpu.wait_dma2 semaphore(%run_scoped3A_361 : memref<!tpu.dma_semaphore, #tpu.memory_space<semaphore_mem>>) src(%dma_wait3A_377 : memref<25x80xi32, #tpu.memory_space<hbm>>) dst(%arg5 : memref<25x80xi32, #tpu.memory_space<vmem>>)
      tpu.yield
    }) : () -> ()
    %run_scoped3A_217 = arith.constant 1 : i32
    %run_scoped3A_218 = arith.constant 3 : i32
    "tpu.region"() ({
      %run_scoped3A_361 = tpu.sem_alloc : memref<!tpu.dma_semaphore, #tpu.memory_space<semaphore_mem>>
      %dma_start3A_362 = arith.constant 0 : i32
      %dma_start3A_363 = arith.constant 0 : i32
      %dma_start3A_364 = tpu.memref_slice %arg2[%run_scoped3A_217, %add3A, %run_scoped3A_218, %dma_start3A_362, %dma_start3A_363] : memref<2x32x5x25x80xi32, #tpu.memory_space<hbm>> -> memref<1x1x1x25x80xi32, #tpu.memory_space<hbm>>
      %dma_start3A_365 = tpu.memref_squeeze %dma_start3A_364 : memref<1x1x1x25x80xi32, #tpu.memory_space<hbm>> -> memref<25x80xi32, #tpu.memory_space<hbm>>
      %dma_start3A_366 = arith.constant 0 : i32
      %dma_start3A_367 = arith.constant 0 : i32
      %dma_start3A_368 = tpu.memref_slice %arg2[%run_scoped3A_217, %add3A, %run_scoped3A_218, %dma_start3A_366, %dma_start3A_367] : memref<2x32x5x25x80xi32, #tpu.memory_space<hbm>> -> memref<1x1x1x25x80xi32, #tpu.memory_space<hbm>>
      %dma_start3A_369 = tpu.memref_squeeze %dma_start3A_368 : memref<1x1x1x25x80xi32, #tpu.memory_space<hbm>> -> memref<25x80xi32, #tpu.memory_space<hbm>>
      tpu.enqueue_dma source(%dma_start3A_369 : memref<25x80xi32, #tpu.memory_space<hbm>>) target(%arg6 : memref<25x80xi32, #tpu.memory_space<vmem>>) target_semaphore(%run_scoped3A_361 : memref<!tpu.dma_semaphore, #tpu.memory_space<semaphore_mem>>)
      %dma_wait3A_370 = arith.constant 0 : i32
      %dma_wait3A_371 = arith.constant 0 : i32
      %dma_wait3A_372 = tpu.memref_slice %arg2[%run_scoped3A_217, %add3A, %run_scoped3A_218, %dma_wait3A_370, %dma_wait3A_371] : memref<2x32x5x25x80xi32, #tpu.memory_space<hbm>> -> memref<1x1x1x25x80xi32, #tpu.memory_space<hbm>>
      %dma_wait3A_373 = tpu.memref_squeeze %dma_wait3A_372 : memref<1x1x1x25x80xi32, #tpu.memory_space<hbm>> -> memref<25x80xi32, #tpu.memory_space<hbm>>
      %dma_wait3A_374 = arith.constant 0 : i32
      %dma_wait3A_375 = arith.constant 0 : i32
      %dma_wait3A_376 = tpu.memref_slice %arg2[%run_scoped3A_217, %add3A, %run_scoped3A_218, %dma_wait3A_374, %dma_wait3A_375] : memref<2x32x5x25x80xi32, #tpu.memory_space<hbm>> -> memref<1x1x1x25x80xi32, #tpu.memory_space<hbm>>
      %dma_wait3A_377 = tpu.memref_squeeze %dma_wait3A_376 : memref<1x1x1x25x80xi32, #tpu.memory_space<hbm>> -> memref<25x80xi32, #tpu.memory_space<hbm>>
      tpu.wait_dma2 semaphore(%run_scoped3A_361 : memref<!tpu.dma_semaphore, #tpu.memory_space<semaphore_mem>>) src(%dma_wait3A_377 : memref<25x80xi32, #tpu.memory_space<hbm>>) dst(%arg6 : memref<25x80xi32, #tpu.memory_space<vmem>>)
      tpu.yield
    }) : () -> ()
    %dma_start3A_219 = arith.constant 0 : i32
    %dma_start3A_220 = arith.constant 0 : i32
    %dma_start3A_221 = tpu.memref_slice %arg5[%dma_start3A_219, %dma_start3A_220] : memref<25x80xi32, #tpu.memory_space<vmem>> -> memref<1x80xi32, #tpu.memory_space<vmem>>
    %dma_start3A_222 = tpu.memref_squeeze %dma_start3A_221 : memref<1x80xi32, #tpu.memory_space<vmem>> -> memref<80xi32, #tpu.memory_space<vmem>>
    %dma_start3A_223 = arith.constant 0 : i32
    %dma_start3A_224 = arith.constant 0 : i32
    %dma_start3A_225 = tpu.memref_slice %arg3[%dma_start3A_223, %dma_start3A_224] : memref<10000x128xf32, #tpu.memory_space<hbm>> -> memref<10000x128xf32, #tpu.memory_space<hbm>>
    tpu.enqueue_indirect_dma source(%dma_start3A_225 : memref<10000x128xf32, #tpu.memory_space<hbm>>) target(%arg7 : memref<80x128xf32, #tpu.memory_space<vmem>>) offsets(%dma_start3A_222 : memref<80xi32, #tpu.memory_space<vmem>>) semaphore(%arg11 : memref<!tpu.dma_semaphore, #tpu.memory_space<semaphore_mem>>)
    %dma_start3A_226 = arith.constant 1 : i32
    %dma_start3A_227 = arith.constant 0 : i32
    %dma_start3A_228 = tpu.memref_slice %arg5[%dma_start3A_226, %dma_start3A_227] : memref<25x80xi32, #tpu.memory_space<vmem>> -> memref<1x80xi32, #tpu.memory_space<vmem>>
    %dma_start3A_229 = tpu.memref_squeeze %dma_start3A_228 : memref<1x80xi32, #tpu.memory_space<vmem>> -> memref<80xi32, #tpu.memory_space<vmem>>
    %dma_start3A_230 = arith.constant 0 : i32
    %dma_start3A_231 = arith.constant 0 : i32
    %dma_start3A_232 = tpu.memref_slice %arg3[%dma_start3A_230, %dma_start3A_231] : memref<10000x128xf32, #tpu.memory_space<hbm>> -> memref<10000x128xf32, #tpu.memory_space<hbm>>
    tpu.enqueue_indirect_dma source(%dma_start3A_232 : memref<10000x128xf32, #tpu.memory_space<hbm>>) target(%arg8 : memref<80x128xf32, #tpu.memory_space<vmem>>) offsets(%dma_start3A_229 : memref<80xi32, #tpu.memory_space<vmem>>) semaphore(%arg12 : memref<!tpu.dma_semaphore, #tpu.memory_space<semaphore_mem>>)
    %dma_start3A_233 = arith.constant 2 : i32
    %dma_start3A_234 = arith.constant 0 : i32
    %dma_start3A_235 = tpu.memref_slice %arg5[%dma_start3A_233, %dma_start3A_234] : memref<25x80xi32, #tpu.memory_space<vmem>> -> memref<1x80xi32, #tpu.memory_space<vmem>>
    %dma_start3A_236 = tpu.memref_squeeze %dma_start3A_235 : memref<1x80xi32, #tpu.memory_space<vmem>> -> memref<80xi32, #tpu.memory_space<vmem>>
    %dma_start3A_237 = arith.constant 0 : i32
    %dma_start3A_238 = arith.constant 0 : i32
    %dma_start3A_239 = tpu.memref_slice %arg3[%dma_start3A_237, %dma_start3A_238] : memref<10000x128xf32, #tpu.memory_space<hbm>> -> memref<10000x128xf32, #tpu.memory_space<hbm>>
    tpu.enqueue_indirect_dma source(%dma_start3A_239 : memref<10000x128xf32, #tpu.memory_space<hbm>>) target(%arg9 : memref<80x128xf32, #tpu.memory_space<vmem>>) offsets(%dma_start3A_236 : memref<80xi32, #tpu.memory_space<vmem>>) semaphore(%arg13 : memref<!tpu.dma_semaphore, #tpu.memory_space<semaphore_mem>>)
    %scan3A_240 = arith.constant 0 : i32
    %scan3A_241 = arith.constant 0 : i32
    %scan3A_242 = arith.constant 7 : i32
    %scan3A_243 = arith.addi %scan3A_241, %scan3A_242 : i32
    %scan3A_244 = arith.constant 1 : i32
    scf.for %scan3A_361 = %scan3A_241 to %scan3A_243 step %scan3A_244  : i32 {
      %mul3A_362 = arith.constant 3 : i32
      %mul3A_363 = arith.muli %scan3A_361, %mul3A_362 : i32
      %dma_wait3A_364 = arith.constant 0 : i32
      %dma_wait3A_365 = tpu.memref_slice %arg5[%mul3A_363, %dma_wait3A_364] : memref<25x80xi32, #tpu.memory_space<vmem>> -> memref<1x80xi32, #tpu.memory_space<vmem>>
      %dma_wait3A_366 = tpu.memref_squeeze %dma_wait3A_365 : memref<1x80xi32, #tpu.memory_space<vmem>> -> memref<80xi32, #tpu.memory_space<vmem>>
      %dma_wait3A_367 = arith.constant 0 : i32
      %dma_wait3A_368 = arith.constant 0 : i32
      %dma_wait3A_369 = tpu.memref_slice %arg3[%dma_wait3A_367, %dma_wait3A_368] : memref<10000x128xf32, #tpu.memory_space<hbm>> -> memref<10000x128xf32, #tpu.memory_space<hbm>>
      tpu.wait_indirect_dma semaphore(%arg11 : memref<!tpu.dma_semaphore, #tpu.memory_space<semaphore_mem>>) src(%dma_wait3A_369 : memref<10000x128xf32, #tpu.memory_space<hbm>>) dst(%arg7 : memref<80x128xf32, #tpu.memory_space<vmem>>)
      %dma_start3A_370 = arith.constant 0 : i32
      %dma_start3A_371 = tpu.memref_slice %arg6[%mul3A_363, %dma_start3A_370] : memref<25x80xi32, #tpu.memory_space<vmem>> -> memref<1x80xi32, #tpu.memory_space<vmem>>
      %dma_start3A_372 = tpu.memref_squeeze %dma_start3A_371 : memref<1x80xi32, #tpu.memory_space<vmem>> -> memref<80xi32, #tpu.memory_space<vmem>>
      %dma_start3A_373 = arith.constant 0 : i32
      %dma_start3A_374 = arith.constant 0 : i32
      %dma_start3A_375 = tpu.memref_slice %arg10[%dma_start3A_373, %dma_start3A_374] : memref<10000x128xf32, #tpu.memory_space<vmem_shared>> -> memref<10000x128xf32, #tpu.memory_space<vmem_shared>>
      tpu.enqueue_indirect_dma source(%arg7 : memref<80x128xf32, #tpu.memory_space<vmem>>) target(%dma_start3A_375 : memref<10000x128xf32, #tpu.memory_space<vmem_shared>>) offsets(%dma_start3A_372 : memref<80xi32, #tpu.memory_space<vmem>>) semaphore(%arg14 : memref<!tpu.dma_semaphore, #tpu.memory_space<semaphore_mem>>) {add = true}
      %add3A_376 = arith.constant 1 : i32
      %add3A_377 = arith.addi %mul3A_363, %add3A_376 : i32
      %dma_wait3A_378 = arith.constant 0 : i32
      %dma_wait3A_379 = tpu.memref_slice %arg5[%add3A_377, %dma_wait3A_378] : memref<25x80xi32, #tpu.memory_space<vmem>> -> memref<1x80xi32, #tpu.memory_space<vmem>>
      %dma_wait3A_380 = tpu.memref_squeeze %dma_wait3A_379 : memref<1x80xi32, #tpu.memory_space<vmem>> -> memref<80xi32, #tpu.memory_space<vmem>>
      %dma_wait3A_381 = arith.constant 0 : i32
      %dma_wait3A_382 = arith.constant 0 : i32
      %dma_wait3A_383 = tpu.memref_slice %arg3[%dma_wait3A_381, %dma_wait3A_382] : memref<10000x128xf32, #tpu.memory_space<hbm>> -> memref<10000x128xf32, #tpu.memory_space<hbm>>
      tpu.wait_indirect_dma semaphore(%arg12 : memref<!tpu.dma_semaphore, #tpu.memory_space<semaphore_mem>>) src(%dma_wait3A_383 : memref<10000x128xf32, #tpu.memory_space<hbm>>) dst(%arg8 : memref<80x128xf32, #tpu.memory_space<vmem>>)
      %add3A_384 = arith.constant 1 : i32
      %add3A_385 = arith.addi %mul3A_363, %add3A_384 : i32
      %dma_start3A_386 = arith.constant 0 : i32
      %dma_start3A_387 = tpu.memref_slice %arg6[%add3A_385, %dma_start3A_386] : memref<25x80xi32, #tpu.memory_space<vmem>> -> memref<1x80xi32, #tpu.memory_space<vmem>>
      %dma_start3A_388 = tpu.memref_squeeze %dma_start3A_387 : memref<1x80xi32, #tpu.memory_space<vmem>> -> memref<80xi32, #tpu.memory_space<vmem>>
      %dma_start3A_389 = arith.constant 0 : i32
      %dma_start3A_390 = arith.constant 0 : i32
      %dma_start3A_391 = tpu.memref_slice %arg10[%dma_start3A_389, %dma_start3A_390] : memref<10000x128xf32, #tpu.memory_space<vmem_shared>> -> memref<10000x128xf32, #tpu.memory_space<vmem_shared>>
      tpu.enqueue_indirect_dma source(%arg8 : memref<80x128xf32, #tpu.memory_space<vmem>>) target(%dma_start3A_391 : memref<10000x128xf32, #tpu.memory_space<vmem_shared>>) offsets(%dma_start3A_388 : memref<80xi32, #tpu.memory_space<vmem>>) semaphore(%arg15 : memref<!tpu.dma_semaphore, #tpu.memory_space<semaphore_mem>>) {add = true}
      %add3A_392 = arith.constant 2 : i32
      %add3A_393 = arith.addi %mul3A_363, %add3A_392 : i32
      %dma_wait3A_394 = arith.constant 0 : i32
      %dma_wait3A_395 = tpu.memref_slice %arg5[%add3A_393, %dma_wait3A_394] : memref<25x80xi32, #tpu.memory_space<vmem>> -> memref<1x80xi32, #tpu.memory_space<vmem>>
      %dma_wait3A_396 = tpu.memref_squeeze %dma_wait3A_395 : memref<1x80xi32, #tpu.memory_space<vmem>> -> memref<80xi32, #tpu.memory_space<vmem>>
      %dma_wait3A_397 = arith.constant 0 : i32
      %dma_wait3A_398 = arith.constant 0 : i32
      %dma_wait3A_399 = tpu.memref_slice %arg3[%dma_wait3A_397, %dma_wait3A_398] : memref<10000x128xf32, #tpu.memory_space<hbm>> -> memref<10000x128xf32, #tpu.memory_space<hbm>>
      tpu.wait_indirect_dma semaphore(%arg13 : memref<!tpu.dma_semaphore, #tpu.memory_space<semaphore_mem>>) src(%dma_wait3A_399 : memref<10000x128xf32, #tpu.memory_space<hbm>>) dst(%arg9 : memref<80x128xf32, #tpu.memory_space<vmem>>)
      %add3A_400 = arith.constant 2 : i32
      %add3A_401 = arith.addi %mul3A_363, %add3A_400 : i32
      %dma_start3A_402 = arith.constant 0 : i32
      %dma_start3A_403 = tpu.memref_slice %arg6[%add3A_401, %dma_start3A_402] : memref<25x80xi32, #tpu.memory_space<vmem>> -> memref<1x80xi32, #tpu.memory_space<vmem>>
      %dma_start3A_404 = tpu.memref_squeeze %dma_start3A_403 : memref<1x80xi32, #tpu.memory_space<vmem>> -> memref<80xi32, #tpu.memory_space<vmem>>
      %dma_start3A_405 = arith.constant 0 : i32
      %dma_start3A_406 = arith.constant 0 : i32
      %dma_start3A_407 = tpu.memref_slice %arg10[%dma_start3A_405, %dma_start3A_406] : memref<10000x128xf32, #tpu.memory_space<vmem_shared>> -> memref<10000x128xf32, #tpu.memory_space<vmem_shared>>
      tpu.enqueue_indirect_dma source(%arg9 : memref<80x128xf32, #tpu.memory_space<vmem>>) target(%dma_start3A_407 : memref<10000x128xf32, #tpu.memory_space<vmem_shared>>) offsets(%dma_start3A_404 : memref<80xi32, #tpu.memory_space<vmem>>) semaphore(%arg16 : memref<!tpu.dma_semaphore, #tpu.memory_space<semaphore_mem>>) {add = true}
      %dma_wait3A_408 = arith.constant 0 : i32
      %dma_wait3A_409 = tpu.memref_slice %arg6[%mul3A_363, %dma_wait3A_408] : memref<25x80xi32, #tpu.memory_space<vmem>> -> memref<1x80xi32, #tpu.memory_space<vmem>>
      %dma_wait3A_410 = tpu.memref_squeeze %dma_wait3A_409 : memref<1x80xi32, #tpu.memory_space<vmem>> -> memref<80xi32, #tpu.memory_space<vmem>>
      %dma_wait3A_411 = arith.constant 0 : i32
      %dma_wait3A_412 = arith.constant 0 : i32
      %dma_wait3A_413 = tpu.memref_slice %arg10[%dma_wait3A_411, %dma_wait3A_412] : memref<10000x128xf32, #tpu.memory_space<vmem_shared>> -> memref<10000x128xf32, #tpu.memory_space<vmem_shared>>
      tpu.wait_indirect_dma semaphore(%arg14 : memref<!tpu.dma_semaphore, #tpu.memory_space<semaphore_mem>>) src(%arg7 : memref<80x128xf32, #tpu.memory_space<vmem>>) dst(%dma_wait3A_413 : memref<10000x128xf32, #tpu.memory_space<vmem_shared>>)
      %add3A_414 = arith.constant 3 : i32
      %add3A_415 = arith.addi %mul3A_363, %add3A_414 : i32
      %dma_start3A_416 = arith.constant 0 : i32
      %dma_start3A_417 = tpu.memref_slice %arg5[%add3A_415, %dma_start3A_416] : memref<25x80xi32, #tpu.memory_space<vmem>> -> memref<1x80xi32, #tpu.memory_space<vmem>>
      %dma_start3A_418 = tpu.memref_squeeze %dma_start3A_417 : memref<1x80xi32, #tpu.memory_space<vmem>> -> memref<80xi32, #tpu.memory_space<vmem>>
      %dma_start3A_419 = arith.constant 0 : i32
      %dma_start3A_420 = arith.constant 0 : i32
      %dma_start3A_421 = tpu.memref_slice %arg3[%dma_start3A_419, %dma_start3A_420] : memref<10000x128xf32, #tpu.memory_space<hbm>> -> memref<10000x128xf32, #tpu.memory_space<hbm>>
      tpu.enqueue_indirect_dma source(%dma_start3A_421 : memref<10000x128xf32, #tpu.memory_space<hbm>>) target(%arg7 : memref<80x128xf32, #tpu.memory_space<vmem>>) offsets(%dma_start3A_418 : memref<80xi32, #tpu.memory_space<vmem>>) semaphore(%arg11 : memref<!tpu.dma_semaphore, #tpu.memory_space<semaphore_mem>>)
      %add3A_422 = arith.constant 1 : i32
      %add3A_423 = arith.addi %mul3A_363, %add3A_422 : i32
      %dma_wait3A_424 = arith.constant 0 : i32
      %dma_wait3A_425 = tpu.memref_slice %arg6[%add3A_423, %dma_wait3A_424] : memref<25x80xi32, #tpu.memory_space<vmem>> -> memref<1x80xi32, #tpu.memory_space<vmem>>
      %dma_wait3A_426 = tpu.memref_squeeze %dma_wait3A_425 : memref<1x80xi32, #tpu.memory_space<vmem>> -> memref<80xi32, #tpu.memory_space<vmem>>
      %dma_wait3A_427 = arith.constant 0 : i32
      %dma_wait3A_428 = arith.constant 0 : i32
      %dma_wait3A_429 = tpu.memref_slice %arg10[%dma_wait3A_427, %dma_wait3A_428] : memref<10000x128xf32, #tpu.memory_space<vmem_shared>> -> memref<10000x128xf32, #tpu.memory_space<vmem_shared>>
      tpu.wait_indirect_dma semaphore(%arg15 : memref<!tpu.dma_semaphore, #tpu.memory_space<semaphore_mem>>) src(%arg8 : memref<80x128xf32, #tpu.memory_space<vmem>>) dst(%dma_wait3A_429 : memref<10000x128xf32, #tpu.memory_space<vmem_shared>>)
      %add3A_430 = arith.constant 4 : i32
      %add3A_431 = arith.addi %mul3A_363, %add3A_430 : i32
      %dma_start3A_432 = arith.constant 0 : i32
      %dma_start3A_433 = tpu.memref_slice %arg5[%add3A_431, %dma_start3A_432] : memref<25x80xi32, #tpu.memory_space<vmem>> -> memref<1x80xi32, #tpu.memory_space<vmem>>
      %dma_start3A_434 = tpu.memref_squeeze %dma_start3A_433 : memref<1x80xi32, #tpu.memory_space<vmem>> -> memref<80xi32, #tpu.memory_space<vmem>>
      %dma_start3A_435 = arith.constant 0 : i32
      %dma_start3A_436 = arith.constant 0 : i32
      %dma_start3A_437 = tpu.memref_slice %arg3[%dma_start3A_435, %dma_start3A_436] : memref<10000x128xf32, #tpu.memory_space<hbm>> -> memref<10000x128xf32, #tpu.memory_space<hbm>>
      tpu.enqueue_indirect_dma source(%dma_start3A_437 : memref<10000x128xf32, #tpu.memory_space<hbm>>) target(%arg8 : memref<80x128xf32, #tpu.memory_space<vmem>>) offsets(%dma_start3A_434 : memref<80xi32, #tpu.memory_space<vmem>>) semaphore(%arg12 : memref<!tpu.dma_semaphore, #tpu.memory_space<semaphore_mem>>)
      %add3A_438 = arith.constant 2 : i32
      %add3A_439 = arith.addi %mul3A_363, %add3A_438 : i32
      %dma_wait3A_440 = arith.constant 0 : i32
      %dma_wait3A_441 = tpu.memref_slice %arg6[%add3A_439, %dma_wait3A_440] : memref<25x80xi32, #tpu.memory_space<vmem>> -> memref<1x80xi32, #tpu.memory_space<vmem>>
      %dma_wait3A_442 = tpu.memref_squeeze %dma_wait3A_441 : memref<1x80xi32, #tpu.memory_space<vmem>> -> memref<80xi32, #tpu.memory_space<vmem>>
      %dma_wait3A_443 = arith.constant 0 : i32
      %dma_wait3A_444 = arith.constant 0 : i32
      %dma_wait3A_445 = tpu.memref_slice %arg10[%dma_wait3A_443, %dma_wait3A_444] : memref<10000x128xf32, #tpu.memory_space<vmem_shared>> -> memref<10000x128xf32, #tpu.memory_space<vmem_shared>>
      tpu.wait_indirect_dma semaphore(%arg16 : memref<!tpu.dma_semaphore, #tpu.memory_space<semaphore_mem>>) src(%arg9 : memref<80x128xf32, #tpu.memory_space<vmem>>) dst(%dma_wait3A_445 : memref<10000x128xf32, #tpu.memory_space<vmem_shared>>)
      %add3A_446 = arith.constant 5 : i32
      %add3A_447 = arith.addi %mul3A_363, %add3A_446 : i32
      %dma_start3A_448 = arith.constant 0 : i32
      %dma_start3A_449 = tpu.memref_slice %arg5[%add3A_447, %dma_start3A_448] : memref<25x80xi32, #tpu.memory_space<vmem>> -> memref<1x80xi32, #tpu.memory_space<vmem>>
      %dma_start3A_450 = tpu.memref_squeeze %dma_start3A_449 : memref<1x80xi32, #tpu.memory_space<vmem>> -> memref<80xi32, #tpu.memory_space<vmem>>
      %dma_start3A_451 = arith.constant 0 : i32
      %dma_start3A_452 = arith.constant 0 : i32
      %dma_start3A_453 = tpu.memref_slice %arg3[%dma_start3A_451, %dma_start3A_452] : memref<10000x128xf32, #tpu.memory_space<hbm>> -> memref<10000x128xf32, #tpu.memory_space<hbm>>
      tpu.enqueue_indirect_dma source(%dma_start3A_453 : memref<10000x128xf32, #tpu.memory_space<hbm>>) target(%arg9 : memref<80x128xf32, #tpu.memory_space<vmem>>) offsets(%dma_start3A_450 : memref<80xi32, #tpu.memory_space<vmem>>) semaphore(%arg13 : memref<!tpu.dma_semaphore, #tpu.memory_space<semaphore_mem>>)
    }
    %scan3A_245 = arith.constant 7 : i32
    %dma_wait3A_246 = arith.constant 21 : i32
    %dma_wait3A_247 = arith.constant 0 : i32
    %dma_wait3A_248 = tpu.memref_slice %arg5[%dma_wait3A_246, %dma_wait3A_247] : memref<25x80xi32, #tpu.memory_space<vmem>> -> memref<1x80xi32, #tpu.memory_space<vmem>>
    %dma_wait3A_249 = tpu.memref_squeeze %dma_wait3A_248 : memref<1x80xi32, #tpu.memory_space<vmem>> -> memref<80xi32, #tpu.memory_space<vmem>>
    %dma_wait3A_250 = arith.constant 0 : i32
    %dma_wait3A_251 = arith.constant 0 : i32
    %dma_wait3A_252 = tpu.memref_slice %arg3[%dma_wait3A_250, %dma_wait3A_251] : memref<10000x128xf32, #tpu.memory_space<hbm>> -> memref<10000x128xf32, #tpu.memory_space<hbm>>
    tpu.wait_indirect_dma semaphore(%arg11 : memref<!tpu.dma_semaphore, #tpu.memory_space<semaphore_mem>>) src(%dma_wait3A_252 : memref<10000x128xf32, #tpu.memory_space<hbm>>) dst(%arg7 : memref<80x128xf32, #tpu.memory_space<vmem>>)
    %run_scoped3A_253 = arith.constant 21 : i32
    "tpu.region"() ({
      %run_scoped3A_361 = tpu.sem_alloc : memref<!tpu.dma_semaphore, #tpu.memory_space<semaphore_mem>>
      %dma_start3A_362 = arith.constant 0 : i32
      %dma_start3A_363 = tpu.memref_slice %arg6[%run_scoped3A_253, %dma_start3A_362] : memref<25x80xi32, #tpu.memory_space<vmem>> -> memref<1x80xi32, #tpu.memory_space<vmem>>
      %dma_start3A_364 = tpu.memref_squeeze %dma_start3A_363 : memref<1x80xi32, #tpu.memory_space<vmem>> -> memref<80xi32, #tpu.memory_space<vmem>>
      %dma_start3A_365 = arith.constant 0 : i32
      %dma_start3A_366 = arith.constant 0 : i32
      %dma_start3A_367 = tpu.memref_slice %arg10[%dma_start3A_365, %dma_start3A_366] : memref<10000x128xf32, #tpu.memory_space<vmem_shared>> -> memref<10000x128xf32, #tpu.memory_space<vmem_shared>>
      tpu.enqueue_indirect_dma source(%arg7 : memref<80x128xf32, #tpu.memory_space<vmem>>) target(%dma_start3A_367 : memref<10000x128xf32, #tpu.memory_space<vmem_shared>>) offsets(%dma_start3A_364 : memref<80xi32, #tpu.memory_space<vmem>>) semaphore(%run_scoped3A_361 : memref<!tpu.dma_semaphore, #tpu.memory_space<semaphore_mem>>) {add = true}
      %dma_wait3A_368 = arith.constant 0 : i32
      %dma_wait3A_369 = tpu.memref_slice %arg6[%run_scoped3A_253, %dma_wait3A_368] : memref<25x80xi32, #tpu.memory_space<vmem>> -> memref<1x80xi32, #tpu.memory_space<vmem>>
      %dma_wait3A_370 = tpu.memref_squeeze %dma_wait3A_369 : memref<1x80xi32, #tpu.memory_space<vmem>> -> memref<80xi32, #tpu.memory_space<vmem>>
      %dma_wait3A_371 = arith.constant 0 : i32
      %dma_wait3A_372 = arith.constant 0 : i32
      %dma_wait3A_373 = tpu.memref_slice %arg10[%dma_wait3A_371, %dma_wait3A_372] : memref<10000x128xf32, #tpu.memory_space<vmem_shared>> -> memref<10000x128xf32, #tpu.memory_space<vmem_shared>>
      tpu.wait_indirect_dma semaphore(%run_scoped3A_361 : memref<!tpu.dma_semaphore, #tpu.memory_space<semaphore_mem>>) src(%arg7 : memref<80x128xf32, #tpu.memory_space<vmem>>) dst(%dma_wait3A_373 : memref<10000x128xf32, #tpu.memory_space<vmem_shared>>)
      tpu.yield
    }) : () -> ()
    %dma_wait3A_254 = arith.constant 22 : i32
    %dma_wait3A_255 = arith.constant 0 : i32
    %dma_wait3A_256 = tpu.memref_slice %arg5[%dma_wait3A_254, %dma_wait3A_255] : memref<25x80xi32, #tpu.memory_space<vmem>> -> memref<1x80xi32, #tpu.memory_space<vmem>>
    %dma_wait3A_257 = tpu.memref_squeeze %dma_wait3A_256 : memref<1x80xi32, #tpu.memory_space<vmem>> -> memref<80xi32, #tpu.memory_space<vmem>>
    %dma_wait3A_258 = arith.constant 0 : i32
    %dma_wait3A_259 = arith.constant 0 : i32
    %dma_wait3A_260 = tpu.memref_slice %arg3[%dma_wait3A_258, %dma_wait3A_259] : memref<10000x128xf32, #tpu.memory_space<hbm>> -> memref<10000x128xf32, #tpu.memory_space<hbm>>
    tpu.wait_indirect_dma semaphore(%arg12 : memref<!tpu.dma_semaphore, #tpu.memory_space<semaphore_mem>>) src(%dma_wait3A_260 : memref<10000x128xf32, #tpu.memory_space<hbm>>) dst(%arg8 : memref<80x128xf32, #tpu.memory_space<vmem>>)
    %run_scoped3A_261 = arith.constant 22 : i32
    "tpu.region"() ({
      %run_scoped3A_361 = tpu.sem_alloc : memref<!tpu.dma_semaphore, #tpu.memory_space<semaphore_mem>>
      %dma_start3A_362 = arith.constant 0 : i32
      %dma_start3A_363 = tpu.memref_slice %arg6[%run_scoped3A_261, %dma_start3A_362] : memref<25x80xi32, #tpu.memory_space<vmem>> -> memref<1x80xi32, #tpu.memory_space<vmem>>
      %dma_start3A_364 = tpu.memref_squeeze %dma_start3A_363 : memref<1x80xi32, #tpu.memory_space<vmem>> -> memref<80xi32, #tpu.memory_space<vmem>>
      %dma_start3A_365 = arith.constant 0 : i32
      %dma_start3A_366 = arith.constant 0 : i32
      %dma_start3A_367 = tpu.memref_slice %arg10[%dma_start3A_365, %dma_start3A_366] : memref<10000x128xf32, #tpu.memory_space<vmem_shared>> -> memref<10000x128xf32, #tpu.memory_space<vmem_shared>>
      tpu.enqueue_indirect_dma source(%arg8 : memref<80x128xf32, #tpu.memory_space<vmem>>) target(%dma_start3A_367 : memref<10000x128xf32, #tpu.memory_space<vmem_shared>>) offsets(%dma_start3A_364 : memref<80xi32, #tpu.memory_space<vmem>>) semaphore(%run_scoped3A_361 : memref<!tpu.dma_semaphore, #tpu.memory_space<semaphore_mem>>) {add = true}
      %dma_wait3A_368 = arith.constant 0 : i32
      %dma_wait3A_369 = tpu.memref_slice %arg6[%run_scoped3A_261, %dma_wait3A_368] : memref<25x80xi32, #tpu.memory_space<vmem>> -> memref<1x80xi32, #tpu.memory_space<vmem>>
      %dma_wait3A_370 = tpu.memref_squeeze %dma_wait3A_369 : memref<1x80xi32, #tpu.memory_space<vmem>> -> memref<80xi32, #tpu.memory_space<vmem>>
      %dma_wait3A_371 = arith.constant 0 : i32
      %dma_wait3A_372 = arith.constant 0 : i32
      %dma_wait3A_373 = tpu.memref_slice %arg10[%dma_wait3A_371, %dma_wait3A_372] : memref<10000x128xf32, #tpu.memory_space<vmem_shared>> -> memref<10000x128xf32, #tpu.memory_space<vmem_shared>>
      tpu.wait_indirect_dma semaphore(%run_scoped3A_361 : memref<!tpu.dma_semaphore, #tpu.memory_space<semaphore_mem>>) src(%arg8 : memref<80x128xf32, #tpu.memory_space<vmem>>) dst(%dma_wait3A_373 : memref<10000x128xf32, #tpu.memory_space<vmem_shared>>)
      tpu.yield
    }) : () -> ()
    %dma_wait3A_262 = arith.constant 23 : i32
    %dma_wait3A_263 = arith.constant 0 : i32
    %dma_wait3A_264 = tpu.memref_slice %arg5[%dma_wait3A_262, %dma_wait3A_263] : memref<25x80xi32, #tpu.memory_space<vmem>> -> memref<1x80xi32, #tpu.memory_space<vmem>>
    %dma_wait3A_265 = tpu.memref_squeeze %dma_wait3A_264 : memref<1x80xi32, #tpu.memory_space<vmem>> -> memref<80xi32, #tpu.memory_space<vmem>>
    %dma_wait3A_266 = arith.constant 0 : i32
    %dma_wait3A_267 = arith.constant 0 : i32
    %dma_wait3A_268 = tpu.memref_slice %arg3[%dma_wait3A_266, %dma_wait3A_267] : memref<10000x128xf32, #tpu.memory_space<hbm>> -> memref<10000x128xf32, #tpu.memory_space<hbm>>
    tpu.wait_indirect_dma semaphore(%arg13 : memref<!tpu.dma_semaphore, #tpu.memory_space<semaphore_mem>>) src(%dma_wait3A_268 : memref<10000x128xf32, #tpu.memory_space<hbm>>) dst(%arg9 : memref<80x128xf32, #tpu.memory_space<vmem>>)
    %run_scoped3A_269 = arith.constant 23 : i32
    "tpu.region"() ({
      %run_scoped3A_361 = tpu.sem_alloc : memref<!tpu.dma_semaphore, #tpu.memory_space<semaphore_mem>>
      %dma_start3A_362 = arith.constant 0 : i32
      %dma_start3A_363 = tpu.memref_slice %arg6[%run_scoped3A_269, %dma_start3A_362] : memref<25x80xi32, #tpu.memory_space<vmem>> -> memref<1x80xi32, #tpu.memory_space<vmem>>
      %dma_start3A_364 = tpu.memref_squeeze %dma_start3A_363 : memref<1x80xi32, #tpu.memory_space<vmem>> -> memref<80xi32, #tpu.memory_space<vmem>>
      %dma_start3A_365 = arith.constant 0 : i32
      %dma_start3A_366 = arith.constant 0 : i32
      %dma_start3A_367 = tpu.memref_slice %arg10[%dma_start3A_365, %dma_start3A_366] : memref<10000x128xf32, #tpu.memory_space<vmem_shared>> -> memref<10000x128xf32, #tpu.memory_space<vmem_shared>>
      tpu.enqueue_indirect_dma source(%arg9 : memref<80x128xf32, #tpu.memory_space<vmem>>) target(%dma_start3A_367 : memref<10000x128xf32, #tpu.memory_space<vmem_shared>>) offsets(%dma_start3A_364 : memref<80xi32, #tpu.memory_space<vmem>>) semaphore(%run_scoped3A_361 : memref<!tpu.dma_semaphore, #tpu.memory_space<semaphore_mem>>) {add = true}
      %dma_wait3A_368 = arith.constant 0 : i32
      %dma_wait3A_369 = tpu.memref_slice %arg6[%run_scoped3A_269, %dma_wait3A_368] : memref<25x80xi32, #tpu.memory_space<vmem>> -> memref<1x80xi32, #tpu.memory_space<vmem>>
      %dma_wait3A_370 = tpu.memref_squeeze %dma_wait3A_369 : memref<1x80xi32, #tpu.memory_space<vmem>> -> memref<80xi32, #tpu.memory_space<vmem>>
      %dma_wait3A_371 = arith.constant 0 : i32
      %dma_wait3A_372 = arith.constant 0 : i32
      %dma_wait3A_373 = tpu.memref_slice %arg10[%dma_wait3A_371, %dma_wait3A_372] : memref<10000x128xf32, #tpu.memory_space<vmem_shared>> -> memref<10000x128xf32, #tpu.memory_space<vmem_shared>>
      tpu.wait_indirect_dma semaphore(%run_scoped3A_361 : memref<!tpu.dma_semaphore, #tpu.memory_space<semaphore_mem>>) src(%arg9 : memref<80x128xf32, #tpu.memory_space<vmem>>) dst(%dma_wait3A_373 : memref<10000x128xf32, #tpu.memory_space<vmem_shared>>)
      tpu.yield
    }) : () -> ()
    %dma_start3A_270 = arith.constant 24 : i32
    %dma_start3A_271 = arith.constant 0 : i32
    %dma_start3A_272 = tpu.memref_slice %arg5[%dma_start3A_270, %dma_start3A_271] : memref<25x80xi32, #tpu.memory_space<vmem>> -> memref<1x80xi32, #tpu.memory_space<vmem>>
    %dma_start3A_273 = tpu.memref_squeeze %dma_start3A_272 : memref<1x80xi32, #tpu.memory_space<vmem>> -> memref<80xi32, #tpu.memory_space<vmem>>
    %dma_start3A_274 = arith.constant 0 : i32
    %dma_start3A_275 = arith.constant 0 : i32
    %dma_start3A_276 = tpu.memref_slice %arg3[%dma_start3A_274, %dma_start3A_275] : memref<10000x128xf32, #tpu.memory_space<hbm>> -> memref<10000x128xf32, #tpu.memory_space<hbm>>
    tpu.enqueue_indirect_dma source(%dma_start3A_276 : memref<10000x128xf32, #tpu.memory_space<hbm>>) target(%arg7 : memref<80x128xf32, #tpu.memory_space<vmem>>) offsets(%dma_start3A_273 : memref<80xi32, #tpu.memory_space<vmem>>) semaphore(%arg11 : memref<!tpu.dma_semaphore, #tpu.memory_space<semaphore_mem>>)
    %dma_wait3A_277 = arith.constant 24 : i32
    %dma_wait3A_278 = arith.constant 0 : i32
    %dma_wait3A_279 = tpu.memref_slice %arg5[%dma_wait3A_277, %dma_wait3A_278] : memref<25x80xi32, #tpu.memory_space<vmem>> -> memref<1x80xi32, #tpu.memory_space<vmem>>
    %dma_wait3A_280 = tpu.memref_squeeze %dma_wait3A_279 : memref<1x80xi32, #tpu.memory_space<vmem>> -> memref<80xi32, #tpu.memory_space<vmem>>
    %dma_wait3A_281 = arith.constant 0 : i32
    %dma_wait3A_282 = arith.constant 0 : i32
    %dma_wait3A_283 = tpu.memref_slice %arg3[%dma_wait3A_281, %dma_wait3A_282] : memref<10000x128xf32, #tpu.memory_space<hbm>> -> memref<10000x128xf32, #tpu.memory_space<hbm>>
    tpu.wait_indirect_dma semaphore(%arg11 : memref<!tpu.dma_semaphore, #tpu.memory_space<semaphore_mem>>) src(%dma_wait3A_283 : memref<10000x128xf32, #tpu.memory_space<hbm>>) dst(%arg7 : memref<80x128xf32, #tpu.memory_space<vmem>>)
    %run_scoped3A_284 = arith.constant 24 : i32
    "tpu.region"() ({
      %run_scoped3A_361 = tpu.sem_alloc : memref<!tpu.dma_semaphore, #tpu.memory_space<semaphore_mem>>
      %dma_start3A_362 = arith.constant 0 : i32
      %dma_start3A_363 = tpu.memref_slice %arg6[%run_scoped3A_284, %dma_start3A_362] : memref<25x80xi32, #tpu.memory_space<vmem>> -> memref<1x80xi32, #tpu.memory_space<vmem>>
      %dma_start3A_364 = tpu.memref_squeeze %dma_start3A_363 : memref<1x80xi32, #tpu.memory_space<vmem>> -> memref<80xi32, #tpu.memory_space<vmem>>
      %dma_start3A_365 = arith.constant 0 : i32
      %dma_start3A_366 = arith.constant 0 : i32
      %dma_start3A_367 = tpu.memref_slice %arg10[%dma_start3A_365, %dma_start3A_366] : memref<10000x128xf32, #tpu.memory_space<vmem_shared>> -> memref<10000x128xf32, #tpu.memory_space<vmem_shared>>
      tpu.enqueue_indirect_dma source(%arg7 : memref<80x128xf32, #tpu.memory_space<vmem>>) target(%dma_start3A_367 : memref<10000x128xf32, #tpu.memory_space<vmem_shared>>) offsets(%dma_start3A_364 : memref<80xi32, #tpu.memory_space<vmem>>) semaphore(%run_scoped3A_361 : memref<!tpu.dma_semaphore, #tpu.memory_space<semaphore_mem>>) {add = true}
      %dma_wait3A_368 = arith.constant 0 : i32
      %dma_wait3A_369 = tpu.memref_slice %arg6[%run_scoped3A_284, %dma_wait3A_368] : memref<25x80xi32, #tpu.memory_space<vmem>> -> memref<1x80xi32, #tpu.memory_space<vmem>>
      %dma_wait3A_370 = tpu.memref_squeeze %dma_wait3A_369 : memref<1x80xi32, #tpu.memory_space<vmem>> -> memref<80xi32, #tpu.memory_space<vmem>>
      %dma_wait3A_371 = arith.constant 0 : i32
      %dma_wait3A_372 = arith.constant 0 : i32
      %dma_wait3A_373 = tpu.memref_slice %arg10[%dma_wait3A_371, %dma_wait3A_372] : memref<10000x128xf32, #tpu.memory_space<vmem_shared>> -> memref<10000x128xf32, #tpu.memory_space<vmem_shared>>
      tpu.wait_indirect_dma semaphore(%run_scoped3A_361 : memref<!tpu.dma_semaphore, #tpu.memory_space<semaphore_mem>>) src(%arg7 : memref<80x128xf32, #tpu.memory_space<vmem>>) dst(%dma_wait3A_373 : memref<10000x128xf32, #tpu.memory_space<vmem_shared>>)
      tpu.yield
    }) : () -> ()
    %run_scoped3A_285 = arith.constant 0 : i32
    %run_scoped3A_286 = arith.constant 4 : i32
    "tpu.region"() ({
      %run_scoped3A_361 = tpu.sem_alloc : memref<!tpu.dma_semaphore, #tpu.memory_space<semaphore_mem>>
      %dma_start3A_362 = arith.constant 0 : i32
      %dma_start3A_363 = arith.constant 0 : i32
      %dma_start3A_364 = tpu.memref_slice %arg2[%run_scoped3A_285, %add3A, %run_scoped3A_286, %dma_start3A_362, %dma_start3A_363] : memref<2x32x5x25x80xi32, #tpu.memory_space<hbm>> -> memref<1x1x1x25x80xi32, #tpu.memory_space<hbm>>
      %dma_start3A_365 = tpu.memref_squeeze %dma_start3A_364 : memref<1x1x1x25x80xi32, #tpu.memory_space<hbm>> -> memref<25x80xi32, #tpu.memory_space<hbm>>
      %dma_start3A_366 = arith.constant 0 : i32
      %dma_start3A_367 = arith.constant 0 : i32
      %dma_start3A_368 = tpu.memref_slice %arg2[%run_scoped3A_285, %add3A, %run_scoped3A_286, %dma_start3A_366, %dma_start3A_367] : memref<2x32x5x25x80xi32, #tpu.memory_space<hbm>> -> memref<1x1x1x25x80xi32, #tpu.memory_space<hbm>>
      %dma_start3A_369 = tpu.memref_squeeze %dma_start3A_368 : memref<1x1x1x25x80xi32, #tpu.memory_space<hbm>> -> memref<25x80xi32, #tpu.memory_space<hbm>>
      tpu.enqueue_dma source(%dma_start3A_369 : memref<25x80xi32, #tpu.memory_space<hbm>>) target(%arg5 : memref<25x80xi32, #tpu.memory_space<vmem>>) target_semaphore(%run_scoped3A_361 : memref<!tpu.dma_semaphore, #tpu.memory_space<semaphore_mem>>)
      %dma_wait3A_370 = arith.constant 0 : i32
      %dma_wait3A_371 = arith.constant 0 : i32
      %dma_wait3A_372 = tpu.memref_slice %arg2[%run_scoped3A_285, %add3A, %run_scoped3A_286, %dma_wait3A_370, %dma_wait3A_371] : memref<2x32x5x25x80xi32, #tpu.memory_space<hbm>> -> memref<1x1x1x25x80xi32, #tpu.memory_space<hbm>>
      %dma_wait3A_373 = tpu.memref_squeeze %dma_wait3A_372 : memref<1x1x1x25x80xi32, #tpu.memory_space<hbm>> -> memref<25x80xi32, #tpu.memory_space<hbm>>
      %dma_wait3A_374 = arith.constant 0 : i32
      %dma_wait3A_375 = arith.constant 0 : i32
      %dma_wait3A_376 = tpu.memref_slice %arg2[%run_scoped3A_285, %add3A, %run_scoped3A_286, %dma_wait3A_374, %dma_wait3A_375] : memref<2x32x5x25x80xi32, #tpu.memory_space<hbm>> -> memref<1x1x1x25x80xi32, #tpu.memory_space<hbm>>
      %dma_wait3A_377 = tpu.memref_squeeze %dma_wait3A_376 : memref<1x1x1x25x80xi32, #tpu.memory_space<hbm>> -> memref<25x80xi32, #tpu.memory_space<hbm>>
      tpu.wait_dma2 semaphore(%run_scoped3A_361 : memref<!tpu.dma_semaphore, #tpu.memory_space<semaphore_mem>>) src(%dma_wait3A_377 : memref<25x80xi32, #tpu.memory_space<hbm>>) dst(%arg5 : memref<25x80xi32, #tpu.memory_space<vmem>>)
      tpu.yield
    }) : () -> ()
    %run_scoped3A_287 = arith.constant 1 : i32
    %run_scoped3A_288 = arith.constant 4 : i32
    "tpu.region"() ({
      %run_scoped3A_361 = tpu.sem_alloc : memref<!tpu.dma_semaphore, #tpu.memory_space<semaphore_mem>>
      %dma_start3A_362 = arith.constant 0 : i32
      %dma_start3A_363 = arith.constant 0 : i32
      %dma_start3A_364 = tpu.memref_slice %arg2[%run_scoped3A_287, %add3A, %run_scoped3A_288, %dma_start3A_362, %dma_start3A_363] : memref<2x32x5x25x80xi32, #tpu.memory_space<hbm>> -> memref<1x1x1x25x80xi32, #tpu.memory_space<hbm>>
      %dma_start3A_365 = tpu.memref_squeeze %dma_start3A_364 : memref<1x1x1x25x80xi32, #tpu.memory_space<hbm>> -> memref<25x80xi32, #tpu.memory_space<hbm>>
      %dma_start3A_366 = arith.constant 0 : i32
      %dma_start3A_367 = arith.constant 0 : i32
      %dma_start3A_368 = tpu.memref_slice %arg2[%run_scoped3A_287, %add3A, %run_scoped3A_288, %dma_start3A_366, %dma_start3A_367] : memref<2x32x5x25x80xi32, #tpu.memory_space<hbm>> -> memref<1x1x1x25x80xi32, #tpu.memory_space<hbm>>
      %dma_start3A_369 = tpu.memref_squeeze %dma_start3A_368 : memref<1x1x1x25x80xi32, #tpu.memory_space<hbm>> -> memref<25x80xi32, #tpu.memory_space<hbm>>
      tpu.enqueue_dma source(%dma_start3A_369 : memref<25x80xi32, #tpu.memory_space<hbm>>) target(%arg6 : memref<25x80xi32, #tpu.memory_space<vmem>>) target_semaphore(%run_scoped3A_361 : memref<!tpu.dma_semaphore, #tpu.memory_space<semaphore_mem>>)
      %dma_wait3A_370 = arith.constant 0 : i32
      %dma_wait3A_371 = arith.constant 0 : i32
      %dma_wait3A_372 = tpu.memref_slice %arg2[%run_scoped3A_287, %add3A, %run_scoped3A_288, %dma_wait3A_370, %dma_wait3A_371] : memref<2x32x5x25x80xi32, #tpu.memory_space<hbm>> -> memref<1x1x1x25x80xi32, #tpu.memory_space<hbm>>
      %dma_wait3A_373 = tpu.memref_squeeze %dma_wait3A_372 : memref<1x1x1x25x80xi32, #tpu.memory_space<hbm>> -> memref<25x80xi32, #tpu.memory_space<hbm>>
      %dma_wait3A_374 = arith.constant 0 : i32
      %dma_wait3A_375 = arith.constant 0 : i32
      %dma_wait3A_376 = tpu.memref_slice %arg2[%run_scoped3A_287, %add3A, %run_scoped3A_288, %dma_wait3A_374, %dma_wait3A_375] : memref<2x32x5x25x80xi32, #tpu.memory_space<hbm>> -> memref<1x1x1x25x80xi32, #tpu.memory_space<hbm>>
      %dma_wait3A_377 = tpu.memref_squeeze %dma_wait3A_376 : memref<1x1x1x25x80xi32, #tpu.memory_space<hbm>> -> memref<25x80xi32, #tpu.memory_space<hbm>>
      tpu.wait_dma2 semaphore(%run_scoped3A_361 : memref<!tpu.dma_semaphore, #tpu.memory_space<semaphore_mem>>) src(%dma_wait3A_377 : memref<25x80xi32, #tpu.memory_space<hbm>>) dst(%arg6 : memref<25x80xi32, #tpu.memory_space<vmem>>)
      tpu.yield
    }) : () -> ()
    %dma_start3A_289 = arith.constant 0 : i32
    %dma_start3A_290 = arith.constant 0 : i32
    %dma_start3A_291 = tpu.memref_slice %arg5[%dma_start3A_289, %dma_start3A_290] : memref<25x80xi32, #tpu.memory_space<vmem>> -> memref<1x80xi32, #tpu.memory_space<vmem>>
    %dma_start3A_292 = tpu.memref_squeeze %dma_start3A_291 : memref<1x80xi32, #tpu.memory_space<vmem>> -> memref<80xi32, #tpu.memory_space<vmem>>
    %dma_start3A_293 = arith.constant 0 : i32
    %dma_start3A_294 = arith.constant 0 : i32
    %dma_start3A_295 = tpu.memref_slice %arg3[%dma_start3A_293, %dma_start3A_294] : memref<10000x128xf32, #tpu.memory_space<hbm>> -> memref<10000x128xf32, #tpu.memory_space<hbm>>
    tpu.enqueue_indirect_dma source(%dma_start3A_295 : memref<10000x128xf32, #tpu.memory_space<hbm>>) target(%arg7 : memref<80x128xf32, #tpu.memory_space<vmem>>) offsets(%dma_start3A_292 : memref<80xi32, #tpu.memory_space<vmem>>) semaphore(%arg11 : memref<!tpu.dma_semaphore, #tpu.memory_space<semaphore_mem>>)
    %dma_start3A_296 = arith.constant 1 : i32
    %dma_start3A_297 = arith.constant 0 : i32
    %dma_start3A_298 = tpu.memref_slice %arg5[%dma_start3A_296, %dma_start3A_297] : memref<25x80xi32, #tpu.memory_space<vmem>> -> memref<1x80xi32, #tpu.memory_space<vmem>>
    %dma_start3A_299 = tpu.memref_squeeze %dma_start3A_298 : memref<1x80xi32, #tpu.memory_space<vmem>> -> memref<80xi32, #tpu.memory_space<vmem>>
    %dma_start3A_300 = arith.constant 0 : i32
    %dma_start3A_301 = arith.constant 0 : i32
    %dma_start3A_302 = tpu.memref_slice %arg3[%dma_start3A_300, %dma_start3A_301] : memref<10000x128xf32, #tpu.memory_space<hbm>> -> memref<10000x128xf32, #tpu.memory_space<hbm>>
    tpu.enqueue_indirect_dma source(%dma_start3A_302 : memref<10000x128xf32, #tpu.memory_space<hbm>>) target(%arg8 : memref<80x128xf32, #tpu.memory_space<vmem>>) offsets(%dma_start3A_299 : memref<80xi32, #tpu.memory_space<vmem>>) semaphore(%arg12 : memref<!tpu.dma_semaphore, #tpu.memory_space<semaphore_mem>>)
    %dma_start3A_303 = arith.constant 2 : i32
    %dma_start3A_304 = arith.constant 0 : i32
    %dma_start3A_305 = tpu.memref_slice %arg5[%dma_start3A_303, %dma_start3A_304] : memref<25x80xi32, #tpu.memory_space<vmem>> -> memref<1x80xi32, #tpu.memory_space<vmem>>
    %dma_start3A_306 = tpu.memref_squeeze %dma_start3A_305 : memref<1x80xi32, #tpu.memory_space<vmem>> -> memref<80xi32, #tpu.memory_space<vmem>>
    %dma_start3A_307 = arith.constant 0 : i32
    %dma_start3A_308 = arith.constant 0 : i32
    %dma_start3A_309 = tpu.memref_slice %arg3[%dma_start3A_307, %dma_start3A_308] : memref<10000x128xf32, #tpu.memory_space<hbm>> -> memref<10000x128xf32, #tpu.memory_space<hbm>>
    tpu.enqueue_indirect_dma source(%dma_start3A_309 : memref<10000x128xf32, #tpu.memory_space<hbm>>) target(%arg9 : memref<80x128xf32, #tpu.memory_space<vmem>>) offsets(%dma_start3A_306 : memref<80xi32, #tpu.memory_space<vmem>>) semaphore(%arg13 : memref<!tpu.dma_semaphore, #tpu.memory_space<semaphore_mem>>)
    %scan3A_310 = arith.constant 0 : i32
    %scan3A_311 = arith.constant 0 : i32
    %scan3A_312 = arith.constant 7 : i32
    %scan3A_313 = arith.addi %scan3A_311, %scan3A_312 : i32
    %scan3A_314 = arith.constant 1 : i32
    scf.for %scan3A_361 = %scan3A_311 to %scan3A_313 step %scan3A_314  : i32 {
      %mul3A_362 = arith.constant 3 : i32
      %mul3A_363 = arith.muli %scan3A_361, %mul3A_362 : i32
      %dma_wait3A_364 = arith.constant 0 : i32
      %dma_wait3A_365 = tpu.memref_slice %arg5[%mul3A_363, %dma_wait3A_364] : memref<25x80xi32, #tpu.memory_space<vmem>> -> memref<1x80xi32, #tpu.memory_space<vmem>>
      %dma_wait3A_366 = tpu.memref_squeeze %dma_wait3A_365 : memref<1x80xi32, #tpu.memory_space<vmem>> -> memref<80xi32, #tpu.memory_space<vmem>>
      %dma_wait3A_367 = arith.constant 0 : i32
      %dma_wait3A_368 = arith.constant 0 : i32
      %dma_wait3A_369 = tpu.memref_slice %arg3[%dma_wait3A_367, %dma_wait3A_368] : memref<10000x128xf32, #tpu.memory_space<hbm>> -> memref<10000x128xf32, #tpu.memory_space<hbm>>
      tpu.wait_indirect_dma semaphore(%arg11 : memref<!tpu.dma_semaphore, #tpu.memory_space<semaphore_mem>>) src(%dma_wait3A_369 : memref<10000x128xf32, #tpu.memory_space<hbm>>) dst(%arg7 : memref<80x128xf32, #tpu.memory_space<vmem>>)
      %dma_start3A_370 = arith.constant 0 : i32
      %dma_start3A_371 = tpu.memref_slice %arg6[%mul3A_363, %dma_start3A_370] : memref<25x80xi32, #tpu.memory_space<vmem>> -> memref<1x80xi32, #tpu.memory_space<vmem>>
      %dma_start3A_372 = tpu.memref_squeeze %dma_start3A_371 : memref<1x80xi32, #tpu.memory_space<vmem>> -> memref<80xi32, #tpu.memory_space<vmem>>
      %dma_start3A_373 = arith.constant 0 : i32
      %dma_start3A_374 = arith.constant 0 : i32
      %dma_start3A_375 = tpu.memref_slice %arg10[%dma_start3A_373, %dma_start3A_374] : memref<10000x128xf32, #tpu.memory_space<vmem_shared>> -> memref<10000x128xf32, #tpu.memory_space<vmem_shared>>
      tpu.enqueue_indirect_dma source(%arg7 : memref<80x128xf32, #tpu.memory_space<vmem>>) target(%dma_start3A_375 : memref<10000x128xf32, #tpu.memory_space<vmem_shared>>) offsets(%dma_start3A_372 : memref<80xi32, #tpu.memory_space<vmem>>) semaphore(%arg14 : memref<!tpu.dma_semaphore, #tpu.memory_space<semaphore_mem>>) {add = true}
      %add3A_376 = arith.constant 1 : i32
      %add3A_377 = arith.addi %mul3A_363, %add3A_376 : i32
      %dma_wait3A_378 = arith.constant 0 : i32
      %dma_wait3A_379 = tpu.memref_slice %arg5[%add3A_377, %dma_wait3A_378] : memref<25x80xi32, #tpu.memory_space<vmem>> -> memref<1x80xi32, #tpu.memory_space<vmem>>
      %dma_wait3A_380 = tpu.memref_squeeze %dma_wait3A_379 : memref<1x80xi32, #tpu.memory_space<vmem>> -> memref<80xi32, #tpu.memory_space<vmem>>
      %dma_wait3A_381 = arith.constant 0 : i32
      %dma_wait3A_382 = arith.constant 0 : i32
      %dma_wait3A_383 = tpu.memref_slice %arg3[%dma_wait3A_381, %dma_wait3A_382] : memref<10000x128xf32, #tpu.memory_space<hbm>> -> memref<10000x128xf32, #tpu.memory_space<hbm>>
      tpu.wait_indirect_dma semaphore(%arg12 : memref<!tpu.dma_semaphore, #tpu.memory_space<semaphore_mem>>) src(%dma_wait3A_383 : memref<10000x128xf32, #tpu.memory_space<hbm>>) dst(%arg8 : memref<80x128xf32, #tpu.memory_space<vmem>>)
      %add3A_384 = arith.constant 1 : i32
      %add3A_385 = arith.addi %mul3A_363, %add3A_384 : i32
      %dma_start3A_386 = arith.constant 0 : i32
      %dma_start3A_387 = tpu.memref_slice %arg6[%add3A_385, %dma_start3A_386] : memref<25x80xi32, #tpu.memory_space<vmem>> -> memref<1x80xi32, #tpu.memory_space<vmem>>
      %dma_start3A_388 = tpu.memref_squeeze %dma_start3A_387 : memref<1x80xi32, #tpu.memory_space<vmem>> -> memref<80xi32, #tpu.memory_space<vmem>>
      %dma_start3A_389 = arith.constant 0 : i32
      %dma_start3A_390 = arith.constant 0 : i32
      %dma_start3A_391 = tpu.memref_slice %arg10[%dma_start3A_389, %dma_start3A_390] : memref<10000x128xf32, #tpu.memory_space<vmem_shared>> -> memref<10000x128xf32, #tpu.memory_space<vmem_shared>>
      tpu.enqueue_indirect_dma source(%arg8 : memref<80x128xf32, #tpu.memory_space<vmem>>) target(%dma_start3A_391 : memref<10000x128xf32, #tpu.memory_space<vmem_shared>>) offsets(%dma_start3A_388 : memref<80xi32, #tpu.memory_space<vmem>>) semaphore(%arg15 : memref<!tpu.dma_semaphore, #tpu.memory_space<semaphore_mem>>) {add = true}
      %add3A_392 = arith.constant 2 : i32
      %add3A_393 = arith.addi %mul3A_363, %add3A_392 : i32
      %dma_wait3A_394 = arith.constant 0 : i32
      %dma_wait3A_395 = tpu.memref_slice %arg5[%add3A_393, %dma_wait3A_394] : memref<25x80xi32, #tpu.memory_space<vmem>> -> memref<1x80xi32, #tpu.memory_space<vmem>>
      %dma_wait3A_396 = tpu.memref_squeeze %dma_wait3A_395 : memref<1x80xi32, #tpu.memory_space<vmem>> -> memref<80xi32, #tpu.memory_space<vmem>>
      %dma_wait3A_397 = arith.constant 0 : i32
      %dma_wait3A_398 = arith.constant 0 : i32
      %dma_wait3A_399 = tpu.memref_slice %arg3[%dma_wait3A_397, %dma_wait3A_398] : memref<10000x128xf32, #tpu.memory_space<hbm>> -> memref<10000x128xf32, #tpu.memory_space<hbm>>
      tpu.wait_indirect_dma semaphore(%arg13 : memref<!tpu.dma_semaphore, #tpu.memory_space<semaphore_mem>>) src(%dma_wait3A_399 : memref<10000x128xf32, #tpu.memory_space<hbm>>) dst(%arg9 : memref<80x128xf32, #tpu.memory_space<vmem>>)
      %add3A_400 = arith.constant 2 : i32
      %add3A_401 = arith.addi %mul3A_363, %add3A_400 : i32
      %dma_start3A_402 = arith.constant 0 : i32
      %dma_start3A_403 = tpu.memref_slice %arg6[%add3A_401, %dma_start3A_402] : memref<25x80xi32, #tpu.memory_space<vmem>> -> memref<1x80xi32, #tpu.memory_space<vmem>>
      %dma_start3A_404 = tpu.memref_squeeze %dma_start3A_403 : memref<1x80xi32, #tpu.memory_space<vmem>> -> memref<80xi32, #tpu.memory_space<vmem>>
      %dma_start3A_405 = arith.constant 0 : i32
      %dma_start3A_406 = arith.constant 0 : i32
      %dma_start3A_407 = tpu.memref_slice %arg10[%dma_start3A_405, %dma_start3A_406] : memref<10000x128xf32, #tpu.memory_space<vmem_shared>> -> memref<10000x128xf32, #tpu.memory_space<vmem_shared>>
      tpu.enqueue_indirect_dma source(%arg9 : memref<80x128xf32, #tpu.memory_space<vmem>>) target(%dma_start3A_407 : memref<10000x128xf32, #tpu.memory_space<vmem_shared>>) offsets(%dma_start3A_404 : memref<80xi32, #tpu.memory_space<vmem>>) semaphore(%arg16 : memref<!tpu.dma_semaphore, #tpu.memory_space<semaphore_mem>>) {add = true}
      %dma_wait3A_408 = arith.constant 0 : i32
      %dma_wait3A_409 = tpu.memref_slice %arg6[%mul3A_363, %dma_wait3A_408] : memref<25x80xi32, #tpu.memory_space<vmem>> -> memref<1x80xi32, #tpu.memory_space<vmem>>
      %dma_wait3A_410 = tpu.memref_squeeze %dma_wait3A_409 : memref<1x80xi32, #tpu.memory_space<vmem>> -> memref<80xi32, #tpu.memory_space<vmem>>
      %dma_wait3A_411 = arith.constant 0 : i32
      %dma_wait3A_412 = arith.constant 0 : i32
      %dma_wait3A_413 = tpu.memref_slice %arg10[%dma_wait3A_411, %dma_wait3A_412] : memref<10000x128xf32, #tpu.memory_space<vmem_shared>> -> memref<10000x128xf32, #tpu.memory_space<vmem_shared>>
      tpu.wait_indirect_dma semaphore(%arg14 : memref<!tpu.dma_semaphore, #tpu.memory_space<semaphore_mem>>) src(%arg7 : memref<80x128xf32, #tpu.memory_space<vmem>>) dst(%dma_wait3A_413 : memref<10000x128xf32, #tpu.memory_space<vmem_shared>>)
      %add3A_414 = arith.constant 3 : i32
      %add3A_415 = arith.addi %mul3A_363, %add3A_414 : i32
      %dma_start3A_416 = arith.constant 0 : i32
      %dma_start3A_417 = tpu.memref_slice %arg5[%add3A_415, %dma_start3A_416] : memref<25x80xi32, #tpu.memory_space<vmem>> -> memref<1x80xi32, #tpu.memory_space<vmem>>
      %dma_start3A_418 = tpu.memref_squeeze %dma_start3A_417 : memref<1x80xi32, #tpu.memory_space<vmem>> -> memref<80xi32, #tpu.memory_space<vmem>>
      %dma_start3A_419 = arith.constant 0 : i32
      %dma_start3A_420 = arith.constant 0 : i32
      %dma_start3A_421 = tpu.memref_slice %arg3[%dma_start3A_419, %dma_start3A_420] : memref<10000x128xf32, #tpu.memory_space<hbm>> -> memref<10000x128xf32, #tpu.memory_space<hbm>>
      tpu.enqueue_indirect_dma source(%dma_start3A_421 : memref<10000x128xf32, #tpu.memory_space<hbm>>) target(%arg7 : memref<80x128xf32, #tpu.memory_space<vmem>>) offsets(%dma_start3A_418 : memref<80xi32, #tpu.memory_space<vmem>>) semaphore(%arg11 : memref<!tpu.dma_semaphore, #tpu.memory_space<semaphore_mem>>)
      %add3A_422 = arith.constant 1 : i32
      %add3A_423 = arith.addi %mul3A_363, %add3A_422 : i32
      %dma_wait3A_424 = arith.constant 0 : i32
      %dma_wait3A_425 = tpu.memref_slice %arg6[%add3A_423, %dma_wait3A_424] : memref<25x80xi32, #tpu.memory_space<vmem>> -> memref<1x80xi32, #tpu.memory_space<vmem>>
      %dma_wait3A_426 = tpu.memref_squeeze %dma_wait3A_425 : memref<1x80xi32, #tpu.memory_space<vmem>> -> memref<80xi32, #tpu.memory_space<vmem>>
      %dma_wait3A_427 = arith.constant 0 : i32
      %dma_wait3A_428 = arith.constant 0 : i32
      %dma_wait3A_429 = tpu.memref_slice %arg10[%dma_wait3A_427, %dma_wait3A_428] : memref<10000x128xf32, #tpu.memory_space<vmem_shared>> -> memref<10000x128xf32, #tpu.memory_space<vmem_shared>>
      tpu.wait_indirect_dma semaphore(%arg15 : memref<!tpu.dma_semaphore, #tpu.memory_space<semaphore_mem>>) src(%arg8 : memref<80x128xf32, #tpu.memory_space<vmem>>) dst(%dma_wait3A_429 : memref<10000x128xf32, #tpu.memory_space<vmem_shared>>)
      %add3A_430 = arith.constant 4 : i32
      %add3A_431 = arith.addi %mul3A_363, %add3A_430 : i32
      %dma_start3A_432 = arith.constant 0 : i32
      %dma_start3A_433 = tpu.memref_slice %arg5[%add3A_431, %dma_start3A_432] : memref<25x80xi32, #tpu.memory_space<vmem>> -> memref<1x80xi32, #tpu.memory_space<vmem>>
      %dma_start3A_434 = tpu.memref_squeeze %dma_start3A_433 : memref<1x80xi32, #tpu.memory_space<vmem>> -> memref<80xi32, #tpu.memory_space<vmem>>
      %dma_start3A_435 = arith.constant 0 : i32
      %dma_start3A_436 = arith.constant 0 : i32
      %dma_start3A_437 = tpu.memref_slice %arg3[%dma_start3A_435, %dma_start3A_436] : memref<10000x128xf32, #tpu.memory_space<hbm>> -> memref<10000x128xf32, #tpu.memory_space<hbm>>
      tpu.enqueue_indirect_dma source(%dma_start3A_437 : memref<10000x128xf32, #tpu.memory_space<hbm>>) target(%arg8 : memref<80x128xf32, #tpu.memory_space<vmem>>) offsets(%dma_start3A_434 : memref<80xi32, #tpu.memory_space<vmem>>) semaphore(%arg12 : memref<!tpu.dma_semaphore, #tpu.memory_space<semaphore_mem>>)
      %add3A_438 = arith.constant 2 : i32
      %add3A_439 = arith.addi %mul3A_363, %add3A_438 : i32
      %dma_wait3A_440 = arith.constant 0 : i32
      %dma_wait3A_441 = tpu.memref_slice %arg6[%add3A_439, %dma_wait3A_440] : memref<25x80xi32, #tpu.memory_space<vmem>> -> memref<1x80xi32, #tpu.memory_space<vmem>>
      %dma_wait3A_442 = tpu.memref_squeeze %dma_wait3A_441 : memref<1x80xi32, #tpu.memory_space<vmem>> -> memref<80xi32, #tpu.memory_space<vmem>>
      %dma_wait3A_443 = arith.constant 0 : i32
      %dma_wait3A_444 = arith.constant 0 : i32
      %dma_wait3A_445 = tpu.memref_slice %arg10[%dma_wait3A_443, %dma_wait3A_444] : memref<10000x128xf32, #tpu.memory_space<vmem_shared>> -> memref<10000x128xf32, #tpu.memory_space<vmem_shared>>
      tpu.wait_indirect_dma semaphore(%arg16 : memref<!tpu.dma_semaphore, #tpu.memory_space<semaphore_mem>>) src(%arg9 : memref<80x128xf32, #tpu.memory_space<vmem>>) dst(%dma_wait3A_445 : memref<10000x128xf32, #tpu.memory_space<vmem_shared>>)
      %add3A_446 = arith.constant 5 : i32
      %add3A_447 = arith.addi %mul3A_363, %add3A_446 : i32
      %dma_start3A_448 = arith.constant 0 : i32
      %dma_start3A_449 = tpu.memref_slice %arg5[%add3A_447, %dma_start3A_448] : memref<25x80xi32, #tpu.memory_space<vmem>> -> memref<1x80xi32, #tpu.memory_space<vmem>>
      %dma_start3A_450 = tpu.memref_squeeze %dma_start3A_449 : memref<1x80xi32, #tpu.memory_space<vmem>> -> memref<80xi32, #tpu.memory_space<vmem>>
      %dma_start3A_451 = arith.constant 0 : i32
      %dma_start3A_452 = arith.constant 0 : i32
      %dma_start3A_453 = tpu.memref_slice %arg3[%dma_start3A_451, %dma_start3A_452] : memref<10000x128xf32, #tpu.memory_space<hbm>> -> memref<10000x128xf32, #tpu.memory_space<hbm>>
      tpu.enqueue_indirect_dma source(%dma_start3A_453 : memref<10000x128xf32, #tpu.memory_space<hbm>>) target(%arg9 : memref<80x128xf32, #tpu.memory_space<vmem>>) offsets(%dma_start3A_450 : memref<80xi32, #tpu.memory_space<vmem>>) semaphore(%arg13 : memref<!tpu.dma_semaphore, #tpu.memory_space<semaphore_mem>>)
    }
    %scan3A_315 = arith.constant 7 : i32
    %dma_wait3A_316 = arith.constant 21 : i32
    %dma_wait3A_317 = arith.constant 0 : i32
    %dma_wait3A_318 = tpu.memref_slice %arg5[%dma_wait3A_316, %dma_wait3A_317] : memref<25x80xi32, #tpu.memory_space<vmem>> -> memref<1x80xi32, #tpu.memory_space<vmem>>
    %dma_wait3A_319 = tpu.memref_squeeze %dma_wait3A_318 : memref<1x80xi32, #tpu.memory_space<vmem>> -> memref<80xi32, #tpu.memory_space<vmem>>
    %dma_wait3A_320 = arith.constant 0 : i32
    %dma_wait3A_321 = arith.constant 0 : i32
    %dma_wait3A_322 = tpu.memref_slice %arg3[%dma_wait3A_320, %dma_wait3A_321] : memref<10000x128xf32, #tpu.memory_space<hbm>> -> memref<10000x128xf32, #tpu.memory_space<hbm>>
    tpu.wait_indirect_dma semaphore(%arg11 : memref<!tpu.dma_semaphore, #tpu.memory_space<semaphore_mem>>) src(%dma_wait3A_322 : memref<10000x128xf32, #tpu.memory_space<hbm>>) dst(%arg7 : memref<80x128xf32, #tpu.memory_space<vmem>>)
    %run_scoped3A_323 = arith.constant 21 : i32
    "tpu.region"() ({
      %run_scoped3A_361 = tpu.sem_alloc : memref<!tpu.dma_semaphore, #tpu.memory_space<semaphore_mem>>
      %dma_start3A_362 = arith.constant 0 : i32
      %dma_start3A_363 = tpu.memref_slice %arg6[%run_scoped3A_323, %dma_start3A_362] : memref<25x80xi32, #tpu.memory_space<vmem>> -> memref<1x80xi32, #tpu.memory_space<vmem>>
      %dma_start3A_364 = tpu.memref_squeeze %dma_start3A_363 : memref<1x80xi32, #tpu.memory_space<vmem>> -> memref<80xi32, #tpu.memory_space<vmem>>
      %dma_start3A_365 = arith.constant 0 : i32
      %dma_start3A_366 = arith.constant 0 : i32
      %dma_start3A_367 = tpu.memref_slice %arg10[%dma_start3A_365, %dma_start3A_366] : memref<10000x128xf32, #tpu.memory_space<vmem_shared>> -> memref<10000x128xf32, #tpu.memory_space<vmem_shared>>
      tpu.enqueue_indirect_dma source(%arg7 : memref<80x128xf32, #tpu.memory_space<vmem>>) target(%dma_start3A_367 : memref<10000x128xf32, #tpu.memory_space<vmem_shared>>) offsets(%dma_start3A_364 : memref<80xi32, #tpu.memory_space<vmem>>) semaphore(%run_scoped3A_361 : memref<!tpu.dma_semaphore, #tpu.memory_space<semaphore_mem>>) {add = true}
      %dma_wait3A_368 = arith.constant 0 : i32
      %dma_wait3A_369 = tpu.memref_slice %arg6[%run_scoped3A_323, %dma_wait3A_368] : memref<25x80xi32, #tpu.memory_space<vmem>> -> memref<1x80xi32, #tpu.memory_space<vmem>>
      %dma_wait3A_370 = tpu.memref_squeeze %dma_wait3A_369 : memref<1x80xi32, #tpu.memory_space<vmem>> -> memref<80xi32, #tpu.memory_space<vmem>>
      %dma_wait3A_371 = arith.constant 0 : i32
      %dma_wait3A_372 = arith.constant 0 : i32
      %dma_wait3A_373 = tpu.memref_slice %arg10[%dma_wait3A_371, %dma_wait3A_372] : memref<10000x128xf32, #tpu.memory_space<vmem_shared>> -> memref<10000x128xf32, #tpu.memory_space<vmem_shared>>
      tpu.wait_indirect_dma semaphore(%run_scoped3A_361 : memref<!tpu.dma_semaphore, #tpu.memory_space<semaphore_mem>>) src(%arg7 : memref<80x128xf32, #tpu.memory_space<vmem>>) dst(%dma_wait3A_373 : memref<10000x128xf32, #tpu.memory_space<vmem_shared>>)
      tpu.yield
    }) : () -> ()
    %dma_wait3A_324 = arith.constant 22 : i32
    %dma_wait3A_325 = arith.constant 0 : i32
    %dma_wait3A_326 = tpu.memref_slice %arg5[%dma_wait3A_324, %dma_wait3A_325] : memref<25x80xi32, #tpu.memory_space<vmem>> -> memref<1x80xi32, #tpu.memory_space<vmem>>
    %dma_wait3A_327 = tpu.memref_squeeze %dma_wait3A_326 : memref<1x80xi32, #tpu.memory_space<vmem>> -> memref<80xi32, #tpu.memory_space<vmem>>
    %dma_wait3A_328 = arith.constant 0 : i32
    %dma_wait3A_329 = arith.constant 0 : i32
    %dma_wait3A_330 = tpu.memref_slice %arg3[%dma_wait3A_328, %dma_wait3A_329] : memref<10000x128xf32, #tpu.memory_space<hbm>> -> memref<10000x128xf32, #tpu.memory_space<hbm>>
    tpu.wait_indirect_dma semaphore(%arg12 : memref<!tpu.dma_semaphore, #tpu.memory_space<semaphore_mem>>) src(%dma_wait3A_330 : memref<10000x128xf32, #tpu.memory_space<hbm>>) dst(%arg8 : memref<80x128xf32, #tpu.memory_space<vmem>>)
    %run_scoped3A_331 = arith.constant 22 : i32
    "tpu.region"() ({
      %run_scoped3A_361 = tpu.sem_alloc : memref<!tpu.dma_semaphore, #tpu.memory_space<semaphore_mem>>
      %dma_start3A_362 = arith.constant 0 : i32
      %dma_start3A_363 = tpu.memref_slice %arg6[%run_scoped3A_331, %dma_start3A_362] : memref<25x80xi32, #tpu.memory_space<vmem>> -> memref<1x80xi32, #tpu.memory_space<vmem>>
      %dma_start3A_364 = tpu.memref_squeeze %dma_start3A_363 : memref<1x80xi32, #tpu.memory_space<vmem>> -> memref<80xi32, #tpu.memory_space<vmem>>
      %dma_start3A_365 = arith.constant 0 : i32
      %dma_start3A_366 = arith.constant 0 : i32
      %dma_start3A_367 = tpu.memref_slice %arg10[%dma_start3A_365, %dma_start3A_366] : memref<10000x128xf32, #tpu.memory_space<vmem_shared>> -> memref<10000x128xf32, #tpu.memory_space<vmem_shared>>
      tpu.enqueue_indirect_dma source(%arg8 : memref<80x128xf32, #tpu.memory_space<vmem>>) target(%dma_start3A_367 : memref<10000x128xf32, #tpu.memory_space<vmem_shared>>) offsets(%dma_start3A_364 : memref<80xi32, #tpu.memory_space<vmem>>) semaphore(%run_scoped3A_361 : memref<!tpu.dma_semaphore, #tpu.memory_space<semaphore_mem>>) {add = true}
      %dma_wait3A_368 = arith.constant 0 : i32
      %dma_wait3A_369 = tpu.memref_slice %arg6[%run_scoped3A_331, %dma_wait3A_368] : memref<25x80xi32, #tpu.memory_space<vmem>> -> memref<1x80xi32, #tpu.memory_space<vmem>>
      %dma_wait3A_370 = tpu.memref_squeeze %dma_wait3A_369 : memref<1x80xi32, #tpu.memory_space<vmem>> -> memref<80xi32, #tpu.memory_space<vmem>>
      %dma_wait3A_371 = arith.constant 0 : i32
      %dma_wait3A_372 = arith.constant 0 : i32
      %dma_wait3A_373 = tpu.memref_slice %arg10[%dma_wait3A_371, %dma_wait3A_372] : memref<10000x128xf32, #tpu.memory_space<vmem_shared>> -> memref<10000x128xf32, #tpu.memory_space<vmem_shared>>
      tpu.wait_indirect_dma semaphore(%run_scoped3A_361 : memref<!tpu.dma_semaphore, #tpu.memory_space<semaphore_mem>>) src(%arg8 : memref<80x128xf32, #tpu.memory_space<vmem>>) dst(%dma_wait3A_373 : memref<10000x128xf32, #tpu.memory_space<vmem_shared>>)
      tpu.yield
    }) : () -> ()
    %dma_wait3A_332 = arith.constant 23 : i32
    %dma_wait3A_333 = arith.constant 0 : i32
    %dma_wait3A_334 = tpu.memref_slice %arg5[%dma_wait3A_332, %dma_wait3A_333] : memref<25x80xi32, #tpu.memory_space<vmem>> -> memref<1x80xi32, #tpu.memory_space<vmem>>
    %dma_wait3A_335 = tpu.memref_squeeze %dma_wait3A_334 : memref<1x80xi32, #tpu.memory_space<vmem>> -> memref<80xi32, #tpu.memory_space<vmem>>
    %dma_wait3A_336 = arith.constant 0 : i32
    %dma_wait3A_337 = arith.constant 0 : i32
    %dma_wait3A_338 = tpu.memref_slice %arg3[%dma_wait3A_336, %dma_wait3A_337] : memref<10000x128xf32, #tpu.memory_space<hbm>> -> memref<10000x128xf32, #tpu.memory_space<hbm>>
    tpu.wait_indirect_dma semaphore(%arg13 : memref<!tpu.dma_semaphore, #tpu.memory_space<semaphore_mem>>) src(%dma_wait3A_338 : memref<10000x128xf32, #tpu.memory_space<hbm>>) dst(%arg9 : memref<80x128xf32, #tpu.memory_space<vmem>>)
    %run_scoped3A_339 = arith.constant 23 : i32
    "tpu.region"() ({
      %run_scoped3A_361 = tpu.sem_alloc : memref<!tpu.dma_semaphore, #tpu.memory_space<semaphore_mem>>
      %dma_start3A_362 = arith.constant 0 : i32
      %dma_start3A_363 = tpu.memref_slice %arg6[%run_scoped3A_339, %dma_start3A_362] : memref<25x80xi32, #tpu.memory_space<vmem>> -> memref<1x80xi32, #tpu.memory_space<vmem>>
      %dma_start3A_364 = tpu.memref_squeeze %dma_start3A_363 : memref<1x80xi32, #tpu.memory_space<vmem>> -> memref<80xi32, #tpu.memory_space<vmem>>
      %dma_start3A_365 = arith.constant 0 : i32
      %dma_start3A_366 = arith.constant 0 : i32
      %dma_start3A_367 = tpu.memref_slice %arg10[%dma_start3A_365, %dma_start3A_366] : memref<10000x128xf32, #tpu.memory_space<vmem_shared>> -> memref<10000x128xf32, #tpu.memory_space<vmem_shared>>
      tpu.enqueue_indirect_dma source(%arg9 : memref<80x128xf32, #tpu.memory_space<vmem>>) target(%dma_start3A_367 : memref<10000x128xf32, #tpu.memory_space<vmem_shared>>) offsets(%dma_start3A_364 : memref<80xi32, #tpu.memory_space<vmem>>) semaphore(%run_scoped3A_361 : memref<!tpu.dma_semaphore, #tpu.memory_space<semaphore_mem>>) {add = true}
      %dma_wait3A_368 = arith.constant 0 : i32
      %dma_wait3A_369 = tpu.memref_slice %arg6[%run_scoped3A_339, %dma_wait3A_368] : memref<25x80xi32, #tpu.memory_space<vmem>> -> memref<1x80xi32, #tpu.memory_space<vmem>>
      %dma_wait3A_370 = tpu.memref_squeeze %dma_wait3A_369 : memref<1x80xi32, #tpu.memory_space<vmem>> -> memref<80xi32, #tpu.memory_space<vmem>>
      %dma_wait3A_371 = arith.constant 0 : i32
      %dma_wait3A_372 = arith.constant 0 : i32
      %dma_wait3A_373 = tpu.memref_slice %arg10[%dma_wait3A_371, %dma_wait3A_372] : memref<10000x128xf32, #tpu.memory_space<vmem_shared>> -> memref<10000x128xf32, #tpu.memory_space<vmem_shared>>
      tpu.wait_indirect_dma semaphore(%run_scoped3A_361 : memref<!tpu.dma_semaphore, #tpu.memory_space<semaphore_mem>>) src(%arg9 : memref<80x128xf32, #tpu.memory_space<vmem>>) dst(%dma_wait3A_373 : memref<10000x128xf32, #tpu.memory_space<vmem_shared>>)
      tpu.yield
    }) : () -> ()
    %dma_start3A_340 = arith.constant 24 : i32
    %dma_start3A_341 = arith.constant 0 : i32
    %dma_start3A_342 = tpu.memref_slice %arg5[%dma_start3A_340, %dma_start3A_341] : memref<25x80xi32, #tpu.memory_space<vmem>> -> memref<1x80xi32, #tpu.memory_space<vmem>>
    %dma_start3A_343 = tpu.memref_squeeze %dma_start3A_342 : memref<1x80xi32, #tpu.memory_space<vmem>> -> memref<80xi32, #tpu.memory_space<vmem>>
    %dma_start3A_344 = arith.constant 0 : i32
    %dma_start3A_345 = arith.constant 0 : i32
    %dma_start3A_346 = tpu.memref_slice %arg3[%dma_start3A_344, %dma_start3A_345] : memref<10000x128xf32, #tpu.memory_space<hbm>> -> memref<10000x128xf32, #tpu.memory_space<hbm>>
    tpu.enqueue_indirect_dma source(%dma_start3A_346 : memref<10000x128xf32, #tpu.memory_space<hbm>>) target(%arg7 : memref<80x128xf32, #tpu.memory_space<vmem>>) offsets(%dma_start3A_343 : memref<80xi32, #tpu.memory_space<vmem>>) semaphore(%arg11 : memref<!tpu.dma_semaphore, #tpu.memory_space<semaphore_mem>>)
    %dma_wait3A_347 = arith.constant 24 : i32
    %dma_wait3A_348 = arith.constant 0 : i32
    %dma_wait3A_349 = tpu.memref_slice %arg5[%dma_wait3A_347, %dma_wait3A_348] : memref<25x80xi32, #tpu.memory_space<vmem>> -> memref<1x80xi32, #tpu.memory_space<vmem>>
    %dma_wait3A_350 = tpu.memref_squeeze %dma_wait3A_349 : memref<1x80xi32, #tpu.memory_space<vmem>> -> memref<80xi32, #tpu.memory_space<vmem>>
    %dma_wait3A_351 = arith.constant 0 : i32
    %dma_wait3A_352 = arith.constant 0 : i32
    %dma_wait3A_353 = tpu.memref_slice %arg3[%dma_wait3A_351, %dma_wait3A_352] : memref<10000x128xf32, #tpu.memory_space<hbm>> -> memref<10000x128xf32, #tpu.memory_space<hbm>>
    tpu.wait_indirect_dma semaphore(%arg11 : memref<!tpu.dma_semaphore, #tpu.memory_space<semaphore_mem>>) src(%dma_wait3A_353 : memref<10000x128xf32, #tpu.memory_space<hbm>>) dst(%arg7 : memref<80x128xf32, #tpu.memory_space<vmem>>)
    %run_scoped3A_354 = arith.constant 24 : i32
    "tpu.region"() ({
      %run_scoped3A_361 = tpu.sem_alloc : memref<!tpu.dma_semaphore, #tpu.memory_space<semaphore_mem>>
      %dma_start3A_362 = arith.constant 0 : i32
      %dma_start3A_363 = tpu.memref_slice %arg6[%run_scoped3A_354, %dma_start3A_362] : memref<25x80xi32, #tpu.memory_space<vmem>> -> memref<1x80xi32, #tpu.memory_space<vmem>>
      %dma_start3A_364 = tpu.memref_squeeze %dma_start3A_363 : memref<1x80xi32, #tpu.memory_space<vmem>> -> memref<80xi32, #tpu.memory_space<vmem>>
      %dma_start3A_365 = arith.constant 0 : i32
      %dma_start3A_366 = arith.constant 0 : i32
      %dma_start3A_367 = tpu.memref_slice %arg10[%dma_start3A_365, %dma_start3A_366] : memref<10000x128xf32, #tpu.memory_space<vmem_shared>> -> memref<10000x128xf32, #tpu.memory_space<vmem_shared>>
      tpu.enqueue_indirect_dma source(%arg7 : memref<80x128xf32, #tpu.memory_space<vmem>>) target(%dma_start3A_367 : memref<10000x128xf32, #tpu.memory_space<vmem_shared>>) offsets(%dma_start3A_364 : memref<80xi32, #tpu.memory_space<vmem>>) semaphore(%run_scoped3A_361 : memref<!tpu.dma_semaphore, #tpu.memory_space<semaphore_mem>>) {add = true}
      %dma_wait3A_368 = arith.constant 0 : i32
      %dma_wait3A_369 = tpu.memref_slice %arg6[%run_scoped3A_354, %dma_wait3A_368] : memref<25x80xi32, #tpu.memory_space<vmem>> -> memref<1x80xi32, #tpu.memory_space<vmem>>
      %dma_wait3A_370 = tpu.memref_squeeze %dma_wait3A_369 : memref<1x80xi32, #tpu.memory_space<vmem>> -> memref<80xi32, #tpu.memory_space<vmem>>
      %dma_wait3A_371 = arith.constant 0 : i32
      %dma_wait3A_372 = arith.constant 0 : i32
      %dma_wait3A_373 = tpu.memref_slice %arg10[%dma_wait3A_371, %dma_wait3A_372] : memref<10000x128xf32, #tpu.memory_space<vmem_shared>> -> memref<10000x128xf32, #tpu.memory_space<vmem_shared>>
      tpu.wait_indirect_dma semaphore(%run_scoped3A_361 : memref<!tpu.dma_semaphore, #tpu.memory_space<semaphore_mem>>) src(%arg7 : memref<80x128xf32, #tpu.memory_space<vmem>>) dst(%dma_wait3A_373 : memref<10000x128xf32, #tpu.memory_space<vmem_shared>>)
      tpu.yield
    }) : () -> ()
    %barrier3A_355 = arith.constant 0 : index
    tpu.barrier barrier_id(%barrier3A_355)
    %lt3A_356 = arith.constant 10 : i32
    %lt3A_357 = arith.cmpi slt, %arg1, %lt3A_356 : i32
    %convert_element_type3A_358 = arith.extui %lt3A_357 : i1 to i32
    %cond3A_359 = arith.constant 0 : i32
    %cond3A_360 = arith.cmpi ne, %convert_element_type3A_358, %cond3A_359 : i32
    scf.if %cond3A_360 {
      %mul3A_361 = arith.constant 1000 : i32
      %mul3A_362 = arith.muli %arg1, %mul3A_361 : i32
      %mul3A_363 = arith.constant 1000 : i32
      %mul3A_364 = arith.muli %arg1, %mul3A_363 : i32
      "tpu.region"() ({
        %run_scoped3A_365 = tpu.sem_alloc : memref<!tpu.dma_semaphore, #tpu.memory_space<semaphore_mem>>
        %dma_start3A_366 = arith.constant 0 : i32
        %dma_start3A_367 = tpu.memref_slice %arg4[%arg0, %mul3A_364, %dma_start3A_366] : memref<2x10000x128xf32, #tpu.memory_space<hbm>> -> memref<1x1000x128xf32, #tpu.memory_space<hbm>>
        %dma_start3A_368 = tpu.memref_squeeze %dma_start3A_367 : memref<1x1000x128xf32, #tpu.memory_space<hbm>> -> memref<1000x128xf32, #tpu.memory_space<hbm>>
        %dma_start3A_369 = arith.constant 0 : i32
        %dma_start3A_370 = tpu.memref_slice %arg10[%mul3A_362, %dma_start3A_369] : memref<10000x128xf32, #tpu.memory_space<vmem_shared>> -> memref<1000x128xf32, #tpu.memory_space<vmem_shared>>
        tpu.enqueue_dma source(%dma_start3A_370 : memref<1000x128xf32, #tpu.memory_space<vmem_shared>>) target(%dma_start3A_368 : memref<1000x128xf32, #tpu.memory_space<hbm>>) target_semaphore(%run_scoped3A_365 : memref<!tpu.dma_semaphore, #tpu.memory_space<semaphore_mem>>)
        %dma_wait3A_371 = arith.constant 0 : i32
        %dma_wait3A_372 = tpu.memref_slice %arg4[%arg0, %mul3A_364, %dma_wait3A_371] : memref<2x10000x128xf32, #tpu.memory_space<hbm>> -> memref<1x1000x128xf32, #tpu.memory_space<hbm>>
        %dma_wait3A_373 = tpu.memref_squeeze %dma_wait3A_372 : memref<1x1000x128xf32, #tpu.memory_space<hbm>> -> memref<1000x128xf32, #tpu.memory_space<hbm>>
        %dma_wait3A_374 = arith.constant 0 : i32
        %dma_wait3A_375 = tpu.memref_slice %arg10[%mul3A_362, %dma_wait3A_374] : memref<10000x128xf32, #tpu.memory_space<vmem_shared>> -> memref<1000x128xf32, #tpu.memory_space<vmem_shared>>
        tpu.wait_dma2 semaphore(%run_scoped3A_365 : memref<!tpu.dma_semaphore, #tpu.memory_space<semaphore_mem>>) src(%dma_wait3A_375 : memref<1000x128xf32, #tpu.memory_space<vmem_shared>>) dst(%dma_wait3A_373 : memref<1000x128xf32, #tpu.memory_space<hbm>>)
        tpu.yield
      }) : () -> ()
    } else {
    }
    return
  }
}

#map = affine_map<(d0, d1) -> (0, 0, 0, 0, 0)>
#map1 = affine_map<(d0, d1) -> (0, 0)>
#map2 = affine_map<(d0, d1) -> (0, 0, 0)>
module attributes {stable_mosaic.version = 14 : i64} {
  func.func @_deg_kernel(%arg0: i32, %arg1: i32, %arg2: memref<2x32x5x25x80xi32, #tpu.memory_space<hbm>>, %arg3: memref<1x80xi32, #tpu.memory_space<hbm>>, %arg4: memref<80x128xf32, #tpu.memory_space<hbm>>, %arg5: memref<2x80x128xf32, #tpu.memory_space<hbm>>, %arg6: memref<25x80xi32, #tpu.memory_space<vmem>>, %arg7: memref<80x128xf32, #tpu.memory_space<vmem>>, %arg8: memref<1x80xi32, #tpu.memory_space<vmem>>, %arg9: memref<80x128xf32, #tpu.memory_space<vmem_shared>>) attributes {dimension_semantics = [#tpu.dimension_semantics<core_parallel>, #tpu.dimension_semantics<subcore_parallel>], iteration_bounds = array<i64: 2, 16>, scalar_prefetch = 0 : i64, scratch_operands = 4 : i64, tpu.core_type = #tpu.core_type<sc_vector_subcore>, window_params = [{transform_indices = #map}, {transform_indices = #map1}, {transform_indices = #map1}, {transform_indices = #map2}]} {
    %mul3A = arith.constant 2 : i32
    %mul3A_0 = arith.muli %arg1, %mul3A : i32
    %add3A = arith.addi %mul3A_0, %arg0 : i32
    %eq3A = arith.constant 0 : i32
    %eq3A_1 = arith.cmpi eq, %arg1, %eq3A : i32
    %convert_element_type3A = arith.extui %eq3A_1 : i1 to i32
    %cond3A = arith.constant 0 : i32
    %cond3A_2 = arith.cmpi ne, %convert_element_type3A, %cond3A : i32
    scf.if %cond3A_2 {
      "tpu.region"() ({
        %run_scoped3A_49 = tpu.sem_alloc : memref<!tpu.dma_semaphore, #tpu.memory_space<semaphore_mem>>
        tpu.enqueue_dma source(%arg4 : memref<80x128xf32, #tpu.memory_space<hbm>>) target(%arg9 : memref<80x128xf32, #tpu.memory_space<vmem_shared>>) target_semaphore(%run_scoped3A_49 : memref<!tpu.dma_semaphore, #tpu.memory_space<semaphore_mem>>)
        tpu.wait_dma2 semaphore(%run_scoped3A_49 : memref<!tpu.dma_semaphore, #tpu.memory_space<semaphore_mem>>) src(%arg4 : memref<80x128xf32, #tpu.memory_space<hbm>>) dst(%arg9 : memref<80x128xf32, #tpu.memory_space<vmem_shared>>)
        tpu.yield
      }) : () -> ()
    } else {
    }
    "tpu.region"() ({
      %run_scoped3A_49 = tpu.sem_alloc : memref<!tpu.dma_semaphore, #tpu.memory_space<semaphore_mem>>
      tpu.enqueue_dma source(%arg4 : memref<80x128xf32, #tpu.memory_space<hbm>>) target(%arg7 : memref<80x128xf32, #tpu.memory_space<vmem>>) target_semaphore(%run_scoped3A_49 : memref<!tpu.dma_semaphore, #tpu.memory_space<semaphore_mem>>)
      tpu.wait_dma2 semaphore(%run_scoped3A_49 : memref<!tpu.dma_semaphore, #tpu.memory_space<semaphore_mem>>) src(%arg4 : memref<80x128xf32, #tpu.memory_space<hbm>>) dst(%arg7 : memref<80x128xf32, #tpu.memory_space<vmem>>)
      tpu.yield
    }) : () -> ()
    "tpu.region"() ({
      %run_scoped3A_49 = tpu.sem_alloc : memref<!tpu.dma_semaphore, #tpu.memory_space<semaphore_mem>>
      tpu.enqueue_dma source(%arg3 : memref<1x80xi32, #tpu.memory_space<hbm>>) target(%arg8 : memref<1x80xi32, #tpu.memory_space<vmem>>) target_semaphore(%run_scoped3A_49 : memref<!tpu.dma_semaphore, #tpu.memory_space<semaphore_mem>>)
      tpu.wait_dma2 semaphore(%run_scoped3A_49 : memref<!tpu.dma_semaphore, #tpu.memory_space<semaphore_mem>>) src(%arg3 : memref<1x80xi32, #tpu.memory_space<hbm>>) dst(%arg8 : memref<1x80xi32, #tpu.memory_space<vmem>>)
      tpu.yield
    }) : () -> ()
    %broadcast_in_dim3A = arith.constant 1.000000e+00 : f32
    %broadcast_in_dim3A_3 = vector.broadcast %broadcast_in_dim3A : f32 to vector<16xf32>
    %run_scoped3A = arith.constant 1 : i32
    %run_scoped3A_4 = arith.constant 0 : i32
    "tpu.region"() ({
      %run_scoped3A_49 = tpu.sem_alloc : memref<!tpu.dma_semaphore, #tpu.memory_space<semaphore_mem>>
      %dma_start3A = arith.constant 0 : i32
      %dma_start3A_50 = arith.constant 0 : i32
      %dma_start3A_51 = tpu.memref_slice %arg2[%run_scoped3A, %add3A, %run_scoped3A_4, %dma_start3A, %dma_start3A_50] : memref<2x32x5x25x80xi32, #tpu.memory_space<hbm>> -> memref<1x1x1x25x80xi32, #tpu.memory_space<hbm>>
      %dma_start3A_52 = tpu.memref_squeeze %dma_start3A_51 : memref<1x1x1x25x80xi32, #tpu.memory_space<hbm>> -> memref<25x80xi32, #tpu.memory_space<hbm>>
      %dma_start3A_53 = arith.constant 0 : i32
      %dma_start3A_54 = arith.constant 0 : i32
      %dma_start3A_55 = tpu.memref_slice %arg2[%run_scoped3A, %add3A, %run_scoped3A_4, %dma_start3A_53, %dma_start3A_54] : memref<2x32x5x25x80xi32, #tpu.memory_space<hbm>> -> memref<1x1x1x25x80xi32, #tpu.memory_space<hbm>>
      %dma_start3A_56 = tpu.memref_squeeze %dma_start3A_55 : memref<1x1x1x25x80xi32, #tpu.memory_space<hbm>> -> memref<25x80xi32, #tpu.memory_space<hbm>>
      tpu.enqueue_dma source(%dma_start3A_56 : memref<25x80xi32, #tpu.memory_space<hbm>>) target(%arg6 : memref<25x80xi32, #tpu.memory_space<vmem>>) target_semaphore(%run_scoped3A_49 : memref<!tpu.dma_semaphore, #tpu.memory_space<semaphore_mem>>)
      %dma_wait3A = arith.constant 0 : i32
      %dma_wait3A_57 = arith.constant 0 : i32
      %dma_wait3A_58 = tpu.memref_slice %arg2[%run_scoped3A, %add3A, %run_scoped3A_4, %dma_wait3A, %dma_wait3A_57] : memref<2x32x5x25x80xi32, #tpu.memory_space<hbm>> -> memref<1x1x1x25x80xi32, #tpu.memory_space<hbm>>
      %dma_wait3A_59 = tpu.memref_squeeze %dma_wait3A_58 : memref<1x1x1x25x80xi32, #tpu.memory_space<hbm>> -> memref<25x80xi32, #tpu.memory_space<hbm>>
      %dma_wait3A_60 = arith.constant 0 : i32
      %dma_wait3A_61 = arith.constant 0 : i32
      %dma_wait3A_62 = tpu.memref_slice %arg2[%run_scoped3A, %add3A, %run_scoped3A_4, %dma_wait3A_60, %dma_wait3A_61] : memref<2x32x5x25x80xi32, #tpu.memory_space<hbm>> -> memref<1x1x1x25x80xi32, #tpu.memory_space<hbm>>
      %dma_wait3A_63 = tpu.memref_squeeze %dma_wait3A_62 : memref<1x1x1x25x80xi32, #tpu.memory_space<hbm>> -> memref<25x80xi32, #tpu.memory_space<hbm>>
      tpu.wait_dma2 semaphore(%run_scoped3A_49 : memref<!tpu.dma_semaphore, #tpu.memory_space<semaphore_mem>>) src(%dma_wait3A_63 : memref<25x80xi32, #tpu.memory_space<hbm>>) dst(%arg6 : memref<25x80xi32, #tpu.memory_space<vmem>>)
      tpu.yield
    }) : () -> ()
    %scan3A = arith.constant 0 : i32
    %scan3A_5 = arith.constant 0 : i32
    %scan3A_6 = arith.constant 125 : i32
    %scan3A_7 = arith.addi %scan3A_5, %scan3A_6 : i32
    %scan3A_8 = arith.constant 1 : i32
    scf.for %scan3A_49 = %scan3A_5 to %scan3A_7 step %scan3A_8  : i32 {
      %jit3A = arith.constant 5 : i32
      %div3A = arith.divsi %scan3A_49, %jit3A : i32
      %sign3A = arith.constant 0 : i32
      %sign3A_50 = arith.cmpi sgt, %scan3A_49, %sign3A : i32
      %sign3A_51 = arith.extui %sign3A_50 : i1 to i32
      %sign3A_52 = arith.constant 0 : i32
      %sign3A_53 = arith.cmpi slt, %scan3A_49, %sign3A_52 : i32
      %sign3A_54 = arith.extui %sign3A_53 : i1 to i32
      %sign3A_55 = arith.subi %sign3A_51, %sign3A_54 : i32
      %sign3A_56 = arith.constant 0 : i32
      %sign3A_57 = arith.cmpi sgt, %jit3A, %sign3A_56 : i32
      %sign3A_58 = arith.extui %sign3A_57 : i1 to i32
      %sign3A_59 = arith.constant 0 : i32
      %sign3A_60 = arith.cmpi slt, %jit3A, %sign3A_59 : i32
      %sign3A_61 = arith.extui %sign3A_60 : i1 to i32
      %sign3A_62 = arith.subi %sign3A_58, %sign3A_61 : i32
      %ne3A = arith.cmpi ne, %sign3A_55, %sign3A_62 : i32
      %rem3A = arith.remsi %scan3A_49, %jit3A : i32
      %ne3A_63 = arith.constant 0 : i32
      %ne3A_64 = arith.cmpi ne, %rem3A, %ne3A_63 : i32
      %and3A = arith.andi %ne3A, %ne3A_64 : i1
      %sub3A = arith.constant 1 : i32
      %sub3A_65 = arith.subi %div3A, %sub3A : i32
      %select_n3A = arith.select %and3A, %sub3A_65, %div3A : i32
      %jit3A_66 = arith.constant 5 : i32
      %eq3A_67 = arith.constant 0 : i32
      %eq3A_68 = arith.cmpi eq, %jit3A_66, %eq3A_67 : i32
      %jit3A_69 = arith.constant 1 : i32
      %select_n3A_70 = arith.select %eq3A_68, %jit3A_69, %jit3A_66 : i32
      %rem3A_71 = arith.remsi %scan3A_49, %select_n3A_70 : i32
      %ne3A_72 = arith.constant 0 : i32
      %ne3A_73 = arith.cmpi ne, %rem3A_71, %ne3A_72 : i32
      %lt3A = arith.constant 0 : i32
      %lt3A_74 = arith.cmpi slt, %rem3A_71, %lt3A : i32
      %lt3A_75 = arith.constant 0 : i32
      %lt3A_76 = arith.cmpi slt, %select_n3A_70, %lt3A_75 : i32
      %ne3A_77 = arith.xori %lt3A_74, %lt3A_76 : i1
      %and3A_78 = arith.andi %ne3A_77, %ne3A_73 : i1
      %add3A_79 = arith.addi %rem3A_71, %select_n3A_70 : i32
      %select_n3A_80 = arith.select %and3A_78, %add3A_79, %rem3A_71 : i32
      %mul3A_81 = arith.constant 16 : i32
      %mul3A_82 = arith.muli %select_n3A_80, %mul3A_81 : i32
      %get3A = arith.index_cast %select_n3A : i32 to index
      %get3A_83 = arith.index_cast %mul3A_82 : i32 to index
      %get3A_84 = tpu.vector_load %arg6[%get3A, %get3A_83] {strides = array<i32>} : memref<25x80xi32, #tpu.memory_space<vmem>>, vector<16xi32>,
      %shift_right_logical3A = arith.constant 7 : i32
      %shift_right_logical3A_85 = vector.broadcast %shift_right_logical3A : i32 to vector<16xi32>
      %shift_right_logical3A_86 = arith.shrui %get3A_84, %shift_right_logical3A_85 : vector<16xi32>
      %and3A_87 = arith.constant 127 : i32
      %and3A_88 = vector.broadcast %and3A_87 : i32 to vector<16xi32>
      %and3A_89 = arith.andi %get3A_84, %and3A_88 : vector<16xi32>
      tpu.vector_store_idx %arg7[%shift_right_logical3A_86, %and3A_89], %broadcast_in_dim3A_3 {add = true} : memref<80x128xf32, #tpu.memory_space<vmem>>[vector<16xi32>, vector<16xi32>], vector<16xf32>,
    }
    %scan3A_9 = arith.constant 125 : i32
    %run_scoped3A_10 = arith.constant 1 : i32
    %run_scoped3A_11 = arith.constant 1 : i32
    "tpu.region"() ({
      %run_scoped3A_49 = tpu.sem_alloc : memref<!tpu.dma_semaphore, #tpu.memory_space<semaphore_mem>>
      %dma_start3A = arith.constant 0 : i32
      %dma_start3A_50 = arith.constant 0 : i32
      %dma_start3A_51 = tpu.memref_slice %arg2[%run_scoped3A_10, %add3A, %run_scoped3A_11, %dma_start3A, %dma_start3A_50] : memref<2x32x5x25x80xi32, #tpu.memory_space<hbm>> -> memref<1x1x1x25x80xi32, #tpu.memory_space<hbm>>
      %dma_start3A_52 = tpu.memref_squeeze %dma_start3A_51 : memref<1x1x1x25x80xi32, #tpu.memory_space<hbm>> -> memref<25x80xi32, #tpu.memory_space<hbm>>
      %dma_start3A_53 = arith.constant 0 : i32
      %dma_start3A_54 = arith.constant 0 : i32
      %dma_start3A_55 = tpu.memref_slice %arg2[%run_scoped3A_10, %add3A, %run_scoped3A_11, %dma_start3A_53, %dma_start3A_54] : memref<2x32x5x25x80xi32, #tpu.memory_space<hbm>> -> memref<1x1x1x25x80xi32, #tpu.memory_space<hbm>>
      %dma_start3A_56 = tpu.memref_squeeze %dma_start3A_55 : memref<1x1x1x25x80xi32, #tpu.memory_space<hbm>> -> memref<25x80xi32, #tpu.memory_space<hbm>>
      tpu.enqueue_dma source(%dma_start3A_56 : memref<25x80xi32, #tpu.memory_space<hbm>>) target(%arg6 : memref<25x80xi32, #tpu.memory_space<vmem>>) target_semaphore(%run_scoped3A_49 : memref<!tpu.dma_semaphore, #tpu.memory_space<semaphore_mem>>)
      %dma_wait3A = arith.constant 0 : i32
      %dma_wait3A_57 = arith.constant 0 : i32
      %dma_wait3A_58 = tpu.memref_slice %arg2[%run_scoped3A_10, %add3A, %run_scoped3A_11, %dma_wait3A, %dma_wait3A_57] : memref<2x32x5x25x80xi32, #tpu.memory_space<hbm>> -> memref<1x1x1x25x80xi32, #tpu.memory_space<hbm>>
      %dma_wait3A_59 = tpu.memref_squeeze %dma_wait3A_58 : memref<1x1x1x25x80xi32, #tpu.memory_space<hbm>> -> memref<25x80xi32, #tpu.memory_space<hbm>>
      %dma_wait3A_60 = arith.constant 0 : i32
      %dma_wait3A_61 = arith.constant 0 : i32
      %dma_wait3A_62 = tpu.memref_slice %arg2[%run_scoped3A_10, %add3A, %run_scoped3A_11, %dma_wait3A_60, %dma_wait3A_61] : memref<2x32x5x25x80xi32, #tpu.memory_space<hbm>> -> memref<1x1x1x25x80xi32, #tpu.memory_space<hbm>>
      %dma_wait3A_63 = tpu.memref_squeeze %dma_wait3A_62 : memref<1x1x1x25x80xi32, #tpu.memory_space<hbm>> -> memref<25x80xi32, #tpu.memory_space<hbm>>
      tpu.wait_dma2 semaphore(%run_scoped3A_49 : memref<!tpu.dma_semaphore, #tpu.memory_space<semaphore_mem>>) src(%dma_wait3A_63 : memref<25x80xi32, #tpu.memory_space<hbm>>) dst(%arg6 : memref<25x80xi32, #tpu.memory_space<vmem>>)
      tpu.yield
    }) : () -> ()
    %scan3A_12 = arith.constant 0 : i32
    %scan3A_13 = arith.constant 0 : i32
    %scan3A_14 = arith.constant 125 : i32
    %scan3A_15 = arith.addi %scan3A_13, %scan3A_14 : i32
    %scan3A_16 = arith.constant 1 : i32
    scf.for %scan3A_49 = %scan3A_13 to %scan3A_15 step %scan3A_16  : i32 {
      %jit3A = arith.constant 5 : i32
      %div3A = arith.divsi %scan3A_49, %jit3A : i32
      %sign3A = arith.constant 0 : i32
      %sign3A_50 = arith.cmpi sgt, %scan3A_49, %sign3A : i32
      %sign3A_51 = arith.extui %sign3A_50 : i1 to i32
      %sign3A_52 = arith.constant 0 : i32
      %sign3A_53 = arith.cmpi slt, %scan3A_49, %sign3A_52 : i32
      %sign3A_54 = arith.extui %sign3A_53 : i1 to i32
      %sign3A_55 = arith.subi %sign3A_51, %sign3A_54 : i32
      %sign3A_56 = arith.constant 0 : i32
      %sign3A_57 = arith.cmpi sgt, %jit3A, %sign3A_56 : i32
      %sign3A_58 = arith.extui %sign3A_57 : i1 to i32
      %sign3A_59 = arith.constant 0 : i32
      %sign3A_60 = arith.cmpi slt, %jit3A, %sign3A_59 : i32
      %sign3A_61 = arith.extui %sign3A_60 : i1 to i32
      %sign3A_62 = arith.subi %sign3A_58, %sign3A_61 : i32
      %ne3A = arith.cmpi ne, %sign3A_55, %sign3A_62 : i32
      %rem3A = arith.remsi %scan3A_49, %jit3A : i32
      %ne3A_63 = arith.constant 0 : i32
      %ne3A_64 = arith.cmpi ne, %rem3A, %ne3A_63 : i32
      %and3A = arith.andi %ne3A, %ne3A_64 : i1
      %sub3A = arith.constant 1 : i32
      %sub3A_65 = arith.subi %div3A, %sub3A : i32
      %select_n3A = arith.select %and3A, %sub3A_65, %div3A : i32
      %jit3A_66 = arith.constant 5 : i32
      %eq3A_67 = arith.constant 0 : i32
      %eq3A_68 = arith.cmpi eq, %jit3A_66, %eq3A_67 : i32
      %jit3A_69 = arith.constant 1 : i32
      %select_n3A_70 = arith.select %eq3A_68, %jit3A_69, %jit3A_66 : i32
      %rem3A_71 = arith.remsi %scan3A_49, %select_n3A_70 : i32
      %ne3A_72 = arith.constant 0 : i32
      %ne3A_73 = arith.cmpi ne, %rem3A_71, %ne3A_72 : i32
      %lt3A = arith.constant 0 : i32
      %lt3A_74 = arith.cmpi slt, %rem3A_71, %lt3A : i32
      %lt3A_75 = arith.constant 0 : i32
      %lt3A_76 = arith.cmpi slt, %select_n3A_70, %lt3A_75 : i32
      %ne3A_77 = arith.xori %lt3A_74, %lt3A_76 : i1
      %and3A_78 = arith.andi %ne3A_77, %ne3A_73 : i1
      %add3A_79 = arith.addi %rem3A_71, %select_n3A_70 : i32
      %select_n3A_80 = arith.select %and3A_78, %add3A_79, %rem3A_71 : i32
      %mul3A_81 = arith.constant 16 : i32
      %mul3A_82 = arith.muli %select_n3A_80, %mul3A_81 : i32
      %get3A = arith.index_cast %select_n3A : i32 to index
      %get3A_83 = arith.index_cast %mul3A_82 : i32 to index
      %get3A_84 = tpu.vector_load %arg6[%get3A, %get3A_83] {strides = array<i32>} : memref<25x80xi32, #tpu.memory_space<vmem>>, vector<16xi32>,
      %shift_right_logical3A = arith.constant 7 : i32
      %shift_right_logical3A_85 = vector.broadcast %shift_right_logical3A : i32 to vector<16xi32>
      %shift_right_logical3A_86 = arith.shrui %get3A_84, %shift_right_logical3A_85 : vector<16xi32>
      %and3A_87 = arith.constant 127 : i32
      %and3A_88 = vector.broadcast %and3A_87 : i32 to vector<16xi32>
      %and3A_89 = arith.andi %get3A_84, %and3A_88 : vector<16xi32>
      tpu.vector_store_idx %arg7[%shift_right_logical3A_86, %and3A_89], %broadcast_in_dim3A_3 {add = true} : memref<80x128xf32, #tpu.memory_space<vmem>>[vector<16xi32>, vector<16xi32>], vector<16xf32>,
    }
    %scan3A_17 = arith.constant 125 : i32
    %run_scoped3A_18 = arith.constant 1 : i32
    %run_scoped3A_19 = arith.constant 2 : i32
    "tpu.region"() ({
      %run_scoped3A_49 = tpu.sem_alloc : memref<!tpu.dma_semaphore, #tpu.memory_space<semaphore_mem>>
      %dma_start3A = arith.constant 0 : i32
      %dma_start3A_50 = arith.constant 0 : i32
      %dma_start3A_51 = tpu.memref_slice %arg2[%run_scoped3A_18, %add3A, %run_scoped3A_19, %dma_start3A, %dma_start3A_50] : memref<2x32x5x25x80xi32, #tpu.memory_space<hbm>> -> memref<1x1x1x25x80xi32, #tpu.memory_space<hbm>>
      %dma_start3A_52 = tpu.memref_squeeze %dma_start3A_51 : memref<1x1x1x25x80xi32, #tpu.memory_space<hbm>> -> memref<25x80xi32, #tpu.memory_space<hbm>>
      %dma_start3A_53 = arith.constant 0 : i32
      %dma_start3A_54 = arith.constant 0 : i32
      %dma_start3A_55 = tpu.memref_slice %arg2[%run_scoped3A_18, %add3A, %run_scoped3A_19, %dma_start3A_53, %dma_start3A_54] : memref<2x32x5x25x80xi32, #tpu.memory_space<hbm>> -> memref<1x1x1x25x80xi32, #tpu.memory_space<hbm>>
      %dma_start3A_56 = tpu.memref_squeeze %dma_start3A_55 : memref<1x1x1x25x80xi32, #tpu.memory_space<hbm>> -> memref<25x80xi32, #tpu.memory_space<hbm>>
      tpu.enqueue_dma source(%dma_start3A_56 : memref<25x80xi32, #tpu.memory_space<hbm>>) target(%arg6 : memref<25x80xi32, #tpu.memory_space<vmem>>) target_semaphore(%run_scoped3A_49 : memref<!tpu.dma_semaphore, #tpu.memory_space<semaphore_mem>>)
      %dma_wait3A = arith.constant 0 : i32
      %dma_wait3A_57 = arith.constant 0 : i32
      %dma_wait3A_58 = tpu.memref_slice %arg2[%run_scoped3A_18, %add3A, %run_scoped3A_19, %dma_wait3A, %dma_wait3A_57] : memref<2x32x5x25x80xi32, #tpu.memory_space<hbm>> -> memref<1x1x1x25x80xi32, #tpu.memory_space<hbm>>
      %dma_wait3A_59 = tpu.memref_squeeze %dma_wait3A_58 : memref<1x1x1x25x80xi32, #tpu.memory_space<hbm>> -> memref<25x80xi32, #tpu.memory_space<hbm>>
      %dma_wait3A_60 = arith.constant 0 : i32
      %dma_wait3A_61 = arith.constant 0 : i32
      %dma_wait3A_62 = tpu.memref_slice %arg2[%run_scoped3A_18, %add3A, %run_scoped3A_19, %dma_wait3A_60, %dma_wait3A_61] : memref<2x32x5x25x80xi32, #tpu.memory_space<hbm>> -> memref<1x1x1x25x80xi32, #tpu.memory_space<hbm>>
      %dma_wait3A_63 = tpu.memref_squeeze %dma_wait3A_62 : memref<1x1x1x25x80xi32, #tpu.memory_space<hbm>> -> memref<25x80xi32, #tpu.memory_space<hbm>>
      tpu.wait_dma2 semaphore(%run_scoped3A_49 : memref<!tpu.dma_semaphore, #tpu.memory_space<semaphore_mem>>) src(%dma_wait3A_63 : memref<25x80xi32, #tpu.memory_space<hbm>>) dst(%arg6 : memref<25x80xi32, #tpu.memory_space<vmem>>)
      tpu.yield
    }) : () -> ()
    %scan3A_20 = arith.constant 0 : i32
    %scan3A_21 = arith.constant 0 : i32
    %scan3A_22 = arith.constant 125 : i32
    %scan3A_23 = arith.addi %scan3A_21, %scan3A_22 : i32
    %scan3A_24 = arith.constant 1 : i32
    scf.for %scan3A_49 = %scan3A_21 to %scan3A_23 step %scan3A_24  : i32 {
      %jit3A = arith.constant 5 : i32
      %div3A = arith.divsi %scan3A_49, %jit3A : i32
      %sign3A = arith.constant 0 : i32
      %sign3A_50 = arith.cmpi sgt, %scan3A_49, %sign3A : i32
      %sign3A_51 = arith.extui %sign3A_50 : i1 to i32
      %sign3A_52 = arith.constant 0 : i32
      %sign3A_53 = arith.cmpi slt, %scan3A_49, %sign3A_52 : i32
      %sign3A_54 = arith.extui %sign3A_53 : i1 to i32
      %sign3A_55 = arith.subi %sign3A_51, %sign3A_54 : i32
      %sign3A_56 = arith.constant 0 : i32
      %sign3A_57 = arith.cmpi sgt, %jit3A, %sign3A_56 : i32
      %sign3A_58 = arith.extui %sign3A_57 : i1 to i32
      %sign3A_59 = arith.constant 0 : i32
      %sign3A_60 = arith.cmpi slt, %jit3A, %sign3A_59 : i32
      %sign3A_61 = arith.extui %sign3A_60 : i1 to i32
      %sign3A_62 = arith.subi %sign3A_58, %sign3A_61 : i32
      %ne3A = arith.cmpi ne, %sign3A_55, %sign3A_62 : i32
      %rem3A = arith.remsi %scan3A_49, %jit3A : i32
      %ne3A_63 = arith.constant 0 : i32
      %ne3A_64 = arith.cmpi ne, %rem3A, %ne3A_63 : i32
      %and3A = arith.andi %ne3A, %ne3A_64 : i1
      %sub3A = arith.constant 1 : i32
      %sub3A_65 = arith.subi %div3A, %sub3A : i32
      %select_n3A = arith.select %and3A, %sub3A_65, %div3A : i32
      %jit3A_66 = arith.constant 5 : i32
      %eq3A_67 = arith.constant 0 : i32
      %eq3A_68 = arith.cmpi eq, %jit3A_66, %eq3A_67 : i32
      %jit3A_69 = arith.constant 1 : i32
      %select_n3A_70 = arith.select %eq3A_68, %jit3A_69, %jit3A_66 : i32
      %rem3A_71 = arith.remsi %scan3A_49, %select_n3A_70 : i32
      %ne3A_72 = arith.constant 0 : i32
      %ne3A_73 = arith.cmpi ne, %rem3A_71, %ne3A_72 : i32
      %lt3A = arith.constant 0 : i32
      %lt3A_74 = arith.cmpi slt, %rem3A_71, %lt3A : i32
      %lt3A_75 = arith.constant 0 : i32
      %lt3A_76 = arith.cmpi slt, %select_n3A_70, %lt3A_75 : i32
      %ne3A_77 = arith.xori %lt3A_74, %lt3A_76 : i1
      %and3A_78 = arith.andi %ne3A_77, %ne3A_73 : i1
      %add3A_79 = arith.addi %rem3A_71, %select_n3A_70 : i32
      %select_n3A_80 = arith.select %and3A_78, %add3A_79, %rem3A_71 : i32
      %mul3A_81 = arith.constant 16 : i32
      %mul3A_82 = arith.muli %select_n3A_80, %mul3A_81 : i32
      %get3A = arith.index_cast %select_n3A : i32 to index
      %get3A_83 = arith.index_cast %mul3A_82 : i32 to index
      %get3A_84 = tpu.vector_load %arg6[%get3A, %get3A_83] {strides = array<i32>} : memref<25x80xi32, #tpu.memory_space<vmem>>, vector<16xi32>,
      %shift_right_logical3A = arith.constant 7 : i32
      %shift_right_logical3A_85 = vector.broadcast %shift_right_logical3A : i32 to vector<16xi32>
      %shift_right_logical3A_86 = arith.shrui %get3A_84, %shift_right_logical3A_85 : vector<16xi32>
      %and3A_87 = arith.constant 127 : i32
      %and3A_88 = vector.broadcast %and3A_87 : i32 to vector<16xi32>
      %and3A_89 = arith.andi %get3A_84, %and3A_88 : vector<16xi32>
      tpu.vector_store_idx %arg7[%shift_right_logical3A_86, %and3A_89], %broadcast_in_dim3A_3 {add = true} : memref<80x128xf32, #tpu.memory_space<vmem>>[vector<16xi32>, vector<16xi32>], vector<16xf32>,
    }
    %scan3A_25 = arith.constant 125 : i32
    %run_scoped3A_26 = arith.constant 1 : i32
    %run_scoped3A_27 = arith.constant 3 : i32
    "tpu.region"() ({
      %run_scoped3A_49 = tpu.sem_alloc : memref<!tpu.dma_semaphore, #tpu.memory_space<semaphore_mem>>
      %dma_start3A = arith.constant 0 : i32
      %dma_start3A_50 = arith.constant 0 : i32
      %dma_start3A_51 = tpu.memref_slice %arg2[%run_scoped3A_26, %add3A, %run_scoped3A_27, %dma_start3A, %dma_start3A_50] : memref<2x32x5x25x80xi32, #tpu.memory_space<hbm>> -> memref<1x1x1x25x80xi32, #tpu.memory_space<hbm>>
      %dma_start3A_52 = tpu.memref_squeeze %dma_start3A_51 : memref<1x1x1x25x80xi32, #tpu.memory_space<hbm>> -> memref<25x80xi32, #tpu.memory_space<hbm>>
      %dma_start3A_53 = arith.constant 0 : i32
      %dma_start3A_54 = arith.constant 0 : i32
      %dma_start3A_55 = tpu.memref_slice %arg2[%run_scoped3A_26, %add3A, %run_scoped3A_27, %dma_start3A_53, %dma_start3A_54] : memref<2x32x5x25x80xi32, #tpu.memory_space<hbm>> -> memref<1x1x1x25x80xi32, #tpu.memory_space<hbm>>
      %dma_start3A_56 = tpu.memref_squeeze %dma_start3A_55 : memref<1x1x1x25x80xi32, #tpu.memory_space<hbm>> -> memref<25x80xi32, #tpu.memory_space<hbm>>
      tpu.enqueue_dma source(%dma_start3A_56 : memref<25x80xi32, #tpu.memory_space<hbm>>) target(%arg6 : memref<25x80xi32, #tpu.memory_space<vmem>>) target_semaphore(%run_scoped3A_49 : memref<!tpu.dma_semaphore, #tpu.memory_space<semaphore_mem>>)
      %dma_wait3A = arith.constant 0 : i32
      %dma_wait3A_57 = arith.constant 0 : i32
      %dma_wait3A_58 = tpu.memref_slice %arg2[%run_scoped3A_26, %add3A, %run_scoped3A_27, %dma_wait3A, %dma_wait3A_57] : memref<2x32x5x25x80xi32, #tpu.memory_space<hbm>> -> memref<1x1x1x25x80xi32, #tpu.memory_space<hbm>>
      %dma_wait3A_59 = tpu.memref_squeeze %dma_wait3A_58 : memref<1x1x1x25x80xi32, #tpu.memory_space<hbm>> -> memref<25x80xi32, #tpu.memory_space<hbm>>
      %dma_wait3A_60 = arith.constant 0 : i32
      %dma_wait3A_61 = arith.constant 0 : i32
      %dma_wait3A_62 = tpu.memref_slice %arg2[%run_scoped3A_26, %add3A, %run_scoped3A_27, %dma_wait3A_60, %dma_wait3A_61] : memref<2x32x5x25x80xi32, #tpu.memory_space<hbm>> -> memref<1x1x1x25x80xi32, #tpu.memory_space<hbm>>
      %dma_wait3A_63 = tpu.memref_squeeze %dma_wait3A_62 : memref<1x1x1x25x80xi32, #tpu.memory_space<hbm>> -> memref<25x80xi32, #tpu.memory_space<hbm>>
      tpu.wait_dma2 semaphore(%run_scoped3A_49 : memref<!tpu.dma_semaphore, #tpu.memory_space<semaphore_mem>>) src(%dma_wait3A_63 : memref<25x80xi32, #tpu.memory_space<hbm>>) dst(%arg6 : memref<25x80xi32, #tpu.memory_space<vmem>>)
      tpu.yield
    }) : () -> ()
    %scan3A_28 = arith.constant 0 : i32
    %scan3A_29 = arith.constant 0 : i32
    %scan3A_30 = arith.constant 125 : i32
    %scan3A_31 = arith.addi %scan3A_29, %scan3A_30 : i32
    %scan3A_32 = arith.constant 1 : i32
    scf.for %scan3A_49 = %scan3A_29 to %scan3A_31 step %scan3A_32  : i32 {
      %jit3A = arith.constant 5 : i32
      %div3A = arith.divsi %scan3A_49, %jit3A : i32
      %sign3A = arith.constant 0 : i32
      %sign3A_50 = arith.cmpi sgt, %scan3A_49, %sign3A : i32
      %sign3A_51 = arith.extui %sign3A_50 : i1 to i32
      %sign3A_52 = arith.constant 0 : i32
      %sign3A_53 = arith.cmpi slt, %scan3A_49, %sign3A_52 : i32
      %sign3A_54 = arith.extui %sign3A_53 : i1 to i32
      %sign3A_55 = arith.subi %sign3A_51, %sign3A_54 : i32
      %sign3A_56 = arith.constant 0 : i32
      %sign3A_57 = arith.cmpi sgt, %jit3A, %sign3A_56 : i32
      %sign3A_58 = arith.extui %sign3A_57 : i1 to i32
      %sign3A_59 = arith.constant 0 : i32
      %sign3A_60 = arith.cmpi slt, %jit3A, %sign3A_59 : i32
      %sign3A_61 = arith.extui %sign3A_60 : i1 to i32
      %sign3A_62 = arith.subi %sign3A_58, %sign3A_61 : i32
      %ne3A = arith.cmpi ne, %sign3A_55, %sign3A_62 : i32
      %rem3A = arith.remsi %scan3A_49, %jit3A : i32
      %ne3A_63 = arith.constant 0 : i32
      %ne3A_64 = arith.cmpi ne, %rem3A, %ne3A_63 : i32
      %and3A = arith.andi %ne3A, %ne3A_64 : i1
      %sub3A = arith.constant 1 : i32
      %sub3A_65 = arith.subi %div3A, %sub3A : i32
      %select_n3A = arith.select %and3A, %sub3A_65, %div3A : i32
      %jit3A_66 = arith.constant 5 : i32
      %eq3A_67 = arith.constant 0 : i32
      %eq3A_68 = arith.cmpi eq, %jit3A_66, %eq3A_67 : i32
      %jit3A_69 = arith.constant 1 : i32
      %select_n3A_70 = arith.select %eq3A_68, %jit3A_69, %jit3A_66 : i32
      %rem3A_71 = arith.remsi %scan3A_49, %select_n3A_70 : i32
      %ne3A_72 = arith.constant 0 : i32
      %ne3A_73 = arith.cmpi ne, %rem3A_71, %ne3A_72 : i32
      %lt3A = arith.constant 0 : i32
      %lt3A_74 = arith.cmpi slt, %rem3A_71, %lt3A : i32
      %lt3A_75 = arith.constant 0 : i32
      %lt3A_76 = arith.cmpi slt, %select_n3A_70, %lt3A_75 : i32
      %ne3A_77 = arith.xori %lt3A_74, %lt3A_76 : i1
      %and3A_78 = arith.andi %ne3A_77, %ne3A_73 : i1
      %add3A_79 = arith.addi %rem3A_71, %select_n3A_70 : i32
      %select_n3A_80 = arith.select %and3A_78, %add3A_79, %rem3A_71 : i32
      %mul3A_81 = arith.constant 16 : i32
      %mul3A_82 = arith.muli %select_n3A_80, %mul3A_81 : i32
      %get3A = arith.index_cast %select_n3A : i32 to index
      %get3A_83 = arith.index_cast %mul3A_82 : i32 to index
      %get3A_84 = tpu.vector_load %arg6[%get3A, %get3A_83] {strides = array<i32>} : memref<25x80xi32, #tpu.memory_space<vmem>>, vector<16xi32>,
      %shift_right_logical3A = arith.constant 7 : i32
      %shift_right_logical3A_85 = vector.broadcast %shift_right_logical3A : i32 to vector<16xi32>
      %shift_right_logical3A_86 = arith.shrui %get3A_84, %shift_right_logical3A_85 : vector<16xi32>
      %and3A_87 = arith.constant 127 : i32
      %and3A_88 = vector.broadcast %and3A_87 : i32 to vector<16xi32>
      %and3A_89 = arith.andi %get3A_84, %and3A_88 : vector<16xi32>
      tpu.vector_store_idx %arg7[%shift_right_logical3A_86, %and3A_89], %broadcast_in_dim3A_3 {add = true} : memref<80x128xf32, #tpu.memory_space<vmem>>[vector<16xi32>, vector<16xi32>], vector<16xf32>,
    }
    %scan3A_33 = arith.constant 125 : i32
    %run_scoped3A_34 = arith.constant 1 : i32
    %run_scoped3A_35 = arith.constant 4 : i32
    "tpu.region"() ({
      %run_scoped3A_49 = tpu.sem_alloc : memref<!tpu.dma_semaphore, #tpu.memory_space<semaphore_mem>>
      %dma_start3A = arith.constant 0 : i32
      %dma_start3A_50 = arith.constant 0 : i32
      %dma_start3A_51 = tpu.memref_slice %arg2[%run_scoped3A_34, %add3A, %run_scoped3A_35, %dma_start3A, %dma_start3A_50] : memref<2x32x5x25x80xi32, #tpu.memory_space<hbm>> -> memref<1x1x1x25x80xi32, #tpu.memory_space<hbm>>
      %dma_start3A_52 = tpu.memref_squeeze %dma_start3A_51 : memref<1x1x1x25x80xi32, #tpu.memory_space<hbm>> -> memref<25x80xi32, #tpu.memory_space<hbm>>
      %dma_start3A_53 = arith.constant 0 : i32
      %dma_start3A_54 = arith.constant 0 : i32
      %dma_start3A_55 = tpu.memref_slice %arg2[%run_scoped3A_34, %add3A, %run_scoped3A_35, %dma_start3A_53, %dma_start3A_54] : memref<2x32x5x25x80xi32, #tpu.memory_space<hbm>> -> memref<1x1x1x25x80xi32, #tpu.memory_space<hbm>>
      %dma_start3A_56 = tpu.memref_squeeze %dma_start3A_55 : memref<1x1x1x25x80xi32, #tpu.memory_space<hbm>> -> memref<25x80xi32, #tpu.memory_space<hbm>>
      tpu.enqueue_dma source(%dma_start3A_56 : memref<25x80xi32, #tpu.memory_space<hbm>>) target(%arg6 : memref<25x80xi32, #tpu.memory_space<vmem>>) target_semaphore(%run_scoped3A_49 : memref<!tpu.dma_semaphore, #tpu.memory_space<semaphore_mem>>)
      %dma_wait3A = arith.constant 0 : i32
      %dma_wait3A_57 = arith.constant 0 : i32
      %dma_wait3A_58 = tpu.memref_slice %arg2[%run_scoped3A_34, %add3A, %run_scoped3A_35, %dma_wait3A, %dma_wait3A_57] : memref<2x32x5x25x80xi32, #tpu.memory_space<hbm>> -> memref<1x1x1x25x80xi32, #tpu.memory_space<hbm>>
      %dma_wait3A_59 = tpu.memref_squeeze %dma_wait3A_58 : memref<1x1x1x25x80xi32, #tpu.memory_space<hbm>> -> memref<25x80xi32, #tpu.memory_space<hbm>>
      %dma_wait3A_60 = arith.constant 0 : i32
      %dma_wait3A_61 = arith.constant 0 : i32
      %dma_wait3A_62 = tpu.memref_slice %arg2[%run_scoped3A_34, %add3A, %run_scoped3A_35, %dma_wait3A_60, %dma_wait3A_61] : memref<2x32x5x25x80xi32, #tpu.memory_space<hbm>> -> memref<1x1x1x25x80xi32, #tpu.memory_space<hbm>>
      %dma_wait3A_63 = tpu.memref_squeeze %dma_wait3A_62 : memref<1x1x1x25x80xi32, #tpu.memory_space<hbm>> -> memref<25x80xi32, #tpu.memory_space<hbm>>
      tpu.wait_dma2 semaphore(%run_scoped3A_49 : memref<!tpu.dma_semaphore, #tpu.memory_space<semaphore_mem>>) src(%dma_wait3A_63 : memref<25x80xi32, #tpu.memory_space<hbm>>) dst(%arg6 : memref<25x80xi32, #tpu.memory_space<vmem>>)
      tpu.yield
    }) : () -> ()
    %scan3A_36 = arith.constant 0 : i32
    %scan3A_37 = arith.constant 0 : i32
    %scan3A_38 = arith.constant 125 : i32
    %scan3A_39 = arith.addi %scan3A_37, %scan3A_38 : i32
    %scan3A_40 = arith.constant 1 : i32
    scf.for %scan3A_49 = %scan3A_37 to %scan3A_39 step %scan3A_40  : i32 {
      %jit3A = arith.constant 5 : i32
      %div3A = arith.divsi %scan3A_49, %jit3A : i32
      %sign3A = arith.constant 0 : i32
      %sign3A_50 = arith.cmpi sgt, %scan3A_49, %sign3A : i32
      %sign3A_51 = arith.extui %sign3A_50 : i1 to i32
      %sign3A_52 = arith.constant 0 : i32
      %sign3A_53 = arith.cmpi slt, %scan3A_49, %sign3A_52 : i32
      %sign3A_54 = arith.extui %sign3A_53 : i1 to i32
      %sign3A_55 = arith.subi %sign3A_51, %sign3A_54 : i32
      %sign3A_56 = arith.constant 0 : i32
      %sign3A_57 = arith.cmpi sgt, %jit3A, %sign3A_56 : i32
      %sign3A_58 = arith.extui %sign3A_57 : i1 to i32
      %sign3A_59 = arith.constant 0 : i32
      %sign3A_60 = arith.cmpi slt, %jit3A, %sign3A_59 : i32
      %sign3A_61 = arith.extui %sign3A_60 : i1 to i32
      %sign3A_62 = arith.subi %sign3A_58, %sign3A_61 : i32
      %ne3A = arith.cmpi ne, %sign3A_55, %sign3A_62 : i32
      %rem3A = arith.remsi %scan3A_49, %jit3A : i32
      %ne3A_63 = arith.constant 0 : i32
      %ne3A_64 = arith.cmpi ne, %rem3A, %ne3A_63 : i32
      %and3A = arith.andi %ne3A, %ne3A_64 : i1
      %sub3A = arith.constant 1 : i32
      %sub3A_65 = arith.subi %div3A, %sub3A : i32
      %select_n3A = arith.select %and3A, %sub3A_65, %div3A : i32
      %jit3A_66 = arith.constant 5 : i32
      %eq3A_67 = arith.constant 0 : i32
      %eq3A_68 = arith.cmpi eq, %jit3A_66, %eq3A_67 : i32
      %jit3A_69 = arith.constant 1 : i32
      %select_n3A_70 = arith.select %eq3A_68, %jit3A_69, %jit3A_66 : i32
      %rem3A_71 = arith.remsi %scan3A_49, %select_n3A_70 : i32
      %ne3A_72 = arith.constant 0 : i32
      %ne3A_73 = arith.cmpi ne, %rem3A_71, %ne3A_72 : i32
      %lt3A = arith.constant 0 : i32
      %lt3A_74 = arith.cmpi slt, %rem3A_71, %lt3A : i32
      %lt3A_75 = arith.constant 0 : i32
      %lt3A_76 = arith.cmpi slt, %select_n3A_70, %lt3A_75 : i32
      %ne3A_77 = arith.xori %lt3A_74, %lt3A_76 : i1
      %and3A_78 = arith.andi %ne3A_77, %ne3A_73 : i1
      %add3A_79 = arith.addi %rem3A_71, %select_n3A_70 : i32
      %select_n3A_80 = arith.select %and3A_78, %add3A_79, %rem3A_71 : i32
      %mul3A_81 = arith.constant 16 : i32
      %mul3A_82 = arith.muli %select_n3A_80, %mul3A_81 : i32
      %get3A = arith.index_cast %select_n3A : i32 to index
      %get3A_83 = arith.index_cast %mul3A_82 : i32 to index
      %get3A_84 = tpu.vector_load %arg6[%get3A, %get3A_83] {strides = array<i32>} : memref<25x80xi32, #tpu.memory_space<vmem>>, vector<16xi32>,
      %shift_right_logical3A = arith.constant 7 : i32
      %shift_right_logical3A_85 = vector.broadcast %shift_right_logical3A : i32 to vector<16xi32>
      %shift_right_logical3A_86 = arith.shrui %get3A_84, %shift_right_logical3A_85 : vector<16xi32>
      %and3A_87 = arith.constant 127 : i32
      %and3A_88 = vector.broadcast %and3A_87 : i32 to vector<16xi32>
      %and3A_89 = arith.andi %get3A_84, %and3A_88 : vector<16xi32>
      tpu.vector_store_idx %arg7[%shift_right_logical3A_86, %and3A_89], %broadcast_in_dim3A_3 {add = true} : memref<80x128xf32, #tpu.memory_space<vmem>>[vector<16xi32>, vector<16xi32>], vector<16xf32>,
    }
    %scan3A_41 = arith.constant 125 : i32
    %barrier3A = arith.constant 0 : index
    tpu.barrier barrier_id(%barrier3A)
    %run_scoped3A_42 = arith.constant 0 : i32
    "tpu.region"() ({
      %run_scoped3A_49 = tpu.sem_alloc : memref<!tpu.dma_semaphore, #tpu.memory_space<semaphore_mem>>
      %dma_start3A = arith.constant 0 : i32
      %dma_start3A_50 = tpu.memref_slice %arg8[%run_scoped3A_42, %dma_start3A] : memref<1x80xi32, #tpu.memory_space<vmem>> -> memref<1x80xi32, #tpu.memory_space<vmem>>
      %dma_start3A_51 = tpu.memref_squeeze %dma_start3A_50 : memref<1x80xi32, #tpu.memory_space<vmem>> -> memref<80xi32, #tpu.memory_space<vmem>>
      %dma_start3A_52 = arith.constant 0 : i32
      %dma_start3A_53 = arith.constant 0 : i32
      %dma_start3A_54 = tpu.memref_slice %arg9[%dma_start3A_52, %dma_start3A_53] : memref<80x128xf32, #tpu.memory_space<vmem_shared>> -> memref<80x128xf32, #tpu.memory_space<vmem_shared>>
      tpu.enqueue_indirect_dma source(%arg7 : memref<80x128xf32, #tpu.memory_space<vmem>>) target(%dma_start3A_54 : memref<80x128xf32, #tpu.memory_space<vmem_shared>>) offsets(%dma_start3A_51 : memref<80xi32, #tpu.memory_space<vmem>>) semaphore(%run_scoped3A_49 : memref<!tpu.dma_semaphore, #tpu.memory_space<semaphore_mem>>) {add = true}
      %dma_wait3A = arith.constant 0 : i32
      %dma_wait3A_55 = tpu.memref_slice %arg8[%run_scoped3A_42, %dma_wait3A] : memref<1x80xi32, #tpu.memory_space<vmem>> -> memref<1x80xi32, #tpu.memory_space<vmem>>
      %dma_wait3A_56 = tpu.memref_squeeze %dma_wait3A_55 : memref<1x80xi32, #tpu.memory_space<vmem>> -> memref<80xi32, #tpu.memory_space<vmem>>
      %dma_wait3A_57 = arith.constant 0 : i32
      %dma_wait3A_58 = arith.constant 0 : i32
      %dma_wait3A_59 = tpu.memref_slice %arg9[%dma_wait3A_57, %dma_wait3A_58] : memref<80x128xf32, #tpu.memory_space<vmem_shared>> -> memref<80x128xf32, #tpu.memory_space<vmem_shared>>
      tpu.wait_indirect_dma semaphore(%run_scoped3A_49 : memref<!tpu.dma_semaphore, #tpu.memory_space<semaphore_mem>>) src(%arg7 : memref<80x128xf32, #tpu.memory_space<vmem>>) dst(%dma_wait3A_59 : memref<80x128xf32, #tpu.memory_space<vmem_shared>>)
      tpu.yield
    }) : () -> ()
    %barrier3A_43 = arith.constant 0 : index
    tpu.barrier barrier_id(%barrier3A_43)
    %eq3A_44 = arith.constant 0 : i32
    %eq3A_45 = arith.cmpi eq, %arg1, %eq3A_44 : i32
    %convert_element_type3A_46 = arith.extui %eq3A_45 : i1 to i32
    %cond3A_47 = arith.constant 0 : i32
    %cond3A_48 = arith.cmpi ne, %convert_element_type3A_46, %cond3A_47 : i32
    scf.if %cond3A_48 {
      "tpu.region"() ({
        %run_scoped3A_49 = tpu.sem_alloc : memref<!tpu.dma_semaphore, #tpu.memory_space<semaphore_mem>>
        %dma_start3A = arith.constant 0 : i32
        %dma_start3A_50 = arith.constant 0 : i32
        %dma_start3A_51 = tpu.memref_slice %arg5[%arg0, %dma_start3A, %dma_start3A_50] : memref<2x80x128xf32, #tpu.memory_space<hbm>> -> memref<1x80x128xf32, #tpu.memory_space<hbm>>
        %dma_start3A_52 = tpu.memref_squeeze %dma_start3A_51 : memref<1x80x128xf32, #tpu.memory_space<hbm>> -> memref<80x128xf32, #tpu.memory_space<hbm>>
        tpu.enqueue_dma source(%arg9 : memref<80x128xf32, #tpu.memory_space<vmem_shared>>) target(%dma_start3A_52 : memref<80x128xf32, #tpu.memory_space<hbm>>) target_semaphore(%run_scoped3A_49 : memref<!tpu.dma_semaphore, #tpu.memory_space<semaphore_mem>>)
        %dma_wait3A = arith.constant 0 : i32
        %dma_wait3A_53 = arith.constant 0 : i32
        %dma_wait3A_54 = tpu.memref_slice %arg5[%arg0, %dma_wait3A, %dma_wait3A_53] : memref<2x80x128xf32, #tpu.memory_space<hbm>> -> memref<1x80x128xf32, #tpu.memory_space<hbm>>
        %dma_wait3A_55 = tpu.memref_squeeze %dma_wait3A_54 : memref<1x80x128xf32, #tpu.memory_space<hbm>> -> memref<80x128xf32, #tpu.memory_space<hbm>>
        tpu.wait_dma2 semaphore(%run_scoped3A_49 : memref<!tpu.dma_semaphore, #tpu.memory_space<semaphore_mem>>) src(%arg9 : memref<80x128xf32, #tpu.memory_space<vmem_shared>>) dst(%dma_wait3A_55 : memref<80x128xf32, #tpu.memory_space<hbm>>)
        tpu.yield
      }) : () -> ()
    } else {
    }
    return
  }
}

module attributes {stable_mosaic.version = 14 : i64} {
  func.func @_mm_body(%arg0: i32, %arg1: memref<1000x128xf32, #tpu.memory_space<vmem>>, %arg2: memref<128x128xf32, #tpu.memory_space<vmem>>, %arg3: memref<1000x128xf32, #tpu.memory_space<vmem>>) attributes {dimension_semantics = [#tpu.dimension_semantics<arbitrary>], iteration_bounds = array<i64: 10>, scalar_prefetch = 0 : i64, scratch_operands = 0 : i64, tpu.core_type = #tpu.core_type<tc>, window_params = [{transform_indices = @transform_0, window_bounds = array<i64: 1000, 128>}, {pipeline_mode = #tpu.pipeline_mode<synchronous>, transform_indices = @transform_1, window_bounds = array<i64: 128, 128>}, {transform_indices = @transform_2, window_bounds = array<i64: 1000, 128>}]} {
    %get3A = arith.constant 0 : index
    %get3A_0 = arith.constant 0 : index
    %get3A_1 = vector.load %arg1[%get3A, %get3A_0] : memref<1000x128xf32, #tpu.memory_space<vmem>>, vector<1000x128xf32>
    %get3A_2 = arith.constant 0 : index
    %get3A_3 = arith.constant 0 : index
    %get3A_4 = vector.load %arg2[%get3A_2, %get3A_3] : memref<128x128xf32, #tpu.memory_space<vmem>>, vector<128x128xf32>
    %dot_general3A = arith.constant dense<0.000000e+00> : vector<1000x128xf32>
    %dot_general3A_5 = tpu.matmul %get3A_1, %get3A_4, %dot_general3A {dimension_numbers = #tpu.dot_dimension_numbers<[1], [0], [0], [1], [0, 0, 1, 1], [], []>, transpose_lhs_hint = false} : vector<1000x128xf32>, vector<128x128xf32>, vector<1000x128xf32> -> vector<1000x128xf32>
    %swap3A = arith.constant 0 : index
    %swap3A_6 = arith.constant 0 : index
    %swap3A_7 = vector.load %arg3[%swap3A, %swap3A_6] : memref<1000x128xf32, #tpu.memory_space<vmem>>, vector<1000x128xf32>
    tpu.vector_store %arg3[%swap3A, %swap3A_6], %dot_general3A_5 {strides = array<i32>} : memref<1000x128xf32, #tpu.memory_space<vmem>>, vector<1000x128xf32>,
    return
  }
  func.func @transform_0(%arg0: i32) -> (i32, i32) {
    %c0_i32 = arith.constant 0 : i32
    %c0_i32_0 = arith.constant 0 : i32
    return %arg0, %c0_i32 : i32, i32
  }
  func.func @transform_1(%arg0: i32) -> (i32, i32) {
    %c0_i32 = arith.constant 0 : i32
    %c0_i32_0 = arith.constant 0 : i32
    %c0_i32_1 = arith.constant 0 : i32
    return %c0_i32, %c0_i32_0 : i32, i32
  }
  func.func @transform_2(%arg0: i32) -> (i32, i32) {
    %c0_i32 = arith.constant 0 : i32
    %c0_i32_0 = arith.constant 0 : i32
    return %arg0, %c0_i32 : i32, i32
  }
}

module attributes {stable_mosaic.version = 14 : i64} {
  func.func @_scale_body(%arg0: i32, %arg1: memref<1000x128xf32, #tpu.memory_space<vmem>>, %arg2: memref<1000x1xf32, #tpu.memory_space<vmem>>, %arg3: memref<1000x128xf32, #tpu.memory_space<vmem>>) attributes {dimension_semantics = [#tpu.dimension_semantics<arbitrary>], iteration_bounds = array<i64: 10>, scalar_prefetch = 0 : i64, scratch_operands = 0 : i64, tpu.core_type = #tpu.core_type<tc>, window_params = [{transform_indices = @transform_0, window_bounds = array<i64: 1000, 128>}, {transform_indices = @transform_1, window_bounds = array<i64: 1000, 1>}, {transform_indices = @transform_2, window_bounds = array<i64: 1000, 128>}]} {
    %get3A = arith.constant 0 : index
    %get3A_0 = arith.constant 0 : index
    %get3A_1 = vector.load %arg1[%get3A, %get3A_0] : memref<1000x128xf32, #tpu.memory_space<vmem>>, vector<1000x128xf32>
    %get3A_2 = arith.constant 0 : index
    %get3A_3 = arith.constant 0 : index
    %get3A_4 = vector.load %arg2[%get3A_2, %get3A_3] : memref<1000x1xf32, #tpu.memory_space<vmem>>, vector<1000x1xf32>
    %rsqrt3A = math.rsqrt %get3A_4 : vector<1000x1xf32>
    %mul3A = vector.broadcast %rsqrt3A : vector<1000x1xf32> to vector<1000x128xf32>
    %mul3A_5 = arith.mulf %get3A_1, %mul3A : vector<1000x128xf32>
    %swap3A = arith.constant 0 : index
    %swap3A_6 = arith.constant 0 : index
    %swap3A_7 = vector.load %arg3[%swap3A, %swap3A_6] : memref<1000x128xf32, #tpu.memory_space<vmem>>, vector<1000x128xf32>
    tpu.vector_store %arg3[%swap3A, %swap3A_6], %mul3A_5 {strides = array<i32>} : memref<1000x128xf32, #tpu.memory_space<vmem>>, vector<1000x128xf32>,
    return
  }
  func.func @transform_0(%arg0: i32) -> (i32, i32) {
    %c0_i32 = arith.constant 0 : i32
    %c0_i32_0 = arith.constant 0 : i32
    return %arg0, %c0_i32 : i32, i32
  }
  func.func @transform_1(%arg0: i32) -> (i32, i32) {
    %c0_i32 = arith.constant 0 : i32
    %c0_i32_0 = arith.constant 0 : i32
    return %arg0, %c0_i32 : i32, i32
  }
  func.func @transform_2(%arg0: i32) -> (i32, i32) {
    %c0_i32 = arith.constant 0 : i32
    %c0_i32_0 = arith.constant 0 : i32
    return %arg0, %c0_i32 : i32, i32
  }
}

module attributes {stable_mosaic.version = 14 : i64} {
  func.func @_finish_body(%arg0: i32, %arg1: memref<2x1000x128xf32, #tpu.memory_space<vmem>>, %arg2: memref<1000x1xf32, #tpu.memory_space<vmem>>, %arg3: memref<1x128xf32, #tpu.memory_space<vmem>>, %arg4: memref<1000x128xf32, #tpu.memory_space<vmem>>) attributes {dimension_semantics = [#tpu.dimension_semantics<arbitrary>], iteration_bounds = array<i64: 10>, scalar_prefetch = 0 : i64, scratch_operands = 0 : i64, tpu.core_type = #tpu.core_type<tc>, window_params = [{transform_indices = @transform_0, window_bounds = array<i64: 2, 1000, 128>}, {transform_indices = @transform_1, window_bounds = array<i64: 1000, 1>}, {pipeline_mode = #tpu.pipeline_mode<synchronous>, transform_indices = @transform_2, window_bounds = array<i64: 1, 128>}, {transform_indices = @transform_3, window_bounds = array<i64: 1000, 128>}]} {
    %get3A = arith.constant 0 : index
    %get3A_0 = arith.constant 0 : index
    %get3A_1 = arith.constant 0 : index
    %get3A_2 = vector.load %arg1[%get3A, %get3A_0, %get3A_1] : memref<2x1000x128xf32, #tpu.memory_space<vmem>>, vector<1x1000x128xf32>
    %get3A_3 = vector.shape_cast %get3A_2 : vector<1x1000x128xf32> to vector<1000x128xf32>
    %get3A_4 = arith.constant 1 : index
    %get3A_5 = arith.constant 0 : index
    %get3A_6 = arith.constant 0 : index
    %get3A_7 = vector.load %arg1[%get3A_4, %get3A_5, %get3A_6] : memref<2x1000x128xf32, #tpu.memory_space<vmem>>, vector<1x1000x128xf32>
    %get3A_8 = vector.shape_cast %get3A_7 : vector<1x1000x128xf32> to vector<1000x128xf32>
    %add3A = arith.addf %get3A_3, %get3A_8 : vector<1000x128xf32>
    %get3A_9 = arith.constant 0 : index
    %get3A_10 = arith.constant 0 : index
    %get3A_11 = vector.load %arg2[%get3A_9, %get3A_10] : memref<1000x1xf32, #tpu.memory_space<vmem>>, vector<1000x1xf32>
    %rsqrt3A = math.rsqrt %get3A_11 : vector<1000x1xf32>
    %mul3A = vector.broadcast %rsqrt3A : vector<1000x1xf32> to vector<1000x128xf32>
    %mul3A_12 = arith.mulf %add3A, %mul3A : vector<1000x128xf32>
    %get3A_13 = arith.constant 0 : index
    %get3A_14 = arith.constant 0 : index
    %get3A_15 = vector.load %arg3[%get3A_13, %get3A_14] : memref<1x128xf32, #tpu.memory_space<vmem>>, vector<1x128xf32>
    %add3A_16 = vector.broadcast %get3A_15 : vector<1x128xf32> to vector<1000x128xf32>
    %add3A_17 = arith.addf %mul3A_12, %add3A_16 : vector<1000x128xf32>
    %max3A = arith.constant 0.000000e+00 : f32
    %max3A_18 = vector.broadcast %max3A : f32 to vector<1000x128xf32>
    %max3A_19 = arith.maximumf %add3A_17, %max3A_18 : vector<1000x128xf32>
    %reduce_max3A = arith.constant dense<0xFF800000> : vector<1000xf32>
    %reduce_max3A_20 = vector.multi_reduction <maximumf>, %max3A_19, %reduce_max3A [1] : vector<1000x128xf32> to vector<1000xf32>
    %broadcast_in_dim3A = vector.shape_cast %reduce_max3A_20 : vector<1000xf32> to vector<1000x1xf32>
    %sub3A = vector.broadcast %broadcast_in_dim3A : vector<1000x1xf32> to vector<1000x128xf32>
    %sub3A_21 = arith.subf %max3A_19, %sub3A : vector<1000x128xf32>
    %exp3A = math.exp %sub3A_21 : vector<1000x128xf32>
    %reduce_sum3A = arith.constant dense<0.000000e+00> : vector<1000xf32>
    %reduce_sum3A_22 = vector.multi_reduction <add>, %exp3A, %reduce_sum3A [1] : vector<1000x128xf32> to vector<1000xf32>
    %broadcast_in_dim3A_23 = vector.shape_cast %reduce_sum3A_22 : vector<1000xf32> to vector<1000x1xf32>
    %div3A = vector.broadcast %broadcast_in_dim3A_23 : vector<1000x1xf32> to vector<1000x128xf32>
    %div3A_24 = arith.divf %exp3A, %div3A : vector<1000x128xf32>
    %swap3A = arith.constant 0 : index
    %swap3A_25 = arith.constant 0 : index
    %swap3A_26 = vector.load %arg4[%swap3A, %swap3A_25] : memref<1000x128xf32, #tpu.memory_space<vmem>>, vector<1000x128xf32>
    tpu.vector_store %arg4[%swap3A, %swap3A_25], %div3A_24 {strides = array<i32>} : memref<1000x128xf32, #tpu.memory_space<vmem>>, vector<1000x128xf32>,
    return
  }
  func.func @transform_0(%arg0: i32) -> (i32, i32, i32) {
    %c0_i32 = arith.constant 0 : i32
    %c0_i32_0 = arith.constant 0 : i32
    %c0_i32_1 = arith.constant 0 : i32
    return %c0_i32, %arg0, %c0_i32_0 : i32, i32, i32
  }
  func.func @transform_1(%arg0: i32) -> (i32, i32) {
    %c0_i32 = arith.constant 0 : i32
    %c0_i32_0 = arith.constant 0 : i32
    return %arg0, %c0_i32 : i32, i32
  }
  func.func @transform_2(%arg0: i32) -> (i32, i32) {
    %c0_i32 = arith.constant 0 : i32
    %c0_i32_0 = arith.constant 0 : i32
    %c0_i32_1 = arith.constant 0 : i32
    return %c0_i32, %c0_i32_0 : i32, i32
  }
  func.func @transform_3(%arg0: i32) -> (i32, i32) {
    %c0_i32 = arith.constant 0 : i32
    %c0_i32_0 = arith.constant 0 : i32
    return %arg0, %c0_i32 : i32, i32
  }
}

</mosaic_0001>

<sc_bundles>
// kernel: kernel.10.cloned.1.call-start
scs
__scs_entry_jumppad:
0x0: {  	(pc) =	sbr.rel $0x88, $3  }
0x1: {  	(tag) =	ssettag $0x0;
	lr =	simm.s32 $0x1  }
0x2: {  	[smem:$0x3F9D] =	sst lr;
	_ =	strace $0xD0000000  }
0x3: {  	_ = 	snop  }
0x4: {  	_ = 	snop  }
0x5: {  	_ = 	snop  }
0x6: {  	_ = 	snop  }
0x7: {  	_ = 	snop  }
__scs_overlays_trampoline_lowered:
0x8: {  	[smem:$0x3FAC] =	sst s0  }
0x9: {  	[smem:$0x3FAD] =	sst s1  }
0xa: {  	[smem:$0x3FAE] =	sst s2  }
0xb: {  	[smem:$0x3FAF] =	sst s3  }
0xc: {  	[smem:$0x3FB0] =	sst s4  }
0xd: {  	[smem:$0x3FB1] =	sst s5  }
0xe: {  	[smem:$0x3FB2] =	sst s6  }
0xf: {  	[smem:$0x3FB3] =	sst s7  }
0x10: {  	[smem:$0x3FB4] =	sst s8  }
0x11: {  	[smem:$0x3FB5] =	sst s9;
	s0 =	simm.s32 @!p0 $0x0  }
0x12: {  	s1 =	sld [smem:$0x3F9B];
	s0 =	simm.s32 @p0 $0x1  }
0x13: {  	[smem:$0x3FB6] =	sst s0;
	s0 =	simm.s32 @!p1 $0x0  }
0x14: {  	s2 =	sld [smem:$0x3F9A];
	s0 =	simm.s32 @p1 $0x1  }
0x15: {  	[smem:$0x3FB7] =	sst s0;
	s0 =	simm.s32 @!p2 $0x0  }
0x16: {  	s3 =	sld [smem:$0x3FDB];
	s0 =	simm.s32 @p2 $0x1  }
0x17: {  	s4 =	simm.s32 $0x1BF5;
	[smem:$0x3FB9] =	sst s0  }
0x18: {  	s0 =	sld [smem:$0x3F9C];
	_ =	swait.ge [sflag:s4], $0x0  }
0x19: {  	s7 =	sld [smem:$0x3F9D]  }
0x1a: {  	s8 =	sadd.s32 $0xFFFFE003, lr  }
0x1b: {  	s9 =	sadd.s32 $0xFFFFFEF7, lr;
	s5 =	simm.s32 $0xFFFFFFFF;
	p2 =	slt.u32 s8, $0xFFFFF086  }
0x1c: {  	p1 =	slt.u32 s9, $0xF7A;
	s5 =	simm.s32 @!p2 $0x0  }
0x1d: {  	s5 =	simm.s32 @p1 $0x1;
	p0 =	seq.s32 s7, s2  }
0x1e: {  	s7 =	smul.u32 @!p0 $0xF7A, s2;
	p2 =	seq.s32 @!p0 s5, $0x0  }
0x1f: {  	s9 =	smul.u32 $0xF7A, s1;
	s8 =	simm.s32 @!p0 $0x1BF5;
	p2 =	por !p2, p0  }
0x20: {  	[sflag:s8] =	ssyncset.s32 @!p0 $0xFFFFF086;
	s6 =	sadd.s32 @!p0 s3, s7;
	s7 =	simm.s32 @!p0 $0x108  }
0x21: {  	s3 =	sadd.s32 s3, s9;
	s6 =	sadd.s32 @!p0 $0x88, s6;
	s7 =	simm.s32 @p2 $0x1082  }
0x22: {  	[simem:s7], [sflag:s8] =	dma.local @!p0 [hbm:s6], $0xF7A  }
0x23: {  	s9 =	sor.u32 $0xD0000000, s2;
	s6 =	simm.s32 $0x108;
	_ =	swait.ge @!p0 [sflag:s8], $0x0  }
0x24: {  	s3 =	sadd.s32 $0x88, s3;
	s6 =	simm.s32 @!p1 $0x1082;
	[sflag:s4] =	ssyncset.s32 $0xFFFFF086  }
0x25: {  	[simem:s6], [sflag:s4] =	dma.local [hbm:s3], $0xF7A  }
0x26: {  	[smem:$0x3F9D] =	sst s1;
	(tag) =	ssettag s2;
	_ =	strace s9  }
0x27: {  	s1 =	sld [smem:$0x3FAD]  }
0x28: {  	s2 =	sld [smem:$0x3FAE]  }
0x29: {  	s4 =	sld [smem:$0x3FB0]  }
0x2a: {  	p0 =	seq.s32 s5, $0x0;
	s5 =	sld [smem:$0x3FB1]  }
0x2b: {  	s6 =	sld [smem:$0x3FB2]  }
0x2c: {  	s7 =	sld [smem:$0x3FB3]  }
0x2d: {  	s3 =	simm.s32 $0x108;
	s8 =	sld [smem:$0x3FB4]  }
0x2e: {  	s3 =	simm.s32 @!p0 $0x1082;
	s9 =	sld [smem:$0x3FB5]  }
0x2f: {  	lr =	sadd.s32 s0, s3;
	s0 =	sld [smem:$0x3FAC]  }
0x30: {  	s3 =	sld [smem:$0x3FAF]  }
0x31: {  	[smem:$0x3FB8] =	sst s10  }
0x32: {  	s10 =	sld [smem:$0x3FB6];
	_ =	sdelay $0x3  }
0x33: {  	p0 =	seq.s32 s10, $0x1;
	s10 =	sld [smem:$0x3FB8];
	_ =	sdelay $0x3  }
0x34: {  	[smem:$0x3FB8] =	sst s10  }
0x35: {  	s10 =	sld [smem:$0x3FB7];
	_ =	sdelay $0x3  }
0x36: {  	p1 =	seq.s32 s10, $0x1;
	s10 =	sld [smem:$0x3FB8];
	_ =	sdelay $0x3  }
0x37: {  	[smem:$0x3FB8] =	sst s10  }
0x38: {  	s10 =	sld [smem:$0x3FB9]  }
0x39: {  	_ = 	snop;
	(pc) =	sbr.ind lr, $3  }
0x3a: {  	_ = 	snop  }
0x3b: {  	_ = 	snop  }
0x3c: {  	p2 =	seq.s32 s10, $0x1;
	s10 =	sld [smem:$0x3FB8]  }
0x3d: {  	_ =	shalt  }
0x3e: {  	_ =	shalt  }
0x3f: {  	_ =	shalt  }
0x40: {  	_ =	shalt  }
0x41: {  	_ =	shalt  }
0x42: {  	_ =	shalt  }
0x43: {  	_ =	shalt  }
0x44: {  	_ =	shalt  }
0x45: {  	_ =	shalt  }
0x46: {  	_ =	shalt  }
0x47: {  	_ =	shalt  }
0x48: {  	_ =	shalt  }
0x49: {  	_ =	shalt  }
0x4a: {  	_ =	shalt  }
0x4b: {  	_ =	shalt  }
0x4c: {  	_ =	shalt  }
0x4d: {  	_ =	shalt  }
0x4e: {  	_ =	shalt  }
0x4f: {  	_ =	shalt  }
0x50: {  	_ =	shalt  }
0x51: {  	_ =	shalt  }
0x52: {  	_ =	shalt  }
0x53: {  	_ =	shalt  }
0x54: {  	_ =	shalt  }
0x55: {  	_ =	shalt  }
0x56: {  	_ =	shalt  }
0x57: {  	_ =	shalt  }
0x58: {  	_ =	shalt  }
0x59: {  	_ =	shalt  }
0x5a: {  	_ =	shalt  }
0x5b: {  	_ =	shalt  }
0x5c: {  	_ =	shalt  }
0x5d: {  	_ =	shalt  }
0x5e: {  	_ =	shalt  }
0x5f: {  	_ =	shalt  }
0x60: {  	_ =	shalt  }
0x61: {  	_ =	shalt  }
0x62: {  	_ =	shalt  }
0x63: {  	_ =	shalt  }
0x64: {  	_ =	shalt  }
0x65: {  	_ =	shalt  }
0x66: {  	_ =	shalt  }
0x67: {  	_ =	shalt  }
0x68: {  	_ =	shalt  }
0x69: {  	_ =	shalt  }
0x6a: {  	_ =	shalt  }
0x6b: {  	_ =	shalt  }
0x6c: {  	_ =	shalt  }
0x6d: {  	_ =	shalt  }
0x6e: {  	_ =	shalt  }
0x6f: {  	_ =	shalt  }
0x70: {  	_ =	shalt  }
0x71: {  	_ =	shalt  }
0x72: {  	_ =	shalt  }
0x73: {  	_ =	shalt  }
0x74: {  	_ =	shalt  }
0x75: {  	_ =	shalt  }
0x76: {  	_ =	shalt  }
0x77: {  	_ =	shalt  }
0x78: {  	_ =	shalt  }
0x79: {  	_ =	shalt  }
0x7a: {  	_ =	shalt  }
0x7b: {  	_ =	shalt  }
0x7c: {  	_ =	shalt  }
0x7d: {  	_ =	shalt  }
0x7e: {  	_ =	shalt  }
0x7f: {  	_ =	shalt  }
0x80: {  	_ =	shalt  }
0x81: {  	_ =	shalt  }
0x82: {  	_ =	shalt  }
0x83: {  	_ =	shalt  }
0x84: {  	_ =	shalt  }
0x85: {  	_ =	shalt  }
0x86: {  	_ =	shalt  }
0x87: {  	_ =	shalt  }
.Lfunc_end0:
.L_simem_size_0:
called_computation.1_lowered:
.L_overlay_start_0:
0x88: {  	s2 =	sld [smem:$0x3FD9]  }
0x89: {  	s3 =	sld [smem:$0x3FFE];
	_ =	sdelay $0x1  }
0x8a: {  	s1 =	srdreg.scid  }
0x8b: {  	s0 =	sand.u32 $0x1, s1  }
0x8c: {  	s17 =	sshll.u32 s0, $0xA;
	s2 =	sadd.s32 s3, s2  }
0x8d: {  	s2 =	sadd.s32 s2, s17  }
0x8e: {  	[smem:$0x3FC4] =	sst s2  }
0x8f: {  	_ = 	snop  }
0x90: {  	s2 =	sld [smem:$0x3FD0];
	(tm) =	ssettm $0x1  }
0x91: {  	s18 =	sld [smem:$0x3FFB];
	_ =	sdelay $0x3  }
0x92: {  	_ =	strace s18  }
0x93: {  	s3 =	sld [smem:$0x3FFC];
	_ =	sdelay $0x3  }
0x94: {  	_ =	strace s3  }
0x95: {  	s3 =	sld [smem:$0x3FFD];
	_ =	sdelay $0x3  }
0x96: {  	_ =	strace s3  }
0x97: {  	_ =	strace $0x8FFFFFFF  }
0x98: {  	s19 =	sld [smem:$0x3FDB];
	_ =	sdelay $0x1  }
0x99: {  	s4 =	simm.s32 $_scs_section_size  }
0x9a: {  	s5 =	simm.s32 $_size__tile_overlayer_lowered;
	s6 =	simm.s32 $_tile_overlayer_lowered  }
0x9b: {  	s22 =	simm.s32 $0x1BFF;
	s21 =	sshll.u32 s6, $0x1;
	s3 =	sadd.s32 s4, s19  }
0x9c: {  	s7 =	simm.s32 $0x0;
	s20 =	sshll.u32 s5, $0x1;
	s5 =	sadd.s32 s21, s3  }
0x9d: {  	[timem:s7], [sflag:s22] =	dma.local [hbm:s5], s20  }
0x9e: {  	_ =	swait.ge [sflag:s22], s20  }
0x9f: {  	s4 =	ssub.s32 $0x0, s20;
	[sflag:s22] =	ssyncset.done $0x0  }
0xa0: {  	[sflag:s22] =	ssyncadd.s32 s4;
	_ =	sdelay $0x1  }
0xa1: {  	s23 =	simm.s32 $0x1B8B  }
0xa2: {  	_ =	swait.ge [sflag:s23], $0x1  }
0xa3: {  	[sflag:s23] =	ssyncset.done $0x0  }
0xa4: {  	s25 =	simm.s32 $0x1B8E;
	s24 =	sld [smem:$0x3FFE];
	[sflag:s23] =	ssyncadd.s32 $0xFFFFFFFF  }
0xa5: {  	s26 =	simm.s32 $execute0_lowered;
	[smem:$0x3FD2] =	sst s25  }
0xa6: {  	s5 =	sshll.u32 s26, $0x1;
	_ =	strace $0x80000049;
	[dreg:$0x1] =	wrdreg $0xFFFFFFFF  }
0xa7: {  	s28 =	simm.s32 $_size_execute0_lowered;
	s3 =	sadd.s32 s3, s5;
	[dreg:$0x0] =	wrdreg $0x0  }
0xa8: {  	s5 =	sshll.u32 s28, $0x1;
	[dreg:$0x2] =	wrdreg s3  }
0xa9: {  	[dreg:$0x3] =	wrdreg s5  }
0xaa: {  	[dreg:$0x4] =	wrdreg $0xC0  }
0xab: {  	_ =	task [dreg:s7], $0x5FFFF  }
0xac: {  	[dreg:$0x1] =	wrdreg $0xFFFFFFFF  }
0xad: {  	[dreg:$0x0] =	wrdreg $0x60  }
0xae: {  	[dreg:$0x2] =	wrdreg s24  }
0xaf: {  	[dreg:$0x3] =	wrdreg s2  }
0xb0: {  	[dreg:$0x4] =	wrdreg $0x98000  }
0xb1: {  	[dreg:$0x5] =	wrdreg $0x9  }
0xb2: {  	_ =	task.clear_ibuf [dreg:s7], $0x6FFFF;
	_ =	strace $0x90000049  }
0xb3: {  	s29 =	simm.s32 $0x9;
	_ =	strace $0x8000004B  }
0xb4: {  	_ =	swait.ge [sflag:s29], $0x1  }
0xb5: {  	[sflag:s29] =	ssyncadd.s32 $0xFFFFFFFF  }
0xb6: {  	_ =	strace $0x9000004B  }
0xb7: {  	_ =	sfence  }
0xb8: {  	s30 =	sld [smem:$0x0];
	_ =	sdelay $0x2  }
0xb9: {  	s31 =	sshll.u32 s1, $0xD;
	s1 =	sshrl.u32 s1, $0x2  }
0xba: {  	s3 =	sand.u32 $0x4000, s31;
	s1 =	sadd.s32 s1, s30  }
0xbb: {  	s0 =	sor.u32 s3, s0;
	s1 =	sshll.u32 s1, $0x11  }
0xbc: {  	s0 =	sor.u32 s1, s0  }
0xbd: {  	s0 =	sadd.s32 $0x8F2B, s0  }
0xbe: {  	[sflag:s0] =	ssyncadd.remote.s32 $0x1  }
0xbf: {  	_ =	sfence.sel $0xFFFF  }
0xc0: {  	[dreg:$0x0] =	wrdreg $0xFFFFFFFF;
	(pc) =	sbr.abs _section_cstart, $3  }
0xc1: {  	[dreg:$0x1] =	wrdreg $0xFFFFFFFF  }
0xc2: {  	_ =	task.clear_ibuf [dreg:s7], $0x2FFFF;
	_ =	strace $0x9FFFFFFF  }
0xc3: {  	(tm) =	ssettm $0x7FFFFFFF  }
tec
execute0_lowered:
.L_overlay_start_1:
0x0: {  	(tag) =	ssettag $0x1  }
0x1: {  	s0 =	rddreg [dreg:$0x0]  }
0x2: {  	s2 =	rddreg [dreg:$0x1]  }
0x3: {  	s1 =	srdreg.scid;
	s17 =	stileid.u32  }
0x4: {  	s3 =	rddreg [dreg:$0x2];
	s19 =	simm.s32 $0x0;
	s20 =	smul.u32 $0x7D000, s17  }
0x5: {  	s1 =	sand.u32 $0x1, s1;
	s5 =	sshll.u32 s17, $0x1;
	s7 =	smul.u32 $0x1F400, s17  }
0x6: {  	[smem:$0x7FF] =	sst s19;
	s31 =	smul.u32 $0x3E80, s17;
	s22 =	sshrl.u32 s20, $0x2  }
0x7: {  	s6 =	smul.u32 $0x138800, s1;
	s5 =	sor.u32 s1, s5;
	s4 =	sadd.s32 s22, s3  }
0x8: {  	_ =	strace $0x8000004A;
	s25 =	sadd.s32 $0x2800, s4;
	[dreg:$0x4] =	wrdreg s4  }
0x9: {  	s21 =	ssub.s32 $0x2, s1;
	s26 =	sadd.s32 $0x5000, s4;
	[dreg:$0x5] =	wrdreg s25  }
0xa: {  	s5 =	smul.u32 $0x5000, s5;
	s29 =	sadd.s32 $0x7800, s4;
	[dreg:$0x6] =	wrdreg s26  }
0xb: {  	s23 =	sshrl.u32 s21, $0x1;
	s8 =	sadd.s32 $0xA000, s4;
	[dreg:$0x7] =	wrdreg s29  }
0xc: {  	s6 =	sadd.s32 s7, s6;
	s9 =	sadd.s32 $0xC800, s4;
	[dreg:$0x8] =	wrdreg s8  }
0xd: {  	s24 =	ssub.s32 s21, s23;
	s10 =	sadd.s32 $0xF000, s4;
	[dreg:$0x9] =	wrdreg s9  }
0xe: {  	s5 =	sshrl.u32 s5, $0x3;
	s11 =	sadd.s32 $0x11800, s4;
	[dreg:$0xa] =	wrdreg s10  }
0xf: {  	s6 =	sshrl.u32 s6, $0x3;
	s23 =	smax.u32 s24, $0x1;
	[dreg:$0xb] =	wrdreg s11  }
0x10: {  	s24 =	sadd.s32 $0x14000, s4;
	s5 =	sadd.s32 s5, s0;
	[dreg:$0x18] =	wrdreg s23  }
0x11: {  	s0 =	sadd.s32 s6, s0;
	s6 =	sadd.s32 s2, s31;
	[dreg:$0x19] =	wrdreg s24  }
0x12: {  	s25 =	sadd.s32 $0x16800, s4;
	[dreg:$0xc] =	wrdreg s6  }
0x13: {  	s26 =	sadd.s32 $0x19000, s4;
	[dreg:$0x1a] =	wrdreg s25  }
0x14: {  	s28 =	simm.s32 $0x2;
	s29 =	sadd.s32 $0x1B800, s4;
	[dreg:$0x1b] =	wrdreg s26  }
0x15: {  	s30 =	simm.s32 $0x3;
	s31 =	sadd.s32 $0x1E000, s4;
	[dreg:$0x1c] =	wrdreg s29  }
0x16: {  	p1 =	slt.u32 s17, $0xA;
	s12 =	sadd.s32 $0x1800, s5;
	[dreg:$0x1d] =	wrdreg s31  }
0x17: {  	p2 =	sgt.u32 s17, $0x9;
	s13 =	sadd.s32 $0x15800, s5;
	[dreg:$0xd] =	wrdreg s12  }
0x18: {  	p0 =	seq.s32 s1, $0x0;
	s14 =	sadd.s32 $0x1A00, s5;
	[dreg:$0xe] =	wrdreg s13  }
0x19: {  	p1 =	por !p0, !p1;
	s15 =	sadd.s32 $0x15A00, s5;
	[dreg:$0xf] =	wrdreg s14  }
0x1a: {  	p1 =	por !p1, !p1;
	s16 =	sadd.s32 $0x1C00, s5;
	[dreg:$0x10] =	wrdreg s15  }
0x1b: {  	s7 =	simm.s32 $0x50;
	s18 =	sadd.s32 $0x15C00, s5;
	[dreg:$0x11] =	wrdreg s16  }
0x1c: {  	s8 =	simm.s32 $0x2000;
	s20 =	sadd.s32 $0x1E00, s5;
	[dreg:$0x12] =	wrdreg s18  }
0x1d: {  	s10 =	simm.s32 $0x4800;
	s21 =	sadd.s32 $0x15E00, s5;
	[dreg:$0x13] =	wrdreg s20  }
.Ltmp0:
0x1e: {  	s22 =	sadd.s32 $0x2000, s5;
	[dreg:$0x14] =	wrdreg s21;
	(pc) =	sbr.rel .LBB2_1-.Ltmp0, $4  }
0x1f: {  	s9 =	simm.s32 $0x0;
	s5 =	sadd.s32 $0x16000, s5;
	[dreg:$0x15] =	wrdreg s22  }
0x20: {  	s0 =	sadd.s32 $0x29800, s0;
	s26 =	simm.s32 $0x1;
	[dreg:$0x16] =	wrdreg s5  }
0x21: {  	[dreg:$0x17] =	wrdreg s0;
	s0 =	simm.s32 $0x7;
	s12 =	simm.s32 $0x7000  }
0x22: {  	v0 =	vimm.f32 $0.0e+00;
	s13 =	simm.s32 $0x4;
	s14 =	simm.s32 $0x5;
	s16 =	simm.s32 $0x6  }
.LBB2_2:
0x23: {  	s11 =	sshll.u32 s17, $0x6;
	s1 =	rddreg [dreg:$0x4]  }
0x24: {  	s31 =	rddreg [dreg:$0xc];
	s11 =	sor.u32 $0x1C07, s11;
	s29 =	sshrl.u32 s1, $0x3  }
0x25: {  	[spmem:s29], [sflag:s11] =	dma.local [hbm:s31], $0x3E80  }
0x26: {  	_ =	swait.ge [sflag:s0], $0x3E80  }
0x27: {  	[sflag:s0] =	ssyncset.done $0x0  }
0x28: {  	[sflag:s0] =	ssyncadd.s32 $0xFFFFC180  }
.LBB2_7:
0x29: {  	[bflag:$0x0] =	sbarrier.arrive $0xFFFF  }
0x2a: {  	s1 =	rddreg [dreg:$0xd]  }
0x2b: {  	[tilespmem:s19], [sflag:$0x7] =	stream.linear.gather [hbm4b:s1+s19], $0xC80, $0x38;
	[tilespmem:$0x1D080] =	vst v63  }
0x2c: {  	_ =	swait.ge [sflag:s0], $0xC80  }
0x2d: {  	[sflag:s0] =	ssyncset.done $0x0  }
0x2e: {  	s4 =	simm.s32 $0x1000;
	s18 =	rddreg [dreg:$0xe];
	[sflag:s0] =	ssyncadd.s32 $0xFFFFF380  }
0x2f: {  	[tilespmem:s4], [sflag:$0x7] =	stream.linear.gather [hbm4b:s18+s19], $0xC80, $0x38;
	[tilespmem:$0x1D080] =	vst v63  }
0x30: {  	_ =	swait.ge [sflag:s0], $0xC80  }
0x31: {  	[sflag:s0] =	ssyncset.done $0x0  }
0x32: {  	[sflag:s0] =	ssyncadd.s32 $0xFFFFF380  }
0x33: {  	[tilespmem:s8], [sflag:$0x1] =	stream.indirect.gather [hbm4b:s2+s7], $0x80, s19, s7, $0xb8;
	[tilespmem:$0x1D080] =	vst v63  }
0x34: {  	s20 =	simm.s32 $0x80  }
0x35: {  	[tilespmem:s10], [sflag:$0x2] =	stream.indirect.gather [hbm4b:s2+s7], $0x80, s20, s7, $0xb8;
	[tilespmem:$0x1D080] =	vst v63  }
0x36: {  	s21 =	simm.s32 $0x100  }
0x37: {  	[tilespmem:s12], [sflag:$0x3] =	stream.indirect.gather [hbm4b:s2+s7], $0x80, s21, s7, $0xb8;
	[tilespmem:$0x1D080] =	vst v63  }
0x38: {  	_ =	swait.ge [sflag:s26], $0x2800  }
0x39: {  	[sflag:s26] =	ssyncset.done $0x0  }
0x3a: {  	[sflag:s26] =	ssyncadd.s32 $0xFFFFD800  }
0x3b: {  	[spmem:s3] =	stream.indirect.scatter.add.f32 [tilespmem:s8], [sflag:$0x4], $0x80, s4, s7, $0xb8;
	[tilespmem:$0x1D080] =	vst v63  }
0x3c: {  	_ =	swait.ge [sflag:s28], $0x2800  }
0x3d: {  	[sflag:s28] =	ssyncset.done $0x0  }
0x3e: {  	s22 =	simm.s32 $0x1080;
	[sflag:s28] =	ssyncadd.s32 $0xFFFFD800  }
0x3f: {  	[spmem:s3] =	stream.indirect.scatter.add.f32 [tilespmem:s10], [sflag:$0x5], $0x80, s22, s7, $0xb8;
	[tilespmem:$0x1D080] =	vst v63  }
0x40: {  	_ =	swait.ge [sflag:s30], $0x2800  }
0x41: {  	[sflag:s30] =	ssyncset.done $0x0  }
0x42: {  	s23 =	simm.s32 $0x1100;
	[sflag:s30] =	ssyncadd.s32 $0xFFFFD800  }
0x43: {  	[spmem:s3] =	stream.indirect.scatter.add.f32 [tilespmem:s12], [sflag:$0x6], $0x80, s23, s7, $0xb8;
	[tilespmem:$0x1D080] =	vst v63  }
0x44: {  	_ =	swait.ge [sflag:s13], $0x2800  }
0x45: {  	[sflag:s13] =	ssyncset.done $0x0  }
0x46: {  	s24 =	simm.s32 $0x180;
	[sflag:s13] =	ssyncadd.s32 $0xFFFFD800  }
0x47: {  	[tilespmem:s8], [sflag:$0x1] =	stream.indirect.gather [hbm4b:s2+s7], $0x80, s24, s7, $0xb8;
	[tilespmem:$0x1D080] =	vst v63  }
0x48: {  	_ =	swait.ge [sflag:s14], $0x2800  }
0x49: {  	[sflag:s14] =	ssyncset.done $0x0  }
0x4a: {  	s25 =	simm.s32 $0x200;
	[sflag:s14] =	ssyncadd.s32 $0xFFFFD800  }
0x4b: {  	[tilespmem:s10], [sflag:$0x2] =	stream.indirect.gather [hbm4b:s2+s7], $0x80, s25, s7, $0xb8;
	[tilespmem:$0x1D080] =	vst v63  }
0x4c: {  	_ =	swait.ge [sflag:s16], $0x2800  }
0x4d: {  	[sflag:s16] =	ssyncset.done $0x0  }
0x4e: {  	s29 =	simm.s32 $0x280;
	[sflag:s16] =	ssyncadd.s32 $0xFFFFD800  }
0x4f: {  	[tilespmem:s12], [sflag:$0x3] =	stream.indirect.gather [hbm4b:s2+s7], $0x80, s29, s7, $0xb8;
	[tilespmem:$0x1D080] =	vst v63  }
0x50: {  	_ =	swait.ge [sflag:s26], $0x2800  }
0x51: {  	[sflag:s26] =	ssyncset.done $0x0  }
0x52: {  	s31 =	simm.s32 $0x1180;
	[sflag:s26] =	ssyncadd.s32 $0xFFFFD800  }
0x53: {  	[spmem:s3] =	stream.indirect.scatter.add.f32 [tilespmem:s8], [sflag:$0x4], $0x80, s31, s7, $0xb8;
	[tilespmem:$0x1D080] =	vst v63  }
0x54: {  	_ =	swait.ge [sflag:s28], $0x2800  }
0x55: {  	[sflag:s28] =	ssyncset.done $0x0  }
0x56: {  	s5 =	simm.s32 $0x1200;
	[sflag:s28] =	ssyncadd.s32 $0xFFFFD800  }
0x57: {  	[spmem:s3] =	stream.indirect.scatter.add.f32 [tilespmem:s10], [sflag:$0x5], $0x80, s5, s7, $0xb8;
	[tilespmem:$0x1D080] =	vst v63  }
0x58: {  	_ =	swait.ge [sflag:s30], $0x2800  }
0x59: {  	[sflag:s30] =	ssyncset.done $0x0  }
0x5a: {  	s6 =	simm.s32 $0x1280;
	[sflag:s30] =	ssyncadd.s32 $0xFFFFD800  }
0x5b: {  	[spmem:s3] =	stream.indirect.scatter.add.f32 [tilespmem:s12], [sflag:$0x6], $0x80, s6, s7, $0xb8;
	[tilespmem:$0x1D080] =	vst v63  }
0x5c: {  	_ =	swait.ge [sflag:s13], $0x2800  }
0x5d: {  	[sflag:s13] =	ssyncset.done $0x0  }
0x5e: {  	s11 =	simm.s32 $0x300;
	[sflag:s13] =	ssyncadd.s32 $0xFFFFD800  }
0x5f: {  	[tilespmem:s8], [sflag:$0x1] =	stream.indirect.gather [hbm4b:s2+s7], $0x80, s11, s7, $0xb8;
	[tilespmem:$0x1D080] =	vst v63  }
0x60: {  	_ =	swait.ge [sflag:s14], $0x2800  }
0x61: {  	[sflag:s14] =	ssyncset.done $0x0  }
0x62: {  	s15 =	simm.s32 $0x380;
	[sflag:s14] =	ssyncadd.s32 $0xFFFFD800  }
0x63: {  	[tilespmem:s10], [sflag:$0x2] =	stream.indirect.gather [hbm4b:s2+s7], $0x80, s15, s7, $0xb8;
	[tilespmem:$0x1D080] =	vst v63  }
0x64: {  	_ =	swait.ge [sflag:s16], $0x2800  }
0x65: {  	[sflag:s16] =	ssyncset.done $0x0  }
0x66: {  	s17 =	simm.s32 $0x400;
	[sflag:s16] =	ssyncadd.s32 $0xFFFFD800  }
0x67: {  	[tilespmem:s12], [sflag:$0x3] =	stream.indirect.gather [hbm4b:s2+s7], $0x80, s17, s7, $0xb8;
	[tilespmem:$0x1D080] =	vst v63  }
0x68: {  	_ =	swait.ge [sflag:s26], $0x2800  }
0x69: {  	[sflag:s26] =	ssyncset.done $0x0  }
0x6a: {  	s18 =	simm.s32 $0x1300;
	[sflag:s26] =	ssyncadd.s32 $0xFFFFD800  }
0x6b: {  	[spmem:s3] =	stream.indirect.scatter.add.f32 [tilespmem:s8], [sflag:$0x4], $0x80, s18, s7, $0xb8;
	[tilespmem:$0x1D080] =	vst v63  }
0x6c: {  	_ =	swait.ge [sflag:s28], $0x2800  }
0x6d: {  	[sflag:s28] =	ssyncset.done $0x0  }
0x6e: {  	s20 =	simm.s32 $0x1380;
	[sflag:s28] =	ssyncadd.s32 $0xFFFFD800  }
0x6f: {  	[spmem:s3] =	stream.indirect.scatter.add.f32 [tilespmem:s10], [sflag:$0x5], $0x80, s20, s7, $0xb8;
	[tilespmem:$0x1D080] =	vst v63  }
0x70: {  	_ =	swait.ge [sflag:s30], $0x2800  }
0x71: {  	[sflag:s30] =	ssyncset.done $0x0  }
0x72: {  	s21 =	simm.s32 $0x1400;
	[sflag:s30] =	ssyncadd.s32 $0xFFFFD800  }
0x73: {  	[spmem:s3] =	stream.indirect.scatter.add.f32 [tilespmem:s12], [sflag:$0x6], $0x80, s21, s7, $0xb8;
	[tilespmem:$0x1D080] =	vst v63  }
0x74: {  	_ =	swait.ge [sflag:s13], $0x2800  }
0x75: {  	[sflag:s13] =	ssyncset.done $0x0  }
0x76: {  	s22 =	simm.s32 $0x480;
	[sflag:s13] =	ssyncadd.s32 $0xFFFFD800  }
0x77: {  	[tilespmem:s8], [sflag:$0x1] =	stream.indirect.gather [hbm4b:s2+s7], $0x80, s22, s7, $0xb8;
	[tilespmem:$0x1D080] =	vst v63  }
0x78: {  	_ =	swait.ge [sflag:s14], $0x2800  }
0x79: {  	[sflag:s14] =	ssyncset.done $0x0  }
0x7a: {  	s23 =	simm.s32 $0x500;
	[sflag:s14] =	ssyncadd.s32 $0xFFFFD800  }
0x7b: {  	[tilespmem:s10], [sflag:$0x2] =	stream.indirect.gather [hbm4b:s2+s7], $0x80, s23, s7, $0xb8;
	[tilespmem:$0x1D080] =	vst v63  }
0x7c: {  	_ =	swait.ge [sflag:s16], $0x2800  }
0x7d: {  	[sflag:s16] =	ssyncset.done $0x0  }
0x7e: {  	s24 =	simm.s32 $0x580;
	[sflag:s16] =	ssyncadd.s32 $0xFFFFD800  }
0x7f: {  	[tilespmem:s12], [sflag:$0x3] =	stream.indirect.gather [hbm4b:s2+s7], $0x80, s24, s7, $0xb8;
	[tilespmem:$0x1D080] =	vst v63  }
0x80: {  	_ =	swait.ge [sflag:s26], $0x2800  }
0x81: {  	[sflag:s26] =	ssyncset.done $0x0  }
0x82: {  	s25 =	simm.s32 $0x1480;
	[sflag:s26] =	ssyncadd.s32 $0xFFFFD800  }
0x83: {  	[spmem:s3] =	stream.indirect.scatter.add.f32 [tilespmem:s8], [sflag:$0x4], $0x80, s25, s7, $0xb8;
	[tilespmem:$0x1D080] =	vst v63  }
0x84: {  	_ =	swait.ge [sflag:s28], $0x2800  }
0x85: {  	[sflag:s28] =	ssyncset.done $0x0  }
0x86: {  	s29 =	simm.s32 $0x1500;
	[sflag:s28] =	ssyncadd.s32 $0xFFFFD800  }
0x87: {  	[spmem:s3] =	stream.indirect.scatter.add.f32 [tilespmem:s10], [sflag:$0x5], $0x80, s29, s7, $0xb8;
	[tilespmem:$0x1D080] =	vst v63  }
0x88: {  	_ =	swait.ge [sflag:s30], $0x2800  }
0x89: {  	[sflag:s30] =	ssyncset.done $0x0  }
0x8a: {  	s31 =	simm.s32 $0x1580;
	[sflag:s30] =	ssyncadd.s32 $0xFFFFD800  }
0x8b: {  	[spmem:s3] =	stream.indirect.scatter.add.f32 [tilespmem:s12], [sflag:$0x6], $0x80, s31, s7, $0xb8;
	[tilespmem:$0x1D080] =	vst v63  }
0x8c: {  	_ =	swait.ge [sflag:s13], $0x2800  }
0x8d: {  	[sflag:s13] =	ssyncset.done $0x0  }
0x8e: {  	s17 =	simm.s32 $0x600;
	[sflag:s13] =	ssyncadd.s32 $0xFFFFD800  }
0x8f: {  	[tilespmem:s8], [sflag:$0x1] =	stream.indirect.gather [hbm4b:s2+s7], $0x80, s17, s7, $0xb8;
	[tilespmem:$0x1D080] =	vst v63  }
0x90: {  	_ =	swait.ge [sflag:s14], $0x2800  }
0x91: {  	[sflag:s14] =	ssyncset.done $0x0  }
0x92: {  	s18 =	simm.s32 $0x680;
	[sflag:s14] =	ssyncadd.s32 $0xFFFFD800  }
0x93: {  	[tilespmem:s10], [sflag:$0x2] =	stream.indirect.gather [hbm4b:s2+s7], $0x80, s18, s7, $0xb8;
	[tilespmem:$0x1D080] =	vst v63  }
0x94: {  	_ =	swait.ge [sflag:s16], $0x2800  }
0x95: {  	[sflag:s16] =	ssyncset.done $0x0  }
0x96: {  	s29 =	simm.s32 $0x700;
	[sflag:s16] =	ssyncadd.s32 $0xFFFFD800  }
0x97: {  	[tilespmem:s12], [sflag:$0x3] =	stream.indirect.gather [hbm4b:s2+s7], $0x80, s29, s7, $0xb8;
	[tilespmem:$0x1D080] =	vst v63  }
0x98: {  	_ =	swait.ge [sflag:s26], $0x2800  }
0x99: {  	[sflag:s26] =	ssyncset.done $0x0  }
0x9a: {  	s31 =	simm.s32 $0x1600;
	[sflag:s26] =	ssyncadd.s32 $0xFFFFD800  }
0x9b: {  	[spmem:s3] =	stream.indirect.scatter.add.f32 [tilespmem:s8], [sflag:$0x4], $0x80, s31, s7, $0xb8;
	[tilespmem:$0x1D080] =	vst v63  }
0x9c: {  	_ =	swait.ge [sflag:s28], $0x2800  }
0x9d: {  	[sflag:s28] =	ssyncset.done $0x0  }
0x9e: {  	s18 =	simm.s32 $0x1680;
	[sflag:s28] =	ssyncadd.s32 $0xFFFFD800  }
0x9f: {  	[spmem:s3] =	stream.indirect.scatter.add.f32 [tilespmem:s10], [sflag:$0x5], $0x80, s18, s7, $0xb8;
	[tilespmem:$0x1D080] =	vst v63  }
0xa0: {  	_ =	swait.ge [sflag:s30], $0x2800  }
0xa1: {  	[sflag:s30] =	ssyncset.done $0x0  }
0xa2: {  	s18 =	simm.s32 $0x1700;
	[sflag:s30] =	ssyncadd.s32 $0xFFFFD800  }
0xa3: {  	[spmem:s3] =	stream.indirect.scatter.add.f32 [tilespmem:s12], [sflag:$0x6], $0x80, s18, s7, $0xb8;
	[tilespmem:$0x1D080] =	vst v63  }
0xa4: {  	_ =	swait.ge [sflag:s13], $0x2800  }
0xa5: {  	[sflag:s13] =	ssyncset.done $0x0  }
0xa6: {  	s18 =	simm.s32 $0x780;
	[sflag:s13] =	ssyncadd.s32 $0xFFFFD800  }
0xa7: {  	[tilespmem:s8], [sflag:$0x1] =	stream.indirect.gather [hbm4b:s2+s7], $0x80, s18, s7, $0xb8;
	[tilespmem:$0x1D080] =	vst v63  }
0xa8: {  	_ =	swait.ge [sflag:s14], $0x2800  }
0xa9: {  	[sflag:s14] =	ssyncset.done $0x0  }
0xaa: {  	s18 =	simm.s32 $0x800;
	[sflag:s14] =	ssyncadd.s32 $0xFFFFD800  }
0xab: {  	[tilespmem:s10], [sflag:$0x2] =	stream.indirect.gather [hbm4b:s2+s7], $0x80, s18, s7, $0xb8;
	[tilespmem:$0x1D080] =	vst v63  }
0xac: {  	_ =	swait.ge [sflag:s16], $0x2800  }
0xad: {  	[sflag:s16] =	ssyncset.done $0x0  }
0xae: {  	s18 =	simm.s32 $0x880;
	[sflag:s16] =	ssyncadd.s32 $0xFFFFD800  }
0xaf: {  	[tilespmem:s12], [sflag:$0x3] =	stream.indirect.gather [hbm4b:s2+s7], $0x80, s18, s7, $0xb8;
	[tilespmem:$0x1D080] =	vst v63  }
0xb0: {  	_ =	swait.ge [sflag:s26], $0x2800  }
0xb1: {  	[sflag:s26] =	ssyncset.done $0x0  }
0xb2: {  	s18 =	simm.s32 $0x1780;
	[sflag:s26] =	ssyncadd.s32 $0xFFFFD800  }
0xb3: {  	[spmem:s3] =	stream.indirect.scatter.add.f32 [tilespmem:s8], [sflag:$0x4], $0x80, s18, s7, $0xb8;
	[tilespmem:$0x1D080] =	vst v63  }
0xb4: {  	_ =	swait.ge [sflag:s28], $0x2800  }
0xb5: {  	[sflag:s28] =	ssyncset.done $0x0  }
0xb6: {  	s18 =	simm.s32 $0x1800;
	[sflag:s28] =	ssyncadd.s32 $0xFFFFD800  }
0xb7: {  	[spmem:s3] =	stream.indirect.scatter.add.f32 [tilespmem:s10], [sflag:$0x5], $0x80, s18, s7, $0xb8;
	[tilespmem:$0x1D080] =	vst v63  }
0xb8: {  	_ =	swait.ge [sflag:s30], $0x2800  }
0xb9: {  	[sflag:s30] =	ssyncset.done $0x0  }
0xba: {  	s18 =	simm.s32 $0x1880;
	[sflag:s30] =	ssyncadd.s32 $0xFFFFD800  }
0xbb: {  	[spmem:s3] =	stream.indirect.scatter.add.f32 [tilespmem:s12], [sflag:$0x6], $0x80, s18, s7, $0xb8;
	[tilespmem:$0x1D080] =	vst v63  }
0xbc: {  	_ =	swait.ge [sflag:s13], $0x2800  }
0xbd: {  	[sflag:s13] =	ssyncset.done $0x0  }
0xbe: {  	s18 =	simm.s32 $0x900;
	[sflag:s13] =	ssyncadd.s32 $0xFFFFD800  }
0xbf: {  	[tilespmem:s8], [sflag:$0x1] =	stream.indirect.gather [hbm4b:s2+s7], $0x80, s18, s7, $0xb8;
	[tilespmem:$0x1D080] =	vst v63  }
0xc0: {  	_ =	swait.ge [sflag:s14], $0x2800  }
0xc1: {  	[sflag:s14] =	ssyncset.done $0x0  }
0xc2: {  	s18 =	simm.s32 $0x980;
	[sflag:s14] =	ssyncadd.s32 $0xFFFFD800  }
0xc3: {  	[tilespmem:s10], [sflag:$0x2] =	stream.indirect.gather [hbm4b:s2+s7], $0x80, s18, s7, $0xb8;
	[tilespmem:$0x1D080] =	vst v63  }
0xc4: {  	_ =	swait.ge [sflag:s16], $0x2800  }
0xc5: {  	[sflag:s16] =	ssyncset.done $0x0  }
0xc6: {  	s18 =	simm.s32 $0xA00;
	[sflag:s16] =	ssyncadd.s32 $0xFFFFD800  }
0xc7: {  	[tilespmem:s12], [sflag:$0x3] =	stream.indirect.gather [hbm4b:s2+s7], $0x80, s18, s7, $0xb8;
	[tilespmem:$0x1D080] =	vst v63  }
0xc8: {  	_ =	swait.ge [sflag:s26], $0x2800  }
0xc9: {  	[sflag:s26] =	ssyncset.done $0x0  }
0xca: {  	s18 =	simm.s32 $0x1900;
	[sflag:s26] =	ssyncadd.s32 $0xFFFFD800  }
0xcb: {  	[spmem:s3] =	stream.indirect.scatter.add.f32 [tilespmem:s8], [sflag:$0x4], $0x80, s18, s7, $0xb8;
	[tilespmem:$0x1D080] =	vst v63  }
0xcc: {  	_ =	swait.ge [sflag:s28], $0x2800  }
0xcd: {  	[sflag:s28] =	ssyncset.done $0x0  }
0xce: {  	s18 =	simm.s32 $0x1980;
	[sflag:s28] =	ssyncadd.s32 $0xFFFFD800  }
0xcf: {  	[spmem:s3] =	stream.indirect.scatter.add.f32 [tilespmem:s10], [sflag:$0x5], $0x80, s18, s7, $0xb8;
	[tilespmem:$0x1D080] =	vst v63  }
0xd0: {  	_ =	swait.ge [sflag:s30], $0x2800  }
0xd1: {  	[sflag:s30] =	ssyncset.done $0x0  }
0xd2: {  	s18 =	simm.s32 $0x1A00;
	[sflag:s30] =	ssyncadd.s32 $0xFFFFD800  }
0xd3: {  	[spmem:s3] =	stream.indirect.scatter.add.f32 [tilespmem:s12], [sflag:$0x6], $0x80, s18, s7, $0xb8;
	[tilespmem:$0x1D080] =	vst v63  }
0xd4: {  	_ =	swait.ge [sflag:s13], $0x2800  }
0xd5: {  	[sflag:s13] =	ssyncset.done $0x0  }
0xd6: {  	s18 =	simm.s32 $0xA80;
	[sflag:s13] =	ssyncadd.s32 $0xFFFFD800  }
0xd7: {  	[tilespmem:s8], [sflag:$0x1] =	stream.indirect.gather [hbm4b:s2+s7], $0x80, s18, s7, $0xb8;
	[tilespmem:$0x1D080] =	vst v63  }
0xd8: {  	_ =	swait.ge [sflag:s14], $0x2800  }
0xd9: {  	[sflag:s14] =	ssyncset.done $0x0  }
0xda: {  	s18 =	simm.s32 $0xB00;
	[sflag:s14] =	ssyncadd.s32 $0xFFFFD800  }
0xdb: {  	[tilespmem:s10], [sflag:$0x2] =	stream.indirect.gather [hbm4b:s2+s7], $0x80, s18, s7, $0xb8;
	[tilespmem:$0x1D080] =	vst v63  }
0xdc: {  	_ =	swait.ge [sflag:s16], $0x2800  }
0xdd: {  	[sflag:s16] =	ssyncset.done $0x0  }
0xde: {  	s18 =	simm.s32 $0xB80;
	[sflag:s16] =	ssyncadd.s32 $0xFFFFD800  }
0xdf: {  	[tilespmem:s12], [sflag:$0x3] =	stream.indirect.gather [hbm4b:s2+s7], $0x80, s18, s7, $0xb8;
	[tilespmem:$0x1D080] =	vst v63  }
0xe0: {  	_ =	swait.ge [sflag:s26], $0x2800  }
0xe1: {  	[sflag:s26] =	ssyncset.done $0x0  }
0xe2: {  	s18 =	simm.s32 $0x1A80;
	[sflag:s26] =	ssyncadd.s32 $0xFFFFD800  }
0xe3: {  	[spmem:s3] =	stream.indirect.scatter.add.f32 [tilespmem:s8], [sflag:$0x7], $0x80, s18, s7, $0xb8;
	[tilespmem:$0x1D080] =	vst v63  }
0xe4: {  	_ =	swait.ge [sflag:s0], $0x2800  }
0xe5: {  	[sflag:s0] =	ssyncset.done $0x0  }
0xe6: {  	[sflag:s0] =	ssyncadd.s32 $0xFFFFD800  }
0xe7: {  	_ =	swait.ge [sflag:s28], $0x2800  }
0xe8: {  	[sflag:s28] =	ssyncset.done $0x0  }
0xe9: {  	s18 =	simm.s32 $0x1B00;
	[sflag:s28] =	ssyncadd.s32 $0xFFFFD800  }
0xea: {  	[spmem:s3] =	stream.indirect.scatter.add.f32 [tilespmem:s10], [sflag:$0x7], $0x80, s18, s7, $0xb8;
	[tilespmem:$0x1D080] =	vst v63  }
0xeb: {  	_ =	swait.ge [sflag:s0], $0x2800  }
0xec: {  	[sflag:s0] =	ssyncset.done $0x0  }
0xed: {  	[sflag:s0] =	ssyncadd.s32 $0xFFFFD800  }
0xee: {  	_ =	swait.ge [sflag:s30], $0x2800  }
0xef: {  	[sflag:s30] =	ssyncset.done $0x0  }
0xf0: {  	s18 =	simm.s32 $0x1B80;
	[sflag:s30] =	ssyncadd.s32 $0xFFFFD800  }
0xf1: {  	[spmem:s3] =	stream.indirect.scatter.add.f32 [tilespmem:s12], [sflag:$0x7], $0x80, s18, s7, $0xb8;
	[tilespmem:$0x1D080] =	vst v63  }
0xf2: {  	_ =	swait.ge [sflag:s0], $0x2800  }
0xf3: {  	[sflag:s0] =	ssyncset.done $0x0  }
0xf4: {  	s18 =	simm.s32 $0xC00;
	[sflag:s0] =	ssyncadd.s32 $0xFFFFD800  }
0xf5: {  	[tilespmem:s8], [sflag:$0x1] =	stream.indirect.gather [hbm4b:s2+s7], $0x80, s18, s7, $0xb8;
	[tilespmem:$0x1D080] =	vst v63  }
0xf6: {  	_ =	swait.ge [sflag:s26], $0x2800  }
0xf7: {  	[sflag:s26] =	ssyncset.done $0x0  }
0xf8: {  	s18 =	simm.s32 $0x1C00;
	[sflag:s26] =	ssyncadd.s32 $0xFFFFD800  }
0xf9: {  	[spmem:s3] =	stream.indirect.scatter.add.f32 [tilespmem:s8], [sflag:$0x7], $0x80, s18, s7, $0xb8;
	[tilespmem:$0x1D080] =	vst v63  }
0xfa: {  	_ =	swait.ge [sflag:s0], $0x2800  }
0xfb: {  	[sflag:s0] =	ssyncset.done $0x0  }
0xfc: {  	s18 =	rddreg [dreg:$0xf];
	[sflag:s0] =	ssyncadd.s32 $0xFFFFD800  }
0xfd: {  	[tilespmem:s19], [sflag:$0x7] =	stream.linear.gather [hbm4b:s18+s19], $0xC80, $0x38;
	[tilespmem:$0x1D080] =	vst v63  }
0xfe: {  	_ =	swait.ge [sflag:s0], $0xC80  }
0xff: {  	[sflag:s0] =	ssyncset.done $0x0  }
0x100: {  	s18 =	rddreg [dreg:$0x10];
	[sflag:s0] =	ssyncadd.s32 $0xFFFFF380  }
0x101: {  	[tilespmem:s4], [sflag:$0x7] =	stream.linear.gather [hbm4b:s18+s19], $0xC80, $0x38;
	[tilespmem:$0x1D080] =	vst v63  }
0x102: {  	_ =	swait.ge [sflag:s0], $0xC80  }
0x103: {  	[sflag:s0] =	ssyncset.done $0x0  }
0x104: {  	[sflag:s0] =	ssyncadd.s32 $0xFFFFF380  }
0x105: {  	[tilespmem:s8], [sflag:$0x1] =	stream.indirect.gather [hbm4b:s2+s7], $0x80, s19, s7, $0xb8;
	[tilespmem:$0x1D080] =	vst v63  }
0x106: {  	s18 =	simm.s32 $0x80  }
0x107: {  	[tilespmem:s10], [sflag:$0x2] =	stream.indirect.gather [hbm4b:s2+s7], $0x80, s18, s7, $0xb8;
	[tilespmem:$0x1D080] =	vst v63  }
0x108: {  	s1 =	simm.s32 $0x100  }
0x109: {  	[tilespmem:s12], [sflag:$0x3] =	stream.indirect.gather [hbm4b:s2+s7], $0x80, s1, s7, $0xb8;
	[tilespmem:$0x1D080] =	vst v63  }
0x10a: {  	_ =	swait.ge [sflag:s26], $0x2800  }
0x10b: {  	[sflag:s26] =	ssyncset.done $0x0  }
0x10c: {  	[sflag:s26] =	ssyncadd.s32 $0xFFFFD800  }
0x10d: {  	[spmem:s3] =	stream.indirect.scatter.add.f32 [tilespmem:s8], [sflag:$0x4], $0x80, s4, s7, $0xb8;
	[tilespmem:$0x1D080] =	vst v63  }
0x10e: {  	_ =	swait.ge [sflag:s28], $0x2800  }
0x10f: {  	[sflag:s28] =	ssyncset.done $0x0  }
0x110: {  	s1 =	simm.s32 $0x1080;
	[sflag:s28] =	ssyncadd.s32 $0xFFFFD800  }
0x111: {  	[spmem:s3] =	stream.indirect.scatter.add.f32 [tilespmem:s10], [sflag:$0x5], $0x80, s1, s7, $0xb8;
	[tilespmem:$0x1D080] =	vst v63  }
0x112: {  	_ =	swait.ge [sflag:s30], $0x2800  }
0x113: {  	[sflag:s30] =	ssyncset.done $0x0  }
0x114: {  	s1 =	simm.s32 $0x1100;
	[sflag:s30] =	ssyncadd.s32 $0xFFFFD800  }
0x115: {  	[spmem:s3] =	stream.indirect.scatter.add.f32 [tilespmem:s12], [sflag:$0x6], $0x80, s1, s7, $0xb8;
	[tilespmem:$0x1D080] =	vst v63  }
0x116: {  	_ =	swait.ge [sflag:s13], $0x2800  }
0x117: {  	[sflag:s13] =	ssyncset.done $0x0  }
0x118: {  	s1 =	simm.s32 $0x180;
	[sflag:s13] =	ssyncadd.s32 $0xFFFFD800  }
0x119: {  	[tilespmem:s8], [sflag:$0x1] =	stream.indirect.gather [hbm4b:s2+s7], $0x80, s1, s7, $0xb8;
	[tilespmem:$0x1D080] =	vst v63  }
0x11a: {  	_ =	swait.ge [sflag:s14], $0x2800  }
0x11b: {  	[sflag:s14] =	ssyncset.done $0x0  }
0x11c: {  	s1 =	simm.s32 $0x200;
	[sflag:s14] =	ssyncadd.s32 $0xFFFFD800  }
0x11d: {  	[tilespmem:s10], [sflag:$0x2] =	stream.indirect.gather [hbm4b:s2+s7], $0x80, s1, s7, $0xb8;
	[tilespmem:$0x1D080] =	vst v63  }
0x11e: {  	_ =	swait.ge [sflag:s16], $0x2800  }
0x11f: {  	[sflag:s16] =	ssyncset.done $0x0  }
0x120: {  	s1 =	simm.s32 $0x280;
	[sflag:s16] =	ssyncadd.s32 $0xFFFFD800  }
0x121: {  	[tilespmem:s12], [sflag:$0x3] =	stream.indirect.gather [hbm4b:s2+s7], $0x80, s1, s7, $0xb8;
	[tilespmem:$0x1D080] =	vst v63  }
0x122: {  	_ =	swait.ge [sflag:s26], $0x2800  }
0x123: {  	[sflag:s26] =	ssyncset.done $0x0  }
0x124: {  	s1 =	simm.s32 $0x1180;
	[sflag:s26] =	ssyncadd.s32 $0xFFFFD800  }
0x125: {  	[spmem:s3] =	stream.indirect.scatter.add.f32 [tilespmem:s8], [sflag:$0x4], $0x80, s1, s7, $0xb8;
	[tilespmem:$0x1D080] =	vst v63  }
0x126: {  	_ =	swait.ge [sflag:s28], $0x2800  }
0x127: {  	[sflag:s28] =	ssyncset.done $0x0  }
0x128: {  	s1 =	simm.s32 $0x1200;
	[sflag:s28] =	ssyncadd.s32 $0xFFFFD800  }
0x129: {  	[spmem:s3] =	stream.indirect.scatter.add.f32 [tilespmem:s10], [sflag:$0x5], $0x80, s1, s7, $0xb8;
	[tilespmem:$0x1D080] =	vst v63  }
0x12a: {  	_ =	swait.ge [sflag:s30], $0x2800  }
0x12b: {  	[sflag:s30] =	ssyncset.done $0x0  }
0x12c: {  	s1 =	simm.s32 $0x1280;
	[sflag:s30] =	ssyncadd.s32 $0xFFFFD800  }
0x12d: {  	[spmem:s3] =	stream.indirect.scatter.add.f32 [tilespmem:s12], [sflag:$0x6], $0x80, s1, s7, $0xb8;
	[tilespmem:$0x1D080] =	vst v63  }
0x12e: {  	_ =	swait.ge [sflag:s13], $0x2800  }
0x12f: {  	[sflag:s13] =	ssyncset.done $0x0  }
0x130: {  	s1 =	simm.s32 $0x300;
	[sflag:s13] =	ssyncadd.s32 $0xFFFFD800  }
0x131: {  	[tilespmem:s8], [sflag:$0x1] =	stream.indirect.gather [hbm4b:s2+s7], $0x80, s1, s7, $0xb8;
	[tilespmem:$0x1D080] =	vst v63  }
0x132: {  	_ =	swait.ge [sflag:s14], $0x2800  }
0x133: {  	[sflag:s14] =	ssyncset.done $0x0  }
0x134: {  	s1 =	simm.s32 $0x380;
	[sflag:s14] =	ssyncadd.s32 $0xFFFFD800  }
0x135: {  	[tilespmem:s10], [sflag:$0x2] =	stream.indirect.gather [hbm4b:s2+s7], $0x80, s1, s7, $0xb8;
	[tilespmem:$0x1D080] =	vst v63  }
0x136: {  	_ =	swait.ge [sflag:s16], $0x2800  }
0x137: {  	[sflag:s16] =	ssyncset.done $0x0  }
0x138: {  	s1 =	simm.s32 $0x400;
	[sflag:s16] =	ssyncadd.s32 $0xFFFFD800  }
0x139: {  	[tilespmem:s12], [sflag:$0x3] =	stream.indirect.gather [hbm4b:s2+s7], $0x80, s1, s7, $0xb8;
	[tilespmem:$0x1D080] =	vst v63  }
0x13a: {  	_ =	swait.ge [sflag:s26], $0x2800  }
0x13b: {  	[sflag:s26] =	ssyncset.done $0x0  }
0x13c: {  	s5 =	simm.s32 $0x1300;
	[sflag:s26] =	ssyncadd.s32 $0xFFFFD800  }
0x13d: {  	[spmem:s3] =	stream.indirect.scatter.add.f32 [tilespmem:s8], [sflag:$0x4], $0x80, s5, s7, $0xb8;
	[tilespmem:$0x1D080] =	vst v63  }
0x13e: {  	_ =	swait.ge [sflag:s28], $0x2800  }
0x13f: {  	[sflag:s28] =	ssyncset.done $0x0  }
0x140: {  	s6 =	simm.s32 $0x1380;
	[sflag:s28] =	ssyncadd.s32 $0xFFFFD800  }
0x141: {  	[spmem:s3] =	stream.indirect.scatter.add.f32 [tilespmem:s10], [sflag:$0x5], $0x80, s6, s7, $0xb8;
	[tilespmem:$0x1D080] =	vst v63  }
0x142: {  	_ =	swait.ge [sflag:s30], $0x2800  }
0x143: {  	[sflag:s30] =	ssyncset.done $0x0  }
0x144: {  	s11 =	simm.s32 $0x1400;
	[sflag:s30] =	ssyncadd.s32 $0xFFFFD800  }
0x145: {  	[spmem:s3] =	stream.indirect.scatter.add.f32 [tilespmem:s12], [sflag:$0x6], $0x80, s11, s7, $0xb8;
	[tilespmem:$0x1D080] =	vst v63  }
0x146: {  	_ =	swait.ge [sflag:s13], $0x2800  }
0x147: {  	[sflag:s13] =	ssyncset.done $0x0  }
0x148: {  	s15 =	simm.s32 $0x480;
	[sflag:s13] =	ssyncadd.s32 $0xFFFFD800  }
0x149: {  	[tilespmem:s8], [sflag:$0x1] =	stream.indirect.gather [hbm4b:s2+s7], $0x80, s15, s7, $0xb8;
	[tilespmem:$0x1D080] =	vst v63  }
0x14a: {  	_ =	swait.ge [sflag:s14], $0x2800  }
0x14b: {  	[sflag:s14] =	ssyncset.done $0x0  }
0x14c: {  	s20 =	simm.s32 $0x500;
	[sflag:s14] =	ssyncadd.s32 $0xFFFFD800  }
0x14d: {  	[tilespmem:s10], [sflag:$0x2] =	stream.indirect.gather [hbm4b:s2+s7], $0x80, s20, s7, $0xb8;
	[tilespmem:$0x1D080] =	vst v63  }
0x14e: {  	_ =	swait.ge [sflag:s16], $0x2800  }
0x14f: {  	[sflag:s16] =	ssyncset.done $0x0  }
0x150: {  	s21 =	simm.s32 $0x580;
	[sflag:s16] =	ssyncadd.s32 $0xFFFFD800  }
0x151: {  	[tilespmem:s12], [sflag:$0x3] =	stream.indirect.gather [hbm4b:s2+s7], $0x80, s21, s7, $0xb8;
	[tilespmem:$0x1D080] =	vst v63  }
0x152: {  	_ =	swait.ge [sflag:s26], $0x2800  }
0x153: {  	[sflag:s26] =	ssyncset.done $0x0  }
0x154: {  	s22 =	simm.s32 $0x1480;
	[sflag:s26] =	ssyncadd.s32 $0xFFFFD800  }
0x155: {  	[spmem:s3] =	stream.indirect.scatter.add.f32 [tilespmem:s8], [sflag:$0x4], $0x80, s22, s7, $0xb8;
	[tilespmem:$0x1D080] =	vst v63  }
0x156: {  	_ =	swait.ge [sflag:s28], $0x2800  }
0x157: {  	[sflag:s28] =	ssyncset.done $0x0  }
0x158: {  	s23 =	simm.s32 $0x1500;
	[sflag:s28] =	ssyncadd.s32 $0xFFFFD800  }
0x159: {  	[spmem:s3] =	stream.indirect.scatter.add.f32 [tilespmem:s10], [sflag:$0x5], $0x80, s23, s7, $0xb8;
	[tilespmem:$0x1D080] =	vst v63  }
0x15a: {  	_ =	swait.ge [sflag:s30], $0x2800  }
0x15b: {  	[sflag:s30] =	ssyncset.done $0x0  }
0x15c: {  	s24 =	simm.s32 $0x1580;
	[sflag:s30] =	ssyncadd.s32 $0xFFFFD800  }
0x15d: {  	[spmem:s3] =	stream.indirect.scatter.add.f32 [tilespmem:s12], [sflag:$0x6], $0x80, s24, s7, $0xb8;
	[tilespmem:$0x1D080] =	vst v63  }
0x15e: {  	_ =	swait.ge [sflag:s13], $0x2800  }
0x15f: {  	[sflag:s13] =	ssyncset.done $0x0  }
0x160: {  	s25 =	simm.s32 $0x600;
	[sflag:s13] =	ssyncadd.s32 $0xFFFFD800  }
0x161: {  	[tilespmem:s8], [sflag:$0x1] =	stream.indirect.gather [hbm4b:s2+s7], $0x80, s25, s7, $0xb8;
	[tilespmem:$0x1D080] =	vst v63  }
0x162: {  	_ =	swait.ge [sflag:s14], $0x2800  }
0x163: {  	[sflag:s14] =	ssyncset.done $0x0  }
0x164: {  	s17 =	simm.s32 $0x680;
	[sflag:s14] =	ssyncadd.s32 $0xFFFFD800  }
0x165: {  	[tilespmem:s10], [sflag:$0x2] =	stream.indirect.gather [hbm4b:s2+s7], $0x80, s17, s7, $0xb8;
	[tilespmem:$0x1D080] =	vst v63  }
0x166: {  	_ =	swait.ge [sflag:s16], $0x2800  }
0x167: {  	[sflag:s16] =	ssyncset.done $0x0  }
0x168: {  	s29 =	simm.s32 $0x700;
	[sflag:s16] =	ssyncadd.s32 $0xFFFFD800  }
0x169: {  	[tilespmem:s12], [sflag:$0x3] =	stream.indirect.gather [hbm4b:s2+s7], $0x80, s29, s7, $0xb8;
	[tilespmem:$0x1D080] =	vst v63  }
0x16a: {  	_ =	swait.ge [sflag:s26], $0x2800  }
0x16b: {  	[sflag:s26] =	ssyncset.done $0x0  }
0x16c: {  	s31 =	simm.s32 $0x1600;
	[sflag:s26] =	ssyncadd.s32 $0xFFFFD800  }
0x16d: {  	[spmem:s3] =	stream.indirect.scatter.add.f32 [tilespmem:s8], [sflag:$0x4], $0x80, s31, s7, $0xb8;
	[tilespmem:$0x1D080] =	vst v63  }
0x16e: {  	_ =	swait.ge [sflag:s28], $0x2800  }
0x16f: {  	[sflag:s28] =	ssyncset.done $0x0  }
0x170: {  	s1 =	simm.s32 $0x1680;
	[sflag:s28] =	ssyncadd.s32 $0xFFFFD800  }
0x171: {  	[spmem:s3] =	stream.indirect.scatter.add.f32 [tilespmem:s10], [sflag:$0x5], $0x80, s1, s7, $0xb8;
	[tilespmem:$0x1D080] =	vst v63  }
0x172: {  	_ =	swait.ge [sflag:s30], $0x2800  }
0x173: {  	[sflag:s30] =	ssyncset.done $0x0  }
0x174: {  	s1 =	simm.s32 $0x1700;
	[sflag:s30] =	ssyncadd.s32 $0xFFFFD800  }
0x175: {  	[spmem:s3] =	stream.indirect.scatter.add.f32 [tilespmem:s12], [sflag:$0x6], $0x80, s1, s7, $0xb8;
	[tilespmem:$0x1D080] =	vst v63  }
0x176: {  	_ =	swait.ge [sflag:s13], $0x2800  }
0x177: {  	[sflag:s13] =	ssyncset.done $0x0  }
0x178: {  	s1 =	simm.s32 $0x780;
	[sflag:s13] =	ssyncadd.s32 $0xFFFFD800  }
0x179: {  	[tilespmem:s8], [sflag:$0x1] =	stream.indirect.gather [hbm4b:s2+s7], $0x80, s1, s7, $0xb8;
	[tilespmem:$0x1D080] =	vst v63  }
0x17a: {  	_ =	swait.ge [sflag:s14], $0x2800  }
0x17b: {  	[sflag:s14] =	ssyncset.done $0x0  }
0x17c: {  	s1 =	simm.s32 $0x800;
	[sflag:s14] =	ssyncadd.s32 $0xFFFFD800  }
0x17d: {  	[tilespmem:s10], [sflag:$0x2] =	stream.indirect.gather [hbm4b:s2+s7], $0x80, s1, s7, $0xb8;
	[tilespmem:$0x1D080] =	vst v63  }
0x17e: {  	_ =	swait.ge [sflag:s16], $0x2800  }
0x17f: {  	[sflag:s16] =	ssyncset.done $0x0  }
0x180: {  	s1 =	simm.s32 $0x880;
	[sflag:s16] =	ssyncadd.s32 $0xFFFFD800  }
0x181: {  	[tilespmem:s12], [sflag:$0x3] =	stream.indirect.gather [hbm4b:s2+s7], $0x80, s1, s7, $0xb8;
	[tilespmem:$0x1D080] =	vst v63  }
0x182: {  	_ =	swait.ge [sflag:s26], $0x2800  }
0x183: {  	[sflag:s26] =	ssyncset.done $0x0  }
0x184: {  	s1 =	simm.s32 $0x1780;
	[sflag:s26] =	ssyncadd.s32 $0xFFFFD800  }
0x185: {  	[spmem:s3] =	stream.indirect.scatter.add.f32 [tilespmem:s8], [sflag:$0x4], $0x80, s1, s7, $0xb8;
	[tilespmem:$0x1D080] =	vst v63  }
0x186: {  	_ =	swait.ge [sflag:s28], $0x2800  }
0x187: {  	[sflag:s28] =	ssyncset.done $0x0  }
0x188: {  	s1 =	simm.s32 $0x1800;
	[sflag:s28] =	ssyncadd.s32 $0xFFFFD800  }
0x189: {  	[spmem:s3] =	stream.indirect.scatter.add.f32 [tilespmem:s10], [sflag:$0x5], $0x80, s1, s7, $0xb8;
	[tilespmem:$0x1D080] =	vst v63  }
0x18a: {  	_ =	swait.ge [sflag:s30], $0x2800  }
0x18b: {  	[sflag:s30] =	ssyncset.done $0x0  }
0x18c: {  	s1 =	simm.s32 $0x1880;
	[sflag:s30] =	ssyncadd.s32 $0xFFFFD800  }
0x18d: {  	[spmem:s3] =	stream.indirect.scatter.add.f32 [tilespmem:s12], [sflag:$0x6], $0x80, s1, s7, $0xb8;
	[tilespmem:$0x1D080] =	vst v63  }
0x18e: {  	_ =	swait.ge [sflag:s13], $0x2800  }
0x18f: {  	[sflag:s13] =	ssyncset.done $0x0  }
0x190: {  	s1 =	simm.s32 $0x900;
	[sflag:s13] =	ssyncadd.s32 $0xFFFFD800  }
0x191: {  	[tilespmem:s8], [sflag:$0x1] =	stream.indirect.gather [hbm4b:s2+s7], $0x80, s1, s7, $0xb8;
	[tilespmem:$0x1D080] =	vst v63  }
0x192: {  	_ =	swait.ge [sflag:s14], $0x2800  }
0x193: {  	[sflag:s14] =	ssyncset.done $0x0  }
0x194: {  	s1 =	simm.s32 $0x980;
	[sflag:s14] =	ssyncadd.s32 $0xFFFFD800  }
0x195: {  	[tilespmem:s10], [sflag:$0x2] =	stream.indirect.gather [hbm4b:s2+s7], $0x80, s1, s7, $0xb8;
	[tilespmem:$0x1D080] =	vst v63  }
0x196: {  	_ =	swait.ge [sflag:s16], $0x2800  }
0x197: {  	[sflag:s16] =	ssyncset.done $0x0  }
0x198: {  	s1 =	simm.s32 $0xA00;
	[sflag:s16] =	ssyncadd.s32 $0xFFFFD800  }
0x199: {  	[tilespmem:s12], [sflag:$0x3] =	stream.indirect.gather [hbm4b:s2+s7], $0x80, s1, s7, $0xb8;
	[tilespmem:$0x1D080] =	vst v63  }
0x19a: {  	_ =	swait.ge [sflag:s26], $0x2800  }
0x19b: {  	[sflag:s26] =	ssyncset.done $0x0  }
0x19c: {  	s1 =	simm.s32 $0x1900;
	[sflag:s26] =	ssyncadd.s32 $0xFFFFD800  }
0x19d: {  	[spmem:s3] =	stream.indirect.scatter.add.f32 [tilespmem:s8], [sflag:$0x4], $0x80, s1, s7, $0xb8;
	[tilespmem:$0x1D080] =	vst v63  }
0x19e: {  	_ =	swait.ge [sflag:s28], $0x2800  }
0x19f: {  	[sflag:s28] =	ssyncset.done $0x0  }
0x1a0: {  	s1 =	simm.s32 $0x1980;
	[sflag:s28] =	ssyncadd.s32 $0xFFFFD800  }
0x1a1: {  	[spmem:s3] =	stream.indirect.scatter.add.f32 [tilespmem:s10], [sflag:$0x5], $0x80, s1, s7, $0xb8;
	[tilespmem:$0x1D080] =	vst v63  }
0x1a2: {  	_ =	swait.ge [sflag:s30], $0x2800  }
0x1a3: {  	[sflag:s30] =	ssyncset.done $0x0  }
0x1a4: {  	s1 =	simm.s32 $0x1A00;
	[sflag:s30] =	ssyncadd.s32 $0xFFFFD800  }
0x1a5: {  	[spmem:s3] =	stream.indirect.scatter.add.f32 [tilespmem:s12], [sflag:$0x6], $0x80, s1, s7, $0xb8;
	[tilespmem:$0x1D080] =	vst v63  }
0x1a6: {  	_ =	swait.ge [sflag:s13], $0x2800  }
0x1a7: {  	[sflag:s13] =	ssyncset.done $0x0  }
0x1a8: {  	s1 =	simm.s32 $0xA80;
	[sflag:s13] =	ssyncadd.s32 $0xFFFFD800  }
0x1a9: {  	[tilespmem:s8], [sflag:$0x1] =	stream.indirect.gather [hbm4b:s2+s7], $0x80, s1, s7, $0xb8;
	[tilespmem:$0x1D080] =	vst v63  }
0x1aa: {  	_ =	swait.ge [sflag:s14], $0x2800  }
0x1ab: {  	[sflag:s14] =	ssyncset.done $0x0  }
0x1ac: {  	s1 =	simm.s32 $0xB00;
	[sflag:s14] =	ssyncadd.s32 $0xFFFFD800  }
0x1ad: {  	[tilespmem:s10], [sflag:$0x2] =	stream.indirect.gather [hbm4b:s2+s7], $0x80, s1, s7, $0xb8;
	[tilespmem:$0x1D080] =	vst v63  }
0x1ae: {  	_ =	swait.ge [sflag:s16], $0x2800  }
0x1af: {  	[sflag:s16] =	ssyncset.done $0x0  }
0x1b0: {  	s1 =	simm.s32 $0xB80;
	[sflag:s16] =	ssyncadd.s32 $0xFFFFD800  }
0x1b1: {  	[tilespmem:s12], [sflag:$0x3] =	stream.indirect.gather [hbm4b:s2+s7], $0x80, s1, s7, $0xb8;
	[tilespmem:$0x1D080] =	vst v63  }
0x1b2: {  	_ =	swait.ge [sflag:s26], $0x2800  }
0x1b3: {  	[sflag:s26] =	ssyncset.done $0x0  }
0x1b4: {  	s1 =	simm.s32 $0x1A80;
	[sflag:s26] =	ssyncadd.s32 $0xFFFFD800  }
0x1b5: {  	[spmem:s3] =	stream.indirect.scatter.add.f32 [tilespmem:s8], [sflag:$0x7], $0x80, s1, s7, $0xb8;
	[tilespmem:$0x1D080] =	vst v63  }
0x1b6: {  	_ =	swait.ge [sflag:s0], $0x2800  }
0x1b7: {  	[sflag:s0] =	ssyncset.done $0x0  }
0x1b8: {  	[sflag:s0] =	ssyncadd.s32 $0xFFFFD800  }
0x1b9: {  	_ =	swait.ge [sflag:s28], $0x2800  }
0x1ba: {  	[sflag:s28] =	ssyncset.done $0x0  }
0x1bb: {  	s1 =	simm.s32 $0x1B00;
	[sflag:s28] =	ssyncadd.s32 $0xFFFFD800  }
0x1bc: {  	[spmem:s3] =	stream.indirect.scatter.add.f32 [tilespmem:s10], [sflag:$0x7], $0x80, s1, s7, $0xb8;
	[tilespmem:$0x1D080] =	vst v63  }
0x1bd: {  	_ =	swait.ge [sflag:s0], $0x2800  }
0x1be: {  	[sflag:s0] =	ssyncset.done $0x0  }
0x1bf: {  	[sflag:s0] =	ssyncadd.s32 $0xFFFFD800  }
0x1c0: {  	_ =	swait.ge [sflag:s30], $0x2800  }
0x1c1: {  	[sflag:s30] =	ssyncset.done $0x0  }
0x1c2: {  	s1 =	simm.s32 $0x1B80;
	[sflag:s30] =	ssyncadd.s32 $0xFFFFD800  }
0x1c3: {  	[spmem:s3] =	stream.indirect.scatter.add.f32 [tilespmem:s12], [sflag:$0x7], $0x80, s1, s7, $0xb8;
	[tilespmem:$0x1D080] =	vst v63  }
0x1c4: {  	_ =	swait.ge [sflag:s0], $0x2800  }
0x1c5: {  	[sflag:s0] =	ssyncset.done $0x0  }
0x1c6: {  	s1 =	simm.s32 $0xC00;
	[sflag:s0] =	ssyncadd.s32 $0xFFFFD800  }
0x1c7: {  	[tilespmem:s8], [sflag:$0x1] =	stream.indirect.gather [hbm4b:s2+s7], $0x80, s1, s7, $0xb8;
	[tilespmem:$0x1D080] =	vst v63  }
0x1c8: {  	_ =	swait.ge [sflag:s26], $0x2800  }
0x1c9: {  	[sflag:s26] =	ssyncset.done $0x0  }
0x1ca: {  	s1 =	simm.s32 $0x1C00;
	[sflag:s26] =	ssyncadd.s32 $0xFFFFD800  }
0x1cb: {  	[spmem:s3] =	stream.indirect.scatter.add.f32 [tilespmem:s8], [sflag:$0x7], $0x80, s1, s7, $0xb8;
	[tilespmem:$0x1D080] =	vst v63  }
0x1cc: {  	_ =	swait.ge [sflag:s0], $0x2800  }
0x1cd: {  	[sflag:s0] =	ssyncset.done $0x0  }
0x1ce: {  	s1 =	rddreg [dreg:$0x11];
	[sflag:s0] =	ssyncadd.s32 $0xFFFFD800  }
0x1cf: {  	[tilespmem:s19], [sflag:$0x7] =	stream.linear.gather [hbm4b:s1+s19], $0xC80, $0x38;
	[tilespmem:$0x1D080] =	vst v63  }
0x1d0: {  	_ =	swait.ge [sflag:s0], $0xC80  }
0x1d1: {  	[sflag:s0] =	ssyncset.done $0x0  }
0x1d2: {  	s1 =	rddreg [dreg:$0x12];
	[sflag:s0] =	ssyncadd.s32 $0xFFFFF380  }
0x1d3: {  	[tilespmem:s4], [sflag:$0x7] =	stream.linear.gather [hbm4b:s1+s19], $0xC80, $0x38;
	[tilespmem:$0x1D080] =	vst v63  }
0x1d4: {  	_ =	swait.ge [sflag:s0], $0xC80  }
0x1d5: {  	[sflag:s0] =	ssyncset.done $0x0  }
0x1d6: {  	[sflag:s0] =	ssyncadd.s32 $0xFFFFF380  }
0x1d7: {  	[tilespmem:s8], [sflag:$0x1] =	stream.indirect.gather [hbm4b:s2+s7], $0x80, s19, s7, $0xb8;
	[tilespmem:$0x1D080] =	vst v63  }
0x1d8: {  	_ = 	snop  }
0x1d9: {  	[tilespmem:s10], [sflag:$0x2] =	stream.indirect.gather [hbm4b:s2+s7], $0x80, s18, s7, $0xb8;
	[tilespmem:$0x1D080] =	vst v63  }
0x1da: {  	s1 =	simm.s32 $0x100  }
0x1db: {  	[tilespmem:s12], [sflag:$0x3] =	stream.indirect.gather [hbm4b:s2+s7], $0x80, s1, s7, $0xb8;
	[tilespmem:$0x1D080] =	vst v63  }
0x1dc: {  	_ =	swait.ge [sflag:s26], $0x2800  }
0x1dd: {  	[sflag:s26] =	ssyncset.done $0x0  }
0x1de: {  	[sflag:s26] =	ssyncadd.s32 $0xFFFFD800  }
0x1df: {  	[spmem:s3] =	stream.indirect.scatter.add.f32 [tilespmem:s8], [sflag:$0x4], $0x80, s4, s7, $0xb8;
	[tilespmem:$0x1D080] =	vst v63  }
0x1e0: {  	_ =	swait.ge [sflag:s28], $0x2800  }
0x1e1: {  	[sflag:s28] =	ssyncset.done $0x0  }
0x1e2: {  	s1 =	simm.s32 $0x1080;
	[sflag:s28] =	ssyncadd.s32 $0xFFFFD800  }
0x1e3: {  	[spmem:s3] =	stream.indirect.scatter.add.f32 [tilespmem:s10], [sflag:$0x5], $0x80, s1, s7, $0xb8;
	[tilespmem:$0x1D080] =	vst v63  }
0x1e4: {  	_ =	swait.ge [sflag:s30], $0x2800  }
0x1e5: {  	[sflag:s30] =	ssyncset.done $0x0  }
0x1e6: {  	s1 =	simm.s32 $0x1100;
	[sflag:s30] =	ssyncadd.s32 $0xFFFFD800  }
0x1e7: {  	[spmem:s3] =	stream.indirect.scatter.add.f32 [tilespmem:s12], [sflag:$0x6], $0x80, s1, s7, $0xb8;
	[tilespmem:$0x1D080] =	vst v63  }
0x1e8: {  	_ =	swait.ge [sflag:s13], $0x2800  }
0x1e9: {  	[sflag:s13] =	ssyncset.done $0x0  }
0x1ea: {  	s1 =	simm.s32 $0x180;
	[sflag:s13] =	ssyncadd.s32 $0xFFFFD800  }
0x1eb: {  	[tilespmem:s8], [sflag:$0x1] =	stream.indirect.gather [hbm4b:s2+s7], $0x80, s1, s7, $0xb8;
	[tilespmem:$0x1D080] =	vst v63  }
0x1ec: {  	_ =	swait.ge [sflag:s14], $0x2800  }
0x1ed: {  	[sflag:s14] =	ssyncset.done $0x0  }
0x1ee: {  	s1 =	simm.s32 $0x200;
	[sflag:s14] =	ssyncadd.s32 $0xFFFFD800  }
0x1ef: {  	[tilespmem:s10], [sflag:$0x2] =	stream.indirect.gather [hbm4b:s2+s7], $0x80, s1, s7, $0xb8;
	[tilespmem:$0x1D080] =	vst v63  }
0x1f0: {  	_ =	swait.ge [sflag:s16], $0x2800  }
0x1f1: {  	[sflag:s16] =	ssyncset.done $0x0  }
0x1f2: {  	s1 =	simm.s32 $0x280;
	[sflag:s16] =	ssyncadd.s32 $0xFFFFD800  }
0x1f3: {  	[tilespmem:s12], [sflag:$0x3] =	stream.indirect.gather [hbm4b:s2+s7], $0x80, s1, s7, $0xb8;
	[tilespmem:$0x1D080] =	vst v63  }
0x1f4: {  	_ =	swait.ge [sflag:s26], $0x2800  }
0x1f5: {  	[sflag:s26] =	ssyncset.done $0x0  }
0x1f6: {  	s1 =	simm.s32 $0x1180;
	[sflag:s26] =	ssyncadd.s32 $0xFFFFD800  }
0x1f7: {  	[spmem:s3] =	stream.indirect.scatter.add.f32 [tilespmem:s8], [sflag:$0x4], $0x80, s1, s7, $0xb8;
	[tilespmem:$0x1D080] =	vst v63  }
0x1f8: {  	_ =	swait.ge [sflag:s28], $0x2800  }
0x1f9: {  	[sflag:s28] =	ssyncset.done $0x0  }
0x1fa: {  	s1 =	simm.s32 $0x1200;
	[sflag:s28] =	ssyncadd.s32 $0xFFFFD800  }
0x1fb: {  	[spmem:s3] =	stream.indirect.scatter.add.f32 [tilespmem:s10], [sflag:$0x5], $0x80, s1, s7, $0xb8;
	[tilespmem:$0x1D080] =	vst v63  }
0x1fc: {  	_ =	swait.ge [sflag:s30], $0x2800  }
0x1fd: {  	[sflag:s30] =	ssyncset.done $0x0  }
0x1fe: {  	s1 =	simm.s32 $0x1280;
	[sflag:s30] =	ssyncadd.s32 $0xFFFFD800  }
0x1ff: {  	[spmem:s3] =	stream.indirect.scatter.add.f32 [tilespmem:s12], [sflag:$0x6], $0x80, s1, s7, $0xb8;
	[tilespmem:$0x1D080] =	vst v63  }
0x200: {  	_ =	swait.ge [sflag:s13], $0x2800  }
0x201: {  	[sflag:s13] =	ssyncset.done $0x0  }
0x202: {  	s1 =	simm.s32 $0x300;
	[sflag:s13] =	ssyncadd.s32 $0xFFFFD800  }
0x203: {  	[tilespmem:s8], [sflag:$0x1] =	stream.indirect.gather [hbm4b:s2+s7], $0x80, s1, s7, $0xb8;
	[tilespmem:$0x1D080] =	vst v63  }
0x204: {  	_ =	swait.ge [sflag:s14], $0x2800  }
0x205: {  	[sflag:s14] =	ssyncset.done $0x0  }
0x206: {  	s1 =	simm.s32 $0x380;
	[sflag:s14] =	ssyncadd.s32 $0xFFFFD800  }
0x207: {  	[tilespmem:s10], [sflag:$0x2] =	stream.indirect.gather [hbm4b:s2+s7], $0x80, s1, s7, $0xb8;
	[tilespmem:$0x1D080] =	vst v63  }
0x208: {  	_ =	swait.ge [sflag:s16], $0x2800  }
0x209: {  	[sflag:s16] =	ssyncset.done $0x0  }
0x20a: {  	s1 =	simm.s32 $0x400;
	[sflag:s16] =	ssyncadd.s32 $0xFFFFD800  }
0x20b: {  	[tilespmem:s12], [sflag:$0x3] =	stream.indirect.gather [hbm4b:s2+s7], $0x80, s1, s7, $0xb8;
	[tilespmem:$0x1D080] =	vst v63  }
0x20c: {  	_ =	swait.ge [sflag:s26], $0x2800  }
0x20d: {  	[sflag:s26] =	ssyncset.done $0x0  }
0x20e: {  	s5 =	simm.s32 $0x1300;
	[sflag:s26] =	ssyncadd.s32 $0xFFFFD800  }
0x20f: {  	[spmem:s3] =	stream.indirect.scatter.add.f32 [tilespmem:s8], [sflag:$0x4], $0x80, s5, s7, $0xb8;
	[tilespmem:$0x1D080] =	vst v63  }
0x210: {  	_ =	swait.ge [sflag:s28], $0x2800  }
0x211: {  	[sflag:s28] =	ssyncset.done $0x0  }
0x212: {  	s6 =	simm.s32 $0x1380;
	[sflag:s28] =	ssyncadd.s32 $0xFFFFD800  }
0x213: {  	[spmem:s3] =	stream.indirect.scatter.add.f32 [tilespmem:s10], [sflag:$0x5], $0x80, s6, s7, $0xb8;
	[tilespmem:$0x1D080] =	vst v63  }
0x214: {  	_ =	swait.ge [sflag:s30], $0x2800  }
0x215: {  	[sflag:s30] =	ssyncset.done $0x0  }
0x216: {  	s11 =	simm.s32 $0x1400;
	[sflag:s30] =	ssyncadd.s32 $0xFFFFD800  }
0x217: {  	[spmem:s3] =	stream.indirect.scatter.add.f32 [tilespmem:s12], [sflag:$0x6], $0x80, s11, s7, $0xb8;
	[tilespmem:$0x1D080] =	vst v63  }
0x218: {  	_ =	swait.ge [sflag:s13], $0x2800  }
0x219: {  	[sflag:s13] =	ssyncset.done $0x0  }
0x21a: {  	s15 =	simm.s32 $0x480;
	[sflag:s13] =	ssyncadd.s32 $0xFFFFD800  }
0x21b: {  	[tilespmem:s8], [sflag:$0x1] =	stream.indirect.gather [hbm4b:s2+s7], $0x80, s15, s7, $0xb8;
	[tilespmem:$0x1D080] =	vst v63  }
0x21c: {  	_ =	swait.ge [sflag:s14], $0x2800  }
0x21d: {  	[sflag:s14] =	ssyncset.done $0x0  }
0x21e: {  	s20 =	simm.s32 $0x500;
	[sflag:s14] =	ssyncadd.s32 $0xFFFFD800  }
0x21f: {  	[tilespmem:s10], [sflag:$0x2] =	stream.indirect.gather [hbm4b:s2+s7], $0x80, s20, s7, $0xb8;
	[tilespmem:$0x1D080] =	vst v63  }
0x220: {  	_ =	swait.ge [sflag:s16], $0x2800  }
0x221: {  	[sflag:s16] =	ssyncset.done $0x0  }
0x222: {  	s21 =	simm.s32 $0x580;
	[sflag:s16] =	ssyncadd.s32 $0xFFFFD800  }
0x223: {  	[tilespmem:s12], [sflag:$0x3] =	stream.indirect.gather [hbm4b:s2+s7], $0x80, s21, s7, $0xb8;
	[tilespmem:$0x1D080] =	vst v63  }
0x224: {  	_ =	swait.ge [sflag:s26], $0x2800  }
0x225: {  	[sflag:s26] =	ssyncset.done $0x0  }
0x226: {  	s22 =	simm.s32 $0x1480;
	[sflag:s26] =	ssyncadd.s32 $0xFFFFD800  }
0x227: {  	[spmem:s3] =	stream.indirect.scatter.add.f32 [tilespmem:s8], [sflag:$0x4], $0x80, s22, s7, $0xb8;
	[tilespmem:$0x1D080] =	vst v63  }
0x228: {  	_ =	swait.ge [sflag:s28], $0x2800  }
0x229: {  	[sflag:s28] =	ssyncset.done $0x0  }
0x22a: {  	s23 =	simm.s32 $0x1500;
	[sflag:s28] =	ssyncadd.s32 $0xFFFFD800  }
0x22b: {  	[spmem:s3] =	stream.indirect.scatter.add.f32 [tilespmem:s10], [sflag:$0x5], $0x80, s23, s7, $0xb8;
	[tilespmem:$0x1D080] =	vst v63  }
0x22c: {  	_ =	swait.ge [sflag:s30], $0x2800  }
0x22d: {  	[sflag:s30] =	ssyncset.done $0x0  }
0x22e: {  	s24 =	simm.s32 $0x1580;
	[sflag:s30] =	ssyncadd.s32 $0xFFFFD800  }
0x22f: {  	[spmem:s3] =	stream.indirect.scatter.add.f32 [tilespmem:s12], [sflag:$0x6], $0x80, s24, s7, $0xb8;
	[tilespmem:$0x1D080] =	vst v63  }
0x230: {  	_ =	swait.ge [sflag:s13], $0x2800  }
0x231: {  	[sflag:s13] =	ssyncset.done $0x0  }
0x232: {  	s25 =	simm.s32 $0x600;
	[sflag:s13] =	ssyncadd.s32 $0xFFFFD800  }
0x233: {  	[tilespmem:s8], [sflag:$0x1] =	stream.indirect.gather [hbm4b:s2+s7], $0x80, s25, s7, $0xb8;
	[tilespmem:$0x1D080] =	vst v63  }
0x234: {  	_ =	swait.ge [sflag:s14], $0x2800  }
0x235: {  	[sflag:s14] =	ssyncset.done $0x0  }
0x236: {  	s17 =	simm.s32 $0x680;
	[sflag:s14] =	ssyncadd.s32 $0xFFFFD800  }
0x237: {  	[tilespmem:s10], [sflag:$0x2] =	stream.indirect.gather [hbm4b:s2+s7], $0x80, s17, s7, $0xb8;
	[tilespmem:$0x1D080] =	vst v63  }
0x238: {  	_ =	swait.ge [sflag:s16], $0x2800  }
0x239: {  	[sflag:s16] =	ssyncset.done $0x0  }
0x23a: {  	s29 =	simm.s32 $0x700;
	[sflag:s16] =	ssyncadd.s32 $0xFFFFD800  }
0x23b: {  	[tilespmem:s12], [sflag:$0x3] =	stream.indirect.gather [hbm4b:s2+s7], $0x80, s29, s7, $0xb8;
	[tilespmem:$0x1D080] =	vst v63  }
0x23c: {  	_ =	swait.ge [sflag:s26], $0x2800  }
0x23d: {  	[sflag:s26] =	ssyncset.done $0x0  }
0x23e: {  	s31 =	simm.s32 $0x1600;
	[sflag:s26] =	ssyncadd.s32 $0xFFFFD800  }
0x23f: {  	[spmem:s3] =	stream.indirect.scatter.add.f32 [tilespmem:s8], [sflag:$0x4], $0x80, s31, s7, $0xb8;
	[tilespmem:$0x1D080] =	vst v63  }
0x240: {  	_ =	swait.ge [sflag:s28], $0x2800  }
0x241: {  	[sflag:s28] =	ssyncset.done $0x0  }
0x242: {  	s17 =	simm.s32 $0x1680;
	[sflag:s28] =	ssyncadd.s32 $0xFFFFD800  }
0x243: {  	[spmem:s3] =	stream.indirect.scatter.add.f32 [tilespmem:s10], [sflag:$0x5], $0x80, s17, s7, $0xb8;
	[tilespmem:$0x1D080] =	vst v63  }
0x244: {  	_ =	swait.ge [sflag:s30], $0x2800  }
0x245: {  	[sflag:s30] =	ssyncset.done $0x0  }
0x246: {  	s17 =	simm.s32 $0x1700;
	[sflag:s30] =	ssyncadd.s32 $0xFFFFD800  }
0x247: {  	[spmem:s3] =	stream.indirect.scatter.add.f32 [tilespmem:s12], [sflag:$0x6], $0x80, s17, s7, $0xb8;
	[tilespmem:$0x1D080] =	vst v63  }
0x248: {  	_ =	swait.ge [sflag:s13], $0x2800  }
0x249: {  	[sflag:s13] =	ssyncset.done $0x0  }
0x24a: {  	s17 =	simm.s32 $0x780;
	[sflag:s13] =	ssyncadd.s32 $0xFFFFD800  }
0x24b: {  	[tilespmem:s8], [sflag:$0x1] =	stream.indirect.gather [hbm4b:s2+s7], $0x80, s17, s7, $0xb8;
	[tilespmem:$0x1D080] =	vst v63  }
0x24c: {  	_ =	swait.ge [sflag:s14], $0x2800  }
0x24d: {  	[sflag:s14] =	ssyncset.done $0x0  }
0x24e: {  	s17 =	simm.s32 $0x800;
	[sflag:s14] =	ssyncadd.s32 $0xFFFFD800  }
0x24f: {  	[tilespmem:s10], [sflag:$0x2] =	stream.indirect.gather [hbm4b:s2+s7], $0x80, s17, s7, $0xb8;
	[tilespmem:$0x1D080] =	vst v63  }
0x250: {  	_ =	swait.ge [sflag:s16], $0x2800  }
0x251: {  	[sflag:s16] =	ssyncset.done $0x0  }
0x252: {  	s17 =	simm.s32 $0x880;
	[sflag:s16] =	ssyncadd.s32 $0xFFFFD800  }
0x253: {  	[tilespmem:s12], [sflag:$0x3] =	stream.indirect.gather [hbm4b:s2+s7], $0x80, s17, s7, $0xb8;
	[tilespmem:$0x1D080] =	vst v63  }
0x254: {  	_ =	swait.ge [sflag:s26], $0x2800  }
0x255: {  	[sflag:s26] =	ssyncset.done $0x0  }
0x256: {  	s17 =	simm.s32 $0x1780;
	[sflag:s26] =	ssyncadd.s32 $0xFFFFD800  }
0x257: {  	[spmem:s3] =	stream.indirect.scatter.add.f32 [tilespmem:s8], [sflag:$0x4], $0x80, s17, s7, $0xb8;
	[tilespmem:$0x1D080] =	vst v63  }
0x258: {  	_ =	swait.ge [sflag:s28], $0x2800  }
0x259: {  	[sflag:s28] =	ssyncset.done $0x0  }
0x25a: {  	s17 =	simm.s32 $0x1800;
	[sflag:s28] =	ssyncadd.s32 $0xFFFFD800  }
0x25b: {  	[spmem:s3] =	stream.indirect.scatter.add.f32 [tilespmem:s10], [sflag:$0x5], $0x80, s17, s7, $0xb8;
	[tilespmem:$0x1D080] =	vst v63  }
0x25c: {  	_ =	swait.ge [sflag:s30], $0x2800  }
0x25d: {  	[sflag:s30] =	ssyncset.done $0x0  }
0x25e: {  	s17 =	simm.s32 $0x1880;
	[sflag:s30] =	ssyncadd.s32 $0xFFFFD800  }
0x25f: {  	[spmem:s3] =	stream.indirect.scatter.add.f32 [tilespmem:s12], [sflag:$0x6], $0x80, s17, s7, $0xb8;
	[tilespmem:$0x1D080] =	vst v63  }
0x260: {  	_ =	swait.ge [sflag:s13], $0x2800  }
0x261: {  	[sflag:s13] =	ssyncset.done $0x0  }
0x262: {  	s17 =	simm.s32 $0x900;
	[sflag:s13] =	ssyncadd.s32 $0xFFFFD800  }
0x263: {  	[tilespmem:s8], [sflag:$0x1] =	stream.indirect.gather [hbm4b:s2+s7], $0x80, s17, s7, $0xb8;
	[tilespmem:$0x1D080] =	vst v63  }
0x264: {  	_ =	swait.ge [sflag:s14], $0x2800  }
0x265: {  	[sflag:s14] =	ssyncset.done $0x0  }
0x266: {  	s17 =	simm.s32 $0x980;
	[sflag:s14] =	ssyncadd.s32 $0xFFFFD800  }
0x267: {  	[tilespmem:s10], [sflag:$0x2] =	stream.indirect.gather [hbm4b:s2+s7], $0x80, s17, s7, $0xb8;
	[tilespmem:$0x1D080] =	vst v63  }
0x268: {  	_ =	swait.ge [sflag:s16], $0x2800  }
0x269: {  	[sflag:s16] =	ssyncset.done $0x0  }
0x26a: {  	s17 =	simm.s32 $0xA00;
	[sflag:s16] =	ssyncadd.s32 $0xFFFFD800  }
0x26b: {  	[tilespmem:s12], [sflag:$0x3] =	stream.indirect.gather [hbm4b:s2+s7], $0x80, s17, s7, $0xb8;
	[tilespmem:$0x1D080] =	vst v63  }
0x26c: {  	_ =	swait.ge [sflag:s26], $0x2800  }
0x26d: {  	[sflag:s26] =	ssyncset.done $0x0  }
0x26e: {  	s17 =	simm.s32 $0x1900;
	[sflag:s26] =	ssyncadd.s32 $0xFFFFD800  }
0x26f: {  	[spmem:s3] =	stream.indirect.scatter.add.f32 [tilespmem:s8], [sflag:$0x4], $0x80, s17, s7, $0xb8;
	[tilespmem:$0x1D080] =	vst v63  }
0x270: {  	_ =	swait.ge [sflag:s28], $0x2800  }
0x271: {  	[sflag:s28] =	ssyncset.done $0x0  }
0x272: {  	s17 =	simm.s32 $0x1980;
	[sflag:s28] =	ssyncadd.s32 $0xFFFFD800  }
0x273: {  	[spmem:s3] =	stream.indirect.scatter.add.f32 [tilespmem:s10], [sflag:$0x5], $0x80, s17, s7, $0xb8;
	[tilespmem:$0x1D080] =	vst v63  }
0x274: {  	_ =	swait.ge [sflag:s30], $0x2800  }
0x275: {  	[sflag:s30] =	ssyncset.done $0x0  }
0x276: {  	s17 =	simm.s32 $0x1A00;
	[sflag:s30] =	ssyncadd.s32 $0xFFFFD800  }
0x277: {  	[spmem:s3] =	stream.indirect.scatter.add.f32 [tilespmem:s12], [sflag:$0x6], $0x80, s17, s7, $0xb8;
	[tilespmem:$0x1D080] =	vst v63  }
0x278: {  	_ =	swait.ge [sflag:s13], $0x2800  }
0x279: {  	[sflag:s13] =	ssyncset.done $0x0  }
0x27a: {  	s17 =	simm.s32 $0xA80;
	[sflag:s13] =	ssyncadd.s32 $0xFFFFD800  }
0x27b: {  	[tilespmem:s8], [sflag:$0x1] =	stream.indirect.gather [hbm4b:s2+s7], $0x80, s17, s7, $0xb8;
	[tilespmem:$0x1D080] =	vst v63  }
0x27c: {  	_ =	swait.ge [sflag:s14], $0x2800  }
0x27d: {  	[sflag:s14] =	ssyncset.done $0x0  }
0x27e: {  	s17 =	simm.s32 $0xB00;
	[sflag:s14] =	ssyncadd.s32 $0xFFFFD800  }
0x27f: {  	[tilespmem:s10], [sflag:$0x2] =	stream.indirect.gather [hbm4b:s2+s7], $0x80, s17, s7, $0xb8;
	[tilespmem:$0x1D080] =	vst v63  }
0x280: {  	_ =	swait.ge [sflag:s16], $0x2800  }
0x281: {  	[sflag:s16] =	ssyncset.done $0x0  }
0x282: {  	s17 =	simm.s32 $0xB80;
	[sflag:s16] =	ssyncadd.s32 $0xFFFFD800  }
0x283: {  	[tilespmem:s12], [sflag:$0x3] =	stream.indirect.gather [hbm4b:s2+s7], $0x80, s17, s7, $0xb8;
	[tilespmem:$0x1D080] =	vst v63  }
0x284: {  	_ =	swait.ge [sflag:s26], $0x2800  }
0x285: {  	[sflag:s26] =	ssyncset.done $0x0  }
0x286: {  	s17 =	simm.s32 $0x1A80;
	[sflag:s26] =	ssyncadd.s32 $0xFFFFD800  }
0x287: {  	[spmem:s3] =	stream.indirect.scatter.add.f32 [tilespmem:s8], [sflag:$0x7], $0x80, s17, s7, $0xb8;
	[tilespmem:$0x1D080] =	vst v63  }
0x288: {  	_ =	swait.ge [sflag:s0], $0x2800  }
0x289: {  	[sflag:s0] =	ssyncset.done $0x0  }
0x28a: {  	[sflag:s0] =	ssyncadd.s32 $0xFFFFD800  }
0x28b: {  	_ =	swait.ge [sflag:s28], $0x2800  }
0x28c: {  	[sflag:s28] =	ssyncset.done $0x0  }
0x28d: {  	s17 =	simm.s32 $0x1B00;
	[sflag:s28] =	ssyncadd.s32 $0xFFFFD800  }
0x28e: {  	[spmem:s3] =	stream.indirect.scatter.add.f32 [tilespmem:s10], [sflag:$0x7], $0x80, s17, s7, $0xb8;
	[tilespmem:$0x1D080] =	vst v63  }
0x28f: {  	_ =	swait.ge [sflag:s0], $0x2800  }
0x290: {  	[sflag:s0] =	ssyncset.done $0x0  }
0x291: {  	[sflag:s0] =	ssyncadd.s32 $0xFFFFD800  }
0x292: {  	_ =	swait.ge [sflag:s30], $0x2800  }
0x293: {  	[sflag:s30] =	ssyncset.done $0x0  }
0x294: {  	s17 =	simm.s32 $0x1B80;
	[sflag:s30] =	ssyncadd.s32 $0xFFFFD800  }
0x295: {  	[spmem:s3] =	stream.indirect.scatter.add.f32 [tilespmem:s12], [sflag:$0x7], $0x80, s17, s7, $0xb8;
	[tilespmem:$0x1D080] =	vst v63  }
0x296: {  	_ =	swait.ge [sflag:s0], $0x2800  }
0x297: {  	[sflag:s0] =	ssyncset.done $0x0  }
0x298: {  	s17 =	simm.s32 $0xC00;
	[sflag:s0] =	ssyncadd.s32 $0xFFFFD800  }
0x299: {  	[tilespmem:s8], [sflag:$0x1] =	stream.indirect.gather [hbm4b:s2+s7], $0x80, s17, s7, $0xb8;
	[tilespmem:$0x1D080] =	vst v63  }
0x29a: {  	_ =	swait.ge [sflag:s26], $0x2800  }
0x29b: {  	[sflag:s26] =	ssyncset.done $0x0  }
0x29c: {  	s17 =	simm.s32 $0x1C00;
	[sflag:s26] =	ssyncadd.s32 $0xFFFFD800  }
0x29d: {  	[spmem:s3] =	stream.indirect.scatter.add.f32 [tilespmem:s8], [sflag:$0x7], $0x80, s17, s7, $0xb8;
	[tilespmem:$0x1D080] =	vst v63  }
0x29e: {  	_ =	swait.ge [sflag:s0], $0x2800  }
0x29f: {  	[sflag:s0] =	ssyncset.done $0x0  }
0x2a0: {  	s17 =	rddreg [dreg:$0x13];
	[sflag:s0] =	ssyncadd.s32 $0xFFFFD800  }
0x2a1: {  	[tilespmem:s19], [sflag:$0x7] =	stream.linear.gather [hbm4b:s17+s19], $0xC80, $0x38;
	[tilespmem:$0x1D080] =	vst v63  }
0x2a2: {  	_ =	swait.ge [sflag:s0], $0xC80  }
0x2a3: {  	[sflag:s0] =	ssyncset.done $0x0  }
0x2a4: {  	s17 =	rddreg [dreg:$0x14];
	[sflag:s0] =	ssyncadd.s32 $0xFFFFF380  }
0x2a5: {  	[tilespmem:s4], [sflag:$0x7] =	stream.linear.gather [hbm4b:s17+s19], $0xC80, $0x38;
	[tilespmem:$0x1D080] =	vst v63  }
0x2a6: {  	_ =	swait.ge [sflag:s0], $0xC80  }
0x2a7: {  	[sflag:s0] =	ssyncset.done $0x0  }
0x2a8: {  	[sflag:s0] =	ssyncadd.s32 $0xFFFFF380  }
0x2a9: {  	[tilespmem:s8], [sflag:$0x1] =	stream.indirect.gather [hbm4b:s2+s7], $0x80, s19, s7, $0xb8;
	[tilespmem:$0x1D080] =	vst v63  }
0x2aa: {  	s18 =	simm.s32 $0x80  }
0x2ab: {  	[tilespmem:s10], [sflag:$0x2] =	stream.indirect.gather [hbm4b:s2+s7], $0x80, s18, s7, $0xb8;
	[tilespmem:$0x1D080] =	vst v63  }
0x2ac: {  	s18 =	simm.s32 $0x100  }
0x2ad: {  	[tilespmem:s12], [sflag:$0x3] =	stream.indirect.gather [hbm4b:s2+s7], $0x80, s18, s7, $0xb8;
	[tilespmem:$0x1D080] =	vst v63  }
0x2ae: {  	_ =	swait.ge [sflag:s26], $0x2800  }
0x2af: {  	[sflag:s26] =	ssyncset.done $0x0  }
0x2b0: {  	[sflag:s26] =	ssyncadd.s32 $0xFFFFD800  }
0x2b1: {  	[spmem:s3] =	stream.indirect.scatter.add.f32 [tilespmem:s8], [sflag:$0x4], $0x80, s4, s7, $0xb8;
	[tilespmem:$0x1D080] =	vst v63  }
0x2b2: {  	_ =	swait.ge [sflag:s28], $0x2800  }
0x2b3: {  	[sflag:s28] =	ssyncset.done $0x0  }
0x2b4: {  	s18 =	simm.s32 $0x1080;
	[sflag:s28] =	ssyncadd.s32 $0xFFFFD800  }
0x2b5: {  	[spmem:s3] =	stream.indirect.scatter.add.f32 [tilespmem:s10], [sflag:$0x5], $0x80, s18, s7, $0xb8;
	[tilespmem:$0x1D080] =	vst v63  }
0x2b6: {  	_ =	swait.ge [sflag:s30], $0x2800  }
0x2b7: {  	[sflag:s30] =	ssyncset.done $0x0  }
0x2b8: {  	s18 =	simm.s32 $0x1100;
	[sflag:s30] =	ssyncadd.s32 $0xFFFFD800  }
0x2b9: {  	[spmem:s3] =	stream.indirect.scatter.add.f32 [tilespmem:s12], [sflag:$0x6], $0x80, s18, s7, $0xb8;
	[tilespmem:$0x1D080] =	vst v63  }
0x2ba: {  	_ =	swait.ge [sflag:s13], $0x2800  }
0x2bb: {  	[sflag:s13] =	ssyncset.done $0x0  }
0x2bc: {  	s18 =	simm.s32 $0x180;
	[sflag:s13] =	ssyncadd.s32 $0xFFFFD800  }
0x2bd: {  	[tilespmem:s8], [sflag:$0x1] =	stream.indirect.gather [hbm4b:s2+s7], $0x80, s18, s7, $0xb8;
	[tilespmem:$0x1D080] =	vst v63  }
0x2be: {  	_ =	swait.ge [sflag:s14], $0x2800  }
0x2bf: {  	[sflag:s14] =	ssyncset.done $0x0  }
0x2c0: {  	s18 =	simm.s32 $0x200;
	[sflag:s14] =	ssyncadd.s32 $0xFFFFD800  }
0x2c1: {  	[tilespmem:s10], [sflag:$0x2] =	stream.indirect.gather [hbm4b:s2+s7], $0x80, s18, s7, $0xb8;
	[tilespmem:$0x1D080] =	vst v63  }
0x2c2: {  	_ =	swait.ge [sflag:s16], $0x2800  }
0x2c3: {  	[sflag:s16] =	ssyncset.done $0x0  }
0x2c4: {  	s18 =	simm.s32 $0x280;
	[sflag:s16] =	ssyncadd.s32 $0xFFFFD800  }
0x2c5: {  	[tilespmem:s12], [sflag:$0x3] =	stream.indirect.gather [hbm4b:s2+s7], $0x80, s18, s7, $0xb8;
	[tilespmem:$0x1D080] =	vst v63  }
0x2c6: {  	_ =	swait.ge [sflag:s26], $0x2800  }
0x2c7: {  	[sflag:s26] =	ssyncset.done $0x0  }
0x2c8: {  	s18 =	simm.s32 $0x1180;
	[sflag:s26] =	ssyncadd.s32 $0xFFFFD800  }
0x2c9: {  	[spmem:s3] =	stream.indirect.scatter.add.f32 [tilespmem:s8], [sflag:$0x4], $0x80, s18, s7, $0xb8;
	[tilespmem:$0x1D080] =	vst v63  }
0x2ca: {  	_ =	swait.ge [sflag:s28], $0x2800  }
0x2cb: {  	[sflag:s28] =	ssyncset.done $0x0  }
0x2cc: {  	s18 =	simm.s32 $0x1200;
	[sflag:s28] =	ssyncadd.s32 $0xFFFFD800  }
0x2cd: {  	[spmem:s3] =	stream.indirect.scatter.add.f32 [tilespmem:s10], [sflag:$0x5], $0x80, s18, s7, $0xb8;
	[tilespmem:$0x1D080] =	vst v63  }
0x2ce: {  	_ =	swait.ge [sflag:s30], $0x2800  }
0x2cf: {  	[sflag:s30] =	ssyncset.done $0x0  }
0x2d0: {  	s18 =	simm.s32 $0x1280;
	[sflag:s30] =	ssyncadd.s32 $0xFFFFD800  }
0x2d1: {  	[spmem:s3] =	stream.indirect.scatter.add.f32 [tilespmem:s12], [sflag:$0x6], $0x80, s18, s7, $0xb8;
	[tilespmem:$0x1D080] =	vst v63  }
0x2d2: {  	_ =	swait.ge [sflag:s13], $0x2800  }
0x2d3: {  	[sflag:s13] =	ssyncset.done $0x0  }
0x2d4: {  	s18 =	simm.s32 $0x300;
	[sflag:s13] =	ssyncadd.s32 $0xFFFFD800  }
0x2d5: {  	[tilespmem:s8], [sflag:$0x1] =	stream.indirect.gather [hbm4b:s2+s7], $0x80, s18, s7, $0xb8;
	[tilespmem:$0x1D080] =	vst v63  }
0x2d6: {  	_ =	swait.ge [sflag:s14], $0x2800  }
0x2d7: {  	[sflag:s14] =	ssyncset.done $0x0  }
0x2d8: {  	s18 =	simm.s32 $0x380;
	[sflag:s14] =	ssyncadd.s32 $0xFFFFD800  }
0x2d9: {  	[tilespmem:s10], [sflag:$0x2] =	stream.indirect.gather [hbm4b:s2+s7], $0x80, s18, s7, $0xb8;
	[tilespmem:$0x1D080] =	vst v63  }
0x2da: {  	_ =	swait.ge [sflag:s16], $0x2800  }
0x2db: {  	[sflag:s16] =	ssyncset.done $0x0  }
0x2dc: {  	s18 =	simm.s32 $0x400;
	[sflag:s16] =	ssyncadd.s32 $0xFFFFD800  }
0x2dd: {  	[tilespmem:s12], [sflag:$0x3] =	stream.indirect.gather [hbm4b:s2+s7], $0x80, s18, s7, $0xb8;
	[tilespmem:$0x1D080] =	vst v63  }
0x2de: {  	_ =	swait.ge [sflag:s26], $0x2800  }
0x2df: {  	[sflag:s26] =	ssyncset.done $0x0  }
0x2e0: {  	s5 =	simm.s32 $0x1300;
	[sflag:s26] =	ssyncadd.s32 $0xFFFFD800  }
0x2e1: {  	[spmem:s3] =	stream.indirect.scatter.add.f32 [tilespmem:s8], [sflag:$0x4], $0x80, s5, s7, $0xb8;
	[tilespmem:$0x1D080] =	vst v63  }
0x2e2: {  	_ =	swait.ge [sflag:s28], $0x2800  }
0x2e3: {  	[sflag:s28] =	ssyncset.done $0x0  }
0x2e4: {  	s6 =	simm.s32 $0x1380;
	[sflag:s28] =	ssyncadd.s32 $0xFFFFD800  }
0x2e5: {  	[spmem:s3] =	stream.indirect.scatter.add.f32 [tilespmem:s10], [sflag:$0x5], $0x80, s6, s7, $0xb8;
	[tilespmem:$0x1D080] =	vst v63  }
0x2e6: {  	_ =	swait.ge [sflag:s30], $0x2800  }
0x2e7: {  	[sflag:s30] =	ssyncset.done $0x0  }
0x2e8: {  	s11 =	simm.s32 $0x1400;
	[sflag:s30] =	ssyncadd.s32 $0xFFFFD800  }
0x2e9: {  	[spmem:s3] =	stream.indirect.scatter.add.f32 [tilespmem:s12], [sflag:$0x6], $0x80, s11, s7, $0xb8;
	[tilespmem:$0x1D080] =	vst v63  }
0x2ea: {  	_ =	swait.ge [sflag:s13], $0x2800  }
0x2eb: {  	[sflag:s13] =	ssyncset.done $0x0  }
0x2ec: {  	s15 =	simm.s32 $0x480;
	[sflag:s13] =	ssyncadd.s32 $0xFFFFD800  }
0x2ed: {  	[tilespmem:s8], [sflag:$0x1] =	stream.indirect.gather [hbm4b:s2+s7], $0x80, s15, s7, $0xb8;
	[tilespmem:$0x1D080] =	vst v63  }
0x2ee: {  	_ =	swait.ge [sflag:s14], $0x2800  }
0x2ef: {  	[sflag:s14] =	ssyncset.done $0x0  }
0x2f0: {  	s20 =	simm.s32 $0x500;
	[sflag:s14] =	ssyncadd.s32 $0xFFFFD800  }
0x2f1: {  	[tilespmem:s10], [sflag:$0x2] =	stream.indirect.gather [hbm4b:s2+s7], $0x80, s20, s7, $0xb8;
	[tilespmem:$0x1D080] =	vst v63  }
0x2f2: {  	_ =	swait.ge [sflag:s16], $0x2800  }
0x2f3: {  	[sflag:s16] =	ssyncset.done $0x0  }
0x2f4: {  	s21 =	simm.s32 $0x580;
	[sflag:s16] =	ssyncadd.s32 $0xFFFFD800  }
0x2f5: {  	[tilespmem:s12], [sflag:$0x3] =	stream.indirect.gather [hbm4b:s2+s7], $0x80, s21, s7, $0xb8;
	[tilespmem:$0x1D080] =	vst v63  }
0x2f6: {  	_ =	swait.ge [sflag:s26], $0x2800  }
0x2f7: {  	[sflag:s26] =	ssyncset.done $0x0  }
0x2f8: {  	s22 =	simm.s32 $0x1480;
	[sflag:s26] =	ssyncadd.s32 $0xFFFFD800  }
0x2f9: {  	[spmem:s3] =	stream.indirect.scatter.add.f32 [tilespmem:s8], [sflag:$0x4], $0x80, s22, s7, $0xb8;
	[tilespmem:$0x1D080] =	vst v63  }
0x2fa: {  	_ =	swait.ge [sflag:s28], $0x2800  }
0x2fb: {  	[sflag:s28] =	ssyncset.done $0x0  }
0x2fc: {  	s23 =	simm.s32 $0x1500;
	[sflag:s28] =	ssyncadd.s32 $0xFFFFD800  }
0x2fd: {  	[spmem:s3] =	stream.indirect.scatter.add.f32 [tilespmem:s10], [sflag:$0x5], $0x80, s23, s7, $0xb8;
	[tilespmem:$0x1D080] =	vst v63  }
0x2fe: {  	_ =	swait.ge [sflag:s30], $0x2800  }
0x2ff: {  	[sflag:s30] =	ssyncset.done $0x0  }
0x300: {  	s24 =	simm.s32 $0x1580;
	[sflag:s30] =	ssyncadd.s32 $0xFFFFD800  }
0x301: {  	[spmem:s3] =	stream.indirect.scatter.add.f32 [tilespmem:s12], [sflag:$0x6], $0x80, s24, s7, $0xb8;
	[tilespmem:$0x1D080] =	vst v63  }
0x302: {  	_ =	swait.ge [sflag:s13], $0x2800  }
0x303: {  	[sflag:s13] =	ssyncset.done $0x0  }
0x304: {  	s25 =	simm.s32 $0x600;
	[sflag:s13] =	ssyncadd.s32 $0xFFFFD800  }
0x305: {  	[tilespmem:s8], [sflag:$0x1] =	stream.indirect.gather [hbm4b:s2+s7], $0x80, s25, s7, $0xb8;
	[tilespmem:$0x1D080] =	vst v63  }
0x306: {  	_ =	swait.ge [sflag:s14], $0x2800  }
0x307: {  	[sflag:s14] =	ssyncset.done $0x0  }
0x308: {  	s25 =	simm.s32 $0x680;
	[sflag:s14] =	ssyncadd.s32 $0xFFFFD800  }
0x309: {  	[tilespmem:s10], [sflag:$0x2] =	stream.indirect.gather [hbm4b:s2+s7], $0x80, s25, s7, $0xb8;
	[tilespmem:$0x1D080] =	vst v63  }
0x30a: {  	_ =	swait.ge [sflag:s16], $0x2800  }
0x30b: {  	[sflag:s16] =	ssyncset.done $0x0  }
0x30c: {  	s29 =	simm.s32 $0x700;
	[sflag:s16] =	ssyncadd.s32 $0xFFFFD800  }
0x30d: {  	[tilespmem:s12], [sflag:$0x3] =	stream.indirect.gather [hbm4b:s2+s7], $0x80, s29, s7, $0xb8;
	[tilespmem:$0x1D080] =	vst v63  }
0x30e: {  	_ =	swait.ge [sflag:s26], $0x2800  }
0x30f: {  	[sflag:s26] =	ssyncset.done $0x0  }
0x310: {  	s31 =	simm.s32 $0x1600;
	[sflag:s26] =	ssyncadd.s32 $0xFFFFD800  }
0x311: {  	[spmem:s3] =	stream.indirect.scatter.add.f32 [tilespmem:s8], [sflag:$0x4], $0x80, s31, s7, $0xb8;
	[tilespmem:$0x1D080] =	vst v63  }
0x312: {  	_ =	swait.ge [sflag:s28], $0x2800  }
0x313: {  	[sflag:s28] =	ssyncset.done $0x0  }
0x314: {  	s1 =	simm.s32 $0x1680;
	[sflag:s28] =	ssyncadd.s32 $0xFFFFD800  }
0x315: {  	[spmem:s3] =	stream.indirect.scatter.add.f32 [tilespmem:s10], [sflag:$0x5], $0x80, s1, s7, $0xb8;
	[tilespmem:$0x1D080] =	vst v63  }
0x316: {  	_ =	swait.ge [sflag:s30], $0x2800  }
0x317: {  	[sflag:s30] =	ssyncset.done $0x0  }
0x318: {  	s1 =	simm.s32 $0x1700;
	[sflag:s30] =	ssyncadd.s32 $0xFFFFD800  }
0x319: {  	[spmem:s3] =	stream.indirect.scatter.add.f32 [tilespmem:s12], [sflag:$0x6], $0x80, s1, s7, $0xb8;
	[tilespmem:$0x1D080] =	vst v63  }
0x31a: {  	_ =	swait.ge [sflag:s13], $0x2800  }
0x31b: {  	[sflag:s13] =	ssyncset.done $0x0  }
0x31c: {  	s1 =	simm.s32 $0x780;
	[sflag:s13] =	ssyncadd.s32 $0xFFFFD800  }
0x31d: {  	[tilespmem:s8], [sflag:$0x1] =	stream.indirect.gather [hbm4b:s2+s7], $0x80, s1, s7, $0xb8;
	[tilespmem:$0x1D080] =	vst v63  }
0x31e: {  	_ =	swait.ge [sflag:s14], $0x2800  }
0x31f: {  	[sflag:s14] =	ssyncset.done $0x0  }
0x320: {  	s1 =	simm.s32 $0x800;
	[sflag:s14] =	ssyncadd.s32 $0xFFFFD800  }
0x321: {  	[tilespmem:s10], [sflag:$0x2] =	stream.indirect.gather [hbm4b:s2+s7], $0x80, s1, s7, $0xb8;
	[tilespmem:$0x1D080] =	vst v63  }
0x322: {  	_ =	swait.ge [sflag:s16], $0x2800  }
0x323: {  	[sflag:s16] =	ssyncset.done $0x0  }
0x324: {  	s1 =	simm.s32 $0x880;
	[sflag:s16] =	ssyncadd.s32 $0xFFFFD800  }
0x325: {  	[tilespmem:s12], [sflag:$0x3] =	stream.indirect.gather [hbm4b:s2+s7], $0x80, s1, s7, $0xb8;
	[tilespmem:$0x1D080] =	vst v63  }
0x326: {  	_ =	swait.ge [sflag:s26], $0x2800  }
0x327: {  	[sflag:s26] =	ssyncset.done $0x0  }
0x328: {  	s1 =	simm.s32 $0x1780;
	[sflag:s26] =	ssyncadd.s32 $0xFFFFD800  }
0x329: {  	[spmem:s3] =	stream.indirect.scatter.add.f32 [tilespmem:s8], [sflag:$0x4], $0x80, s1, s7, $0xb8;
	[tilespmem:$0x1D080] =	vst v63  }
0x32a: {  	_ =	swait.ge [sflag:s28], $0x2800  }
0x32b: {  	[sflag:s28] =	ssyncset.done $0x0  }
0x32c: {  	s1 =	simm.s32 $0x1800;
	[sflag:s28] =	ssyncadd.s32 $0xFFFFD800  }
0x32d: {  	[spmem:s3] =	stream.indirect.scatter.add.f32 [tilespmem:s10], [sflag:$0x5], $0x80, s1, s7, $0xb8;
	[tilespmem:$0x1D080] =	vst v63  }
0x32e: {  	_ =	swait.ge [sflag:s30], $0x2800  }
0x32f: {  	[sflag:s30] =	ssyncset.done $0x0  }
0x330: {  	s1 =	simm.s32 $0x1880;
	[sflag:s30] =	ssyncadd.s32 $0xFFFFD800  }
0x331: {  	[spmem:s3] =	stream.indirect.scatter.add.f32 [tilespmem:s12], [sflag:$0x6], $0x80, s1, s7, $0xb8;
	[tilespmem:$0x1D080] =	vst v63  }
0x332: {  	_ =	swait.ge [sflag:s13], $0x2800  }
0x333: {  	[sflag:s13] =	ssyncset.done $0x0  }
0x334: {  	s1 =	simm.s32 $0x900;
	[sflag:s13] =	ssyncadd.s32 $0xFFFFD800  }
0x335: {  	[tilespmem:s8], [sflag:$0x1] =	stream.indirect.gather [hbm4b:s2+s7], $0x80, s1, s7, $0xb8;
	[tilespmem:$0x1D080] =	vst v63  }
0x336: {  	_ =	swait.ge [sflag:s14], $0x2800  }
0x337: {  	[sflag:s14] =	ssyncset.done $0x0  }
0x338: {  	s1 =	simm.s32 $0x980;
	[sflag:s14] =	ssyncadd.s32 $0xFFFFD800  }
0x339: {  	[tilespmem:s10], [sflag:$0x2] =	stream.indirect.gather [hbm4b:s2+s7], $0x80, s1, s7, $0xb8;
	[tilespmem:$0x1D080] =	vst v63  }
0x33a: {  	_ =	swait.ge [sflag:s16], $0x2800  }
0x33b: {  	[sflag:s16] =	ssyncset.done $0x0  }
0x33c: {  	s1 =	simm.s32 $0xA00;
	[sflag:s16] =	ssyncadd.s32 $0xFFFFD800  }
0x33d: {  	[tilespmem:s12], [sflag:$0x3] =	stream.indirect.gather [hbm4b:s2+s7], $0x80, s1, s7, $0xb8;
	[tilespmem:$0x1D080] =	vst v63  }
0x33e: {  	_ =	swait.ge [sflag:s26], $0x2800  }
0x33f: {  	[sflag:s26] =	ssyncset.done $0x0  }
0x340: {  	s1 =	simm.s32 $0x1900;
	[sflag:s26] =	ssyncadd.s32 $0xFFFFD800  }
0x341: {  	[spmem:s3] =	stream.indirect.scatter.add.f32 [tilespmem:s8], [sflag:$0x4], $0x80, s1, s7, $0xb8;
	[tilespmem:$0x1D080] =	vst v63  }
0x342: {  	_ =	swait.ge [sflag:s28], $0x2800  }
0x343: {  	[sflag:s28] =	ssyncset.done $0x0  }
0x344: {  	s1 =	simm.s32 $0x1980;
	[sflag:s28] =	ssyncadd.s32 $0xFFFFD800  }
0x345: {  	[spmem:s3] =	stream.indirect.scatter.add.f32 [tilespmem:s10], [sflag:$0x5], $0x80, s1, s7, $0xb8;
	[tilespmem:$0x1D080] =	vst v63  }
0x346: {  	_ =	swait.ge [sflag:s30], $0x2800  }
0x347: {  	[sflag:s30] =	ssyncset.done $0x0  }
0x348: {  	s1 =	simm.s32 $0x1A00;
	[sflag:s30] =	ssyncadd.s32 $0xFFFFD800  }
0x349: {  	[spmem:s3] =	stream.indirect.scatter.add.f32 [tilespmem:s12], [sflag:$0x6], $0x80, s1, s7, $0xb8;
	[tilespmem:$0x1D080] =	vst v63  }
0x34a: {  	_ =	swait.ge [sflag:s13], $0x2800  }
0x34b: {  	[sflag:s13] =	ssyncset.done $0x0  }
0x34c: {  	s1 =	simm.s32 $0xA80;
	[sflag:s13] =	ssyncadd.s32 $0xFFFFD800  }
0x34d: {  	[tilespmem:s8], [sflag:$0x1] =	stream.indirect.gather [hbm4b:s2+s7], $0x80, s1, s7, $0xb8;
	[tilespmem:$0x1D080] =	vst v63  }
0x34e: {  	_ =	swait.ge [sflag:s14], $0x2800  }
0x34f: {  	[sflag:s14] =	ssyncset.done $0x0  }
0x350: {  	s1 =	simm.s32 $0xB00;
	[sflag:s14] =	ssyncadd.s32 $0xFFFFD800  }
0x351: {  	[tilespmem:s10], [sflag:$0x2] =	stream.indirect.gather [hbm4b:s2+s7], $0x80, s1, s7, $0xb8;
	[tilespmem:$0x1D080] =	vst v63  }
0x352: {  	_ =	swait.ge [sflag:s16], $0x2800  }
0x353: {  	[sflag:s16] =	ssyncset.done $0x0  }
0x354: {  	s1 =	simm.s32 $0xB80;
	[sflag:s16] =	ssyncadd.s32 $0xFFFFD800  }
0x355: {  	[tilespmem:s12], [sflag:$0x3] =	stream.indirect.gather [hbm4b:s2+s7], $0x80, s1, s7, $0xb8;
	[tilespmem:$0x1D080] =	vst v63  }
0x356: {  	_ =	swait.ge [sflag:s26], $0x2800  }
0x357: {  	[sflag:s26] =	ssyncset.done $0x0  }
0x358: {  	s1 =	simm.s32 $0x1A80;
	[sflag:s26] =	ssyncadd.s32 $0xFFFFD800  }
0x359: {  	[spmem:s3] =	stream.indirect.scatter.add.f32 [tilespmem:s8], [sflag:$0x7], $0x80, s1, s7, $0xb8;
	[tilespmem:$0x1D080] =	vst v63  }
0x35a: {  	_ =	swait.ge [sflag:s0], $0x2800  }
0x35b: {  	[sflag:s0] =	ssyncset.done $0x0  }
0x35c: {  	[sflag:s0] =	ssyncadd.s32 $0xFFFFD800  }
0x35d: {  	_ =	swait.ge [sflag:s28], $0x2800  }
0x35e: {  	[sflag:s28] =	ssyncset.done $0x0  }
0x35f: {  	s1 =	simm.s32 $0x1B00;
	[sflag:s28] =	ssyncadd.s32 $0xFFFFD800  }
0x360: {  	[spmem:s3] =	stream.indirect.scatter.add.f32 [tilespmem:s10], [sflag:$0x7], $0x80, s1, s7, $0xb8;
	[tilespmem:$0x1D080] =	vst v63  }
0x361: {  	_ =	swait.ge [sflag:s0], $0x2800  }
0x362: {  	[sflag:s0] =	ssyncset.done $0x0  }
0x363: {  	[sflag:s0] =	ssyncadd.s32 $0xFFFFD800  }
0x364: {  	_ =	swait.ge [sflag:s30], $0x2800  }
0x365: {  	[sflag:s30] =	ssyncset.done $0x0  }
0x366: {  	s1 =	simm.s32 $0x1B80;
	[sflag:s30] =	ssyncadd.s32 $0xFFFFD800  }
0x367: {  	[spmem:s3] =	stream.indirect.scatter.add.f32 [tilespmem:s12], [sflag:$0x7], $0x80, s1, s7, $0xb8;
	[tilespmem:$0x1D080] =	vst v63  }
0x368: {  	_ =	swait.ge [sflag:s0], $0x2800  }
0x369: {  	[sflag:s0] =	ssyncset.done $0x0  }
0x36a: {  	s1 =	simm.s32 $0xC00;
	[sflag:s0] =	ssyncadd.s32 $0xFFFFD800  }
0x36b: {  	[tilespmem:s8], [sflag:$0x1] =	stream.indirect.gather [hbm4b:s2+s7], $0x80, s1, s7, $0xb8;
	[tilespmem:$0x1D080] =	vst v63  }
0x36c: {  	_ =	swait.ge [sflag:s26], $0x2800  }
0x36d: {  	[sflag:s26] =	ssyncset.done $0x0  }
0x36e: {  	s1 =	simm.s32 $0x1C00;
	[sflag:s26] =	ssyncadd.s32 $0xFFFFD800  }
0x36f: {  	[spmem:s3] =	stream.indirect.scatter.add.f32 [tilespmem:s8], [sflag:$0x7], $0x80, s1, s7, $0xb8;
	[tilespmem:$0x1D080] =	vst v63  }
0x370: {  	_ =	swait.ge [sflag:s0], $0x2800  }
0x371: {  	[sflag:s0] =	ssyncset.done $0x0  }
0x372: {  	s1 =	rddreg [dreg:$0x15];
	[sflag:s0] =	ssyncadd.s32 $0xFFFFD800  }
0x373: {  	[tilespmem:s19], [sflag:$0x7] =	stream.linear.gather [hbm4b:s1+s19], $0xC80, $0x38;
	[tilespmem:$0x1D080] =	vst v63  }
0x374: {  	_ =	swait.ge [sflag:s0], $0xC80  }
0x375: {  	[sflag:s0] =	ssyncset.done $0x0  }
0x376: {  	s1 =	rddreg [dreg:$0x16];
	[sflag:s0] =	ssyncadd.s32 $0xFFFFF380  }
0x377: {  	[tilespmem:s4], [sflag:$0x7] =	stream.linear.gather [hbm4b:s1+s19], $0xC80, $0x38;
	[tilespmem:$0x1D080] =	vst v63  }
0x378: {  	_ =	swait.ge [sflag:s0], $0xC80  }
0x379: {  	[sflag:s0] =	ssyncset.done $0x0  }
0x37a: {  	[sflag:s0] =	ssyncadd.s32 $0xFFFFF380  }
0x37b: {  	[tilespmem:s8], [sflag:$0x1] =	stream.indirect.gather [hbm4b:s2+s7], $0x80, s19, s7, $0xb8;
	[tilespmem:$0x1D080] =	vst v63  }
0x37c: {  	s17 =	simm.s32 $0x80  }
0x37d: {  	[tilespmem:s10], [sflag:$0x2] =	stream.indirect.gather [hbm4b:s2+s7], $0x80, s17, s7, $0xb8;
	[tilespmem:$0x1D080] =	vst v63  }
0x37e: {  	s17 =	simm.s32 $0x100  }
0x37f: {  	[tilespmem:s12], [sflag:$0x3] =	stream.indirect.gather [hbm4b:s2+s7], $0x80, s17, s7, $0xb8;
	[tilespmem:$0x1D080] =	vst v63  }
0x380: {  	_ =	swait.ge [sflag:s26], $0x2800  }
0x381: {  	[sflag:s26] =	ssyncset.done $0x0  }
0x382: {  	[sflag:s26] =	ssyncadd.s32 $0xFFFFD800  }
0x383: {  	[spmem:s3] =	stream.indirect.scatter.add.f32 [tilespmem:s8], [sflag:$0x4], $0x80, s4, s7, $0xb8;
	[tilespmem:$0x1D080] =	vst v63  }
0x384: {  	_ =	swait.ge [sflag:s28], $0x2800  }
0x385: {  	[sflag:s28] =	ssyncset.done $0x0  }
0x386: {  	s4 =	simm.s32 $0x1080;
	[sflag:s28] =	ssyncadd.s32 $0xFFFFD800  }
0x387: {  	[spmem:s3] =	stream.indirect.scatter.add.f32 [tilespmem:s10], [sflag:$0x5], $0x80, s4, s7, $0xb8;
	[tilespmem:$0x1D080] =	vst v63  }
0x388: {  	s4 =	rddreg [dreg:$0x4];
	_ =	swait.ge [sflag:s30], $0x2800  }
0x389: {  	[sflag:s30] =	ssyncset.done $0x0  }
0x38a: {  	s17 =	simm.s32 $0x1100;
	[sflag:s30] =	ssyncadd.s32 $0xFFFFD800  }
0x38b: {  	[spmem:s3] =	stream.indirect.scatter.add.f32 [tilespmem:s12], [sflag:$0x6], $0x80, s17, s7, $0xb8;
	[tilespmem:$0x1D080] =	vst v63  }
0x38c: {  	_ =	swait.ge [sflag:s13], $0x2800  }
0x38d: {  	[sflag:s13] =	ssyncset.done $0x0  }
0x38e: {  	s1 =	simm.s32 $0x180;
	[sflag:s13] =	ssyncadd.s32 $0xFFFFD800  }
0x38f: {  	[tilespmem:s8], [sflag:$0x1] =	stream.indirect.gather [hbm4b:s2+s7], $0x80, s1, s7, $0xb8;
	[tilespmem:$0x1D080] =	vst v63  }
0x390: {  	_ =	swait.ge [sflag:s14], $0x2800  }
0x391: {  	[sflag:s14] =	ssyncset.done $0x0  }
0x392: {  	s1 =	simm.s32 $0x200;
	[sflag:s14] =	ssyncadd.s32 $0xFFFFD800  }
0x393: {  	[tilespmem:s10], [sflag:$0x2] =	stream.indirect.gather [hbm4b:s2+s7], $0x80, s1, s7, $0xb8;
	[tilespmem:$0x1D080] =	vst v63  }
0x394: {  	_ =	swait.ge [sflag:s16], $0x2800  }
0x395: {  	[sflag:s16] =	ssyncset.done $0x0  }
0x396: {  	s1 =	simm.s32 $0x280;
	[sflag:s16] =	ssyncadd.s32 $0xFFFFD800  }
0x397: {  	[tilespmem:s12], [sflag:$0x3] =	stream.indirect.gather [hbm4b:s2+s7], $0x80, s1, s7, $0xb8;
	[tilespmem:$0x1D080] =	vst v63  }
0x398: {  	_ =	swait.ge [sflag:s26], $0x2800  }
0x399: {  	[sflag:s26] =	ssyncset.done $0x0  }
0x39a: {  	s1 =	simm.s32 $0x1180;
	[sflag:s26] =	ssyncadd.s32 $0xFFFFD800  }
0x39b: {  	[spmem:s3] =	stream.indirect.scatter.add.f32 [tilespmem:s8], [sflag:$0x4], $0x80, s1, s7, $0xb8;
	[tilespmem:$0x1D080] =	vst v63  }
0x39c: {  	_ =	swait.ge [sflag:s28], $0x2800  }
0x39d: {  	[sflag:s28] =	ssyncset.done $0x0  }
0x39e: {  	s1 =	simm.s32 $0x1200;
	[sflag:s28] =	ssyncadd.s32 $0xFFFFD800  }
0x39f: {  	[spmem:s3] =	stream.indirect.scatter.add.f32 [tilespmem:s10], [sflag:$0x5], $0x80, s1, s7, $0xb8;
	[tilespmem:$0x1D080] =	vst v63  }
0x3a0: {  	_ =	swait.ge [sflag:s30], $0x2800  }
0x3a1: {  	[sflag:s30] =	ssyncset.done $0x0  }
0x3a2: {  	s1 =	simm.s32 $0x1280;
	[sflag:s30] =	ssyncadd.s32 $0xFFFFD800  }
0x3a3: {  	[spmem:s3] =	stream.indirect.scatter.add.f32 [tilespmem:s12], [sflag:$0x6], $0x80, s1, s7, $0xb8;
	[tilespmem:$0x1D080] =	vst v63  }
0x3a4: {  	_ =	swait.ge [sflag:s13], $0x2800  }
0x3a5: {  	[sflag:s13] =	ssyncset.done $0x0  }
0x3a6: {  	s1 =	simm.s32 $0x300;
	[sflag:s13] =	ssyncadd.s32 $0xFFFFD800  }
0x3a7: {  	[tilespmem:s8], [sflag:$0x1] =	stream.indirect.gather [hbm4b:s2+s7], $0x80, s1, s7, $0xb8;
	[tilespmem:$0x1D080] =	vst v63  }
0x3a8: {  	_ =	swait.ge [sflag:s14], $0x2800  }
0x3a9: {  	[sflag:s14] =	ssyncset.done $0x0  }
0x3aa: {  	s1 =	simm.s32 $0x380;
	[sflag:s14] =	ssyncadd.s32 $0xFFFFD800  }
0x3ab: {  	[tilespmem:s10], [sflag:$0x2] =	stream.indirect.gather [hbm4b:s2+s7], $0x80, s1, s7, $0xb8;
	[tilespmem:$0x1D080] =	vst v63  }
0x3ac: {  	_ =	swait.ge [sflag:s16], $0x2800  }
0x3ad: {  	[sflag:s16] =	ssyncset.done $0x0  }
0x3ae: {  	s1 =	simm.s32 $0x400;
	[sflag:s16] =	ssyncadd.s32 $0xFFFFD800  }
0x3af: {  	[tilespmem:s12], [sflag:$0x3] =	stream.indirect.gather [hbm4b:s2+s7], $0x80, s1, s7, $0xb8;
	[tilespmem:$0x1D080] =	vst v63  }
0x3b0: {  	_ =	swait.ge [sflag:s26], $0x2800  }
0x3b1: {  	[sflag:s26] =	ssyncset.done $0x0  }
0x3b2: {  	s18 =	simm.s32 $0x1300;
	[sflag:s26] =	ssyncadd.s32 $0xFFFFD800  }
0x3b3: {  	[spmem:s3] =	stream.indirect.scatter.add.f32 [tilespmem:s8], [sflag:$0x4], $0x80, s18, s7, $0xb8;
	[tilespmem:$0x1D080] =	vst v63  }
0x3b4: {  	_ =	swait.ge [sflag:s28], $0x2800  }
0x3b5: {  	[sflag:s28] =	ssyncset.done $0x0  }
0x3b6: {  	s5 =	simm.s32 $0x1380;
	[sflag:s28] =	ssyncadd.s32 $0xFFFFD800  }
0x3b7: {  	[spmem:s3] =	stream.indirect.scatter.add.f32 [tilespmem:s10], [sflag:$0x5], $0x80, s5, s7, $0xb8;
	[tilespmem:$0x1D080] =	vst v63  }
0x3b8: {  	_ =	swait.ge [sflag:s30], $0x2800  }
0x3b9: {  	[sflag:s30] =	ssyncset.done $0x0  }
0x3ba: {  	s6 =	simm.s32 $0x1400;
	[sflag:s30] =	ssyncadd.s32 $0xFFFFD800  }
0x3bb: {  	[spmem:s3] =	stream.indirect.scatter.add.f32 [tilespmem:s12], [sflag:$0x6], $0x80, s6, s7, $0xb8;
	[tilespmem:$0x1D080] =	vst v63  }
0x3bc: {  	_ =	swait.ge [sflag:s13], $0x2800  }
0x3bd: {  	[sflag:s13] =	ssyncset.done $0x0  }
0x3be: {  	s11 =	simm.s32 $0x480;
	[sflag:s13] =	ssyncadd.s32 $0xFFFFD800  }
0x3bf: {  	[tilespmem:s8], [sflag:$0x1] =	stream.indirect.gather [hbm4b:s2+s7], $0x80, s11, s7, $0xb8;
	[tilespmem:$0x1D080] =	vst v63  }
0x3c0: {  	_ =	swait.ge [sflag:s14], $0x2800  }
0x3c1: {  	[sflag:s14] =	ssyncset.done $0x0  }
0x3c2: {  	s15 =	simm.s32 $0x500;
	[sflag:s14] =	ssyncadd.s32 $0xFFFFD800  }
0x3c3: {  	[tilespmem:s10], [sflag:$0x2] =	stream.indirect.gather [hbm4b:s2+s7], $0x80, s15, s7, $0xb8;
	[tilespmem:$0x1D080] =	vst v63  }
0x3c4: {  	_ =	swait.ge [sflag:s16], $0x2800  }
0x3c5: {  	[sflag:s16] =	ssyncset.done $0x0  }
0x3c6: {  	s20 =	simm.s32 $0x580;
	[sflag:s16] =	ssyncadd.s32 $0xFFFFD800  }
0x3c7: {  	[tilespmem:s12], [sflag:$0x3] =	stream.indirect.gather [hbm4b:s2+s7], $0x80, s20, s7, $0xb8;
	[tilespmem:$0x1D080] =	vst v63  }
0x3c8: {  	_ =	swait.ge [sflag:s26], $0x2800  }
0x3c9: {  	[sflag:s26] =	ssyncset.done $0x0  }
0x3ca: {  	s21 =	simm.s32 $0x1480;
	[sflag:s26] =	ssyncadd.s32 $0xFFFFD800  }
0x3cb: {  	[spmem:s3] =	stream.indirect.scatter.add.f32 [tilespmem:s8], [sflag:$0x4], $0x80, s21, s7, $0xb8;
	[tilespmem:$0x1D080] =	vst v63  }
0x3cc: {  	_ =	swait.ge [sflag:s28], $0x2800  }
0x3cd: {  	[sflag:s28] =	ssyncset.done $0x0  }
0x3ce: {  	s22 =	simm.s32 $0x1500;
	[sflag:s28] =	ssyncadd.s32 $0xFFFFD800  }
0x3cf: {  	[spmem:s3] =	stream.indirect.scatter.add.f32 [tilespmem:s10], [sflag:$0x5], $0x80, s22, s7, $0xb8;
	[tilespmem:$0x1D080] =	vst v63  }
0x3d0: {  	_ =	swait.ge [sflag:s30], $0x2800  }
0x3d1: {  	[sflag:s30] =	ssyncset.done $0x0  }
0x3d2: {  	s23 =	simm.s32 $0x1580;
	[sflag:s30] =	ssyncadd.s32 $0xFFFFD800  }
0x3d3: {  	[spmem:s3] =	stream.indirect.scatter.add.f32 [tilespmem:s12], [sflag:$0x6], $0x80, s23, s7, $0xb8;
	[tilespmem:$0x1D080] =	vst v63  }
0x3d4: {  	_ =	swait.ge [sflag:s13], $0x2800  }
0x3d5: {  	[sflag:s13] =	ssyncset.done $0x0  }
0x3d6: {  	s24 =	simm.s32 $0x600;
	[sflag:s13] =	ssyncadd.s32 $0xFFFFD800  }
0x3d7: {  	[tilespmem:s8], [sflag:$0x1] =	stream.indirect.gather [hbm4b:s2+s7], $0x80, s24, s7, $0xb8;
	[tilespmem:$0x1D080] =	vst v63  }
0x3d8: {  	_ =	swait.ge [sflag:s14], $0x2800  }
0x3d9: {  	[sflag:s14] =	ssyncset.done $0x0  }
0x3da: {  	s25 =	simm.s32 $0x680;
	[sflag:s14] =	ssyncadd.s32 $0xFFFFD800  }
0x3db: {  	[tilespmem:s10], [sflag:$0x2] =	stream.indirect.gather [hbm4b:s2+s7], $0x80, s25, s7, $0xb8;
	[tilespmem:$0x1D080] =	vst v63  }
0x3dc: {  	_ =	swait.ge [sflag:s16], $0x2800  }
0x3dd: {  	[sflag:s16] =	ssyncset.done $0x0  }
0x3de: {  	s29 =	simm.s32 $0x700;
	[sflag:s16] =	ssyncadd.s32 $0xFFFFD800  }
0x3df: {  	[tilespmem:s12], [sflag:$0x3] =	stream.indirect.gather [hbm4b:s2+s7], $0x80, s29, s7, $0xb8;
	[tilespmem:$0x1D080] =	vst v63  }
0x3e0: {  	_ =	swait.ge [sflag:s26], $0x2800  }
0x3e1: {  	[sflag:s26] =	ssyncset.done $0x0  }
0x3e2: {  	s31 =	simm.s32 $0x1600;
	[sflag:s26] =	ssyncadd.s32 $0xFFFFD800  }
0x3e3: {  	[spmem:s3] =	stream.indirect.scatter.add.f32 [tilespmem:s8], [sflag:$0x4], $0x80, s31, s7, $0xb8;
	[tilespmem:$0x1D080] =	vst v63  }
0x3e4: {  	_ =	swait.ge [sflag:s28], $0x2800  }
0x3e5: {  	[sflag:s28] =	ssyncset.done $0x0  }
0x3e6: {  	s15 =	simm.s32 $0x1680;
	[sflag:s28] =	ssyncadd.s32 $0xFFFFD800  }
0x3e7: {  	[spmem:s3] =	stream.indirect.scatter.add.f32 [tilespmem:s10], [sflag:$0x5], $0x80, s15, s7, $0xb8;
	[tilespmem:$0x1D080] =	vst v63  }
0x3e8: {  	_ =	swait.ge [sflag:s30], $0x2800  }
0x3e9: {  	[sflag:s30] =	ssyncset.done $0x0  }
0x3ea: {  	s18 =	simm.s32 $0x1700;
	[sflag:s30] =	ssyncadd.s32 $0xFFFFD800  }
0x3eb: {  	[spmem:s3] =	stream.indirect.scatter.add.f32 [tilespmem:s12], [sflag:$0x6], $0x80, s18, s7, $0xb8;
	[tilespmem:$0x1D080] =	vst v63  }
0x3ec: {  	_ =	swait.ge [sflag:s13], $0x2800  }
0x3ed: {  	[sflag:s13] =	ssyncset.done $0x0  }
0x3ee: {  	s20 =	simm.s32 $0x780;
	[sflag:s13] =	ssyncadd.s32 $0xFFFFD800  }
0x3ef: {  	[tilespmem:s8], [sflag:$0x1] =	stream.indirect.gather [hbm4b:s2+s7], $0x80, s20, s7, $0xb8;
	[tilespmem:$0x1D080] =	vst v63  }
0x3f0: {  	_ =	swait.ge [sflag:s14], $0x2800  }
0x3f1: {  	[sflag:s14] =	ssyncset.done $0x0  }
0x3f2: {  	s21 =	simm.s32 $0x800;
	[sflag:s14] =	ssyncadd.s32 $0xFFFFD800  }
0x3f3: {  	[tilespmem:s10], [sflag:$0x2] =	stream.indirect.gather [hbm4b:s2+s7], $0x80, s21, s7, $0xb8;
	[tilespmem:$0x1D080] =	vst v63  }
0x3f4: {  	_ =	swait.ge [sflag:s16], $0x2800  }
0x3f5: {  	[sflag:s16] =	ssyncset.done $0x0  }
0x3f6: {  	s22 =	simm.s32 $0x880;
	[sflag:s16] =	ssyncadd.s32 $0xFFFFD800  }
0x3f7: {  	[tilespmem:s12], [sflag:$0x3] =	stream.indirect.gather [hbm4b:s2+s7], $0x80, s22, s7, $0xb8;
	[tilespmem:$0x1D080] =	vst v63  }
0x3f8: {  	_ =	swait.ge [sflag:s26], $0x2800  }
0x3f9: {  	[sflag:s26] =	ssyncset.done $0x0  }
0x3fa: {  	s23 =	simm.s32 $0x1780;
	[sflag:s26] =	ssyncadd.s32 $0xFFFFD800  }
0x3fb: {  	[spmem:s3] =	stream.indirect.scatter.add.f32 [tilespmem:s8], [sflag:$0x4], $0x80, s23, s7, $0xb8;
	[tilespmem:$0x1D080] =	vst v63  }
0x3fc: {  	_ =	swait.ge [sflag:s28], $0x2800  }
0x3fd: {  	[sflag:s28] =	ssyncset.done $0x0  }
0x3fe: {  	s24 =	simm.s32 $0x1800;
	[sflag:s28] =	ssyncadd.s32 $0xFFFFD800  }
0x3ff: {  	[spmem:s3] =	stream.indirect.scatter.add.f32 [tilespmem:s10], [sflag:$0x5], $0x80, s24, s7, $0xb8;
	[tilespmem:$0x1D080] =	vst v63  }
0x400: {  	_ =	swait.ge [sflag:s30], $0x2800  }
0x401: {  	[sflag:s30] =	ssyncset.done $0x0  }
0x402: {  	s25 =	simm.s32 $0x1880;
	[sflag:s30] =	ssyncadd.s32 $0xFFFFD800  }
0x403: {  	[spmem:s3] =	stream.indirect.scatter.add.f32 [tilespmem:s12], [sflag:$0x6], $0x80, s25, s7, $0xb8;
	[tilespmem:$0x1D080] =	vst v63  }
0x404: {  	_ =	swait.ge [sflag:s13], $0x2800  }
0x405: {  	[sflag:s13] =	ssyncset.done $0x0  }
0x406: {  	s29 =	simm.s32 $0x900;
	[sflag:s13] =	ssyncadd.s32 $0xFFFFD800  }
0x407: {  	[tilespmem:s8], [sflag:$0x1] =	stream.indirect.gather [hbm4b:s2+s7], $0x80, s29, s7, $0xb8;
	[tilespmem:$0x1D080] =	vst v63  }
0x408: {  	_ =	swait.ge [sflag:s14], $0x2800  }
0x409: {  	[sflag:s14] =	ssyncset.done $0x0  }
0x40a: {  	s31 =	simm.s32 $0x980;
	[sflag:s14] =	ssyncadd.s32 $0xFFFFD800  }
0x40b: {  	[tilespmem:s10], [sflag:$0x2] =	stream.indirect.gather [hbm4b:s2+s7], $0x80, s31, s7, $0xb8;
	[tilespmem:$0x1D080] =	vst v63  }
0x40c: {  	_ =	swait.ge [sflag:s16], $0x2800  }
0x40d: {  	[sflag:s16] =	ssyncset.done $0x0  }
0x40e: {  	s5 =	simm.s32 $0xA00;
	[sflag:s16] =	ssyncadd.s32 $0xFFFFD800  }
0x40f: {  	[tilespmem:s12], [sflag:$0x3] =	stream.indirect.gather [hbm4b:s2+s7], $0x80, s5, s7, $0xb8;
	[tilespmem:$0x1D080] =	vst v63  }
0x410: {  	_ =	swait.ge [sflag:s26], $0x2800  }
0x411: {  	[sflag:s26] =	ssyncset.done $0x0  }
0x412: {  	s6 =	simm.s32 $0x1900;
	[sflag:s26] =	ssyncadd.s32 $0xFFFFD800  }
0x413: {  	[spmem:s3] =	stream.indirect.scatter.add.f32 [tilespmem:s8], [sflag:$0x4], $0x80, s6, s7, $0xb8;
	[tilespmem:$0x1D080] =	vst v63  }
0x414: {  	_ =	swait.ge [sflag:s28], $0x2800  }
0x415: {  	[sflag:s28] =	ssyncset.done $0x0  }
0x416: {  	s11 =	simm.s32 $0x1980;
	[sflag:s28] =	ssyncadd.s32 $0xFFFFD800  }
0x417: {  	[spmem:s3] =	stream.indirect.scatter.add.f32 [tilespmem:s10], [sflag:$0x5], $0x80, s11, s7, $0xb8;
	[tilespmem:$0x1D080] =	vst v63  }
0x418: {  	_ =	swait.ge [sflag:s30], $0x2800  }
0x419: {  	[sflag:s30] =	ssyncset.done $0x0  }
0x41a: {  	s15 =	simm.s32 $0x1A00;
	[sflag:s30] =	ssyncadd.s32 $0xFFFFD800  }
0x41b: {  	[spmem:s3] =	stream.indirect.scatter.add.f32 [tilespmem:s12], [sflag:$0x6], $0x80, s15, s7, $0xb8;
	[tilespmem:$0x1D080] =	vst v63  }
0x41c: {  	_ =	swait.ge [sflag:s13], $0x2800  }
0x41d: {  	[sflag:s13] =	ssyncset.done $0x0  }
0x41e: {  	s18 =	simm.s32 $0xA80;
	[sflag:s13] =	ssyncadd.s32 $0xFFFFD800  }
0x41f: {  	[tilespmem:s8], [sflag:$0x1] =	stream.indirect.gather [hbm4b:s2+s7], $0x80, s18, s7, $0xb8;
	[tilespmem:$0x1D080] =	vst v63  }
0x420: {  	_ =	swait.ge [sflag:s14], $0x2800  }
0x421: {  	[sflag:s14] =	ssyncset.done $0x0  }
0x422: {  	s20 =	simm.s32 $0xB00;
	[sflag:s14] =	ssyncadd.s32 $0xFFFFD800  }
0x423: {  	[tilespmem:s10], [sflag:$0x2] =	stream.indirect.gather [hbm4b:s2+s7], $0x80, s20, s7, $0xb8;
	[tilespmem:$0x1D080] =	vst v63  }
0x424: {  	_ =	swait.ge [sflag:s16], $0x2800  }
0x425: {  	[sflag:s16] =	ssyncset.done $0x0  }
0x426: {  	s21 =	simm.s32 $0xB80;
	[sflag:s16] =	ssyncadd.s32 $0xFFFFD800  }
0x427: {  	[tilespmem:s12], [sflag:$0x3] =	stream.indirect.gather [hbm4b:s2+s7], $0x80, s21, s7, $0xb8;
	[tilespmem:$0x1D080] =	vst v63  }
0x428: {  	_ =	swait.ge [sflag:s26], $0x2800  }
0x429: {  	[sflag:s26] =	ssyncset.done $0x0  }
0x42a: {  	s22 =	simm.s32 $0x1A80;
	[sflag:s26] =	ssyncadd.s32 $0xFFFFD800  }
0x42b: {  	[spmem:s3] =	stream.indirect.scatter.add.f32 [tilespmem:s8], [sflag:$0x7], $0x80, s22, s7, $0xb8;
	[tilespmem:$0x1D080] =	vst v63  }
0x42c: {  	_ =	swait.ge [sflag:s0], $0x2800  }
0x42d: {  	[sflag:s0] =	ssyncset.done $0x0  }
0x42e: {  	[sflag:s0] =	ssyncadd.s32 $0xFFFFD800  }
0x42f: {  	_ =	swait.ge [sflag:s28], $0x2800  }
0x430: {  	[sflag:s28] =	ssyncset.done $0x0  }
0x431: {  	s23 =	simm.s32 $0x1B00;
	[sflag:s28] =	ssyncadd.s32 $0xFFFFD800  }
0x432: {  	[spmem:s3] =	stream.indirect.scatter.add.f32 [tilespmem:s10], [sflag:$0x7], $0x80, s23, s7, $0xb8;
	[tilespmem:$0x1D080] =	vst v63  }
0x433: {  	_ =	swait.ge [sflag:s0], $0x2800  }
0x434: {  	[sflag:s0] =	ssyncset.done $0x0  }
0x435: {  	[sflag:s0] =	ssyncadd.s32 $0xFFFFD800  }
0x436: {  	_ =	swait.ge [sflag:s30], $0x2800  }
0x437: {  	[sflag:s30] =	ssyncset.done $0x0  }
0x438: {  	s24 =	simm.s32 $0x1B80;
	[sflag:s30] =	ssyncadd.s32 $0xFFFFD800  }
0x439: {  	[spmem:s3] =	stream.indirect.scatter.add.f32 [tilespmem:s12], [sflag:$0x7], $0x80, s24, s7, $0xb8;
	[tilespmem:$0x1D080] =	vst v63  }
0x43a: {  	_ =	swait.ge [sflag:s0], $0x2800  }
0x43b: {  	[sflag:s0] =	ssyncset.done $0x0  }
0x43c: {  	s25 =	simm.s32 $0xC00;
	[sflag:s0] =	ssyncadd.s32 $0xFFFFD800  }
0x43d: {  	[tilespmem:s8], [sflag:$0x1] =	stream.indirect.gather [hbm4b:s2+s7], $0x80, s25, s7, $0xb8;
	[tilespmem:$0x1D080] =	vst v63  }
0x43e: {  	_ =	swait.ge [sflag:s26], $0x2800  }
0x43f: {  	[sflag:s26] =	ssyncset.done $0x0  }
0x440: {  	s29 =	simm.s32 $0x1C00;
	[sflag:s26] =	ssyncadd.s32 $0xFFFFD800  }
0x441: {  	[spmem:s3] =	stream.indirect.scatter.add.f32 [tilespmem:s8], [sflag:$0x7], $0x80, s29, s7, $0xb8;
	[tilespmem:$0x1D080] =	vst v63  }
0x442: {  	_ =	swait.ge [sflag:s0], $0x2800  }
0x443: {  	[sflag:s0] =	ssyncset.done $0x0  }
0x444: {  	s17 =	stileid.u32;
	[sflag:s0] =	ssyncadd.s32 $0xFFFFD800  }
0x445: {  	s1 =	sshll.u32 @!p2 s17, $0x6;
	[bflag:$0x0] =	sbarrier.arrive $0xFFFF  }
0x446: {  	s1 =	sor.u32 @!p2 $0x1C07, s1;
	s11 =	sshrl.u32 @!p2 s4, $0x3;
	s31 =	rddreg [dreg:$0x17]  }
0x447: {  	[hbm:s31], [sflag:s1] =	dma.local @!p2 [spmem:s11], $0x3E80  }
0x448: {  	s1 =	simm.s32 @!p2 $0x7  }
0x449: {  	_ =	swait.ge @!p2 [sflag:s1], $0x3E80  }
0x44a: {  	s9 =	sadd.s32 $0x1, s9;
	s31 =	rddreg [dreg:$0x18]  }
0x44b: {  	p3 =	sne.s32 s9, s31  }
.Ltmp1:
0x44c: {  	_ = 	snop;
	(pc) =	sbr.rel @!p3 .LBB2_8-.Ltmp1, $3  }
0x44d: {  	_ =	sdelay $0x1  }
0x44e: {  	[sflag:s1] =	ssyncset.done @!p2 $0x0  }
0x44f: {  	[sflag:s1] =	ssyncadd.s32 @!p2 $0xFFFFC180  }
.LBB2_1:
.Ltmp2:
0x450: {  	(pc) =	sbr.rel @p1 .LBB2_2-.Ltmp2, $1  }
0x451: {  	_ =	sdelay $0x3  }
.Ltmp3:
0x452: {  	(pc) =	sbr.rel @p0 .LBB2_7-.Ltmp3, $2  }
0x453: {  	_ =	sdelay $0x2  }
0x454: {  	s11 =	simm.s32 $0x0  }
0x455: {  	s29 =	sand.u32 $0xFE00, s11  }
0x456: {  	s31 =	sand.u32 $0x70, s11;
	s1 =	sshrl.u32 s29, $0x2  }
0x457: {  	s29 =	simm.s32 $0x40;
	s31 =	sor.u32 s31, s1  }
.LBB2_5:
0x458: {  	p3 =	sne.s32 s29, $0x9FC0  }
0x459: {  	[tilespmem:s31+$0x2000] =	vst v0;
	s11 =	sadd.s32 $0x10, s11;
	s1 =	smov.u32 s29;
	s29 =	sadd.s32 $0x40, s29  }
.Ltmp4:
0x45a: {  	(pc) =	sbr.rel @p3 .LBB2_5-.Ltmp4, $4  }
0x45b: {  	_ = 	snop  }
0x45c: {  	s1 =	sand.u32 $0xFE00, s1  }
0x45d: {  	s31 =	sand.u32 $0x70, s11;
	s1 =	sshrl.u32 s1, $0x2  }
0x45e: {  	s31 =	sor.u32 s31, s1  }
0x45f: {  	[tilespmem:s31+$0x2000] =	vst v0;
	s1 =	simm.s32 @!p2 $0x2000;
	s4 =	rddreg [dreg:$0x4];
	s11 =	simm.s32 @!p2 $0x7  }
0x460: {  	[spmem:s4] =	stream.linear.scatter @!p2 [tilespmem:s1], [sflag:$0x7], $0x2800, $0x38;
	[tilespmem:$0x1D080] =	vst v63  }
0x461: {  	_ =	swait.ge @!p2 [sflag:s11], $0x2800  }
0x462: {  	[sflag:s11] =	ssyncset.done @!p2 $0x0  }
0x463: {  	s31 =	rddreg [dreg:$0x5];
	[sflag:s11] =	ssyncadd.s32 @!p2 $0xFFFFD800  }
0x464: {  	[spmem:s31] =	stream.linear.scatter @!p2 [tilespmem:s1], [sflag:$0x7], $0x2800, $0x38;
	[tilespmem:$0x1D080] =	vst v63  }
0x465: {  	_ =	swait.ge @!p2 [sflag:s11], $0x2800  }
0x466: {  	[sflag:s11] =	ssyncset.done @!p2 $0x0  }
0x467: {  	s31 =	rddreg [dreg:$0x6];
	[sflag:s11] =	ssyncadd.s32 @!p2 $0xFFFFD800  }
0x468: {  	[spmem:s31] =	stream.linear.scatter @!p2 [tilespmem:s1], [sflag:$0x7], $0x2800, $0x38;
	[tilespmem:$0x1D080] =	vst v63  }
0x469: {  	_ =	swait.ge @!p2 [sflag:s11], $0x2800  }
0x46a: {  	[sflag:s11] =	ssyncset.done @!p2 $0x0  }
0x46b: {  	s31 =	rddreg [dreg:$0x7];
	[sflag:s11] =	ssyncadd.s32 @!p2 $0xFFFFD800  }
0x46c: {  	[spmem:s31] =	stream.linear.scatter @!p2 [tilespmem:s1], [sflag:$0x7], $0x2800, $0x38;
	[tilespmem:$0x1D080] =	vst v63  }
0x46d: {  	_ =	swait.ge @!p2 [sflag:s11], $0x2800  }
0x46e: {  	[sflag:s11] =	ssyncset.done @!p2 $0x0  }
0x46f: {  	s31 =	rddreg [dreg:$0x8];
	[sflag:s11] =	ssyncadd.s32 @!p2 $0xFFFFD800  }
0x470: {  	[spmem:s31] =	stream.linear.scatter @!p2 [tilespmem:s1], [sflag:$0x7], $0x2800, $0x38;
	[tilespmem:$0x1D080] =	vst v63  }
0x471: {  	_ =	swait.ge @!p2 [sflag:s11], $0x2800  }
0x472: {  	[sflag:s11] =	ssyncset.done @!p2 $0x0  }
0x473: {  	s31 =	rddreg [dreg:$0x9];
	[sflag:s11] =	ssyncadd.s32 @!p2 $0xFFFFD800  }
0x474: {  	[spmem:s31] =	stream.linear.scatter @!p2 [tilespmem:s1], [sflag:$0x7], $0x2800, $0x38;
	[tilespmem:$0x1D080] =	vst v63  }
0x475: {  	_ =	swait.ge @!p2 [sflag:s11], $0x2800  }
0x476: {  	[sflag:s11] =	ssyncset.done @!p2 $0x0  }
0x477: {  	s31 =	rddreg [dreg:$0xa];
	[sflag:s11] =	ssyncadd.s32 @!p2 $0xFFFFD800  }
0x478: {  	[spmem:s31] =	stream.linear.scatter @!p2 [tilespmem:s1], [sflag:$0x7], $0x2800, $0x38;
	[tilespmem:$0x1D080] =	vst v63  }
0x479: {  	_ =	swait.ge @!p2 [sflag:s11], $0x2800  }
0x47a: {  	[sflag:s11] =	ssyncset.done @!p2 $0x0  }
0x47b: {  	s31 =	rddreg [dreg:$0xb];
	[sflag:s11] =	ssyncadd.s32 @!p2 $0xFFFFD800  }
0x47c: {  	[spmem:s31] =	stream.linear.scatter @!p2 [tilespmem:s1], [sflag:$0x7], $0x2800, $0x38;
	[tilespmem:$0x1D080] =	vst v63  }
0x47d: {  	_ =	swait.ge @!p2 [sflag:s11], $0x2800  }
0x47e: {  	[sflag:s11] =	ssyncset.done @!p2 $0x0  }
0x47f: {  	s31 =	rddreg [dreg:$0x19];
	[sflag:s11] =	ssyncadd.s32 @!p2 $0xFFFFD800  }
0x480: {  	[spmem:s31] =	stream.linear.scatter @!p2 [tilespmem:s1], [sflag:$0x7], $0x2800, $0x38;
	[tilespmem:$0x1D080] =	vst v63  }
0x481: {  	_ =	swait.ge @!p2 [sflag:s11], $0x2800  }
0x482: {  	[sflag:s11] =	ssyncset.done @!p2 $0x0  }
0x483: {  	s31 =	rddreg [dreg:$0x1a];
	[sflag:s11] =	ssyncadd.s32 @!p2 $0xFFFFD800  }
0x484: {  	[spmem:s31] =	stream.linear.scatter @!p2 [tilespmem:s1], [sflag:$0x7], $0x2800, $0x38;
	[tilespmem:$0x1D080] =	vst v63  }
0x485: {  	_ =	swait.ge @!p2 [sflag:s11], $0x2800  }
0x486: {  	[sflag:s11] =	ssyncset.done @!p2 $0x0  }
0x487: {  	s31 =	rddreg [dreg:$0x1b];
	[sflag:s11] =	ssyncadd.s32 @!p2 $0xFFFFD800  }
0x488: {  	[spmem:s31] =	stream.linear.scatter @!p2 [tilespmem:s1], [sflag:$0x7], $0x2800, $0x38;
	[tilespmem:$0x1D080] =	vst v63  }
0x489: {  	_ =	swait.ge @!p2 [sflag:s11], $0x2800  }
0x48a: {  	[sflag:s11] =	ssyncset.done @!p2 $0x0  }
0x48b: {  	s31 =	rddreg [dreg:$0x1c];
	[sflag:s11] =	ssyncadd.s32 @!p2 $0xFFFFD800  }
0x48c: {  	[spmem:s31] =	stream.linear.scatter @!p2 [tilespmem:s1], [sflag:$0x7], $0x2800, $0x38;
	[tilespmem:$0x1D080] =	vst v63  }
0x48d: {  	_ =	swait.ge @!p2 [sflag:s11], $0x2800  }
0x48e: {  	[sflag:s11] =	ssyncset.done @!p2 $0x0  }
.Ltmp5:
0x48f: {  	s31 =	rddreg [dreg:$0x1d];
	[sflag:s11] =	ssyncadd.s32 @!p2 $0xFFFFD800;
	(pc) =	sbr.rel .LBB2_7-.Ltmp5, $4  }
0x490: {  	[spmem:s31] =	stream.linear.scatter @!p2 [tilespmem:s1], [sflag:$0x7], $0x1400, $0x38;
	[tilespmem:$0x1D080] =	vst v63  }
0x491: {  	_ =	swait.ge @!p2 [sflag:s11], $0x1400  }
0x492: {  	[sflag:s11] =	ssyncset.done @!p2 $0x0  }
0x493: {  	[sflag:s11] =	ssyncadd.s32 @!p2 $0xFFFFEC00  }
.LBB2_8:
0x494: {  	_ =	sfence.sel $0x180000  }
0x495: {  	[bflag:$0x0] =	sbarrier.arrive $0xFFFF  }
0x496: {  	_ =	strace $0x9000004A  }
0x497: {  	[bflag:$0x2] =	sbarrier.arrive $0xFFFF  }
0x498: {  	p0 =	sne.s32 s17, $0x0;
	s0 =	rddreg [dreg:$0x3]  }
0x499: {  	s0 =	sadd.s32 @!p0 $0x100000, s0  }
0x49a: {  	[sflag:s0] =	ssyncadd.tile.s32 @!p0 $0x1;
	_ =	shalt  }
.Lfunc_end2:
_tile_overlayer_lowered:
.L_overlay_start_2:
0x49b: {  	(tag) =	ssettag $0x2  }
0x49c: {  	s0 =	rddreg [dreg:$0x0];
	s2 =	stileid.u32  }
0x49d: {  	s1 =	rddreg [dreg:$0x1];
	p0 =	sne.s32 s2, $0x0  }
0x49e: {  	s3 =	rddreg [dreg:$0x2];
	[bflag:$0x3] =	sbarrier.arrive $0xFFFF;
	s2 =	simm.s32 @!p0 $0x1C07  }
0x49f: {  	[timem:s3], [sflag:s2] =	dma.local @!p0 [hbm:s0], s1  }
0x4a0: {  	s0 =	simm.s32 @!p0 $0x7  }
0x4a1: {  	_ =	swait.ge @!p0 [sflag:s0], s1  }
0x4a2: {  	s1 =	ssub.s32 @!p0 $0x0, s1;
	[sflag:s0] =	ssyncset.done @!p0 $0x0  }
0x4a3: {  	[sflag:s0] =	ssyncadd.s32 @!p0 s1  }
0x4a4: {  	[bflag:$0x3] =	sbarrier.arrive $0xFFFF  }
0x4a5: {  	_ =	shalt  }

// kernel: kernel.7.cloned.1.call-start
scs
__scs_entry_jumppad:
0x0: {  	(pc) =	sbr.rel $0x88, $3  }
0x1: {  	(tag) =	ssettag $0x0;
	lr =	simm.s32 $0x1  }
0x2: {  	[smem:$0x3F9D] =	sst lr;
	_ =	strace $0xD0000000  }
0x3: {  	_ = 	snop  }
0x4: {  	_ = 	snop  }
0x5: {  	_ = 	snop  }
0x6: {  	_ = 	snop  }
0x7: {  	_ = 	snop  }
__scs_overlays_trampoline_lowered:
0x8: {  	[smem:$0x3FAC] =	sst s0  }
0x9: {  	[smem:$0x3FAD] =	sst s1  }
0xa: {  	[smem:$0x3FAE] =	sst s2  }
0xb: {  	[smem:$0x3FAF] =	sst s3  }
0xc: {  	[smem:$0x3FB0] =	sst s4  }
0xd: {  	[smem:$0x3FB1] =	sst s5  }
0xe: {  	[smem:$0x3FB2] =	sst s6  }
0xf: {  	[smem:$0x3FB3] =	sst s7  }
0x10: {  	[smem:$0x3FB4] =	sst s8  }
0x11: {  	[smem:$0x3FB5] =	sst s9;
	s0 =	simm.s32 @!p0 $0x0  }
0x12: {  	s1 =	sld [smem:$0x3F9B];
	s0 =	simm.s32 @p0 $0x1  }
0x13: {  	[smem:$0x3FB6] =	sst s0;
	s0 =	simm.s32 @!p1 $0x0  }
0x14: {  	s2 =	sld [smem:$0x3F9A];
	s0 =	simm.s32 @p1 $0x1  }
0x15: {  	[smem:$0x3FB7] =	sst s0;
	s0 =	simm.s32 @!p2 $0x0  }
0x16: {  	s3 =	sld [smem:$0x3FDB];
	s0 =	simm.s32 @p2 $0x1  }
0x17: {  	s4 =	simm.s32 $0x1BF5;
	[smem:$0x3FB9] =	sst s0  }
0x18: {  	s0 =	sld [smem:$0x3F9C];
	_ =	swait.ge [sflag:s4], $0x0  }
0x19: {  	s7 =	sld [smem:$0x3F9D]  }
0x1a: {  	s8 =	sadd.s32 $0xFFFFE003, lr  }
0x1b: {  	s9 =	sadd.s32 $0xFFFFFEF7, lr;
	s5 =	simm.s32 $0xFFFFFFFF;
	p2 =	slt.u32 s8, $0xFFFFF086  }
0x1c: {  	p1 =	slt.u32 s9, $0xF7A;
	s5 =	simm.s32 @!p2 $0x0  }
0x1d: {  	s5 =	simm.s32 @p1 $0x1;
	p0 =	seq.s32 s7, s2  }
0x1e: {  	s7 =	smul.u32 @!p0 $0xF7A, s2;
	p2 =	seq.s32 @!p0 s5, $0x0  }
0x1f: {  	s9 =	smul.u32 $0xF7A, s1;
	s8 =	simm.s32 @!p0 $0x1BF5;
	p2 =	por !p2, p0  }
0x20: {  	[sflag:s8] =	ssyncset.s32 @!p0 $0xFFFFF086;
	s6 =	sadd.s32 @!p0 s3, s7;
	s7 =	simm.s32 @!p0 $0x108  }
0x21: {  	s3 =	sadd.s32 s3, s9;
	s6 =	sadd.s32 @!p0 $0x88, s6;
	s7 =	simm.s32 @p2 $0x1082  }
0x22: {  	[simem:s7], [sflag:s8] =	dma.local @!p0 [hbm:s6], $0xF7A  }
0x23: {  	s9 =	sor.u32 $0xD0000000, s2;
	s6 =	simm.s32 $0x108;
	_ =	swait.ge @!p0 [sflag:s8], $0x0  }
0x24: {  	s3 =	sadd.s32 $0x88, s3;
	s6 =	simm.s32 @!p1 $0x1082;
	[sflag:s4] =	ssyncset.s32 $0xFFFFF086  }
0x25: {  	[simem:s6], [sflag:s4] =	dma.local [hbm:s3], $0xF7A  }
0x26: {  	[smem:$0x3F9D] =	sst s1;
	(tag) =	ssettag s2;
	_ =	strace s9  }
0x27: {  	s1 =	sld [smem:$0x3FAD]  }
0x28: {  	s2 =	sld [smem:$0x3FAE]  }
0x29: {  	s4 =	sld [smem:$0x3FB0]  }
0x2a: {  	p0 =	seq.s32 s5, $0x0;
	s5 =	sld [smem:$0x3FB1]  }
0x2b: {  	s6 =	sld [smem:$0x3FB2]  }
0x2c: {  	s7 =	sld [smem:$0x3FB3]  }
0x2d: {  	s3 =	simm.s32 $0x108;
	s8 =	sld [smem:$0x3FB4]  }
0x2e: {  	s3 =	simm.s32 @!p0 $0x1082;
	s9 =	sld [smem:$0x3FB5]  }
0x2f: {  	lr =	sadd.s32 s0, s3;
	s0 =	sld [smem:$0x3FAC]  }
0x30: {  	s3 =	sld [smem:$0x3FAF]  }
0x31: {  	[smem:$0x3FB8] =	sst s10  }
0x32: {  	s10 =	sld [smem:$0x3FB6];
	_ =	sdelay $0x3  }
0x33: {  	p0 =	seq.s32 s10, $0x1;
	s10 =	sld [smem:$0x3FB8];
	_ =	sdelay $0x3  }
0x34: {  	[smem:$0x3FB8] =	sst s10  }
0x35: {  	s10 =	sld [smem:$0x3FB7];
	_ =	sdelay $0x3  }
0x36: {  	p1 =	seq.s32 s10, $0x1;
	s10 =	sld [smem:$0x3FB8];
	_ =	sdelay $0x3  }
0x37: {  	[smem:$0x3FB8] =	sst s10  }
0x38: {  	s10 =	sld [smem:$0x3FB9]  }
0x39: {  	_ = 	snop;
	(pc) =	sbr.ind lr, $3  }
0x3a: {  	_ = 	snop  }
0x3b: {  	_ = 	snop  }
0x3c: {  	p2 =	seq.s32 s10, $0x1;
	s10 =	sld [smem:$0x3FB8]  }
0x3d: {  	_ =	shalt  }
0x3e: {  	_ =	shalt  }
0x3f: {  	_ =	shalt  }
0x40: {  	_ =	shalt  }
0x41: {  	_ =	shalt  }
0x42: {  	_ =	shalt  }
0x43: {  	_ =	shalt  }
0x44: {  	_ =	shalt  }
0x45: {  	_ =	shalt  }
0x46: {  	_ =	shalt  }
0x47: {  	_ =	shalt  }
0x48: {  	_ =	shalt  }
0x49: {  	_ =	shalt  }
0x4a: {  	_ =	shalt  }
0x4b: {  	_ =	shalt  }
0x4c: {  	_ =	shalt  }
0x4d: {  	_ =	shalt  }
0x4e: {  	_ =	shalt  }
0x4f: {  	_ =	shalt  }
0x50: {  	_ =	shalt  }
0x51: {  	_ =	shalt  }
0x52: {  	_ =	shalt  }
0x53: {  	_ =	shalt  }
0x54: {  	_ =	shalt  }
0x55: {  	_ =	shalt  }
0x56: {  	_ =	shalt  }
0x57: {  	_ =	shalt  }
0x58: {  	_ =	shalt  }
0x59: {  	_ =	shalt  }
0x5a: {  	_ =	shalt  }
0x5b: {  	_ =	shalt  }
0x5c: {  	_ =	shalt  }
0x5d: {  	_ =	shalt  }
0x5e: {  	_ =	shalt  }
0x5f: {  	_ =	shalt  }
0x60: {  	_ =	shalt  }
0x61: {  	_ =	shalt  }
0x62: {  	_ =	shalt  }
0x63: {  	_ =	shalt  }
0x64: {  	_ =	shalt  }
0x65: {  	_ =	shalt  }
0x66: {  	_ =	shalt  }
0x67: {  	_ =	shalt  }
0x68: {  	_ =	shalt  }
0x69: {  	_ =	shalt  }
0x6a: {  	_ =	shalt  }
0x6b: {  	_ =	shalt  }
0x6c: {  	_ =	shalt  }
0x6d: {  	_ =	shalt  }
0x6e: {  	_ =	shalt  }
0x6f: {  	_ =	shalt  }
0x70: {  	_ =	shalt  }
0x71: {  	_ =	shalt  }
0x72: {  	_ =	shalt  }
0x73: {  	_ =	shalt  }
0x74: {  	_ =	shalt  }
0x75: {  	_ =	shalt  }
0x76: {  	_ =	shalt  }
0x77: {  	_ =	shalt  }
0x78: {  	_ =	shalt  }
0x79: {  	_ =	shalt  }
0x7a: {  	_ =	shalt  }
0x7b: {  	_ =	shalt  }
0x7c: {  	_ =	shalt  }
0x7d: {  	_ =	shalt  }
0x7e: {  	_ =	shalt  }
0x7f: {  	_ =	shalt  }
0x80: {  	_ =	shalt  }
0x81: {  	_ =	shalt  }
0x82: {  	_ =	shalt  }
0x83: {  	_ =	shalt  }
0x84: {  	_ =	shalt  }
0x85: {  	_ =	shalt  }
0x86: {  	_ =	shalt  }
0x87: {  	_ =	shalt  }
.Lfunc_end0:
.L_simem_size_0:
called_computation_lowered:
.L_overlay_start_0:
0x88: {  	s2 =	sld [smem:$0x3FD9]  }
0x89: {  	s3 =	sld [smem:$0x3FFE];
	_ =	sdelay $0x1  }
0x8a: {  	s1 =	srdreg.scid  }
0x8b: {  	s0 =	sand.u32 $0x1, s1  }
0x8c: {  	s17 =	sshll.u32 s0, $0xA;
	s2 =	sadd.s32 s3, s2  }
0x8d: {  	s2 =	sadd.s32 s2, s17  }
0x8e: {  	[smem:$0x3FC4] =	sst s2  }
0x8f: {  	_ = 	snop  }
0x90: {  	s2 =	sld [smem:$0x3FD0];
	(tm) =	ssettm $0x1  }
0x91: {  	s18 =	sld [smem:$0x3FFB];
	_ =	sdelay $0x3  }
0x92: {  	_ =	strace s18  }
0x93: {  	s3 =	sld [smem:$0x3FFC];
	_ =	sdelay $0x3  }
0x94: {  	_ =	strace s3  }
0x95: {  	s3 =	sld [smem:$0x3FFD];
	_ =	sdelay $0x3  }
0x96: {  	_ =	strace s3  }
0x97: {  	_ =	strace $0x8FFFFFFF  }
0x98: {  	s19 =	sld [smem:$0x3FDB];
	_ =	sdelay $0x1  }
0x99: {  	s4 =	simm.s32 $_scs_section_size  }
0x9a: {  	s5 =	simm.s32 $_size__tile_overlayer_lowered;
	s6 =	simm.s32 $_tile_overlayer_lowered  }
0x9b: {  	s22 =	simm.s32 $0x1BFF;
	s21 =	sshll.u32 s6, $0x1;
	s3 =	sadd.s32 s4, s19  }
0x9c: {  	s7 =	simm.s32 $0x0;
	s20 =	sshll.u32 s5, $0x1;
	s5 =	sadd.s32 s21, s3  }
0x9d: {  	[timem:s7], [sflag:s22] =	dma.local [hbm:s5], s20  }
0x9e: {  	_ =	swait.ge [sflag:s22], s20  }
0x9f: {  	s4 =	ssub.s32 $0x0, s20;
	[sflag:s22] =	ssyncset.done $0x0  }
0xa0: {  	[sflag:s22] =	ssyncadd.s32 s4;
	_ =	sdelay $0x1  }
0xa1: {  	s23 =	simm.s32 $0x1B8B  }
0xa2: {  	_ =	swait.ge [sflag:s23], $0x1  }
0xa3: {  	[sflag:s23] =	ssyncset.done $0x0  }
0xa4: {  	s25 =	simm.s32 $0x1B8E;
	s24 =	sld [smem:$0x3FFE];
	[sflag:s23] =	ssyncadd.s32 $0xFFFFFFFF  }
0xa5: {  	s26 =	simm.s32 $execute0_lowered;
	[smem:$0x3FD2] =	sst s25  }
0xa6: {  	s5 =	sshll.u32 s26, $0x1;
	_ =	strace $0x80000046;
	[dreg:$0x1] =	wrdreg $0xFFFFFFFF  }
0xa7: {  	s28 =	simm.s32 $_size_execute0_lowered;
	s3 =	sadd.s32 s3, s5;
	[dreg:$0x0] =	wrdreg $0x0  }
0xa8: {  	s5 =	sshll.u32 s28, $0x1;
	[dreg:$0x2] =	wrdreg s3  }
0xa9: {  	[dreg:$0x3] =	wrdreg s5  }
0xaa: {  	[dreg:$0x4] =	wrdreg $0xC0  }
0xab: {  	_ =	task [dreg:s7], $0x5FFFF  }
0xac: {  	[dreg:$0x1] =	wrdreg $0xFFFFFFFF  }
0xad: {  	[dreg:$0x0] =	wrdreg $0x60  }
0xae: {  	[dreg:$0x2] =	wrdreg s24  }
0xaf: {  	[dreg:$0x3] =	wrdreg s2  }
0xb0: {  	[dreg:$0x4] =	wrdreg $0x38800  }
0xb1: {  	[dreg:$0x5] =	wrdreg $0x9  }
0xb2: {  	_ =	task.clear_ibuf [dreg:s7], $0x6FFFF;
	_ =	strace $0x90000046  }
0xb3: {  	s29 =	simm.s32 $0x9;
	_ =	strace $0x80000048  }
0xb4: {  	_ =	swait.ge [sflag:s29], $0x1  }
0xb5: {  	[sflag:s29] =	ssyncadd.s32 $0xFFFFFFFF  }
0xb6: {  	_ =	strace $0x90000048  }
0xb7: {  	_ =	sfence  }
0xb8: {  	s30 =	sld [smem:$0x0];
	_ =	sdelay $0x2  }
0xb9: {  	s31 =	sshll.u32 s1, $0xD;
	s1 =	sshrl.u32 s1, $0x2  }
0xba: {  	s3 =	sand.u32 $0x4000, s31;
	s1 =	sadd.s32 s1, s30  }
0xbb: {  	s0 =	sor.u32 s3, s0;
	s1 =	sshll.u32 s1, $0x11  }
0xbc: {  	s0 =	sor.u32 s1, s0  }
0xbd: {  	s0 =	sadd.s32 $0x8F2B, s0  }
0xbe: {  	[sflag:s0] =	ssyncadd.remote.s32 $0x1  }
0xbf: {  	_ =	sfence.sel $0xFFFF  }
0xc0: {  	[dreg:$0x0] =	wrdreg $0xFFFFFFFF;
	(pc) =	sbr.abs _section_cstart, $3  }
0xc1: {  	[dreg:$0x1] =	wrdreg $0xFFFFFFFF  }
0xc2: {  	_ =	task.clear_ibuf [dreg:s7], $0x2FFFF;
	_ =	strace $0x9FFFFFFF  }
0xc3: {  	(tm) =	ssettm $0x7FFFFFFF  }
tec
execute0_lowered:
.L_overlay_start_1:
0x0: {  	(tag) =	ssettag $0x1  }
0x1: {  	s4 =	rddreg [dreg:$0x0]  }
0x2: {  	s0 =	srdreg.scid;
	s10 =	rddreg [dreg:$0x1]  }
0x3: {  	s12 =	stileid.u32;
	s1 =	rddreg [dreg:$0x2]  }
0x4: {  	s2 =	simm.s32 $0x0;
	s14 =	simm.s32 $0x1;
	s15 =	simm.s32 $0x3800  }
0x5: {  	s16 =	simm.s32 $0x50;
	s17 =	simm.s32 $0x0;
	s7 =	sand.u32 $0x1, s0  }
0x6: {  	s31 =	sshll.u32 s12, $0x1;
	[smem:$0x7FF] =	sst s2;
	p0 =	sne.s32 s12, $0x0  }
0x7: {  	s0 =	sor.u32 s7, s31;
	s5 =	ssub.s32 $0x2, s7;
	s13 =	smul.u32 $0x500, s7  }
0x8: {  	s12 =	sshrl.u32 @!p0 s1, $0x3;
	s3 =	smul.u32 $0x5000, s0;
	s6 =	sshrl.u32 s5, $0x1  }
0x9: {  	s0 =	rddreg [dreg:$0x3];
	_ =	strace $0x80000047;
	s11 =	ssub.s32 s5, s6  }
0xa: {  	s10 =	sadd.s32 s10, s13;
	s13 =	simm.s32 $0x1000;
	s3 =	sshrl.u32 s3, $0x3  }
0xb: {  	s11 =	smax.u32 s11, $0x1;
	s9 =	sadd.s32 s3, s4;
	s3 =	sadd.s32 $0x29800, s4  }
0xc: {  	s4 =	sadd.s32 $0x29A00, s4;
	s5 =	sadd.s32 $0x15800, s9;
	s6 =	sadd.s32 $0x15A00, s9  }
0xd: {  	v0 =	vimm.f32 $1.000000000e+00;
	s7 =	sadd.s32 $0x15C00, s9;
	s8 =	sadd.s32 $0x15E00, s9;
	s9 =	sadd.s32 $0x16000, s9  }
.LBB2_1:
0xe: {  	s18 =	simm.s32 @!p0 $0x1C01  }
0xf: {  	[spmem:s12], [sflag:s18] =	dma.local @!p0 [hbm:s4], $0x500  }
0x10: {  	s18 =	simm.s32 @!p0 $0x1  }
0x11: {  	_ =	swait.ge @!p0 [sflag:s18], $0x500  }
0x12: {  	[sflag:s18] =	ssyncset.done @!p0 $0x0  }
0x13: {  	s31 =	smul.u32 $0xCD, s2;
	[sflag:s18] =	ssyncadd.s32 @!p0 $0xFFFFFB00  }
0x14: {  	[tilespmem:s13], [sflag:$0x1] =	stream.linear.gather [hbm4b:s4+s2], $0x2800, $0x38;
	[tilespmem:$0x3B00] =	vst v63  }
0x15: {  	_ =	swait.ge [sflag:s14], $0x2800  }
0x16: {  	s19 =	sshrl.u32 s31, $0xA;
	[sflag:s14] =	ssyncset.done $0x0  }
0x17: {  	s19 =	sand.u32 $0x3F, s19;
	[sflag:s14] =	ssyncadd.s32 $0xFFFFD800  }
0x18: {  	[tilespmem:s15], [sflag:$0x1] =	stream.linear.gather [hbm4b:s3+s2], $0x80, $0x38;
	[tilespmem:$0x3B00] =	vst v63  }
0x19: {  	s19 =	smul.u32 $0x5, s19;
	_ =	swait.ge [sflag:s14], $0x80  }
0x1a: {  	s20 =	sshrl.u32 s31, $0x3;
	[sflag:s14] =	ssyncset.done $0x0  }
0x1b: {  	s21 =	sand.u32 $0x1F80, s20;
	s19 =	ssub.s32 $0x0, s19;
	[sflag:s14] =	ssyncadd.s32 $0xFFFFFF80  }
0x1c: {  	[tilespmem:s2], [sflag:$0x1] =	stream.linear.gather [hbm4b:s5+s2], $0xC80, $0x38;
	[tilespmem:$0x3B00] =	vst v63  }
0x1d: {  	s20 =	simm.s32 $0x2;
	s19 =	sand.u32 $0xFF, s19;
	_ =	swait.ge [sflag:s14], $0xC80  }
0x1e: {  	s18 =	simm.s32 $0x1;
	s22 =	sshll.u32 s19, $0x4;
	[sflag:s14] =	ssyncset.done $0x0  }
0x1f: {  	s19 =	smul.u32 $0xCD, s18;
	s21 =	sor.u32 s22, s21;
	[sflag:s14] =	ssyncadd.s32 $0xFFFFF380  }
.LBB2_2:
0x20: {  	p1 =	sne.s32 s20, $0x7C;
	v1 =	vld [tilespmem:s21+$0x0]  }
0x21: {  	s21 =	sshrl.u32 s19, $0xA  }
0x22: {  	s21 =	sand.u32 $0x3F, s21  }
0x23: {  	s21 =	smul.u32 $0x5, s21  }
.Ltmp0:
0x24: {  	(pc) =	sbr.rel @p1 .LBB2_2-.Ltmp0, $4  }
0x25: {  	s21 =	ssub.s32 s18, s21;
	s18 =	smov.u32 s20  }
0x26: {  	s19 =	sshrl.u32 s19, $0x3;
	s21 =	sand.u32 $0xFF, s21  }
0x27: {  	s22 =	sand.u32 $0x1F80, s19;
	s21 =	sshll.u32 s21, $0x4  }
0x28: {  	s20 =	sadd.s32 $0x1, s20;
	s19 =	smul.u32 $0xCD, s18;
	s21 =	sor.u32 s21, s22;
	[tilespmem:v1+s13+$0x0] =	vst.idx.add.f32.msk $0xffff, v0  }
0x29: {  	v1 =	vld [tilespmem:s21+$0x0]  }
0x2a: {  	s20 =	sshrl.u32 s19, $0xA  }
0x2b: {  	s20 =	sand.u32 $0x3F, s20  }
0x2c: {  	s20 =	smul.u32 $0x5, s20;
	_ =	sdelay $0x1  }
0x2d: {  	s18 =	ssub.s32 s18, s20  }
0x2e: {  	s25 =	sshrl.u32 s19, $0x3;
	s18 =	sand.u32 $0xFF, s18  }
0x2f: {  	s19 =	sand.u32 $0x1F80, s25;
	s18 =	sshll.u32 s18, $0x4  }
0x30: {  	s18 =	sor.u32 s18, s19;
	[tilespmem:v1+s13+$0x0] =	vst.idx.add.f32.msk $0xffff, v0  }
0x31: {  	v1 =	vld [tilespmem:s18+$0x0]  }
0x32: {  	s26 =	simm.s32 $0x0  }
0x33: {  	s28 =	smul.u32 $0xCD, s26;
	_ =	sdelay $0x1  }
0x34: {  	s29 =	sshrl.u32 s28, $0xA  }
0x35: {  	s18 =	sand.u32 $0x3F, s29  }
0x36: {  	s18 =	smul.u32 $0x5, s18;
	_ =	sdelay $0x1  }
0x37: {  	s20 =	simm.s32 $0x2;
	s19 =	sshrl.u32 s28, $0x3;
	s18 =	ssub.s32 $0x0, s18;
	[tilespmem:v1+s13+$0x0] =	vst.idx.add.f32.msk $0xffff, v0  }
0x38: {  	[tilespmem:s26], [sflag:$0x1] =	stream.linear.gather [hbm4b:s6+s26], $0xC80, $0x38;
	[tilespmem:$0x3B00] =	vst v63  }
0x39: {  	s31 =	sand.u32 $0x1F80, s19;
	s30 =	sand.u32 $0xFF, s18;
	_ =	swait.ge [sflag:s14], $0xC80  }
0x3a: {  	s18 =	simm.s32 $0x1;
	s22 =	sshll.u32 s30, $0x4;
	[sflag:s14] =	ssyncset.done $0x0  }
0x3b: {  	s19 =	smul.u32 $0xCD, s18;
	s21 =	sor.u32 s22, s31;
	[sflag:s14] =	ssyncadd.s32 $0xFFFFF380  }
.LBB2_4:
0x3c: {  	p1 =	sne.s32 s20, $0x7C;
	v1 =	vld [tilespmem:s21+$0x0]  }
0x3d: {  	s21 =	sshrl.u32 s19, $0xA  }
0x3e: {  	s21 =	sand.u32 $0x3F, s21  }
0x3f: {  	s21 =	smul.u32 $0x5, s21  }
.Ltmp1:
0x40: {  	(pc) =	sbr.rel @p1 .LBB2_4-.Ltmp1, $4  }
0x41: {  	s21 =	ssub.s32 s18, s21;
	s18 =	smov.u32 s20  }
0x42: {  	s19 =	sshrl.u32 s19, $0x3;
	s21 =	sand.u32 $0xFF, s21  }
0x43: {  	s22 =	sand.u32 $0x1F80, s19;
	s21 =	sshll.u32 s21, $0x4  }
0x44: {  	s20 =	sadd.s32 $0x1, s20;
	s19 =	smul.u32 $0xCD, s18;
	s21 =	sor.u32 s21, s22;
	[tilespmem:v1+s13+$0x0] =	vst.idx.add.f32.msk $0xffff, v0  }
0x45: {  	v1 =	vld [tilespmem:s21+$0x0]  }
0x46: {  	s20 =	sshrl.u32 s19, $0xA  }
0x47: {  	s20 =	sand.u32 $0x3F, s20  }
0x48: {  	s20 =	smul.u32 $0x5, s20;
	_ =	sdelay $0x1  }
0x49: {  	s18 =	ssub.s32 s18, s20  }
0x4a: {  	s25 =	sshrl.u32 s19, $0x3;
	s18 =	sand.u32 $0xFF, s18  }
0x4b: {  	s19 =	sand.u32 $0x1F80, s25;
	s18 =	sshll.u32 s18, $0x4  }
0x4c: {  	s18 =	sor.u32 s18, s19;
	[tilespmem:v1+s13+$0x0] =	vst.idx.add.f32.msk $0xffff, v0  }
0x4d: {  	v1 =	vld [tilespmem:s18+$0x0]  }
0x4e: {  	s26 =	simm.s32 $0x0  }
0x4f: {  	s28 =	smul.u32 $0xCD, s26;
	_ =	sdelay $0x1  }
0x50: {  	s29 =	sshrl.u32 s28, $0xA  }
0x51: {  	s18 =	sand.u32 $0x3F, s29  }
0x52: {  	s18 =	smul.u32 $0x5, s18;
	_ =	sdelay $0x1  }
0x53: {  	s20 =	simm.s32 $0x2;
	s19 =	sshrl.u32 s28, $0x3;
	s18 =	ssub.s32 $0x0, s18;
	[tilespmem:v1+s13+$0x0] =	vst.idx.add.f32.msk $0xffff, v0  }
0x54: {  	[tilespmem:s26], [sflag:$0x1] =	stream.linear.gather [hbm4b:s7+s26], $0xC80, $0x38;
	[tilespmem:$0x3B00] =	vst v63  }
0x55: {  	s31 =	sand.u32 $0x1F80, s19;
	s30 =	sand.u32 $0xFF, s18;
	_ =	swait.ge [sflag:s14], $0xC80  }
0x56: {  	s18 =	simm.s32 $0x1;
	s22 =	sshll.u32 s30, $0x4;
	[sflag:s14] =	ssyncset.done $0x0  }
0x57: {  	s19 =	smul.u32 $0xCD, s18;
	s21 =	sor.u32 s22, s31;
	[sflag:s14] =	ssyncadd.s32 $0xFFFFF380  }
.LBB2_6:
0x58: {  	p1 =	sne.s32 s20, $0x7C;
	v1 =	vld [tilespmem:s21+$0x0]  }
0x59: {  	s21 =	sshrl.u32 s19, $0xA  }
0x5a: {  	s21 =	sand.u32 $0x3F, s21  }
0x5b: {  	s21 =	smul.u32 $0x5, s21  }
.Ltmp2:
0x5c: {  	(pc) =	sbr.rel @p1 .LBB2_6-.Ltmp2, $4  }
0x5d: {  	s21 =	ssub.s32 s18, s21;
	s18 =	smov.u32 s20  }
0x5e: {  	s19 =	sshrl.u32 s19, $0x3;
	s21 =	sand.u32 $0xFF, s21  }
0x5f: {  	s22 =	sand.u32 $0x1F80, s19;
	s21 =	sshll.u32 s21, $0x4  }
0x60: {  	s20 =	sadd.s32 $0x1, s20;
	s19 =	smul.u32 $0xCD, s18;
	s21 =	sor.u32 s21, s22;
	[tilespmem:v1+s13+$0x0] =	vst.idx.add.f32.msk $0xffff, v0  }
0x61: {  	v1 =	vld [tilespmem:s21+$0x0]  }
0x62: {  	s20 =	sshrl.u32 s19, $0xA  }
0x63: {  	s20 =	sand.u32 $0x3F, s20  }
0x64: {  	s20 =	smul.u32 $0x5, s20;
	_ =	sdelay $0x1  }
0x65: {  	s18 =	ssub.s32 s18, s20  }
0x66: {  	s25 =	sshrl.u32 s19, $0x3;
	s18 =	sand.u32 $0xFF, s18  }
0x67: {  	s19 =	sand.u32 $0x1F80, s25;
	s18 =	sshll.u32 s18, $0x4  }
0x68: {  	s18 =	sor.u32 s18, s19;
	[tilespmem:v1+s13+$0x0] =	vst.idx.add.f32.msk $0xffff, v0  }
0x69: {  	v1 =	vld [tilespmem:s18+$0x0]  }
0x6a: {  	s26 =	simm.s32 $0x0  }
0x6b: {  	s28 =	smul.u32 $0xCD, s26;
	_ =	sdelay $0x1  }
0x6c: {  	s29 =	sshrl.u32 s28, $0xA  }
0x6d: {  	s18 =	sand.u32 $0x3F, s29  }
0x6e: {  	s18 =	smul.u32 $0x5, s18;
	_ =	sdelay $0x1  }
0x6f: {  	s20 =	simm.s32 $0x2;
	s19 =	sshrl.u32 s28, $0x3;
	s18 =	ssub.s32 $0x0, s18;
	[tilespmem:v1+s13+$0x0] =	vst.idx.add.f32.msk $0xffff, v0  }
0x70: {  	[tilespmem:s26], [sflag:$0x1] =	stream.linear.gather [hbm4b:s8+s26], $0xC80, $0x38;
	[tilespmem:$0x3B00] =	vst v63  }
0x71: {  	s31 =	sand.u32 $0x1F80, s19;
	s30 =	sand.u32 $0xFF, s18;
	_ =	swait.ge [sflag:s14], $0xC80  }
0x72: {  	s18 =	simm.s32 $0x1;
	s22 =	sshll.u32 s30, $0x4;
	[sflag:s14] =	ssyncset.done $0x0  }
0x73: {  	s19 =	smul.u32 $0xCD, s18;
	s21 =	sor.u32 s22, s31;
	[sflag:s14] =	ssyncadd.s32 $0xFFFFF380  }
.LBB2_8:
0x74: {  	p1 =	sne.s32 s20, $0x7C;
	v1 =	vld [tilespmem:s21+$0x0]  }
0x75: {  	s21 =	sshrl.u32 s19, $0xA  }
0x76: {  	s21 =	sand.u32 $0x3F, s21  }
0x77: {  	s21 =	smul.u32 $0x5, s21  }
.Ltmp3:
0x78: {  	(pc) =	sbr.rel @p1 .LBB2_8-.Ltmp3, $4  }
0x79: {  	s21 =	ssub.s32 s18, s21;
	s18 =	smov.u32 s20  }
0x7a: {  	s19 =	sshrl.u32 s19, $0x3;
	s21 =	sand.u32 $0xFF, s21  }
0x7b: {  	s22 =	sand.u32 $0x1F80, s19;
	s21 =	sshll.u32 s21, $0x4  }
0x7c: {  	s20 =	sadd.s32 $0x1, s20;
	s19 =	smul.u32 $0xCD, s18;
	s21 =	sor.u32 s21, s22;
	[tilespmem:v1+s13+$0x0] =	vst.idx.add.f32.msk $0xffff, v0  }
0x7d: {  	v1 =	vld [tilespmem:s21+$0x0]  }
0x7e: {  	s20 =	sshrl.u32 s19, $0xA  }
0x7f: {  	s20 =	sand.u32 $0x3F, s20  }
0x80: {  	s20 =	smul.u32 $0x5, s20;
	_ =	sdelay $0x1  }
0x81: {  	s18 =	ssub.s32 s18, s20  }
0x82: {  	s25 =	sshrl.u32 s19, $0x3;
	s18 =	sand.u32 $0xFF, s18  }
0x83: {  	s19 =	sand.u32 $0x1F80, s25;
	s18 =	sshll.u32 s18, $0x4  }
0x84: {  	s18 =	sor.u32 s18, s19;
	[tilespmem:v1+s13+$0x0] =	vst.idx.add.f32.msk $0xffff, v0  }
0x85: {  	v1 =	vld [tilespmem:s18+$0x0]  }
0x86: {  	s26 =	simm.s32 $0x0  }
0x87: {  	s28 =	smul.u32 $0xCD, s26;
	_ =	sdelay $0x1  }
0x88: {  	s29 =	sshrl.u32 s28, $0xA  }
0x89: {  	s18 =	sand.u32 $0x3F, s29  }
0x8a: {  	s18 =	smul.u32 $0x5, s18;
	_ =	sdelay $0x1  }
0x8b: {  	s20 =	simm.s32 $0x2;
	s19 =	sshrl.u32 s28, $0x3;
	s18 =	ssub.s32 $0x0, s18;
	[tilespmem:v1+s13+$0x0] =	vst.idx.add.f32.msk $0xffff, v0  }
0x8c: {  	[tilespmem:s26], [sflag:$0x1] =	stream.linear.gather [hbm4b:s9+s26], $0xC80, $0x38;
	[tilespmem:$0x3B00] =	vst v63  }
0x8d: {  	s31 =	sand.u32 $0x1F80, s19;
	s30 =	sand.u32 $0xFF, s18;
	_ =	swait.ge [sflag:s14], $0xC80  }
0x8e: {  	s18 =	simm.s32 $0x1;
	s22 =	sshll.u32 s30, $0x4;
	[sflag:s14] =	ssyncset.done $0x0  }
0x8f: {  	s19 =	smul.u32 $0xCD, s18;
	s21 =	sor.u32 s22, s31;
	[sflag:s14] =	ssyncadd.s32 $0xFFFFF380  }
.LBB2_10:
0x90: {  	p1 =	sne.s32 s20, $0x7C;
	v1 =	vld [tilespmem:s21+$0x0]  }
0x91: {  	s21 =	sshrl.u32 s19, $0xA  }
0x92: {  	s21 =	sand.u32 $0x3F, s21  }
0x93: {  	s21 =	smul.u32 $0x5, s21  }
.Ltmp4:
0x94: {  	(pc) =	sbr.rel @p1 .LBB2_10-.Ltmp4, $4  }
0x95: {  	s21 =	ssub.s32 s18, s21;
	s18 =	smov.u32 s20  }
0x96: {  	s19 =	sshrl.u32 s19, $0x3;
	s21 =	sand.u32 $0xFF, s21  }
0x97: {  	s22 =	sand.u32 $0x1F80, s19;
	s21 =	sshll.u32 s21, $0x4  }
0x98: {  	s20 =	sadd.s32 $0x1, s20;
	s19 =	smul.u32 $0xCD, s18;
	s21 =	sor.u32 s21, s22;
	[tilespmem:v1+s13+$0x0] =	vst.idx.add.f32.msk $0xffff, v0  }
0x99: {  	v1 =	vld [tilespmem:s21+$0x0]  }
0x9a: {  	s20 =	sshrl.u32 s19, $0xA  }
0x9b: {  	s20 =	sand.u32 $0x3F, s20  }
0x9c: {  	s20 =	smul.u32 $0x5, s20;
	_ =	sdelay $0x1  }
0x9d: {  	s18 =	ssub.s32 s18, s20  }
0x9e: {  	s31 =	sshrl.u32 s19, $0x3;
	s18 =	sand.u32 $0xFF, s18  }
0x9f: {  	s19 =	sand.u32 $0x1F80, s31;
	s18 =	sshll.u32 s18, $0x4  }
0xa0: {  	s18 =	sor.u32 s18, s19;
	[tilespmem:v1+s13+$0x0] =	vst.idx.add.f32.msk $0xffff, v0  }
0xa1: {  	v1 =	vld [tilespmem:s18+$0x0];
	_ =	sdelay $0x7  }
0xa2: {  	[tilespmem:v1+s13+$0x0] =	vst.idx.add.f32.msk $0xffff, v0  }
0xa3: {  	[bflag:$0x0] =	sbarrier.arrive $0xFFFF  }
0xa4: {  	[spmem:s1] =	stream.indirect.scatter.add.f32 [tilespmem:s13], [sflag:$0x1], $0x80, s15, s16, $0xb8;
	[tilespmem:$0x3B00] =	vst v63  }
0xa5: {  	_ =	swait.ge [sflag:s14], $0x2800  }
0xa6: {  	[sflag:s14] =	ssyncset.done $0x0  }
0xa7: {  	s17 =	sadd.s32 $0x1, s17;
	[sflag:s14] =	ssyncadd.s32 $0xFFFFD800  }
0xa8: {  	p1 =	sne.s32 s17, s11;
	s18 =	simm.s32 @!p0 $0x1C01;
	[bflag:$0x0] =	sbarrier.arrive $0xFFFF  }
0xa9: {  	[hbm:s10], [sflag:s18] =	dma.local @!p0 [spmem:s12], $0x500  }
.Ltmp5:
0xaa: {  	_ = 	snop;
	(pc) =	sbr.rel @p1 .LBB2_1-.Ltmp5, $4  }
0xab: {  	s18 =	simm.s32 @!p0 $0x1  }
0xac: {  	_ =	swait.ge @!p0 [sflag:s18], $0x500  }
0xad: {  	[sflag:s18] =	ssyncset.done @!p0 $0x0  }
0xae: {  	[sflag:s18] =	ssyncadd.s32 @!p0 $0xFFFFFB00  }
0xaf: {  	_ =	sfence.sel $0x180000  }
0xb0: {  	[bflag:$0x0] =	sbarrier.arrive $0xFFFF  }
0xb1: {  	_ =	strace $0x90000047  }
0xb2: {  	s0 =	sadd.s32 @!p0 $0x100000, s0;
	[bflag:$0x2] =	sbarrier.arrive $0xFFFF  }
0xb3: {  	[sflag:s0] =	ssyncadd.tile.s32 @!p0 $0x1;
	_ =	shalt  }
.Lfunc_end2:
_tile_overlayer_lowered:
.L_overlay_start_2:
0xb4: {  	(tag) =	ssettag $0x2  }
0xb5: {  	s0 =	rddreg [dreg:$0x0];
	s2 =	stileid.u32  }
0xb6: {  	s1 =	rddreg [dreg:$0x1];
	p0 =	sne.s32 s2, $0x0  }
0xb7: {  	s3 =	rddreg [dreg:$0x2];
	[bflag:$0x3] =	sbarrier.arrive $0xFFFF;
	s2 =	simm.s32 @!p0 $0x1C01  }
0xb8: {  	[timem:s3], [sflag:s2] =	dma.local @!p0 [hbm:s0], s1  }
0xb9: {  	s0 =	simm.s32 @!p0 $0x1  }
0xba: {  	_ =	swait.ge @!p0 [sflag:s0], s1  }
0xbb: {  	s1 =	ssub.s32 @!p0 $0x0, s1;
	[sflag:s0] =	ssyncset.done @!p0 $0x0  }
0xbc: {  	[sflag:s0] =	ssyncadd.s32 @!p0 s1  }
0xbd: {  	[bflag:$0x3] =	sbarrier.arrive $0xFFFF  }
0xbe: {  	_ =	shalt  }

</sc_bundles>
